<compile_context>
chip_gen: v7x
topology: tpu7x:2x2x1
jax: 0.10.2.dev20260603
libtpu: 0.0.44.dev20260713+nightly
codegen_flags: <defaults>
</compile_context>

<pallas_src>
import functools

import jax
import jax.numpy as jnp
from jax import lax
from jax.experimental import pallas as pl
from jax.experimental.pallas import tpu as pltpu
from jax.experimental.pallas import tpu_sc as plsc

F32 = jnp.float32
_NS = 16
_NC = 2
_CH = 128
_BR = 400


def _mesh():
    return plsc.VectorSubcoreMesh(core_axis_name="c", subcore_axis_name="s")


def _make_deg(N, E):
    CHUNKS = E // _CH
    W = _NC * _NS
    K = CHUNKS // W
    REM = CHUNKS - K * W
    RS = (N // _NS) // 8 * 8
    RREM = N - RS * _NS

    @functools.partial(
        pl.kernel,
        out_type=[jax.ShapeDtypeStruct((N,), F32),
                  jax.ShapeDtypeStruct((N,), F32)],
        mesh=_mesh(),
        scratch_types=[
            pltpu.VMEM((_CH,), jnp.int32),
            pltpu.VMEM((_CH,), jnp.int32),
            pltpu.VMEM((_CH,), jnp.int32),
            pltpu.VMEM((_CH,), F32),
            pltpu.VMEM((RS,), F32),
            pltpu.VMEM_SHARED((N,), F32),
            pltpu.SemaphoreType.DMA,
            pltpu.SemaphoreType.DMA,
            pltpu.SemaphoreType.DMA,
            pltpu.SemaphoreType.DMA,
        ],
    )
    def deg_kernel(dst_hbm, d0, d1, dst_v, dst_w, dst_x, ones_v, init_v,
                   dacc, smi0, smi1, smi2, sms):
        c = lax.axis_index("c")
        t = lax.axis_index("s")
        w = c * _NS + t
        dsl = (dst_v, dst_w, dst_x)
        smi = (smi0, smi1, smi2)

        def fill_ones(i, carry):
            ones_v[pl.ds(i * 16, 16)] = jnp.full((16,), 1.0, F32)
            return carry
        lax.fori_loop(0, _CH // 16, fill_ones, 0)
        iv = jnp.where(c == 0, 1.0, 0.0).astype(F32)
        def fill_init(i, carry):
            init_v[pl.ds(i * 16, 16)] = jnp.full((16,), 1.0, F32) * iv
            return carry
        lax.fori_loop(0, RS // 16, fill_init, 0)

        pltpu.sync_copy(init_v, dacc.at[pl.ds(t * RS, RS)])
        @pl.when(t == _NS - 1)
        def _():
            pltpu.sync_copy(init_v.at[pl.ds(0, RREM)],
                            dacc.at[pl.ds(_NS * RS, RREM)])
        plsc.subcore_barrier()

        def start_idx(k, m):
            pltpu.async_copy(dst_hbm.at[pl.ds((w + k * W) * _CH, _CH)],
                             dsl[m], smi[m])
        def wait_idx(m):
            pltpu.make_async_copy(dst_hbm.at[pl.ds(0, _CH)], dsl[m],
                                  smi[m]).wait()
        def issue_scatter(m):
            pltpu.async_copy(ones_v, dacc.at[dsl[m]], sms, add=True)
        def wait_scatter(m):
            pltpu.make_async_copy(ones_v, dacc.at[dsl[m]], sms).wait()

        J = K // 6
        start_idx(0, 0)
        start_idx(1, 1)
        wait_idx(0)
        def body(j, carry):
            for b in range(6):
                k = 6 * j + b
                if b < 5:
                    wait_idx((b + 1) % 3)
                else:
                    @pl.when(j < J - 1)
                    def _():
                        wait_idx(0)
                if b > 0:
                    wait_scatter((b + 2) % 3)
                else:
                    @pl.when(j > 0)
                    def _():
                        wait_scatter(2)
                if b < 4:
                    start_idx(k + 2, (b + 2) % 3)
                else:
                    @pl.when(j < J - 1)
                    def _():
                        start_idx(k + 2, (b + 2) % 3)
                issue_scatter(b % 3)
            return carry
        lax.fori_loop(0, J, body, 0)
        wait_scatter((6 * J - 1) % 3)
        for k in range(6 * J, K):
            pltpu.sync_copy(dst_hbm.at[pl.ds((w + k * W) * _CH, _CH)], dst_v)
            issue_scatter(0)
            wait_scatter(0)
        @pl.when(w < REM)
        def _():
            pltpu.sync_copy(dst_hbm.at[pl.ds((K * W + w) * _CH, _CH)], dst_v)
            issue_scatter(0)
            wait_scatter(0)
        plsc.subcore_barrier()

        def drain_to(out):
            pltpu.sync_copy(dacc.at[pl.ds(t * RS, RS)], init_v)
            pltpu.sync_copy(init_v, out.at[pl.ds(t * RS, RS)])
            @pl.when(t == _NS - 1)
            def _():
                pltpu.sync_copy(dacc.at[pl.ds(_NS * RS, RREM)],
                                init_v.at[pl.ds(0, RREM)])
                pltpu.sync_copy(init_v.at[pl.ds(0, RREM)],
                                out.at[pl.ds(_NS * RS, RREM)])

        @pl.when(c == 0)
        def _():
            drain_to(d0)
        @pl.when(c == 1)
        def _():
            drain_to(d1)

    return deg_kernel


def _edge_pipeline(src_hbm, dst_hbm, tab, acc, idx_slots, row_slots, c0, K,
                   rem_pred):
    def ck(k):
        return c0 + k * _NS

    def start_idx(k, m):
        s, d, smi = idx_slots[m]
        off = ck(k) * _CH
        pltpu.async_copy(src_hbm.at[pl.ds(off, _CH)], s, smi)
        pltpu.async_copy(dst_hbm.at[pl.ds(off, _CH)], d, smi)

    def wait_idx(m):
        s, d, smi = idx_slots[m]
        pltpu.make_async_copy(src_hbm.at[pl.ds(0, _CH)], s, smi).wait()
        pltpu.make_async_copy(dst_hbm.at[pl.ds(0, _CH)], d, smi).wait()

    def issue_gather(p, m):
        r, smg, _ = row_slots[p]
        pltpu.async_copy(tab.at[idx_slots[m][0]], r, smg)

    def wait_gather(p, m):
        r, smg, _ = row_slots[p]
        pltpu.make_async_copy(tab.at[idx_slots[m][0]], r, smg).wait()

    def issue_scatter(p, m):
        r, _, sms = row_slots[p]
        pltpu.async_copy(r, acc.at[idx_slots[m][1]], sms, add=True)

    def wait_scatter(p, m):
        r, _, sms = row_slots[p]
        pltpu.make_async_copy(r, acc.at[idx_slots[m][1]], sms).wait()

    def serial(k):
        s, d, smi = idx_slots[0]
        r = row_slots[0][0]
        off = ck(k) * _CH
        pltpu.sync_copy(src_hbm.at[pl.ds(off, _CH)], s)
        pltpu.sync_copy(dst_hbm.at[pl.ds(off, _CH)], d)
        issue_gather(0, 0)
        wait_gather(0, 0)
        issue_scatter(0, 0)
        wait_scatter(0, 0)

    def tail():
        @pl.when(rem_pred)
        def _():
            serial(K)

    J = K // 6
    if J == 0:
        for k in range(K):
            serial(k)
        tail()
        return

    start_idx(0, 0)
    start_idx(1, 1)
    wait_idx(0)
    issue_gather(0, 0)

    def body(j, carry):
        for b in range(6):
            k = 6 * j + b
            if b < 5:
                wait_idx((b + 1) % 3)
            else:
                @pl.when(j < J - 1)
                def _():
                    wait_idx(0)
            if b > 0:
                wait_scatter((b + 1) % 2, (b + 2) % 3)
            else:
                @pl.when(j > 0)
                def _():
                    wait_scatter(1, 2)
            if b < 4:
                start_idx(k + 2, (b + 2) % 3)
            else:
                @pl.when(j < J - 1)
                def _():
                    start_idx(k + 2, (b + 2) % 3)
            if b < 5:
                issue_gather((b + 1) % 2, (b + 1) % 3)
            else:
                @pl.when(j < J - 1)
                def _():
                    issue_gather(0, 0)
            wait_gather(b % 2, b % 3)
            issue_scatter(b % 2, b % 3)
        return carry
    lax.fori_loop(0, J, body, 0)
    wait_scatter((K - 1) % 2, (K - 1) % 3)
    for k in range(6 * J, K):
        serial(k)
    tail()



def _make_mp(N, E, Fh):
    CHUNKS = E // _CH
    K = CHUNKS // _NS
    REM = CHUNKS - K * _NS
    PAIRS = K // 2
    KTAIL = K - 2 * PAIRS
    RS = (N // _NS) // 8 * 8
    RREM = N - RS * _NS
    RB = RS // _CH
    RTAIL = RS - RB * _CH

    @functools.partial(
        pl.kernel,
        out_type=[jax.ShapeDtypeStruct((N, Fh), F32),
                  jax.ShapeDtypeStruct((N, Fh), F32)],
        mesh=_mesh(),
        scratch_types=[
            pltpu.VMEM((_CH,), jnp.int32),
            pltpu.VMEM((_CH,), jnp.int32),
            pltpu.VMEM((_CH,), jnp.int32),
            pltpu.VMEM((_CH,), jnp.int32),
            pltpu.VMEM((_CH,), jnp.int32),
            pltpu.VMEM((_CH,), jnp.int32),
            pltpu.VMEM((_CH, Fh), F32),
            pltpu.VMEM((_CH, Fh), F32),
            pltpu.VMEM_SHARED((N, Fh), F32),
            pltpu.SemaphoreType.DMA,
            pltpu.SemaphoreType.DMA,
            pltpu.SemaphoreType.DMA,
            pltpu.SemaphoreType.DMA,
            pltpu.SemaphoreType.DMA,
            pltpu.SemaphoreType.DMA,
            pltpu.SemaphoreType.DMA,
        ],
    )
    def mp(m0, m1, src_hbm, dst_hbm, s0, s1, si0, di0, si1, di1, si2, di2,
           rows_v, rows_w, acc, smi0, smi1, smi2, smg0, smg1, sms0, sms1):
        c = lax.axis_index("c")
        t = lax.axis_index("s")
        r0 = t * RS
        idx_slots = ((si0, di0, smi0), (si1, di1, smi1), (si2, di2, smi2))
        row_slots = ((rows_v, smg0, sms0), (rows_w, smg1, sms1))

        def init_from(tab):
            def blk(i, carry):
                off = r0 + i * _CH
                pltpu.sync_copy(tab.at[pl.ds(off, _CH)], rows_v)
                pltpu.sync_copy(rows_v, acc.at[pl.ds(off, _CH)])
                return carry
            lax.fori_loop(0, RB, blk, 0)
            off = r0 + RB * _CH
            pltpu.sync_copy(tab.at[pl.ds(off, RTAIL)],
                            rows_v.at[pl.ds(0, RTAIL)])
            pltpu.sync_copy(rows_v.at[pl.ds(0, RTAIL)],
                            acc.at[pl.ds(off, RTAIL)])
            @pl.when(t == _NS - 1)
            def _():
                pltpu.sync_copy(tab.at[pl.ds(_NS * RS, RREM)],
                                rows_v.at[pl.ds(0, RREM)])
                pltpu.sync_copy(rows_v.at[pl.ds(0, RREM)],
                                acc.at[pl.ds(_NS * RS, RREM)])

        @pl.when(c == 0)
        def _():
            init_from(m0)
        @pl.when(c == 1)
        def _():
            init_from(m1)
        plsc.subcore_barrier()

        def run_edges(tab):
            _edge_pipeline(src_hbm, dst_hbm, tab, acc, idx_slots, row_slots,
                           t, K, t < REM)

        @pl.when(c == 0)
        def _():
            run_edges(m0)
        @pl.when(c == 1)
        def _():
            run_edges(m1)
        plsc.subcore_barrier()

        def drain_to(out):
            def blk(i, carry):
                off = r0 + i * _CH
                pltpu.sync_copy(acc.at[pl.ds(off, _CH)], rows_v)
                pltpu.sync_copy(rows_v, out.at[pl.ds(off, _CH)])
                return carry
            lax.fori_loop(0, RB, blk, 0)
            off = r0 + RB * _CH
            pltpu.sync_copy(acc.at[pl.ds(off, RTAIL)],
                            rows_v.at[pl.ds(0, RTAIL)])
            pltpu.sync_copy(rows_v.at[pl.ds(0, RTAIL)],
                            out.at[pl.ds(off, RTAIL)])
            @pl.when(t == _NS - 1)
            def _():
                pltpu.sync_copy(acc.at[pl.ds(_NS * RS, RREM)],
                                rows_v.at[pl.ds(0, RREM)])
                pltpu.sync_copy(rows_v.at[pl.ds(0, RREM)],
                                out.at[pl.ds(_NS * RS, RREM)])

        @pl.when(c == 0)
        def _():
            drain_to(s0)
        @pl.when(c == 1)
        def _():
            drain_to(s1)

    return mp


def _make_mp2(N, E, F):
    CHUNKS = E // _CH
    HALF = CHUNKS // _NC
    K = HALF // _NS
    REM = HALF - K * _NS
    PAIRS = K // 2
    KTAIL = K - 2 * PAIRS
    RS = (N // _NS) // 8 * 8
    RREM = N - RS * _NS
    RB = RS // _CH
    RTAIL = RS - RB * _CH

    @functools.partial(
        pl.kernel,
        out_type=[jax.ShapeDtypeStruct((N, F), F32),
                  jax.ShapeDtypeStruct((N, F), F32)],
        mesh=_mesh(),
        scratch_types=[
            pltpu.VMEM((_CH,), jnp.int32),
            pltpu.VMEM((_CH,), jnp.int32),
            pltpu.VMEM((_CH,), jnp.int32),
            pltpu.VMEM((_CH,), jnp.int32),
            pltpu.VMEM((_CH,), jnp.int32),
            pltpu.VMEM((_CH,), jnp.int32),
            pltpu.VMEM((_CH, F), F32),
            pltpu.VMEM((_CH, F), F32),
            pltpu.VMEM_SHARED((N, F), F32),
            pltpu.SemaphoreType.DMA,
            pltpu.SemaphoreType.DMA,
            pltpu.SemaphoreType.DMA,
            pltpu.SemaphoreType.DMA,
            pltpu.SemaphoreType.DMA,
            pltpu.SemaphoreType.DMA,
            pltpu.SemaphoreType.DMA,
        ],
    )
    def mp2(tab, src_hbm, dst_hbm, s0, s1, si0, di0, si1, di1, si2, di2,
            rows_v, rows_w, acc, smi0, smi1, smi2, smg0, smg1, sms0, sms1):
        c = lax.axis_index("c")
        t = lax.axis_index("s")
        r0 = t * RS
        idx_slots = ((si0, di0, smi0), (si1, di1, smi1), (si2, di2, smi2))
        row_slots = ((rows_v, smg0, sms0), (rows_w, smg1, sms1))

        def blk_init(i, carry):
            off = r0 + i * _CH
            pltpu.sync_copy(tab.at[pl.ds(off, _CH)], rows_v)
            pltpu.sync_copy(rows_v, acc.at[pl.ds(off, _CH)])
            return carry
        lax.fori_loop(0, RB, blk_init, 0)
        off0 = r0 + RB * _CH
        pltpu.sync_copy(tab.at[pl.ds(off0, RTAIL)],
                        rows_v.at[pl.ds(0, RTAIL)])
        pltpu.sync_copy(rows_v.at[pl.ds(0, RTAIL)],
                        acc.at[pl.ds(off0, RTAIL)])
        @pl.when(t == _NS - 1)
        def _():
            pltpu.sync_copy(tab.at[pl.ds(_NS * RS, RREM)],
                            rows_v.at[pl.ds(0, RREM)])
            pltpu.sync_copy(rows_v.at[pl.ds(0, RREM)],
                            acc.at[pl.ds(_NS * RS, RREM)])
        plsc.subcore_barrier()

        _edge_pipeline(src_hbm, dst_hbm, tab, acc, idx_slots, row_slots,
                       c * HALF + t, K, t < REM)
        plsc.subcore_barrier()

        def drain_to(out):
            def blk(i, carry):
                off = r0 + i * _CH
                pltpu.sync_copy(acc.at[pl.ds(off, _CH)], rows_v)
                pltpu.sync_copy(rows_v, out.at[pl.ds(off, _CH)])
                return carry
            lax.fori_loop(0, RB, blk, 0)
            off = r0 + RB * _CH
            pltpu.sync_copy(acc.at[pl.ds(off, RTAIL)],
                            rows_v.at[pl.ds(0, RTAIL)])
            pltpu.sync_copy(rows_v.at[pl.ds(0, RTAIL)],
                            out.at[pl.ds(off, RTAIL)])
            @pl.when(t == _NS - 1)
            def _():
                pltpu.sync_copy(acc.at[pl.ds(_NS * RS, RREM)],
                                rows_v.at[pl.ds(0, RREM)])
                pltpu.sync_copy(rows_v.at[pl.ds(0, RREM)],
                                out.at[pl.ds(_NS * RS, RREM)])

        @pl.when(c == 0)
        def _():
            drain_to(s0)
        @pl.when(c == 1)
        def _():
            drain_to(s1)

    return mp2


def _tc_a(x, W1, d0r, d1r, N, NB):
    D = x.shape[1]
    F2 = W1.shape[1]
    Fh = F2 // 2

    def body(x_ref, w_ref, d0_ref, d1_ref, m0_ref, m1_ref):
        disq = lax.rsqrt(d0_ref[0, 0] + d1_ref[0, 0])
        p = jnp.dot(x_ref[...], w_ref[...], preferred_element_type=F32)
        p = p * disq[:, None]
        m0_ref[...] = p[:, :Fh]
        m1_ref[...] = p[:, Fh:]

    return pl.pallas_call(
        body,
        grid=(NB,),
        in_specs=[pl.BlockSpec((_BR, D), lambda i: (i, 0)),
                  pl.BlockSpec((D, F2), lambda i: (0, 0)),
                  pl.BlockSpec((1, 1, _BR), lambda i: (i, 0, 0)),
                  pl.BlockSpec((1, 1, _BR), lambda i: (i, 0, 0))],
        out_specs=[pl.BlockSpec((_BR, Fh), lambda i: (i, 0)),
                   pl.BlockSpec((_BR, Fh), lambda i: (i, 0))],
        out_shape=[jax.ShapeDtypeStruct((N, Fh), F32)] * 2,
    )(x, W1, d0r, d1r)


def _tc_b(s0, s1, d0r, d1r, b1r, W2r, N, NB):
    Fh = s0.shape[1]
    H = W2r.shape[3]

    def body(s0_ref, s1_ref, d0_ref, d1_ref, b_ref, w_ref, m_ref):
        disq = lax.rsqrt(d0_ref[0, 0] + d1_ref[0, 0])
        a0 = jnp.maximum(s0_ref[...] * disq[:, None] + b_ref[0, 0][None, :], 0.0)
        a1 = jnp.maximum(s1_ref[...] * disq[:, None] + b_ref[0, 1][None, :], 0.0)
        z = (jnp.dot(a0, w_ref[0, 0], preferred_element_type=F32)
             + jnp.dot(a1, w_ref[0, 1], preferred_element_type=F32))
        m_ref[...] = z * disq[:, None]

    return pl.pallas_call(
        body,
        grid=(NB,),
        in_specs=[pl.BlockSpec((_BR, Fh), lambda i: (i, 0)),
                  pl.BlockSpec((_BR, Fh), lambda i: (i, 0)),
                  pl.BlockSpec((1, 1, _BR), lambda i: (i, 0, 0)),
                  pl.BlockSpec((1, 1, _BR), lambda i: (i, 0, 0)),
                  pl.BlockSpec((1, 2, Fh), lambda i: (0, 0, 0)),
                  pl.BlockSpec((1, 2, Fh, H), lambda i: (0, 0, 0, 0))],
        out_specs=pl.BlockSpec((_BR, H), lambda i: (i, 0)),
        out_shape=jax.ShapeDtypeStruct((N, H), F32),
    )(s0, s1, d0r, d1r, b1r, W2r)


def _tc_c(s0, s1, m2, d0r, d1r, b2r, Wl, blr, N, NB):
    H = s0.shape[1]
    DO = Wl.shape[1]

    def body(s0_ref, s1_ref, m_ref, d0_ref, d1_ref, b_ref, w_ref, bl_ref,
             o_ref):
        disq = lax.rsqrt(d0_ref[0, 0] + d1_ref[0, 0])
        st = s0_ref[...] + s1_ref[...] - m_ref[...]
        h = jnp.maximum(st * disq[:, None] + b_ref[0, 0][None, :], 0.0)
        o_ref[...] = (jnp.dot(h, w_ref[...], preferred_element_type=F32)
                      + bl_ref[0, 0][None, :])

    return pl.pallas_call(
        body,
        grid=(NB,),
        in_specs=[pl.BlockSpec((_BR, H), lambda i: (i, 0)),
                  pl.BlockSpec((_BR, H), lambda i: (i, 0)),
                  pl.BlockSpec((_BR, H), lambda i: (i, 0)),
                  pl.BlockSpec((1, 1, _BR), lambda i: (i, 0, 0)),
                  pl.BlockSpec((1, 1, _BR), lambda i: (i, 0, 0)),
                  pl.BlockSpec((1, 1, H), lambda i: (0, 0, 0)),
                  pl.BlockSpec((H, DO), lambda i: (0, 0)),
                  pl.BlockSpec((1, 1, DO), lambda i: (0, 0, 0))],
        out_specs=pl.BlockSpec((_BR, DO), lambda i: (i, 0)),
        out_shape=jax.ShapeDtypeStruct((N, DO), F32),
    )(s0, s1, m2, d0r, d1r, b2r, Wl, blr)


def kernel(x, edge_attrs, edge_index, W1, b1, W2, b2, Wl, bl):
    del edge_attrs
    N, D = x.shape
    E = edge_index.shape[1]
    F2 = W1.shape[1]
    H = W2.shape[1]
    DO = Wl.shape[1]
    NB = N // _BR

    src = edge_index[0]
    dst = edge_index[1]

    d0, d1 = _make_deg(N, E)(dst)
    d0r = d0.reshape(NB, 1, _BR)
    d1r = d1.reshape(NB, 1, _BR)

    m1_0, m1_1 = _tc_a(x, W1, d0r, d1r, N, NB)
    s1_0, s1_1 = _make_mp(N, E, F2 // 2)(m1_0, m1_1, src, dst)
    m2 = _tc_b(s1_0, s1_1, d0r, d1r, b1.reshape(1, 2, F2 // 2),
               W2.reshape(1, 2, F2 // 2, H), N, NB)
    s2_0, s2_1 = _make_mp2(N, E, H)(m2, src, dst)
    return _tc_c(s2_0, s2_1, m2, d0r, d1r, b2.reshape(1, 1, H), Wl,
                 bl.reshape(1, 1, DO), N, NB)

# --- scband reference (transcript-rebuilt; emitter-appended) ---
"""Pipeline reference for scband-gcnconv-simple-8847632629931 (READ-ONLY COPY).

The authoritative reference and input builder live on the scoring server;
editing this copy changes nothing except your own understanding.
"""

import jax, jax.numpy as jnp
import numpy as np

N = 10000
E = 320000
D_IN = 128
HID = 128
D_OUT = 128
D_EDGE = 16


def setup_inputs(seed: int = 0) -> dict:
    key = jax.random.key(seed)
    ks = jax.random.split(key, 10)
    x = jax.random.normal(ks[0], (N, D_IN), dtype=jnp.float32)
    edge_attrs = jax.random.normal(ks[1], (E, D_EDGE), dtype=jnp.float32)
    edge_index = jax.random.randint(ks[2], (2, E), 0, N, dtype=jnp.int32)
    # conv1: GCNConv(D_IN, 2*HID); lin has no bias, separate bias added post-aggregation
    W1 = jax.random.normal(ks[3], (D_IN, 2 * HID), dtype=jnp.float32) * (1.0 / np.sqrt(D_IN))
    b1 = jnp.zeros((2 * HID,), dtype=jnp.float32)
    # conv2: GCNConv(2*HID, HID)
    W2 = jax.random.normal(ks[4], (2 * HID, HID), dtype=jnp.float32) * (1.0 / np.sqrt(2 * HID))
    b2 = jnp.zeros((HID,), dtype=jnp.float32)
    # final Linear(HID, D_OUT)
    Wl = jax.random.normal(ks[5], (HID, D_OUT), dtype=jnp.float32) * (1.0 / np.sqrt(HID))
    bl = jnp.zeros((D_OUT,), dtype=jnp.float32)
    return {"x": x, "edge_attrs": edge_attrs, "edge_index": edge_index,
            "W1": W1, "b1": b1, "W2": W2, "b2": b2, "Wl": Wl, "bl": bl}


def _gcn_conv(x, edge_index, W, b):
    # PyG GCNConv: add self-loops, symmetric normalization D^-1/2 (A+I) D^-1/2 X W + b
    n = x.shape[0]
    loop = jnp.arange(n, dtype=edge_index.dtype)
    src = jnp.concatenate([edge_index[0], loop])
    dst = jnp.concatenate([edge_index[1], loop])
    ones = jnp.ones(src.shape[0], dtype=x.dtype)
    deg = jnp.zeros((n,), dtype=x.dtype).at[dst].add(ones)
    deg_inv_sqrt = jnp.where(deg > 0, deg ** -0.5, 0.0)
    norm = deg_inv_sqrt[src] * deg_inv_sqrt[dst]
    h = x @ W
    msg = h[src] * norm[:, None]
    out = jnp.zeros((n, h.shape[1]), dtype=x.dtype).at[dst].add(msg)
    return out + b


def reference(x, edge_attrs, edge_index, W1, b1, W2, b2, Wl, bl):
    # edge_attrs is accepted by the torch forward but unused
    h = _gcn_conv(x, edge_index, W1, b1)
    # dropout treated as identity (eval-mode determinism)
    h = jax.nn.relu(h)
    h = _gcn_conv(h, edge_index, W2, b2)
    h = jax.nn.relu(h)
    return h @ Wl + bl

if __name__ == "__main__":
    import jax
    _d = setup_inputs()
    print(jax.jit(kernel)(*tuple(_d.values())))

</pallas_src>

<mosaic_0001>
#map = affine_map<(d0, d1) -> (0)>
module attributes {stable_mosaic.version = 14 : i64} {
  func.func @deg_kernel(%arg0: i32, %arg1: i32, %arg2: memref<320000xi32, #tpu.memory_space<hbm>>, %arg3: memref<10000xf32, #tpu.memory_space<hbm>>, %arg4: memref<10000xf32, #tpu.memory_space<hbm>>, %arg5: memref<128xi32, #tpu.memory_space<vmem>>, %arg6: memref<128xi32, #tpu.memory_space<vmem>>, %arg7: memref<128xi32, #tpu.memory_space<vmem>>, %arg8: memref<128xf32, #tpu.memory_space<vmem>>, %arg9: memref<624xf32, #tpu.memory_space<vmem>>, %arg10: memref<10000xf32, #tpu.memory_space<vmem_shared>>, %arg11: memref<!tpu.dma_semaphore, #tpu.memory_space<semaphore_mem>>, %arg12: memref<!tpu.dma_semaphore, #tpu.memory_space<semaphore_mem>>, %arg13: memref<!tpu.dma_semaphore, #tpu.memory_space<semaphore_mem>>, %arg14: memref<!tpu.dma_semaphore, #tpu.memory_space<semaphore_mem>>) attributes {dimension_semantics = [#tpu.dimension_semantics<core_parallel>, #tpu.dimension_semantics<subcore_parallel>], iteration_bounds = array<i64: 2, 16>, scalar_prefetch = 0 : i64, scratch_operands = 10 : i64, tpu.core_type = #tpu.core_type<sc_vector_subcore>, window_params = [{transform_indices = #map}, {transform_indices = #map}, {transform_indices = #map}]} {
    %mul3A = arith.constant 16 : i32
    %mul3A_0 = arith.muli %arg0, %mul3A : i32
    %add3A = arith.addi %mul3A_0, %arg1 : i32
    %scan3A = arith.constant 0 : i32
    %scan3A_1 = arith.constant 0 : i32
    %scan3A_2 = arith.constant 8 : i32
    %scan3A_3 = arith.addi %scan3A_1, %scan3A_2 : i32
    %scan3A_4 = arith.constant 1 : i32
    scf.for %scan3A_56 = %scan3A_1 to %scan3A_3 step %scan3A_4  : i32 {
      %broadcast_in_dim3A = arith.constant 1.000000e+00 : f32
      %broadcast_in_dim3A_57 = vector.broadcast %broadcast_in_dim3A : f32 to vector<16xf32>
      %mul3A_58 = arith.constant 16 : i32
      %mul3A_59 = arith.muli %scan3A_56, %mul3A_58 : i32
      %swap3A = arith.index_cast %mul3A_59 : i32 to index
      %swap3A_60 = tpu.vector_load %arg8[%swap3A] {strides = array<i32>} : memref<128xf32, #tpu.memory_space<vmem>>, vector<16xf32>,
      %swap3A_61 = vector.shape_cast %swap3A_60 : vector<16xf32> to vector<16xf32>
      %swap3A_62 = vector.shape_cast %broadcast_in_dim3A_57 : vector<16xf32> to vector<16xf32>
      tpu.vector_store %arg8[%swap3A], %swap3A_62 {strides = array<i32>} : memref<128xf32, #tpu.memory_space<vmem>>, vector<16xf32>,
    }
    %scan3A_5 = arith.constant 8 : i32
    %eq3A = arith.constant 0 : i32
    %eq3A_6 = arith.cmpi eq, %arg0, %eq3A : i32
    %jit3A = arith.constant 1.000000e+00 : f32
    %jit3A_7 = arith.constant 0.000000e+00 : f32
    %select_n3A = arith.select %eq3A_6, %jit3A, %jit3A_7 : f32
    %scan3A_8 = arith.constant 0 : i32
    %scan3A_9 = arith.constant 0 : i32
    %scan3A_10 = arith.constant 39 : i32
    %scan3A_11 = arith.addi %scan3A_9, %scan3A_10 : i32
    %scan3A_12 = arith.constant 1 : i32
    scf.for %scan3A_56 = %scan3A_9 to %scan3A_11 step %scan3A_12  : i32 {
      %broadcast_in_dim3A = arith.constant 1.000000e+00 : f32
      %broadcast_in_dim3A_57 = vector.broadcast %broadcast_in_dim3A : f32 to vector<16xf32>
      %mul3A_58 = vector.broadcast %select_n3A : f32 to vector<16xf32>
      %mul3A_59 = arith.mulf %broadcast_in_dim3A_57, %mul3A_58 : vector<16xf32>
      %mul3A_60 = arith.constant 16 : i32
      %mul3A_61 = arith.muli %scan3A_56, %mul3A_60 : i32
      %swap3A = arith.index_cast %mul3A_61 : i32 to index
      %swap3A_62 = tpu.vector_load %arg9[%swap3A] {strides = array<i32>} : memref<624xf32, #tpu.memory_space<vmem>>, vector<16xf32>,
      %swap3A_63 = vector.shape_cast %swap3A_62 : vector<16xf32> to vector<16xf32>
      %swap3A_64 = vector.shape_cast %mul3A_59 : vector<16xf32> to vector<16xf32>
      tpu.vector_store %arg9[%swap3A], %swap3A_64 {strides = array<i32>} : memref<624xf32, #tpu.memory_space<vmem>>, vector<16xf32>,
    }
    %scan3A_13 = arith.constant 39 : i32
    %mul3A_14 = arith.constant 624 : i32
    %mul3A_15 = arith.muli %arg1, %mul3A_14 : i32
    "tpu.region"() ({
      %run_scoped3A = tpu.sem_alloc : memref<!tpu.dma_semaphore, #tpu.memory_space<semaphore_mem>>
      %dma_start3A_56 = tpu.memref_slice %arg10[%mul3A_15] : memref<10000xf32, #tpu.memory_space<vmem_shared>> -> memref<624xf32, #tpu.memory_space<vmem_shared>>
      %dma_start3A_57 = tpu.memref_slice %arg10[%mul3A_15] : memref<10000xf32, #tpu.memory_space<vmem_shared>> -> memref<624xf32, #tpu.memory_space<vmem_shared>>
      tpu.enqueue_dma source(%arg9 : memref<624xf32, #tpu.memory_space<vmem>>) target(%dma_start3A_57 : memref<624xf32, #tpu.memory_space<vmem_shared>>) target_semaphore(%run_scoped3A : memref<!tpu.dma_semaphore, #tpu.memory_space<semaphore_mem>>)
      %dma_wait3A_58 = tpu.memref_slice %arg10[%mul3A_15] : memref<10000xf32, #tpu.memory_space<vmem_shared>> -> memref<624xf32, #tpu.memory_space<vmem_shared>>
      %dma_wait3A_59 = tpu.memref_slice %arg10[%mul3A_15] : memref<10000xf32, #tpu.memory_space<vmem_shared>> -> memref<624xf32, #tpu.memory_space<vmem_shared>>
      tpu.wait_dma2 semaphore(%run_scoped3A : memref<!tpu.dma_semaphore, #tpu.memory_space<semaphore_mem>>) src(%arg9 : memref<624xf32, #tpu.memory_space<vmem>>) dst(%dma_wait3A_59 : memref<624xf32, #tpu.memory_space<vmem_shared>>)
      tpu.yield
    }) : () -> ()
    %eq3A_16 = arith.constant 15 : i32
    %eq3A_17 = arith.cmpi eq, %arg1, %eq3A_16 : i32
    %convert_element_type3A = arith.extui %eq3A_17 : i1 to i32
    %cond3A = arith.constant 0 : i32
    %cond3A_18 = arith.cmpi ne, %convert_element_type3A, %cond3A : i32
    scf.if %cond3A_18 {
      "tpu.region"() ({
        %run_scoped3A = tpu.sem_alloc : memref<!tpu.dma_semaphore, #tpu.memory_space<semaphore_mem>>
        %dma_start3A_56 = arith.constant 0 : i32
        %dma_start3A_57 = tpu.memref_slice %arg9[%dma_start3A_56] : memref<624xf32, #tpu.memory_space<vmem>> -> memref<16xf32, #tpu.memory_space<vmem>>
        %dma_start3A_58 = arith.constant 9984 : i32
        %dma_start3A_59 = tpu.memref_slice %arg10[%dma_start3A_58] : memref<10000xf32, #tpu.memory_space<vmem_shared>> -> memref<16xf32, #tpu.memory_space<vmem_shared>>
        %dma_start3A_60 = arith.constant 9984 : i32
        %dma_start3A_61 = tpu.memref_slice %arg10[%dma_start3A_60] : memref<10000xf32, #tpu.memory_space<vmem_shared>> -> memref<16xf32, #tpu.memory_space<vmem_shared>>
        %dma_start3A_62 = arith.constant 0 : i32
        %dma_start3A_63 = tpu.memref_slice %arg9[%dma_start3A_62] : memref<624xf32, #tpu.memory_space<vmem>> -> memref<16xf32, #tpu.memory_space<vmem>>
        tpu.enqueue_dma source(%dma_start3A_63 : memref<16xf32, #tpu.memory_space<vmem>>) target(%dma_start3A_61 : memref<16xf32, #tpu.memory_space<vmem_shared>>) target_semaphore(%run_scoped3A : memref<!tpu.dma_semaphore, #tpu.memory_space<semaphore_mem>>)
        %dma_wait3A_64 = arith.constant 0 : i32
        %dma_wait3A_65 = tpu.memref_slice %arg9[%dma_wait3A_64] : memref<624xf32, #tpu.memory_space<vmem>> -> memref<16xf32, #tpu.memory_space<vmem>>
        %dma_wait3A_66 = arith.constant 9984 : i32
        %dma_wait3A_67 = tpu.memref_slice %arg10[%dma_wait3A_66] : memref<10000xf32, #tpu.memory_space<vmem_shared>> -> memref<16xf32, #tpu.memory_space<vmem_shared>>
        %dma_wait3A_68 = arith.constant 9984 : i32
        %dma_wait3A_69 = tpu.memref_slice %arg10[%dma_wait3A_68] : memref<10000xf32, #tpu.memory_space<vmem_shared>> -> memref<16xf32, #tpu.memory_space<vmem_shared>>
        %dma_wait3A_70 = arith.constant 0 : i32
        %dma_wait3A_71 = tpu.memref_slice %arg9[%dma_wait3A_70] : memref<624xf32, #tpu.memory_space<vmem>> -> memref<16xf32, #tpu.memory_space<vmem>>
        tpu.wait_dma2 semaphore(%run_scoped3A : memref<!tpu.dma_semaphore, #tpu.memory_space<semaphore_mem>>) src(%dma_wait3A_71 : memref<16xf32, #tpu.memory_space<vmem>>) dst(%dma_wait3A_69 : memref<16xf32, #tpu.memory_space<vmem_shared>>)
        tpu.yield
      }) : () -> ()
    } else {
    }
    %barrier3A = arith.constant 0 : index
    tpu.barrier barrier_id(%barrier3A)
    %add3A_19 = arith.constant 0 : i32
    %add3A_20 = arith.addi %add3A, %add3A_19 : i32
    %mul3A_21 = arith.constant 128 : i32
    %mul3A_22 = arith.muli %add3A_20, %mul3A_21 : i32
    %dma_start3A = tpu.memref_slice %arg2[%mul3A_22] : memref<320000xi32, #tpu.memory_space<hbm>> -> memref<128xi32, #tpu.memory_space<hbm>>
    %dma_start3A_23 = tpu.memref_slice %arg2[%mul3A_22] : memref<320000xi32, #tpu.memory_space<hbm>> -> memref<128xi32, #tpu.memory_space<hbm>>
    tpu.enqueue_dma source(%dma_start3A_23 : memref<128xi32, #tpu.memory_space<hbm>>) target(%arg5 : memref<128xi32, #tpu.memory_space<vmem>>) target_semaphore(%arg11 : memref<!tpu.dma_semaphore, #tpu.memory_space<semaphore_mem>>)
    %add3A_24 = arith.constant 32 : i32
    %add3A_25 = arith.addi %add3A, %add3A_24 : i32
    %mul3A_26 = arith.constant 128 : i32
    %mul3A_27 = arith.muli %add3A_25, %mul3A_26 : i32
    %dma_start3A_28 = tpu.memref_slice %arg2[%mul3A_27] : memref<320000xi32, #tpu.memory_space<hbm>> -> memref<128xi32, #tpu.memory_space<hbm>>
    %dma_start3A_29 = tpu.memref_slice %arg2[%mul3A_27] : memref<320000xi32, #tpu.memory_space<hbm>> -> memref<128xi32, #tpu.memory_space<hbm>>
    tpu.enqueue_dma source(%dma_start3A_29 : memref<128xi32, #tpu.memory_space<hbm>>) target(%arg6 : memref<128xi32, #tpu.memory_space<vmem>>) target_semaphore(%arg12 : memref<!tpu.dma_semaphore, #tpu.memory_space<semaphore_mem>>)
    %dma_wait3A = arith.constant 0 : i32
    %dma_wait3A_30 = tpu.memref_slice %arg2[%dma_wait3A] : memref<320000xi32, #tpu.memory_space<hbm>> -> memref<128xi32, #tpu.memory_space<hbm>>
    %dma_wait3A_31 = arith.constant 0 : i32
    %dma_wait3A_32 = tpu.memref_slice %arg2[%dma_wait3A_31] : memref<320000xi32, #tpu.memory_space<hbm>> -> memref<128xi32, #tpu.memory_space<hbm>>
    tpu.wait_dma2 semaphore(%arg11 : memref<!tpu.dma_semaphore, #tpu.memory_space<semaphore_mem>>) src(%dma_wait3A_32 : memref<128xi32, #tpu.memory_space<hbm>>) dst(%arg5 : memref<128xi32, #tpu.memory_space<vmem>>)
    %scan3A_33 = arith.constant 0 : i32
    %scan3A_34 = arith.constant 0 : i32
    %scan3A_35 = arith.constant 13 : i32
    %scan3A_36 = arith.addi %scan3A_34, %scan3A_35 : i32
    %scan3A_37 = arith.constant 1 : i32
    scf.for %scan3A_56 = %scan3A_34 to %scan3A_36 step %scan3A_37  : i32 {
      %mul3A_57 = arith.constant 6 : i32
      %mul3A_58 = arith.muli %mul3A_57, %scan3A_56 : i32
      %add3A_59 = arith.constant 0 : i32
      %add3A_60 = arith.addi %mul3A_58, %add3A_59 : i32
      %dma_wait3A_61 = arith.constant 0 : i32
      %dma_wait3A_62 = tpu.memref_slice %arg2[%dma_wait3A_61] : memref<320000xi32, #tpu.memory_space<hbm>> -> memref<128xi32, #tpu.memory_space<hbm>>
      %dma_wait3A_63 = arith.constant 0 : i32
      %dma_wait3A_64 = tpu.memref_slice %arg2[%dma_wait3A_63] : memref<320000xi32, #tpu.memory_space<hbm>> -> memref<128xi32, #tpu.memory_space<hbm>>
      tpu.wait_dma2 semaphore(%arg12 : memref<!tpu.dma_semaphore, #tpu.memory_space<semaphore_mem>>) src(%dma_wait3A_64 : memref<128xi32, #tpu.memory_space<hbm>>) dst(%arg6 : memref<128xi32, #tpu.memory_space<vmem>>)
      %gt3A = arith.constant 0 : i32
      %gt3A_65 = arith.cmpi sgt, %scan3A_56, %gt3A : i32
      %convert_element_type3A_66 = arith.extui %gt3A_65 : i1 to i32
      %cond3A_67 = arith.constant 0 : i32
      %cond3A_68 = arith.cmpi ne, %convert_element_type3A_66, %cond3A_67 : i32
      scf.if %cond3A_68 {
        %dma_wait3A_178 = arith.constant 0 : i32
        %dma_wait3A_179 = tpu.memref_slice %arg10[%dma_wait3A_178] : memref<10000xf32, #tpu.memory_space<vmem_shared>> -> memref<10000xf32, #tpu.memory_space<vmem_shared>>
        tpu.wait_indirect_dma semaphore(%arg14 : memref<!tpu.dma_semaphore, #tpu.memory_space<semaphore_mem>>) src(%arg8 : memref<128xf32, #tpu.memory_space<vmem>>) dst(%dma_wait3A_179 : memref<10000xf32, #tpu.memory_space<vmem_shared>>)
      } else {
      }
      %add3A_69 = arith.constant 2 : i32
      %add3A_70 = arith.addi %add3A_60, %add3A_69 : i32
      %mul3A_71 = arith.constant 32 : i32
      %mul3A_72 = arith.muli %add3A_70, %mul3A_71 : i32
      %add3A_73 = arith.addi %add3A, %mul3A_72 : i32
      %mul3A_74 = arith.constant 128 : i32
      %mul3A_75 = arith.muli %add3A_73, %mul3A_74 : i32
      %dma_start3A_76 = tpu.memref_slice %arg2[%mul3A_75] : memref<320000xi32, #tpu.memory_space<hbm>> -> memref<128xi32, #tpu.memory_space<hbm>>
      %dma_start3A_77 = tpu.memref_slice %arg2[%mul3A_75] : memref<320000xi32, #tpu.memory_space<hbm>> -> memref<128xi32, #tpu.memory_space<hbm>>
      tpu.enqueue_dma source(%dma_start3A_77 : memref<128xi32, #tpu.memory_space<hbm>>) target(%arg7 : memref<128xi32, #tpu.memory_space<vmem>>) target_semaphore(%arg13 : memref<!tpu.dma_semaphore, #tpu.memory_space<semaphore_mem>>)
      %dma_start3A_78 = arith.constant 0 : i32
      %dma_start3A_79 = tpu.memref_slice %arg10[%dma_start3A_78] : memref<10000xf32, #tpu.memory_space<vmem_shared>> -> memref<10000xf32, #tpu.memory_space<vmem_shared>>
      tpu.enqueue_indirect_dma source(%arg8 : memref<128xf32, #tpu.memory_space<vmem>>) target(%dma_start3A_79 : memref<10000xf32, #tpu.memory_space<vmem_shared>>) offsets(%arg5 : memref<128xi32, #tpu.memory_space<vmem>>) semaphore(%arg14 : memref<!tpu.dma_semaphore, #tpu.memory_space<semaphore_mem>>) {add = true}
      %mul3A_80 = arith.constant 6 : i32
      %mul3A_81 = arith.muli %mul3A_80, %scan3A_56 : i32
      %add3A_82 = arith.constant 1 : i32
      %add3A_83 = arith.addi %mul3A_81, %add3A_82 : i32
      %dma_wait3A_84 = arith.constant 0 : i32
      %dma_wait3A_85 = tpu.memref_slice %arg2[%dma_wait3A_84] : memref<320000xi32, #tpu.memory_space<hbm>> -> memref<128xi32, #tpu.memory_space<hbm>>
      %dma_wait3A_86 = arith.constant 0 : i32
      %dma_wait3A_87 = tpu.memref_slice %arg2[%dma_wait3A_86] : memref<320000xi32, #tpu.memory_space<hbm>> -> memref<128xi32, #tpu.memory_space<hbm>>
      tpu.wait_dma2 semaphore(%arg13 : memref<!tpu.dma_semaphore, #tpu.memory_space<semaphore_mem>>) src(%dma_wait3A_87 : memref<128xi32, #tpu.memory_space<hbm>>) dst(%arg7 : memref<128xi32, #tpu.memory_space<vmem>>)
      %dma_wait3A_88 = arith.constant 0 : i32
      %dma_wait3A_89 = tpu.memref_slice %arg10[%dma_wait3A_88] : memref<10000xf32, #tpu.memory_space<vmem_shared>> -> memref<10000xf32, #tpu.memory_space<vmem_shared>>
      tpu.wait_indirect_dma semaphore(%arg14 : memref<!tpu.dma_semaphore, #tpu.memory_space<semaphore_mem>>) src(%arg8 : memref<128xf32, #tpu.memory_space<vmem>>) dst(%dma_wait3A_89 : memref<10000xf32, #tpu.memory_space<vmem_shared>>)
      %add3A_90 = arith.constant 2 : i32
      %add3A_91 = arith.addi %add3A_83, %add3A_90 : i32
      %mul3A_92 = arith.constant 32 : i32
      %mul3A_93 = arith.muli %add3A_91, %mul3A_92 : i32
      %add3A_94 = arith.addi %add3A, %mul3A_93 : i32
      %mul3A_95 = arith.constant 128 : i32
      %mul3A_96 = arith.muli %add3A_94, %mul3A_95 : i32
      %dma_start3A_97 = tpu.memref_slice %arg2[%mul3A_96] : memref<320000xi32, #tpu.memory_space<hbm>> -> memref<128xi32, #tpu.memory_space<hbm>>
      %dma_start3A_98 = tpu.memref_slice %arg2[%mul3A_96] : memref<320000xi32, #tpu.memory_space<hbm>> -> memref<128xi32, #tpu.memory_space<hbm>>
      tpu.enqueue_dma source(%dma_start3A_98 : memref<128xi32, #tpu.memory_space<hbm>>) target(%arg5 : memref<128xi32, #tpu.memory_space<vmem>>) target_semaphore(%arg11 : memref<!tpu.dma_semaphore, #tpu.memory_space<semaphore_mem>>)
      %dma_start3A_99 = arith.constant 0 : i32
      %dma_start3A_100 = tpu.memref_slice %arg10[%dma_start3A_99] : memref<10000xf32, #tpu.memory_space<vmem_shared>> -> memref<10000xf32, #tpu.memory_space<vmem_shared>>
      tpu.enqueue_indirect_dma source(%arg8 : memref<128xf32, #tpu.memory_space<vmem>>) target(%dma_start3A_100 : memref<10000xf32, #tpu.memory_space<vmem_shared>>) offsets(%arg6 : memref<128xi32, #tpu.memory_space<vmem>>) semaphore(%arg14 : memref<!tpu.dma_semaphore, #tpu.memory_space<semaphore_mem>>) {add = true}
      %mul3A_101 = arith.constant 6 : i32
      %mul3A_102 = arith.muli %mul3A_101, %scan3A_56 : i32
      %add3A_103 = arith.constant 2 : i32
      %add3A_104 = arith.addi %mul3A_102, %add3A_103 : i32
      %dma_wait3A_105 = arith.constant 0 : i32
      %dma_wait3A_106 = tpu.memref_slice %arg2[%dma_wait3A_105] : memref<320000xi32, #tpu.memory_space<hbm>> -> memref<128xi32, #tpu.memory_space<hbm>>
      %dma_wait3A_107 = arith.constant 0 : i32
      %dma_wait3A_108 = tpu.memref_slice %arg2[%dma_wait3A_107] : memref<320000xi32, #tpu.memory_space<hbm>> -> memref<128xi32, #tpu.memory_space<hbm>>
      tpu.wait_dma2 semaphore(%arg11 : memref<!tpu.dma_semaphore, #tpu.memory_space<semaphore_mem>>) src(%dma_wait3A_108 : memref<128xi32, #tpu.memory_space<hbm>>) dst(%arg5 : memref<128xi32, #tpu.memory_space<vmem>>)
      %dma_wait3A_109 = arith.constant 0 : i32
      %dma_wait3A_110 = tpu.memref_slice %arg10[%dma_wait3A_109] : memref<10000xf32, #tpu.memory_space<vmem_shared>> -> memref<10000xf32, #tpu.memory_space<vmem_shared>>
      tpu.wait_indirect_dma semaphore(%arg14 : memref<!tpu.dma_semaphore, #tpu.memory_space<semaphore_mem>>) src(%arg8 : memref<128xf32, #tpu.memory_space<vmem>>) dst(%dma_wait3A_110 : memref<10000xf32, #tpu.memory_space<vmem_shared>>)
      %add3A_111 = arith.constant 2 : i32
      %add3A_112 = arith.addi %add3A_104, %add3A_111 : i32
      %mul3A_113 = arith.constant 32 : i32
      %mul3A_114 = arith.muli %add3A_112, %mul3A_113 : i32
      %add3A_115 = arith.addi %add3A, %mul3A_114 : i32
      %mul3A_116 = arith.constant 128 : i32
      %mul3A_117 = arith.muli %add3A_115, %mul3A_116 : i32
      %dma_start3A_118 = tpu.memref_slice %arg2[%mul3A_117] : memref<320000xi32, #tpu.memory_space<hbm>> -> memref<128xi32, #tpu.memory_space<hbm>>
      %dma_start3A_119 = tpu.memref_slice %arg2[%mul3A_117] : memref<320000xi32, #tpu.memory_space<hbm>> -> memref<128xi32, #tpu.memory_space<hbm>>
      tpu.enqueue_dma source(%dma_start3A_119 : memref<128xi32, #tpu.memory_space<hbm>>) target(%arg6 : memref<128xi32, #tpu.memory_space<vmem>>) target_semaphore(%arg12 : memref<!tpu.dma_semaphore, #tpu.memory_space<semaphore_mem>>)
      %dma_start3A_120 = arith.constant 0 : i32
      %dma_start3A_121 = tpu.memref_slice %arg10[%dma_start3A_120] : memref<10000xf32, #tpu.memory_space<vmem_shared>> -> memref<10000xf32, #tpu.memory_space<vmem_shared>>
      tpu.enqueue_indirect_dma source(%arg8 : memref<128xf32, #tpu.memory_space<vmem>>) target(%dma_start3A_121 : memref<10000xf32, #tpu.memory_space<vmem_shared>>) offsets(%arg7 : memref<128xi32, #tpu.memory_space<vmem>>) semaphore(%arg14 : memref<!tpu.dma_semaphore, #tpu.memory_space<semaphore_mem>>) {add = true}
      %mul3A_122 = arith.constant 6 : i32
      %mul3A_123 = arith.muli %mul3A_122, %scan3A_56 : i32
      %add3A_124 = arith.constant 3 : i32
      %add3A_125 = arith.addi %mul3A_123, %add3A_124 : i32
      %dma_wait3A_126 = arith.constant 0 : i32
      %dma_wait3A_127 = tpu.memref_slice %arg2[%dma_wait3A_126] : memref<320000xi32, #tpu.memory_space<hbm>> -> memref<128xi32, #tpu.memory_space<hbm>>
      %dma_wait3A_128 = arith.constant 0 : i32
      %dma_wait3A_129 = tpu.memref_slice %arg2[%dma_wait3A_128] : memref<320000xi32, #tpu.memory_space<hbm>> -> memref<128xi32, #tpu.memory_space<hbm>>
      tpu.wait_dma2 semaphore(%arg12 : memref<!tpu.dma_semaphore, #tpu.memory_space<semaphore_mem>>) src(%dma_wait3A_129 : memref<128xi32, #tpu.memory_space<hbm>>) dst(%arg6 : memref<128xi32, #tpu.memory_space<vmem>>)
      %dma_wait3A_130 = arith.constant 0 : i32
      %dma_wait3A_131 = tpu.memref_slice %arg10[%dma_wait3A_130] : memref<10000xf32, #tpu.memory_space<vmem_shared>> -> memref<10000xf32, #tpu.memory_space<vmem_shared>>
      tpu.wait_indirect_dma semaphore(%arg14 : memref<!tpu.dma_semaphore, #tpu.memory_space<semaphore_mem>>) src(%arg8 : memref<128xf32, #tpu.memory_space<vmem>>) dst(%dma_wait3A_131 : memref<10000xf32, #tpu.memory_space<vmem_shared>>)
      %add3A_132 = arith.constant 2 : i32
      %add3A_133 = arith.addi %add3A_125, %add3A_132 : i32
      %mul3A_134 = arith.constant 32 : i32
      %mul3A_135 = arith.muli %add3A_133, %mul3A_134 : i32
      %add3A_136 = arith.addi %add3A, %mul3A_135 : i32
      %mul3A_137 = arith.constant 128 : i32
      %mul3A_138 = arith.muli %add3A_136, %mul3A_137 : i32
      %dma_start3A_139 = tpu.memref_slice %arg2[%mul3A_138] : memref<320000xi32, #tpu.memory_space<hbm>> -> memref<128xi32, #tpu.memory_space<hbm>>
      %dma_start3A_140 = tpu.memref_slice %arg2[%mul3A_138] : memref<320000xi32, #tpu.memory_space<hbm>> -> memref<128xi32, #tpu.memory_space<hbm>>
      tpu.enqueue_dma source(%dma_start3A_140 : memref<128xi32, #tpu.memory_space<hbm>>) target(%arg7 : memref<128xi32, #tpu.memory_space<vmem>>) target_semaphore(%arg13 : memref<!tpu.dma_semaphore, #tpu.memory_space<semaphore_mem>>)
      %dma_start3A_141 = arith.constant 0 : i32
      %dma_start3A_142 = tpu.memref_slice %arg10[%dma_start3A_141] : memref<10000xf32, #tpu.memory_space<vmem_shared>> -> memref<10000xf32, #tpu.memory_space<vmem_shared>>
      tpu.enqueue_indirect_dma source(%arg8 : memref<128xf32, #tpu.memory_space<vmem>>) target(%dma_start3A_142 : memref<10000xf32, #tpu.memory_space<vmem_shared>>) offsets(%arg5 : memref<128xi32, #tpu.memory_space<vmem>>) semaphore(%arg14 : memref<!tpu.dma_semaphore, #tpu.memory_space<semaphore_mem>>) {add = true}
      %mul3A_143 = arith.constant 6 : i32
      %mul3A_144 = arith.muli %mul3A_143, %scan3A_56 : i32
      %add3A_145 = arith.constant 4 : i32
      %add3A_146 = arith.addi %mul3A_144, %add3A_145 : i32
      %dma_wait3A_147 = arith.constant 0 : i32
      %dma_wait3A_148 = tpu.memref_slice %arg2[%dma_wait3A_147] : memref<320000xi32, #tpu.memory_space<hbm>> -> memref<128xi32, #tpu.memory_space<hbm>>
      %dma_wait3A_149 = arith.constant 0 : i32
      %dma_wait3A_150 = tpu.memref_slice %arg2[%dma_wait3A_149] : memref<320000xi32, #tpu.memory_space<hbm>> -> memref<128xi32, #tpu.memory_space<hbm>>
      tpu.wait_dma2 semaphore(%arg13 : memref<!tpu.dma_semaphore, #tpu.memory_space<semaphore_mem>>) src(%dma_wait3A_150 : memref<128xi32, #tpu.memory_space<hbm>>) dst(%arg7 : memref<128xi32, #tpu.memory_space<vmem>>)
      %dma_wait3A_151 = arith.constant 0 : i32
      %dma_wait3A_152 = tpu.memref_slice %arg10[%dma_wait3A_151] : memref<10000xf32, #tpu.memory_space<vmem_shared>> -> memref<10000xf32, #tpu.memory_space<vmem_shared>>
      tpu.wait_indirect_dma semaphore(%arg14 : memref<!tpu.dma_semaphore, #tpu.memory_space<semaphore_mem>>) src(%arg8 : memref<128xf32, #tpu.memory_space<vmem>>) dst(%dma_wait3A_152 : memref<10000xf32, #tpu.memory_space<vmem_shared>>)
      %lt3A_153 = arith.constant 12 : i32
      %lt3A_154 = arith.cmpi slt, %scan3A_56, %lt3A_153 : i32
      %convert_element_type3A_155 = arith.extui %lt3A_154 : i1 to i32
      %cond3A_156 = arith.constant 0 : i32
      %cond3A_157 = arith.cmpi ne, %convert_element_type3A_155, %cond3A_156 : i32
      scf.if %cond3A_157 {
        %add3A_178 = arith.constant 2 : i32
        %add3A_179 = arith.addi %add3A_146, %add3A_178 : i32
        %mul3A_180 = arith.constant 32 : i32
        %mul3A_181 = arith.muli %add3A_179, %mul3A_180 : i32
        %add3A_182 = arith.addi %add3A, %mul3A_181 : i32
        %mul3A_183 = arith.constant 128 : i32
        %mul3A_184 = arith.muli %add3A_182, %mul3A_183 : i32
        %dma_start3A_185 = tpu.memref_slice %arg2[%mul3A_184] : memref<320000xi32, #tpu.memory_space<hbm>> -> memref<128xi32, #tpu.memory_space<hbm>>
        %dma_start3A_186 = tpu.memref_slice %arg2[%mul3A_184] : memref<320000xi32, #tpu.memory_space<hbm>> -> memref<128xi32, #tpu.memory_space<hbm>>
        tpu.enqueue_dma source(%dma_start3A_186 : memref<128xi32, #tpu.memory_space<hbm>>) target(%arg5 : memref<128xi32, #tpu.memory_space<vmem>>) target_semaphore(%arg11 : memref<!tpu.dma_semaphore, #tpu.memory_space<semaphore_mem>>)
      } else {
      }
      %dma_start3A_158 = arith.constant 0 : i32
      %dma_start3A_159 = tpu.memref_slice %arg10[%dma_start3A_158] : memref<10000xf32, #tpu.memory_space<vmem_shared>> -> memref<10000xf32, #tpu.memory_space<vmem_shared>>
      tpu.enqueue_indirect_dma source(%arg8 : memref<128xf32, #tpu.memory_space<vmem>>) target(%dma_start3A_159 : memref<10000xf32, #tpu.memory_space<vmem_shared>>) offsets(%arg6 : memref<128xi32, #tpu.memory_space<vmem>>) semaphore(%arg14 : memref<!tpu.dma_semaphore, #tpu.memory_space<semaphore_mem>>) {add = true}
      %mul3A_160 = arith.constant 6 : i32
      %mul3A_161 = arith.muli %mul3A_160, %scan3A_56 : i32
      %add3A_162 = arith.constant 5 : i32
      %add3A_163 = arith.addi %mul3A_161, %add3A_162 : i32
      %lt3A_164 = arith.constant 12 : i32
      %lt3A_165 = arith.cmpi slt, %scan3A_56, %lt3A_164 : i32
      %convert_element_type3A_166 = arith.extui %lt3A_165 : i1 to i32
      %cond3A_167 = arith.constant 0 : i32
      %cond3A_168 = arith.cmpi ne, %convert_element_type3A_166, %cond3A_167 : i32
      scf.if %cond3A_168 {
        %dma_wait3A_178 = arith.constant 0 : i32
        %dma_wait3A_179 = tpu.memref_slice %arg2[%dma_wait3A_178] : memref<320000xi32, #tpu.memory_space<hbm>> -> memref<128xi32, #tpu.memory_space<hbm>>
        %dma_wait3A_180 = arith.constant 0 : i32
        %dma_wait3A_181 = tpu.memref_slice %arg2[%dma_wait3A_180] : memref<320000xi32, #tpu.memory_space<hbm>> -> memref<128xi32, #tpu.memory_space<hbm>>
        tpu.wait_dma2 semaphore(%arg11 : memref<!tpu.dma_semaphore, #tpu.memory_space<semaphore_mem>>) src(%dma_wait3A_181 : memref<128xi32, #tpu.memory_space<hbm>>) dst(%arg5 : memref<128xi32, #tpu.memory_space<vmem>>)
      } else {
      }
      %dma_wait3A_169 = arith.constant 0 : i32
      %dma_wait3A_170 = tpu.memref_slice %arg10[%dma_wait3A_169] : memref<10000xf32, #tpu.memory_space<vmem_shared>> -> memref<10000xf32, #tpu.memory_space<vmem_shared>>
      tpu.wait_indirect_dma semaphore(%arg14 : memref<!tpu.dma_semaphore, #tpu.memory_space<semaphore_mem>>) src(%arg8 : memref<128xf32, #tpu.memory_space<vmem>>) dst(%dma_wait3A_170 : memref<10000xf32, #tpu.memory_space<vmem_shared>>)
      %lt3A_171 = arith.constant 12 : i32
      %lt3A_172 = arith.cmpi slt, %scan3A_56, %lt3A_171 : i32
      %convert_element_type3A_173 = arith.extui %lt3A_172 : i1 to i32
      %cond3A_174 = arith.constant 0 : i32
      %cond3A_175 = arith.cmpi ne, %convert_element_type3A_173, %cond3A_174 : i32
      scf.if %cond3A_175 {
        %add3A_178 = arith.constant 2 : i32
        %add3A_179 = arith.addi %add3A_163, %add3A_178 : i32
        %mul3A_180 = arith.constant 32 : i32
        %mul3A_181 = arith.muli %add3A_179, %mul3A_180 : i32
        %add3A_182 = arith.addi %add3A, %mul3A_181 : i32
        %mul3A_183 = arith.constant 128 : i32
        %mul3A_184 = arith.muli %add3A_182, %mul3A_183 : i32
        %dma_start3A_185 = tpu.memref_slice %arg2[%mul3A_184] : memref<320000xi32, #tpu.memory_space<hbm>> -> memref<128xi32, #tpu.memory_space<hbm>>
        %dma_start3A_186 = tpu.memref_slice %arg2[%mul3A_184] : memref<320000xi32, #tpu.memory_space<hbm>> -> memref<128xi32, #tpu.memory_space<hbm>>
        tpu.enqueue_dma source(%dma_start3A_186 : memref<128xi32, #tpu.memory_space<hbm>>) target(%arg6 : memref<128xi32, #tpu.memory_space<vmem>>) target_semaphore(%arg12 : memref<!tpu.dma_semaphore, #tpu.memory_space<semaphore_mem>>)
      } else {
      }
      %dma_start3A_176 = arith.constant 0 : i32
      %dma_start3A_177 = tpu.memref_slice %arg10[%dma_start3A_176] : memref<10000xf32, #tpu.memory_space<vmem_shared>> -> memref<10000xf32, #tpu.memory_space<vmem_shared>>
      tpu.enqueue_indirect_dma source(%arg8 : memref<128xf32, #tpu.memory_space<vmem>>) target(%dma_start3A_177 : memref<10000xf32, #tpu.memory_space<vmem_shared>>) offsets(%arg7 : memref<128xi32, #tpu.memory_space<vmem>>) semaphore(%arg14 : memref<!tpu.dma_semaphore, #tpu.memory_space<semaphore_mem>>) {add = true}
    }
    %scan3A_38 = arith.constant 13 : i32
    %dma_wait3A_39 = arith.constant 0 : i32
    %dma_wait3A_40 = tpu.memref_slice %arg10[%dma_wait3A_39] : memref<10000xf32, #tpu.memory_space<vmem_shared>> -> memref<10000xf32, #tpu.memory_space<vmem_shared>>
    tpu.wait_indirect_dma semaphore(%arg14 : memref<!tpu.dma_semaphore, #tpu.memory_space<semaphore_mem>>) src(%arg8 : memref<128xf32, #tpu.memory_space<vmem>>) dst(%dma_wait3A_40 : memref<10000xf32, #tpu.memory_space<vmem_shared>>)
    %lt3A = arith.constant 4 : i32
    %lt3A_41 = arith.cmpi slt, %add3A, %lt3A : i32
    %convert_element_type3A_42 = arith.extui %lt3A_41 : i1 to i32
    %cond3A_43 = arith.constant 0 : i32
    %cond3A_44 = arith.cmpi ne, %convert_element_type3A_42, %cond3A_43 : i32
    scf.if %cond3A_44 {
      %add3A_56 = arith.constant 2496 : i32
      %add3A_57 = arith.addi %add3A_56, %add3A : i32
      %mul3A_58 = arith.constant 128 : i32
      %mul3A_59 = arith.muli %add3A_57, %mul3A_58 : i32
      "tpu.region"() ({
        %run_scoped3A = tpu.sem_alloc : memref<!tpu.dma_semaphore, #tpu.memory_space<semaphore_mem>>
        %dma_start3A_64 = tpu.memref_slice %arg2[%mul3A_59] : memref<320000xi32, #tpu.memory_space<hbm>> -> memref<128xi32, #tpu.memory_space<hbm>>
        %dma_start3A_65 = tpu.memref_slice %arg2[%mul3A_59] : memref<320000xi32, #tpu.memory_space<hbm>> -> memref<128xi32, #tpu.memory_space<hbm>>
        tpu.enqueue_dma source(%dma_start3A_65 : memref<128xi32, #tpu.memory_space<hbm>>) target(%arg5 : memref<128xi32, #tpu.memory_space<vmem>>) target_semaphore(%run_scoped3A : memref<!tpu.dma_semaphore, #tpu.memory_space<semaphore_mem>>)
        %dma_wait3A_66 = tpu.memref_slice %arg2[%mul3A_59] : memref<320000xi32, #tpu.memory_space<hbm>> -> memref<128xi32, #tpu.memory_space<hbm>>
        %dma_wait3A_67 = tpu.memref_slice %arg2[%mul3A_59] : memref<320000xi32, #tpu.memory_space<hbm>> -> memref<128xi32, #tpu.memory_space<hbm>>
        tpu.wait_dma2 semaphore(%run_scoped3A : memref<!tpu.dma_semaphore, #tpu.memory_space<semaphore_mem>>) src(%dma_wait3A_67 : memref<128xi32, #tpu.memory_space<hbm>>) dst(%arg5 : memref<128xi32, #tpu.memory_space<vmem>>)
        tpu.yield
      }) : () -> ()
      %dma_start3A_60 = arith.constant 0 : i32
      %dma_start3A_61 = tpu.memref_slice %arg10[%dma_start3A_60] : memref<10000xf32, #tpu.memory_space<vmem_shared>> -> memref<10000xf32, #tpu.memory_space<vmem_shared>>
      tpu.enqueue_indirect_dma source(%arg8 : memref<128xf32, #tpu.memory_space<vmem>>) target(%dma_start3A_61 : memref<10000xf32, #tpu.memory_space<vmem_shared>>) offsets(%arg5 : memref<128xi32, #tpu.memory_space<vmem>>) semaphore(%arg14 : memref<!tpu.dma_semaphore, #tpu.memory_space<semaphore_mem>>) {add = true}
      %dma_wait3A_62 = arith.constant 0 : i32
      %dma_wait3A_63 = tpu.memref_slice %arg10[%dma_wait3A_62] : memref<10000xf32, #tpu.memory_space<vmem_shared>> -> memref<10000xf32, #tpu.memory_space<vmem_shared>>
      tpu.wait_indirect_dma semaphore(%arg14 : memref<!tpu.dma_semaphore, #tpu.memory_space<semaphore_mem>>) src(%arg8 : memref<128xf32, #tpu.memory_space<vmem>>) dst(%dma_wait3A_63 : memref<10000xf32, #tpu.memory_space<vmem_shared>>)
    } else {
    }
    %barrier3A_45 = arith.constant 0 : index
    tpu.barrier barrier_id(%barrier3A_45)
    %eq3A_46 = arith.constant 0 : i32
    %eq3A_47 = arith.cmpi eq, %arg0, %eq3A_46 : i32
    %convert_element_type3A_48 = arith.extui %eq3A_47 : i1 to i32
    %cond3A_49 = arith.constant 0 : i32
    %cond3A_50 = arith.cmpi ne, %convert_element_type3A_48, %cond3A_49 : i32
    scf.if %cond3A_50 {
      %mul3A_56 = arith.constant 624 : i32
      %mul3A_57 = arith.muli %arg1, %mul3A_56 : i32
      "tpu.region"() ({
        %run_scoped3A = tpu.sem_alloc : memref<!tpu.dma_semaphore, #tpu.memory_space<semaphore_mem>>
        %dma_start3A_65 = tpu.memref_slice %arg10[%mul3A_57] : memref<10000xf32, #tpu.memory_space<vmem_shared>> -> memref<624xf32, #tpu.memory_space<vmem_shared>>
        %dma_start3A_66 = tpu.memref_slice %arg10[%mul3A_57] : memref<10000xf32, #tpu.memory_space<vmem_shared>> -> memref<624xf32, #tpu.memory_space<vmem_shared>>
        tpu.enqueue_dma source(%dma_start3A_66 : memref<624xf32, #tpu.memory_space<vmem_shared>>) target(%arg9 : memref<624xf32, #tpu.memory_space<vmem>>) target_semaphore(%run_scoped3A : memref<!tpu.dma_semaphore, #tpu.memory_space<semaphore_mem>>)
        %dma_wait3A_67 = tpu.memref_slice %arg10[%mul3A_57] : memref<10000xf32, #tpu.memory_space<vmem_shared>> -> memref<624xf32, #tpu.memory_space<vmem_shared>>
        %dma_wait3A_68 = tpu.memref_slice %arg10[%mul3A_57] : memref<10000xf32, #tpu.memory_space<vmem_shared>> -> memref<624xf32, #tpu.memory_space<vmem_shared>>
        tpu.wait_dma2 semaphore(%run_scoped3A : memref<!tpu.dma_semaphore, #tpu.memory_space<semaphore_mem>>) src(%dma_wait3A_68 : memref<624xf32, #tpu.memory_space<vmem_shared>>) dst(%arg9 : memref<624xf32, #tpu.memory_space<vmem>>)
        tpu.yield
      }) : () -> ()
      %mul3A_58 = arith.constant 624 : i32
      %mul3A_59 = arith.muli %arg1, %mul3A_58 : i32
      "tpu.region"() ({
        %run_scoped3A = tpu.sem_alloc : memref<!tpu.dma_semaphore, #tpu.memory_space<semaphore_mem>>
        %dma_start3A_65 = tpu.memref_slice %arg3[%mul3A_59] : memref<10000xf32, #tpu.memory_space<hbm>> -> memref<624xf32, #tpu.memory_space<hbm>>
        %dma_start3A_66 = tpu.memref_slice %arg3[%mul3A_59] : memref<10000xf32, #tpu.memory_space<hbm>> -> memref<624xf32, #tpu.memory_space<hbm>>
        tpu.enqueue_dma source(%arg9 : memref<624xf32, #tpu.memory_space<vmem>>) target(%dma_start3A_66 : memref<624xf32, #tpu.memory_space<hbm>>) target_semaphore(%run_scoped3A : memref<!tpu.dma_semaphore, #tpu.memory_space<semaphore_mem>>)
        %dma_wait3A_67 = tpu.memref_slice %arg3[%mul3A_59] : memref<10000xf32, #tpu.memory_space<hbm>> -> memref<624xf32, #tpu.memory_space<hbm>>
        %dma_wait3A_68 = tpu.memref_slice %arg3[%mul3A_59] : memref<10000xf32, #tpu.memory_space<hbm>> -> memref<624xf32, #tpu.memory_space<hbm>>
        tpu.wait_dma2 semaphore(%run_scoped3A : memref<!tpu.dma_semaphore, #tpu.memory_space<semaphore_mem>>) src(%arg9 : memref<624xf32, #tpu.memory_space<vmem>>) dst(%dma_wait3A_68 : memref<624xf32, #tpu.memory_space<hbm>>)
        tpu.yield
      }) : () -> ()
      %eq3A_60 = arith.constant 15 : i32
      %eq3A_61 = arith.cmpi eq, %arg1, %eq3A_60 : i32
      %convert_element_type3A_62 = arith.extui %eq3A_61 : i1 to i32
      %cond3A_63 = arith.constant 0 : i32
      %cond3A_64 = arith.cmpi ne, %convert_element_type3A_62, %cond3A_63 : i32
      scf.if %cond3A_64 {
        "tpu.region"() ({
          %run_scoped3A = tpu.sem_alloc : memref<!tpu.dma_semaphore, #tpu.memory_space<semaphore_mem>>
          %dma_start3A_65 = arith.constant 0 : i32
          %dma_start3A_66 = tpu.memref_slice %arg9[%dma_start3A_65] : memref<624xf32, #tpu.memory_space<vmem>> -> memref<16xf32, #tpu.memory_space<vmem>>
          %dma_start3A_67 = arith.constant 9984 : i32
          %dma_start3A_68 = tpu.memref_slice %arg10[%dma_start3A_67] : memref<10000xf32, #tpu.memory_space<vmem_shared>> -> memref<16xf32, #tpu.memory_space<vmem_shared>>
          %dma_start3A_69 = arith.constant 0 : i32
          %dma_start3A_70 = tpu.memref_slice %arg9[%dma_start3A_69] : memref<624xf32, #tpu.memory_space<vmem>> -> memref<16xf32, #tpu.memory_space<vmem>>
          %dma_start3A_71 = arith.constant 9984 : i32
          %dma_start3A_72 = tpu.memref_slice %arg10[%dma_start3A_71] : memref<10000xf32, #tpu.memory_space<vmem_shared>> -> memref<16xf32, #tpu.memory_space<vmem_shared>>
          tpu.enqueue_dma source(%dma_start3A_72 : memref<16xf32, #tpu.memory_space<vmem_shared>>) target(%dma_start3A_70 : memref<16xf32, #tpu.memory_space<vmem>>) target_semaphore(%run_scoped3A : memref<!tpu.dma_semaphore, #tpu.memory_space<semaphore_mem>>)
          %dma_wait3A_73 = arith.constant 0 : i32
          %dma_wait3A_74 = tpu.memref_slice %arg9[%dma_wait3A_73] : memref<624xf32, #tpu.memory_space<vmem>> -> memref<16xf32, #tpu.memory_space<vmem>>
          %dma_wait3A_75 = arith.constant 9984 : i32
          %dma_wait3A_76 = tpu.memref_slice %arg10[%dma_wait3A_75] : memref<10000xf32, #tpu.memory_space<vmem_shared>> -> memref<16xf32, #tpu.memory_space<vmem_shared>>
          %dma_wait3A_77 = arith.constant 0 : i32
          %dma_wait3A_78 = tpu.memref_slice %arg9[%dma_wait3A_77] : memref<624xf32, #tpu.memory_space<vmem>> -> memref<16xf32, #tpu.memory_space<vmem>>
          %dma_wait3A_79 = arith.constant 9984 : i32
          %dma_wait3A_80 = tpu.memref_slice %arg10[%dma_wait3A_79] : memref<10000xf32, #tpu.memory_space<vmem_shared>> -> memref<16xf32, #tpu.memory_space<vmem_shared>>
          tpu.wait_dma2 semaphore(%run_scoped3A : memref<!tpu.dma_semaphore, #tpu.memory_space<semaphore_mem>>) src(%dma_wait3A_80 : memref<16xf32, #tpu.memory_space<vmem_shared>>) dst(%dma_wait3A_78 : memref<16xf32, #tpu.memory_space<vmem>>)
          tpu.yield
        }) : () -> ()
        "tpu.region"() ({
          %run_scoped3A = tpu.sem_alloc : memref<!tpu.dma_semaphore, #tpu.memory_space<semaphore_mem>>
          %dma_start3A_65 = arith.constant 0 : i32
          %dma_start3A_66 = tpu.memref_slice %arg9[%dma_start3A_65] : memref<624xf32, #tpu.memory_space<vmem>> -> memref<16xf32, #tpu.memory_space<vmem>>
          %dma_start3A_67 = arith.constant 9984 : i32
          %dma_start3A_68 = tpu.memref_slice %arg3[%dma_start3A_67] : memref<10000xf32, #tpu.memory_space<hbm>> -> memref<16xf32, #tpu.memory_space<hbm>>
          %dma_start3A_69 = arith.constant 9984 : i32
          %dma_start3A_70 = tpu.memref_slice %arg3[%dma_start3A_69] : memref<10000xf32, #tpu.memory_space<hbm>> -> memref<16xf32, #tpu.memory_space<hbm>>
          %dma_start3A_71 = arith.constant 0 : i32
          %dma_start3A_72 = tpu.memref_slice %arg9[%dma_start3A_71] : memref<624xf32, #tpu.memory_space<vmem>> -> memref<16xf32, #tpu.memory_space<vmem>>
          tpu.enqueue_dma source(%dma_start3A_72 : memref<16xf32, #tpu.memory_space<vmem>>) target(%dma_start3A_70 : memref<16xf32, #tpu.memory_space<hbm>>) target_semaphore(%run_scoped3A : memref<!tpu.dma_semaphore, #tpu.memory_space<semaphore_mem>>)
          %dma_wait3A_73 = arith.constant 0 : i32
          %dma_wait3A_74 = tpu.memref_slice %arg9[%dma_wait3A_73] : memref<624xf32, #tpu.memory_space<vmem>> -> memref<16xf32, #tpu.memory_space<vmem>>
          %dma_wait3A_75 = arith.constant 9984 : i32
          %dma_wait3A_76 = tpu.memref_slice %arg3[%dma_wait3A_75] : memref<10000xf32, #tpu.memory_space<hbm>> -> memref<16xf32, #tpu.memory_space<hbm>>
          %dma_wait3A_77 = arith.constant 9984 : i32
          %dma_wait3A_78 = tpu.memref_slice %arg3[%dma_wait3A_77] : memref<10000xf32, #tpu.memory_space<hbm>> -> memref<16xf32, #tpu.memory_space<hbm>>
          %dma_wait3A_79 = arith.constant 0 : i32
          %dma_wait3A_80 = tpu.memref_slice %arg9[%dma_wait3A_79] : memref<624xf32, #tpu.memory_space<vmem>> -> memref<16xf32, #tpu.memory_space<vmem>>
          tpu.wait_dma2 semaphore(%run_scoped3A : memref<!tpu.dma_semaphore, #tpu.memory_space<semaphore_mem>>) src(%dma_wait3A_80 : memref<16xf32, #tpu.memory_space<vmem>>) dst(%dma_wait3A_78 : memref<16xf32, #tpu.memory_space<hbm>>)
          tpu.yield
        }) : () -> ()
      } else {
      }
    } else {
    }
    %eq3A_51 = arith.constant 1 : i32
    %eq3A_52 = arith.cmpi eq, %arg0, %eq3A_51 : i32
    %convert_element_type3A_53 = arith.extui %eq3A_52 : i1 to i32
    %cond3A_54 = arith.constant 0 : i32
    %cond3A_55 = arith.cmpi ne, %convert_element_type3A_53, %cond3A_54 : i32
    scf.if %cond3A_55 {
      %mul3A_56 = arith.constant 624 : i32
      %mul3A_57 = arith.muli %arg1, %mul3A_56 : i32
      "tpu.region"() ({
        %run_scoped3A = tpu.sem_alloc : memref<!tpu.dma_semaphore, #tpu.memory_space<semaphore_mem>>
        %dma_start3A_65 = tpu.memref_slice %arg10[%mul3A_57] : memref<10000xf32, #tpu.memory_space<vmem_shared>> -> memref<624xf32, #tpu.memory_space<vmem_shared>>
        %dma_start3A_66 = tpu.memref_slice %arg10[%mul3A_57] : memref<10000xf32, #tpu.memory_space<vmem_shared>> -> memref<624xf32, #tpu.memory_space<vmem_shared>>
        tpu.enqueue_dma source(%dma_start3A_66 : memref<624xf32, #tpu.memory_space<vmem_shared>>) target(%arg9 : memref<624xf32, #tpu.memory_space<vmem>>) target_semaphore(%run_scoped3A : memref<!tpu.dma_semaphore, #tpu.memory_space<semaphore_mem>>)
        %dma_wait3A_67 = tpu.memref_slice %arg10[%mul3A_57] : memref<10000xf32, #tpu.memory_space<vmem_shared>> -> memref<624xf32, #tpu.memory_space<vmem_shared>>
        %dma_wait3A_68 = tpu.memref_slice %arg10[%mul3A_57] : memref<10000xf32, #tpu.memory_space<vmem_shared>> -> memref<624xf32, #tpu.memory_space<vmem_shared>>
        tpu.wait_dma2 semaphore(%run_scoped3A : memref<!tpu.dma_semaphore, #tpu.memory_space<semaphore_mem>>) src(%dma_wait3A_68 : memref<624xf32, #tpu.memory_space<vmem_shared>>) dst(%arg9 : memref<624xf32, #tpu.memory_space<vmem>>)
        tpu.yield
      }) : () -> ()
      %mul3A_58 = arith.constant 624 : i32
      %mul3A_59 = arith.muli %arg1, %mul3A_58 : i32
      "tpu.region"() ({
        %run_scoped3A = tpu.sem_alloc : memref<!tpu.dma_semaphore, #tpu.memory_space<semaphore_mem>>
        %dma_start3A_65 = tpu.memref_slice %arg4[%mul3A_59] : memref<10000xf32, #tpu.memory_space<hbm>> -> memref<624xf32, #tpu.memory_space<hbm>>
        %dma_start3A_66 = tpu.memref_slice %arg4[%mul3A_59] : memref<10000xf32, #tpu.memory_space<hbm>> -> memref<624xf32, #tpu.memory_space<hbm>>
        tpu.enqueue_dma source(%arg9 : memref<624xf32, #tpu.memory_space<vmem>>) target(%dma_start3A_66 : memref<624xf32, #tpu.memory_space<hbm>>) target_semaphore(%run_scoped3A : memref<!tpu.dma_semaphore, #tpu.memory_space<semaphore_mem>>)
        %dma_wait3A_67 = tpu.memref_slice %arg4[%mul3A_59] : memref<10000xf32, #tpu.memory_space<hbm>> -> memref<624xf32, #tpu.memory_space<hbm>>
        %dma_wait3A_68 = tpu.memref_slice %arg4[%mul3A_59] : memref<10000xf32, #tpu.memory_space<hbm>> -> memref<624xf32, #tpu.memory_space<hbm>>
        tpu.wait_dma2 semaphore(%run_scoped3A : memref<!tpu.dma_semaphore, #tpu.memory_space<semaphore_mem>>) src(%arg9 : memref<624xf32, #tpu.memory_space<vmem>>) dst(%dma_wait3A_68 : memref<624xf32, #tpu.memory_space<hbm>>)
        tpu.yield
      }) : () -> ()
      %eq3A_60 = arith.constant 15 : i32
      %eq3A_61 = arith.cmpi eq, %arg1, %eq3A_60 : i32
      %convert_element_type3A_62 = arith.extui %eq3A_61 : i1 to i32
      %cond3A_63 = arith.constant 0 : i32
      %cond3A_64 = arith.cmpi ne, %convert_element_type3A_62, %cond3A_63 : i32
      scf.if %cond3A_64 {
        "tpu.region"() ({
          %run_scoped3A = tpu.sem_alloc : memref<!tpu.dma_semaphore, #tpu.memory_space<semaphore_mem>>
          %dma_start3A_65 = arith.constant 0 : i32
          %dma_start3A_66 = tpu.memref_slice %arg9[%dma_start3A_65] : memref<624xf32, #tpu.memory_space<vmem>> -> memref<16xf32, #tpu.memory_space<vmem>>
          %dma_start3A_67 = arith.constant 9984 : i32
          %dma_start3A_68 = tpu.memref_slice %arg10[%dma_start3A_67] : memref<10000xf32, #tpu.memory_space<vmem_shared>> -> memref<16xf32, #tpu.memory_space<vmem_shared>>
          %dma_start3A_69 = arith.constant 0 : i32
          %dma_start3A_70 = tpu.memref_slice %arg9[%dma_start3A_69] : memref<624xf32, #tpu.memory_space<vmem>> -> memref<16xf32, #tpu.memory_space<vmem>>
          %dma_start3A_71 = arith.constant 9984 : i32
          %dma_start3A_72 = tpu.memref_slice %arg10[%dma_start3A_71] : memref<10000xf32, #tpu.memory_space<vmem_shared>> -> memref<16xf32, #tpu.memory_space<vmem_shared>>
          tpu.enqueue_dma source(%dma_start3A_72 : memref<16xf32, #tpu.memory_space<vmem_shared>>) target(%dma_start3A_70 : memref<16xf32, #tpu.memory_space<vmem>>) target_semaphore(%run_scoped3A : memref<!tpu.dma_semaphore, #tpu.memory_space<semaphore_mem>>)
          %dma_wait3A_73 = arith.constant 0 : i32
          %dma_wait3A_74 = tpu.memref_slice %arg9[%dma_wait3A_73] : memref<624xf32, #tpu.memory_space<vmem>> -> memref<16xf32, #tpu.memory_space<vmem>>
          %dma_wait3A_75 = arith.constant 9984 : i32
          %dma_wait3A_76 = tpu.memref_slice %arg10[%dma_wait3A_75] : memref<10000xf32, #tpu.memory_space<vmem_shared>> -> memref<16xf32, #tpu.memory_space<vmem_shared>>
          %dma_wait3A_77 = arith.constant 0 : i32
          %dma_wait3A_78 = tpu.memref_slice %arg9[%dma_wait3A_77] : memref<624xf32, #tpu.memory_space<vmem>> -> memref<16xf32, #tpu.memory_space<vmem>>
          %dma_wait3A_79 = arith.constant 9984 : i32
          %dma_wait3A_80 = tpu.memref_slice %arg10[%dma_wait3A_79] : memref<10000xf32, #tpu.memory_space<vmem_shared>> -> memref<16xf32, #tpu.memory_space<vmem_shared>>
          tpu.wait_dma2 semaphore(%run_scoped3A : memref<!tpu.dma_semaphore, #tpu.memory_space<semaphore_mem>>) src(%dma_wait3A_80 : memref<16xf32, #tpu.memory_space<vmem_shared>>) dst(%dma_wait3A_78 : memref<16xf32, #tpu.memory_space<vmem>>)
          tpu.yield
        }) : () -> ()
        "tpu.region"() ({
          %run_scoped3A = tpu.sem_alloc : memref<!tpu.dma_semaphore, #tpu.memory_space<semaphore_mem>>
          %dma_start3A_65 = arith.constant 0 : i32
          %dma_start3A_66 = tpu.memref_slice %arg9[%dma_start3A_65] : memref<624xf32, #tpu.memory_space<vmem>> -> memref<16xf32, #tpu.memory_space<vmem>>
          %dma_start3A_67 = arith.constant 9984 : i32
          %dma_start3A_68 = tpu.memref_slice %arg4[%dma_start3A_67] : memref<10000xf32, #tpu.memory_space<hbm>> -> memref<16xf32, #tpu.memory_space<hbm>>
          %dma_start3A_69 = arith.constant 9984 : i32
          %dma_start3A_70 = tpu.memref_slice %arg4[%dma_start3A_69] : memref<10000xf32, #tpu.memory_space<hbm>> -> memref<16xf32, #tpu.memory_space<hbm>>
          %dma_start3A_71 = arith.constant 0 : i32
          %dma_start3A_72 = tpu.memref_slice %arg9[%dma_start3A_71] : memref<624xf32, #tpu.memory_space<vmem>> -> memref<16xf32, #tpu.memory_space<vmem>>
          tpu.enqueue_dma source(%dma_start3A_72 : memref<16xf32, #tpu.memory_space<vmem>>) target(%dma_start3A_70 : memref<16xf32, #tpu.memory_space<hbm>>) target_semaphore(%run_scoped3A : memref<!tpu.dma_semaphore, #tpu.memory_space<semaphore_mem>>)
          %dma_wait3A_73 = arith.constant 0 : i32
          %dma_wait3A_74 = tpu.memref_slice %arg9[%dma_wait3A_73] : memref<624xf32, #tpu.memory_space<vmem>> -> memref<16xf32, #tpu.memory_space<vmem>>
          %dma_wait3A_75 = arith.constant 9984 : i32
          %dma_wait3A_76 = tpu.memref_slice %arg4[%dma_wait3A_75] : memref<10000xf32, #tpu.memory_space<hbm>> -> memref<16xf32, #tpu.memory_space<hbm>>
          %dma_wait3A_77 = arith.constant 9984 : i32
          %dma_wait3A_78 = tpu.memref_slice %arg4[%dma_wait3A_77] : memref<10000xf32, #tpu.memory_space<hbm>> -> memref<16xf32, #tpu.memory_space<hbm>>
          %dma_wait3A_79 = arith.constant 0 : i32
          %dma_wait3A_80 = tpu.memref_slice %arg9[%dma_wait3A_79] : memref<624xf32, #tpu.memory_space<vmem>> -> memref<16xf32, #tpu.memory_space<vmem>>
          tpu.wait_dma2 semaphore(%run_scoped3A : memref<!tpu.dma_semaphore, #tpu.memory_space<semaphore_mem>>) src(%dma_wait3A_80 : memref<16xf32, #tpu.memory_space<vmem>>) dst(%dma_wait3A_78 : memref<16xf32, #tpu.memory_space<hbm>>)
          tpu.yield
        }) : () -> ()
      } else {
      }
    } else {
    }
    return
  }
}

#map = affine_map<(d0, d1) -> (0, 0)>
#map1 = affine_map<(d0, d1) -> (0)>
module attributes {stable_mosaic.version = 14 : i64} {
  func.func @mp(%arg0: i32, %arg1: i32, %arg2: memref<10000x128xf32, #tpu.memory_space<hbm>>, %arg3: memref<10000x128xf32, #tpu.memory_space<hbm>>, %arg4: memref<320000xi32, #tpu.memory_space<hbm>>, %arg5: memref<320000xi32, #tpu.memory_space<hbm>>, %arg6: memref<10000x128xf32, #tpu.memory_space<hbm>>, %arg7: memref<10000x128xf32, #tpu.memory_space<hbm>>, %arg8: memref<128xi32, #tpu.memory_space<vmem>>, %arg9: memref<128xi32, #tpu.memory_space<vmem>>, %arg10: memref<128xi32, #tpu.memory_space<vmem>>, %arg11: memref<128xi32, #tpu.memory_space<vmem>>, %arg12: memref<128xi32, #tpu.memory_space<vmem>>, %arg13: memref<128xi32, #tpu.memory_space<vmem>>, %arg14: memref<128x128xf32, #tpu.memory_space<vmem>>, %arg15: memref<128x128xf32, #tpu.memory_space<vmem>>, %arg16: memref<10000x128xf32, #tpu.memory_space<vmem_shared>>, %arg17: memref<!tpu.dma_semaphore, #tpu.memory_space<semaphore_mem>>, %arg18: memref<!tpu.dma_semaphore, #tpu.memory_space<semaphore_mem>>, %arg19: memref<!tpu.dma_semaphore, #tpu.memory_space<semaphore_mem>>, %arg20: memref<!tpu.dma_semaphore, #tpu.memory_space<semaphore_mem>>, %arg21: memref<!tpu.dma_semaphore, #tpu.memory_space<semaphore_mem>>, %arg22: memref<!tpu.dma_semaphore, #tpu.memory_space<semaphore_mem>>, %arg23: memref<!tpu.dma_semaphore, #tpu.memory_space<semaphore_mem>>) attributes {dimension_semantics = [#tpu.dimension_semantics<core_parallel>, #tpu.dimension_semantics<subcore_parallel>], iteration_bounds = array<i64: 2, 16>, scalar_prefetch = 0 : i64, scratch_operands = 16 : i64, tpu.core_type = #tpu.core_type<sc_vector_subcore>, window_params = [{transform_indices = #map}, {transform_indices = #map}, {transform_indices = #map1}, {transform_indices = #map1}, {transform_indices = #map}, {transform_indices = #map}]} {
    %mul3A = arith.constant 624 : i32
    %mul3A_0 = arith.muli %arg1, %mul3A : i32
    %eq3A = arith.constant 0 : i32
    %eq3A_1 = arith.cmpi eq, %arg0, %eq3A : i32
    %convert_element_type3A = arith.extui %eq3A_1 : i1 to i32
    %cond3A = arith.constant 0 : i32
    %cond3A_2 = arith.cmpi ne, %convert_element_type3A, %cond3A : i32
    scf.if %cond3A_2 {
      %scan3A = arith.constant 0 : i32
      %scan3A_29 = arith.constant 0 : i32
      %scan3A_30 = arith.constant 4 : i32
      %scan3A_31 = arith.addi %scan3A_29, %scan3A_30 : i32
      %scan3A_32 = arith.constant 1 : i32
      scf.for %scan3A_40 = %scan3A_29 to %scan3A_31 step %scan3A_32  : i32 {
        %mul3A_41 = arith.constant 128 : i32
        %mul3A_42 = arith.muli %scan3A_40, %mul3A_41 : i32
        %add3A_43 = arith.addi %mul3A_0, %mul3A_42 : i32
        "tpu.region"() ({
          %run_scoped3A = tpu.sem_alloc : memref<!tpu.dma_semaphore, #tpu.memory_space<semaphore_mem>>
          %dma_start3A = arith.constant 0 : i32
          %dma_start3A_44 = tpu.memref_slice %arg2[%add3A_43, %dma_start3A] : memref<10000x128xf32, #tpu.memory_space<hbm>> -> memref<128x128xf32, #tpu.memory_space<hbm>>
          %dma_start3A_45 = arith.constant 0 : i32
          %dma_start3A_46 = tpu.memref_slice %arg2[%add3A_43, %dma_start3A_45] : memref<10000x128xf32, #tpu.memory_space<hbm>> -> memref<128x128xf32, #tpu.memory_space<hbm>>
          tpu.enqueue_dma source(%dma_start3A_46 : memref<128x128xf32, #tpu.memory_space<hbm>>) target(%arg14 : memref<128x128xf32, #tpu.memory_space<vmem>>) target_semaphore(%run_scoped3A : memref<!tpu.dma_semaphore, #tpu.memory_space<semaphore_mem>>)
          %dma_wait3A = arith.constant 0 : i32
          %dma_wait3A_47 = tpu.memref_slice %arg2[%add3A_43, %dma_wait3A] : memref<10000x128xf32, #tpu.memory_space<hbm>> -> memref<128x128xf32, #tpu.memory_space<hbm>>
          %dma_wait3A_48 = arith.constant 0 : i32
          %dma_wait3A_49 = tpu.memref_slice %arg2[%add3A_43, %dma_wait3A_48] : memref<10000x128xf32, #tpu.memory_space<hbm>> -> memref<128x128xf32, #tpu.memory_space<hbm>>
          tpu.wait_dma2 semaphore(%run_scoped3A : memref<!tpu.dma_semaphore, #tpu.memory_space<semaphore_mem>>) src(%dma_wait3A_49 : memref<128x128xf32, #tpu.memory_space<hbm>>) dst(%arg14 : memref<128x128xf32, #tpu.memory_space<vmem>>)
          tpu.yield
        }) : () -> ()
        "tpu.region"() ({
          %run_scoped3A = tpu.sem_alloc : memref<!tpu.dma_semaphore, #tpu.memory_space<semaphore_mem>>
          %dma_start3A = arith.constant 0 : i32
          %dma_start3A_44 = tpu.memref_slice %arg16[%add3A_43, %dma_start3A] : memref<10000x128xf32, #tpu.memory_space<vmem_shared>> -> memref<128x128xf32, #tpu.memory_space<vmem_shared>>
          %dma_start3A_45 = arith.constant 0 : i32
          %dma_start3A_46 = tpu.memref_slice %arg16[%add3A_43, %dma_start3A_45] : memref<10000x128xf32, #tpu.memory_space<vmem_shared>> -> memref<128x128xf32, #tpu.memory_space<vmem_shared>>
          tpu.enqueue_dma source(%arg14 : memref<128x128xf32, #tpu.memory_space<vmem>>) target(%dma_start3A_46 : memref<128x128xf32, #tpu.memory_space<vmem_shared>>) target_semaphore(%run_scoped3A : memref<!tpu.dma_semaphore, #tpu.memory_space<semaphore_mem>>)
          %dma_wait3A = arith.constant 0 : i32
          %dma_wait3A_47 = tpu.memref_slice %arg16[%add3A_43, %dma_wait3A] : memref<10000x128xf32, #tpu.memory_space<vmem_shared>> -> memref<128x128xf32, #tpu.memory_space<vmem_shared>>
          %dma_wait3A_48 = arith.constant 0 : i32
          %dma_wait3A_49 = tpu.memref_slice %arg16[%add3A_43, %dma_wait3A_48] : memref<10000x128xf32, #tpu.memory_space<vmem_shared>> -> memref<128x128xf32, #tpu.memory_space<vmem_shared>>
          tpu.wait_dma2 semaphore(%run_scoped3A : memref<!tpu.dma_semaphore, #tpu.memory_space<semaphore_mem>>) src(%arg14 : memref<128x128xf32, #tpu.memory_space<vmem>>) dst(%dma_wait3A_49 : memref<128x128xf32, #tpu.memory_space<vmem_shared>>)
          tpu.yield
        }) : () -> ()
      }
      %scan3A_33 = arith.constant 4 : i32
      %add3A = arith.constant 512 : i32
      %add3A_34 = arith.addi %mul3A_0, %add3A : i32
      "tpu.region"() ({
        %run_scoped3A = tpu.sem_alloc : memref<!tpu.dma_semaphore, #tpu.memory_space<semaphore_mem>>
        %dma_start3A = arith.constant 0 : i32
        %dma_start3A_40 = arith.constant 0 : i32
        %dma_start3A_41 = tpu.memref_slice %arg14[%dma_start3A, %dma_start3A_40] : memref<128x128xf32, #tpu.memory_space<vmem>> -> memref<112x128xf32, #tpu.memory_space<vmem>>
        %dma_start3A_42 = arith.constant 0 : i32
        %dma_start3A_43 = tpu.memref_slice %arg2[%add3A_34, %dma_start3A_42] : memref<10000x128xf32, #tpu.memory_space<hbm>> -> memref<112x128xf32, #tpu.memory_space<hbm>>
        %dma_start3A_44 = arith.constant 0 : i32
        %dma_start3A_45 = arith.constant 0 : i32
        %dma_start3A_46 = tpu.memref_slice %arg14[%dma_start3A_44, %dma_start3A_45] : memref<128x128xf32, #tpu.memory_space<vmem>> -> memref<112x128xf32, #tpu.memory_space<vmem>>
        %dma_start3A_47 = arith.constant 0 : i32
        %dma_start3A_48 = tpu.memref_slice %arg2[%add3A_34, %dma_start3A_47] : memref<10000x128xf32, #tpu.memory_space<hbm>> -> memref<112x128xf32, #tpu.memory_space<hbm>>
        tpu.enqueue_dma source(%dma_start3A_48 : memref<112x128xf32, #tpu.memory_space<hbm>>) target(%dma_start3A_46 : memref<112x128xf32, #tpu.memory_space<vmem>>) target_semaphore(%run_scoped3A : memref<!tpu.dma_semaphore, #tpu.memory_space<semaphore_mem>>)
        %dma_wait3A = arith.constant 0 : i32
        %dma_wait3A_49 = arith.constant 0 : i32
        %dma_wait3A_50 = tpu.memref_slice %arg14[%dma_wait3A, %dma_wait3A_49] : memref<128x128xf32, #tpu.memory_space<vmem>> -> memref<112x128xf32, #tpu.memory_space<vmem>>
        %dma_wait3A_51 = arith.constant 0 : i32
        %dma_wait3A_52 = tpu.memref_slice %arg2[%add3A_34, %dma_wait3A_51] : memref<10000x128xf32, #tpu.memory_space<hbm>> -> memref<112x128xf32, #tpu.memory_space<hbm>>
        %dma_wait3A_53 = arith.constant 0 : i32
        %dma_wait3A_54 = arith.constant 0 : i32
        %dma_wait3A_55 = tpu.memref_slice %arg14[%dma_wait3A_53, %dma_wait3A_54] : memref<128x128xf32, #tpu.memory_space<vmem>> -> memref<112x128xf32, #tpu.memory_space<vmem>>
        %dma_wait3A_56 = arith.constant 0 : i32
        %dma_wait3A_57 = tpu.memref_slice %arg2[%add3A_34, %dma_wait3A_56] : memref<10000x128xf32, #tpu.memory_space<hbm>> -> memref<112x128xf32, #tpu.memory_space<hbm>>
        tpu.wait_dma2 semaphore(%run_scoped3A : memref<!tpu.dma_semaphore, #tpu.memory_space<semaphore_mem>>) src(%dma_wait3A_57 : memref<112x128xf32, #tpu.memory_space<hbm>>) dst(%dma_wait3A_55 : memref<112x128xf32, #tpu.memory_space<vmem>>)
        tpu.yield
      }) : () -> ()
      "tpu.region"() ({
        %run_scoped3A = tpu.sem_alloc : memref<!tpu.dma_semaphore, #tpu.memory_space<semaphore_mem>>
        %dma_start3A = arith.constant 0 : i32
        %dma_start3A_40 = arith.constant 0 : i32
        %dma_start3A_41 = tpu.memref_slice %arg14[%dma_start3A, %dma_start3A_40] : memref<128x128xf32, #tpu.memory_space<vmem>> -> memref<112x128xf32, #tpu.memory_space<vmem>>
        %dma_start3A_42 = arith.constant 0 : i32
        %dma_start3A_43 = tpu.memref_slice %arg16[%add3A_34, %dma_start3A_42] : memref<10000x128xf32, #tpu.memory_space<vmem_shared>> -> memref<112x128xf32, #tpu.memory_space<vmem_shared>>
        %dma_start3A_44 = arith.constant 0 : i32
        %dma_start3A_45 = tpu.memref_slice %arg16[%add3A_34, %dma_start3A_44] : memref<10000x128xf32, #tpu.memory_space<vmem_shared>> -> memref<112x128xf32, #tpu.memory_space<vmem_shared>>
        %dma_start3A_46 = arith.constant 0 : i32
        %dma_start3A_47 = arith.constant 0 : i32
        %dma_start3A_48 = tpu.memref_slice %arg14[%dma_start3A_46, %dma_start3A_47] : memref<128x128xf32, #tpu.memory_space<vmem>> -> memref<112x128xf32, #tpu.memory_space<vmem>>
        tpu.enqueue_dma source(%dma_start3A_48 : memref<112x128xf32, #tpu.memory_space<vmem>>) target(%dma_start3A_45 : memref<112x128xf32, #tpu.memory_space<vmem_shared>>) target_semaphore(%run_scoped3A : memref<!tpu.dma_semaphore, #tpu.memory_space<semaphore_mem>>)
        %dma_wait3A = arith.constant 0 : i32
        %dma_wait3A_49 = arith.constant 0 : i32
        %dma_wait3A_50 = tpu.memref_slice %arg14[%dma_wait3A, %dma_wait3A_49] : memref<128x128xf32, #tpu.memory_space<vmem>> -> memref<112x128xf32, #tpu.memory_space<vmem>>
        %dma_wait3A_51 = arith.constant 0 : i32
        %dma_wait3A_52 = tpu.memref_slice %arg16[%add3A_34, %dma_wait3A_51] : memref<10000x128xf32, #tpu.memory_space<vmem_shared>> -> memref<112x128xf32, #tpu.memory_space<vmem_shared>>
        %dma_wait3A_53 = arith.constant 0 : i32
        %dma_wait3A_54 = tpu.memref_slice %arg16[%add3A_34, %dma_wait3A_53] : memref<10000x128xf32, #tpu.memory_space<vmem_shared>> -> memref<112x128xf32, #tpu.memory_space<vmem_shared>>
        %dma_wait3A_55 = arith.constant 0 : i32
        %dma_wait3A_56 = arith.constant 0 : i32
        %dma_wait3A_57 = tpu.memref_slice %arg14[%dma_wait3A_55, %dma_wait3A_56] : memref<128x128xf32, #tpu.memory_space<vmem>> -> memref<112x128xf32, #tpu.memory_space<vmem>>
        tpu.wait_dma2 semaphore(%run_scoped3A : memref<!tpu.dma_semaphore, #tpu.memory_space<semaphore_mem>>) src(%dma_wait3A_57 : memref<112x128xf32, #tpu.memory_space<vmem>>) dst(%dma_wait3A_54 : memref<112x128xf32, #tpu.memory_space<vmem_shared>>)
        tpu.yield
      }) : () -> ()
      %eq3A_35 = arith.constant 15 : i32
      %eq3A_36 = arith.cmpi eq, %arg1, %eq3A_35 : i32
      %convert_element_type3A_37 = arith.extui %eq3A_36 : i1 to i32
      %cond3A_38 = arith.constant 0 : i32
      %cond3A_39 = arith.cmpi ne, %convert_element_type3A_37, %cond3A_38 : i32
      scf.if %cond3A_39 {
        "tpu.region"() ({
          %run_scoped3A = tpu.sem_alloc : memref<!tpu.dma_semaphore, #tpu.memory_space<semaphore_mem>>
          %dma_start3A = arith.constant 0 : i32
          %dma_start3A_40 = arith.constant 0 : i32
          %dma_start3A_41 = tpu.memref_slice %arg14[%dma_start3A, %dma_start3A_40] : memref<128x128xf32, #tpu.memory_space<vmem>> -> memref<16x128xf32, #tpu.memory_space<vmem>>
          %dma_start3A_42 = arith.constant 9984 : i32
          %dma_start3A_43 = arith.constant 0 : i32
          %dma_start3A_44 = tpu.memref_slice %arg2[%dma_start3A_42, %dma_start3A_43] : memref<10000x128xf32, #tpu.memory_space<hbm>> -> memref<16x128xf32, #tpu.memory_space<hbm>>
          %dma_start3A_45 = arith.constant 0 : i32
          %dma_start3A_46 = arith.constant 0 : i32
          %dma_start3A_47 = tpu.memref_slice %arg14[%dma_start3A_45, %dma_start3A_46] : memref<128x128xf32, #tpu.memory_space<vmem>> -> memref<16x128xf32, #tpu.memory_space<vmem>>
          %dma_start3A_48 = arith.constant 9984 : i32
          %dma_start3A_49 = arith.constant 0 : i32
          %dma_start3A_50 = tpu.memref_slice %arg2[%dma_start3A_48, %dma_start3A_49] : memref<10000x128xf32, #tpu.memory_space<hbm>> -> memref<16x128xf32, #tpu.memory_space<hbm>>
          tpu.enqueue_dma source(%dma_start3A_50 : memref<16x128xf32, #tpu.memory_space<hbm>>) target(%dma_start3A_47 : memref<16x128xf32, #tpu.memory_space<vmem>>) target_semaphore(%run_scoped3A : memref<!tpu.dma_semaphore, #tpu.memory_space<semaphore_mem>>)
          %dma_wait3A = arith.constant 0 : i32
          %dma_wait3A_51 = arith.constant 0 : i32
          %dma_wait3A_52 = tpu.memref_slice %arg14[%dma_wait3A, %dma_wait3A_51] : memref<128x128xf32, #tpu.memory_space<vmem>> -> memref<16x128xf32, #tpu.memory_space<vmem>>
          %dma_wait3A_53 = arith.constant 9984 : i32
          %dma_wait3A_54 = arith.constant 0 : i32
          %dma_wait3A_55 = tpu.memref_slice %arg2[%dma_wait3A_53, %dma_wait3A_54] : memref<10000x128xf32, #tpu.memory_space<hbm>> -> memref<16x128xf32, #tpu.memory_space<hbm>>
          %dma_wait3A_56 = arith.constant 0 : i32
          %dma_wait3A_57 = arith.constant 0 : i32
          %dma_wait3A_58 = tpu.memref_slice %arg14[%dma_wait3A_56, %dma_wait3A_57] : memref<128x128xf32, #tpu.memory_space<vmem>> -> memref<16x128xf32, #tpu.memory_space<vmem>>
          %dma_wait3A_59 = arith.constant 9984 : i32
          %dma_wait3A_60 = arith.constant 0 : i32
          %dma_wait3A_61 = tpu.memref_slice %arg2[%dma_wait3A_59, %dma_wait3A_60] : memref<10000x128xf32, #tpu.memory_space<hbm>> -> memref<16x128xf32, #tpu.memory_space<hbm>>
          tpu.wait_dma2 semaphore(%run_scoped3A : memref<!tpu.dma_semaphore, #tpu.memory_space<semaphore_mem>>) src(%dma_wait3A_61 : memref<16x128xf32, #tpu.memory_space<hbm>>) dst(%dma_wait3A_58 : memref<16x128xf32, #tpu.memory_space<vmem>>)
          tpu.yield
        }) : () -> ()
        "tpu.region"() ({
          %run_scoped3A = tpu.sem_alloc : memref<!tpu.dma_semaphore, #tpu.memory_space<semaphore_mem>>
          %dma_start3A = arith.constant 0 : i32
          %dma_start3A_40 = arith.constant 0 : i32
          %dma_start3A_41 = tpu.memref_slice %arg14[%dma_start3A, %dma_start3A_40] : memref<128x128xf32, #tpu.memory_space<vmem>> -> memref<16x128xf32, #tpu.memory_space<vmem>>
          %dma_start3A_42 = arith.constant 9984 : i32
          %dma_start3A_43 = arith.constant 0 : i32
          %dma_start3A_44 = tpu.memref_slice %arg16[%dma_start3A_42, %dma_start3A_43] : memref<10000x128xf32, #tpu.memory_space<vmem_shared>> -> memref<16x128xf32, #tpu.memory_space<vmem_shared>>
          %dma_start3A_45 = arith.constant 9984 : i32
          %dma_start3A_46 = arith.constant 0 : i32
          %dma_start3A_47 = tpu.memref_slice %arg16[%dma_start3A_45, %dma_start3A_46] : memref<10000x128xf32, #tpu.memory_space<vmem_shared>> -> memref<16x128xf32, #tpu.memory_space<vmem_shared>>
          %dma_start3A_48 = arith.constant 0 : i32
          %dma_start3A_49 = arith.constant 0 : i32
          %dma_start3A_50 = tpu.memref_slice %arg14[%dma_start3A_48, %dma_start3A_49] : memref<128x128xf32, #tpu.memory_space<vmem>> -> memref<16x128xf32, #tpu.memory_space<vmem>>
          tpu.enqueue_dma source(%dma_start3A_50 : memref<16x128xf32, #tpu.memory_space<vmem>>) target(%dma_start3A_47 : memref<16x128xf32, #tpu.memory_space<vmem_shared>>) target_semaphore(%run_scoped3A : memref<!tpu.dma_semaphore, #tpu.memory_space<semaphore_mem>>)
          %dma_wait3A = arith.constant 0 : i32
          %dma_wait3A_51 = arith.constant 0 : i32
          %dma_wait3A_52 = tpu.memref_slice %arg14[%dma_wait3A, %dma_wait3A_51] : memref<128x128xf32, #tpu.memory_space<vmem>> -> memref<16x128xf32, #tpu.memory_space<vmem>>
          %dma_wait3A_53 = arith.constant 9984 : i32
          %dma_wait3A_54 = arith.constant 0 : i32
          %dma_wait3A_55 = tpu.memref_slice %arg16[%dma_wait3A_53, %dma_wait3A_54] : memref<10000x128xf32, #tpu.memory_space<vmem_shared>> -> memref<16x128xf32, #tpu.memory_space<vmem_shared>>
          %dma_wait3A_56 = arith.constant 9984 : i32
          %dma_wait3A_57 = arith.constant 0 : i32
          %dma_wait3A_58 = tpu.memref_slice %arg16[%dma_wait3A_56, %dma_wait3A_57] : memref<10000x128xf32, #tpu.memory_space<vmem_shared>> -> memref<16x128xf32, #tpu.memory_space<vmem_shared>>
          %dma_wait3A_59 = arith.constant 0 : i32
          %dma_wait3A_60 = arith.constant 0 : i32
          %dma_wait3A_61 = tpu.memref_slice %arg14[%dma_wait3A_59, %dma_wait3A_60] : memref<128x128xf32, #tpu.memory_space<vmem>> -> memref<16x128xf32, #tpu.memory_space<vmem>>
          tpu.wait_dma2 semaphore(%run_scoped3A : memref<!tpu.dma_semaphore, #tpu.memory_space<semaphore_mem>>) src(%dma_wait3A_61 : memref<16x128xf32, #tpu.memory_space<vmem>>) dst(%dma_wait3A_58 : memref<16x128xf32, #tpu.memory_space<vmem_shared>>)
          tpu.yield
        }) : () -> ()
      } else {
      }
    } else {
    }
    %eq3A_3 = arith.constant 1 : i32
    %eq3A_4 = arith.cmpi eq, %arg0, %eq3A_3 : i32
    %convert_element_type3A_5 = arith.extui %eq3A_4 : i1 to i32
    %cond3A_6 = arith.constant 0 : i32
    %cond3A_7 = arith.cmpi ne, %convert_element_type3A_5, %cond3A_6 : i32
    scf.if %cond3A_7 {
      %scan3A = arith.constant 0 : i32
      %scan3A_29 = arith.constant 0 : i32
      %scan3A_30 = arith.constant 4 : i32
      %scan3A_31 = arith.addi %scan3A_29, %scan3A_30 : i32
      %scan3A_32 = arith.constant 1 : i32
      scf.for %scan3A_40 = %scan3A_29 to %scan3A_31 step %scan3A_32  : i32 {
        %mul3A_41 = arith.constant 128 : i32
        %mul3A_42 = arith.muli %scan3A_40, %mul3A_41 : i32
        %add3A_43 = arith.addi %mul3A_0, %mul3A_42 : i32
        "tpu.region"() ({
          %run_scoped3A = tpu.sem_alloc : memref<!tpu.dma_semaphore, #tpu.memory_space<semaphore_mem>>
          %dma_start3A = arith.constant 0 : i32
          %dma_start3A_44 = tpu.memref_slice %arg3[%add3A_43, %dma_start3A] : memref<10000x128xf32, #tpu.memory_space<hbm>> -> memref<128x128xf32, #tpu.memory_space<hbm>>
          %dma_start3A_45 = arith.constant 0 : i32
          %dma_start3A_46 = tpu.memref_slice %arg3[%add3A_43, %dma_start3A_45] : memref<10000x128xf32, #tpu.memory_space<hbm>> -> memref<128x128xf32, #tpu.memory_space<hbm>>
          tpu.enqueue_dma source(%dma_start3A_46 : memref<128x128xf32, #tpu.memory_space<hbm>>) target(%arg14 : memref<128x128xf32, #tpu.memory_space<vmem>>) target_semaphore(%run_scoped3A : memref<!tpu.dma_semaphore, #tpu.memory_space<semaphore_mem>>)
          %dma_wait3A = arith.constant 0 : i32
          %dma_wait3A_47 = tpu.memref_slice %arg3[%add3A_43, %dma_wait3A] : memref<10000x128xf32, #tpu.memory_space<hbm>> -> memref<128x128xf32, #tpu.memory_space<hbm>>
          %dma_wait3A_48 = arith.constant 0 : i32
          %dma_wait3A_49 = tpu.memref_slice %arg3[%add3A_43, %dma_wait3A_48] : memref<10000x128xf32, #tpu.memory_space<hbm>> -> memref<128x128xf32, #tpu.memory_space<hbm>>
          tpu.wait_dma2 semaphore(%run_scoped3A : memref<!tpu.dma_semaphore, #tpu.memory_space<semaphore_mem>>) src(%dma_wait3A_49 : memref<128x128xf32, #tpu.memory_space<hbm>>) dst(%arg14 : memref<128x128xf32, #tpu.memory_space<vmem>>)
          tpu.yield
        }) : () -> ()
        "tpu.region"() ({
          %run_scoped3A = tpu.sem_alloc : memref<!tpu.dma_semaphore, #tpu.memory_space<semaphore_mem>>
          %dma_start3A = arith.constant 0 : i32
          %dma_start3A_44 = tpu.memref_slice %arg16[%add3A_43, %dma_start3A] : memref<10000x128xf32, #tpu.memory_space<vmem_shared>> -> memref<128x128xf32, #tpu.memory_space<vmem_shared>>
          %dma_start3A_45 = arith.constant 0 : i32
          %dma_start3A_46 = tpu.memref_slice %arg16[%add3A_43, %dma_start3A_45] : memref<10000x128xf32, #tpu.memory_space<vmem_shared>> -> memref<128x128xf32, #tpu.memory_space<vmem_shared>>
          tpu.enqueue_dma source(%arg14 : memref<128x128xf32, #tpu.memory_space<vmem>>) target(%dma_start3A_46 : memref<128x128xf32, #tpu.memory_space<vmem_shared>>) target_semaphore(%run_scoped3A : memref<!tpu.dma_semaphore, #tpu.memory_space<semaphore_mem>>)
          %dma_wait3A = arith.constant 0 : i32
          %dma_wait3A_47 = tpu.memref_slice %arg16[%add3A_43, %dma_wait3A] : memref<10000x128xf32, #tpu.memory_space<vmem_shared>> -> memref<128x128xf32, #tpu.memory_space<vmem_shared>>
          %dma_wait3A_48 = arith.constant 0 : i32
          %dma_wait3A_49 = tpu.memref_slice %arg16[%add3A_43, %dma_wait3A_48] : memref<10000x128xf32, #tpu.memory_space<vmem_shared>> -> memref<128x128xf32, #tpu.memory_space<vmem_shared>>
          tpu.wait_dma2 semaphore(%run_scoped3A : memref<!tpu.dma_semaphore, #tpu.memory_space<semaphore_mem>>) src(%arg14 : memref<128x128xf32, #tpu.memory_space<vmem>>) dst(%dma_wait3A_49 : memref<128x128xf32, #tpu.memory_space<vmem_shared>>)
          tpu.yield
        }) : () -> ()
      }
      %scan3A_33 = arith.constant 4 : i32
      %add3A = arith.constant 512 : i32
      %add3A_34 = arith.addi %mul3A_0, %add3A : i32
      "tpu.region"() ({
        %run_scoped3A = tpu.sem_alloc : memref<!tpu.dma_semaphore, #tpu.memory_space<semaphore_mem>>
        %dma_start3A = arith.constant 0 : i32
        %dma_start3A_40 = arith.constant 0 : i32
        %dma_start3A_41 = tpu.memref_slice %arg14[%dma_start3A, %dma_start3A_40] : memref<128x128xf32, #tpu.memory_space<vmem>> -> memref<112x128xf32, #tpu.memory_space<vmem>>
        %dma_start3A_42 = arith.constant 0 : i32
        %dma_start3A_43 = tpu.memref_slice %arg3[%add3A_34, %dma_start3A_42] : memref<10000x128xf32, #tpu.memory_space<hbm>> -> memref<112x128xf32, #tpu.memory_space<hbm>>
        %dma_start3A_44 = arith.constant 0 : i32
        %dma_start3A_45 = arith.constant 0 : i32
        %dma_start3A_46 = tpu.memref_slice %arg14[%dma_start3A_44, %dma_start3A_45] : memref<128x128xf32, #tpu.memory_space<vmem>> -> memref<112x128xf32, #tpu.memory_space<vmem>>
        %dma_start3A_47 = arith.constant 0 : i32
        %dma_start3A_48 = tpu.memref_slice %arg3[%add3A_34, %dma_start3A_47] : memref<10000x128xf32, #tpu.memory_space<hbm>> -> memref<112x128xf32, #tpu.memory_space<hbm>>
        tpu.enqueue_dma source(%dma_start3A_48 : memref<112x128xf32, #tpu.memory_space<hbm>>) target(%dma_start3A_46 : memref<112x128xf32, #tpu.memory_space<vmem>>) target_semaphore(%run_scoped3A : memref<!tpu.dma_semaphore, #tpu.memory_space<semaphore_mem>>)
        %dma_wait3A = arith.constant 0 : i32
        %dma_wait3A_49 = arith.constant 0 : i32
        %dma_wait3A_50 = tpu.memref_slice %arg14[%dma_wait3A, %dma_wait3A_49] : memref<128x128xf32, #tpu.memory_space<vmem>> -> memref<112x128xf32, #tpu.memory_space<vmem>>
        %dma_wait3A_51 = arith.constant 0 : i32
        %dma_wait3A_52 = tpu.memref_slice %arg3[%add3A_34, %dma_wait3A_51] : memref<10000x128xf32, #tpu.memory_space<hbm>> -> memref<112x128xf32, #tpu.memory_space<hbm>>
        %dma_wait3A_53 = arith.constant 0 : i32
        %dma_wait3A_54 = arith.constant 0 : i32
        %dma_wait3A_55 = tpu.memref_slice %arg14[%dma_wait3A_53, %dma_wait3A_54] : memref<128x128xf32, #tpu.memory_space<vmem>> -> memref<112x128xf32, #tpu.memory_space<vmem>>
        %dma_wait3A_56 = arith.constant 0 : i32
        %dma_wait3A_57 = tpu.memref_slice %arg3[%add3A_34, %dma_wait3A_56] : memref<10000x128xf32, #tpu.memory_space<hbm>> -> memref<112x128xf32, #tpu.memory_space<hbm>>
        tpu.wait_dma2 semaphore(%run_scoped3A : memref<!tpu.dma_semaphore, #tpu.memory_space<semaphore_mem>>) src(%dma_wait3A_57 : memref<112x128xf32, #tpu.memory_space<hbm>>) dst(%dma_wait3A_55 : memref<112x128xf32, #tpu.memory_space<vmem>>)
        tpu.yield
      }) : () -> ()
      "tpu.region"() ({
        %run_scoped3A = tpu.sem_alloc : memref<!tpu.dma_semaphore, #tpu.memory_space<semaphore_mem>>
        %dma_start3A = arith.constant 0 : i32
        %dma_start3A_40 = arith.constant 0 : i32
        %dma_start3A_41 = tpu.memref_slice %arg14[%dma_start3A, %dma_start3A_40] : memref<128x128xf32, #tpu.memory_space<vmem>> -> memref<112x128xf32, #tpu.memory_space<vmem>>
        %dma_start3A_42 = arith.constant 0 : i32
        %dma_start3A_43 = tpu.memref_slice %arg16[%add3A_34, %dma_start3A_42] : memref<10000x128xf32, #tpu.memory_space<vmem_shared>> -> memref<112x128xf32, #tpu.memory_space<vmem_shared>>
        %dma_start3A_44 = arith.constant 0 : i32
        %dma_start3A_45 = tpu.memref_slice %arg16[%add3A_34, %dma_start3A_44] : memref<10000x128xf32, #tpu.memory_space<vmem_shared>> -> memref<112x128xf32, #tpu.memory_space<vmem_shared>>
        %dma_start3A_46 = arith.constant 0 : i32
        %dma_start3A_47 = arith.constant 0 : i32
        %dma_start3A_48 = tpu.memref_slice %arg14[%dma_start3A_46, %dma_start3A_47] : memref<128x128xf32, #tpu.memory_space<vmem>> -> memref<112x128xf32, #tpu.memory_space<vmem>>
        tpu.enqueue_dma source(%dma_start3A_48 : memref<112x128xf32, #tpu.memory_space<vmem>>) target(%dma_start3A_45 : memref<112x128xf32, #tpu.memory_space<vmem_shared>>) target_semaphore(%run_scoped3A : memref<!tpu.dma_semaphore, #tpu.memory_space<semaphore_mem>>)
        %dma_wait3A = arith.constant 0 : i32
        %dma_wait3A_49 = arith.constant 0 : i32
        %dma_wait3A_50 = tpu.memref_slice %arg14[%dma_wait3A, %dma_wait3A_49] : memref<128x128xf32, #tpu.memory_space<vmem>> -> memref<112x128xf32, #tpu.memory_space<vmem>>
        %dma_wait3A_51 = arith.constant 0 : i32
        %dma_wait3A_52 = tpu.memref_slice %arg16[%add3A_34, %dma_wait3A_51] : memref<10000x128xf32, #tpu.memory_space<vmem_shared>> -> memref<112x128xf32, #tpu.memory_space<vmem_shared>>
        %dma_wait3A_53 = arith.constant 0 : i32
        %dma_wait3A_54 = tpu.memref_slice %arg16[%add3A_34, %dma_wait3A_53] : memref<10000x128xf32, #tpu.memory_space<vmem_shared>> -> memref<112x128xf32, #tpu.memory_space<vmem_shared>>
        %dma_wait3A_55 = arith.constant 0 : i32
        %dma_wait3A_56 = arith.constant 0 : i32
        %dma_wait3A_57 = tpu.memref_slice %arg14[%dma_wait3A_55, %dma_wait3A_56] : memref<128x128xf32, #tpu.memory_space<vmem>> -> memref<112x128xf32, #tpu.memory_space<vmem>>
        tpu.wait_dma2 semaphore(%run_scoped3A : memref<!tpu.dma_semaphore, #tpu.memory_space<semaphore_mem>>) src(%dma_wait3A_57 : memref<112x128xf32, #tpu.memory_space<vmem>>) dst(%dma_wait3A_54 : memref<112x128xf32, #tpu.memory_space<vmem_shared>>)
        tpu.yield
      }) : () -> ()
      %eq3A_35 = arith.constant 15 : i32
      %eq3A_36 = arith.cmpi eq, %arg1, %eq3A_35 : i32
      %convert_element_type3A_37 = arith.extui %eq3A_36 : i1 to i32
      %cond3A_38 = arith.constant 0 : i32
      %cond3A_39 = arith.cmpi ne, %convert_element_type3A_37, %cond3A_38 : i32
      scf.if %cond3A_39 {
        "tpu.region"() ({
          %run_scoped3A = tpu.sem_alloc : memref<!tpu.dma_semaphore, #tpu.memory_space<semaphore_mem>>
          %dma_start3A = arith.constant 0 : i32
          %dma_start3A_40 = arith.constant 0 : i32
          %dma_start3A_41 = tpu.memref_slice %arg14[%dma_start3A, %dma_start3A_40] : memref<128x128xf32, #tpu.memory_space<vmem>> -> memref<16x128xf32, #tpu.memory_space<vmem>>
          %dma_start3A_42 = arith.constant 9984 : i32
          %dma_start3A_43 = arith.constant 0 : i32
          %dma_start3A_44 = tpu.memref_slice %arg3[%dma_start3A_42, %dma_start3A_43] : memref<10000x128xf32, #tpu.memory_space<hbm>> -> memref<16x128xf32, #tpu.memory_space<hbm>>
          %dma_start3A_45 = arith.constant 0 : i32
          %dma_start3A_46 = arith.constant 0 : i32
          %dma_start3A_47 = tpu.memref_slice %arg14[%dma_start3A_45, %dma_start3A_46] : memref<128x128xf32, #tpu.memory_space<vmem>> -> memref<16x128xf32, #tpu.memory_space<vmem>>
          %dma_start3A_48 = arith.constant 9984 : i32
          %dma_start3A_49 = arith.constant 0 : i32
          %dma_start3A_50 = tpu.memref_slice %arg3[%dma_start3A_48, %dma_start3A_49] : memref<10000x128xf32, #tpu.memory_space<hbm>> -> memref<16x128xf32, #tpu.memory_space<hbm>>
          tpu.enqueue_dma source(%dma_start3A_50 : memref<16x128xf32, #tpu.memory_space<hbm>>) target(%dma_start3A_47 : memref<16x128xf32, #tpu.memory_space<vmem>>) target_semaphore(%run_scoped3A : memref<!tpu.dma_semaphore, #tpu.memory_space<semaphore_mem>>)
          %dma_wait3A = arith.constant 0 : i32
          %dma_wait3A_51 = arith.constant 0 : i32
          %dma_wait3A_52 = tpu.memref_slice %arg14[%dma_wait3A, %dma_wait3A_51] : memref<128x128xf32, #tpu.memory_space<vmem>> -> memref<16x128xf32, #tpu.memory_space<vmem>>
          %dma_wait3A_53 = arith.constant 9984 : i32
          %dma_wait3A_54 = arith.constant 0 : i32
          %dma_wait3A_55 = tpu.memref_slice %arg3[%dma_wait3A_53, %dma_wait3A_54] : memref<10000x128xf32, #tpu.memory_space<hbm>> -> memref<16x128xf32, #tpu.memory_space<hbm>>
          %dma_wait3A_56 = arith.constant 0 : i32
          %dma_wait3A_57 = arith.constant 0 : i32
          %dma_wait3A_58 = tpu.memref_slice %arg14[%dma_wait3A_56, %dma_wait3A_57] : memref<128x128xf32, #tpu.memory_space<vmem>> -> memref<16x128xf32, #tpu.memory_space<vmem>>
          %dma_wait3A_59 = arith.constant 9984 : i32
          %dma_wait3A_60 = arith.constant 0 : i32
          %dma_wait3A_61 = tpu.memref_slice %arg3[%dma_wait3A_59, %dma_wait3A_60] : memref<10000x128xf32, #tpu.memory_space<hbm>> -> memref<16x128xf32, #tpu.memory_space<hbm>>
          tpu.wait_dma2 semaphore(%run_scoped3A : memref<!tpu.dma_semaphore, #tpu.memory_space<semaphore_mem>>) src(%dma_wait3A_61 : memref<16x128xf32, #tpu.memory_space<hbm>>) dst(%dma_wait3A_58 : memref<16x128xf32, #tpu.memory_space<vmem>>)
          tpu.yield
        }) : () -> ()
        "tpu.region"() ({
          %run_scoped3A = tpu.sem_alloc : memref<!tpu.dma_semaphore, #tpu.memory_space<semaphore_mem>>
          %dma_start3A = arith.constant 0 : i32
          %dma_start3A_40 = arith.constant 0 : i32
          %dma_start3A_41 = tpu.memref_slice %arg14[%dma_start3A, %dma_start3A_40] : memref<128x128xf32, #tpu.memory_space<vmem>> -> memref<16x128xf32, #tpu.memory_space<vmem>>
          %dma_start3A_42 = arith.constant 9984 : i32
          %dma_start3A_43 = arith.constant 0 : i32
          %dma_start3A_44 = tpu.memref_slice %arg16[%dma_start3A_42, %dma_start3A_43] : memref<10000x128xf32, #tpu.memory_space<vmem_shared>> -> memref<16x128xf32, #tpu.memory_space<vmem_shared>>
          %dma_start3A_45 = arith.constant 9984 : i32
          %dma_start3A_46 = arith.constant 0 : i32
          %dma_start3A_47 = tpu.memref_slice %arg16[%dma_start3A_45, %dma_start3A_46] : memref<10000x128xf32, #tpu.memory_space<vmem_shared>> -> memref<16x128xf32, #tpu.memory_space<vmem_shared>>
          %dma_start3A_48 = arith.constant 0 : i32
          %dma_start3A_49 = arith.constant 0 : i32
          %dma_start3A_50 = tpu.memref_slice %arg14[%dma_start3A_48, %dma_start3A_49] : memref<128x128xf32, #tpu.memory_space<vmem>> -> memref<16x128xf32, #tpu.memory_space<vmem>>
          tpu.enqueue_dma source(%dma_start3A_50 : memref<16x128xf32, #tpu.memory_space<vmem>>) target(%dma_start3A_47 : memref<16x128xf32, #tpu.memory_space<vmem_shared>>) target_semaphore(%run_scoped3A : memref<!tpu.dma_semaphore, #tpu.memory_space<semaphore_mem>>)
          %dma_wait3A = arith.constant 0 : i32
          %dma_wait3A_51 = arith.constant 0 : i32
          %dma_wait3A_52 = tpu.memref_slice %arg14[%dma_wait3A, %dma_wait3A_51] : memref<128x128xf32, #tpu.memory_space<vmem>> -> memref<16x128xf32, #tpu.memory_space<vmem>>
          %dma_wait3A_53 = arith.constant 9984 : i32
          %dma_wait3A_54 = arith.constant 0 : i32
          %dma_wait3A_55 = tpu.memref_slice %arg16[%dma_wait3A_53, %dma_wait3A_54] : memref<10000x128xf32, #tpu.memory_space<vmem_shared>> -> memref<16x128xf32, #tpu.memory_space<vmem_shared>>
          %dma_wait3A_56 = arith.constant 9984 : i32
          %dma_wait3A_57 = arith.constant 0 : i32
          %dma_wait3A_58 = tpu.memref_slice %arg16[%dma_wait3A_56, %dma_wait3A_57] : memref<10000x128xf32, #tpu.memory_space<vmem_shared>> -> memref<16x128xf32, #tpu.memory_space<vmem_shared>>
          %dma_wait3A_59 = arith.constant 0 : i32
          %dma_wait3A_60 = arith.constant 0 : i32
          %dma_wait3A_61 = tpu.memref_slice %arg14[%dma_wait3A_59, %dma_wait3A_60] : memref<128x128xf32, #tpu.memory_space<vmem>> -> memref<16x128xf32, #tpu.memory_space<vmem>>
          tpu.wait_dma2 semaphore(%run_scoped3A : memref<!tpu.dma_semaphore, #tpu.memory_space<semaphore_mem>>) src(%dma_wait3A_61 : memref<16x128xf32, #tpu.memory_space<vmem>>) dst(%dma_wait3A_58 : memref<16x128xf32, #tpu.memory_space<vmem_shared>>)
          tpu.yield
        }) : () -> ()
      } else {
      }
    } else {
    }
    %barrier3A = arith.constant 0 : index
    tpu.barrier barrier_id(%barrier3A)
    %eq3A_8 = arith.constant 0 : i32
    %eq3A_9 = arith.cmpi eq, %arg0, %eq3A_8 : i32
    %convert_element_type3A_10 = arith.extui %eq3A_9 : i1 to i32
    %cond3A_11 = arith.constant 0 : i32
    %cond3A_12 = arith.cmpi ne, %convert_element_type3A_10, %cond3A_11 : i32
    scf.if %cond3A_12 {
      %lt3A = arith.constant 4 : i32
      %lt3A_29 = arith.cmpi slt, %arg1, %lt3A : i32
      %add3A = arith.constant 0 : i32
      %add3A_30 = arith.addi %arg1, %add3A : i32
      %mul3A_31 = arith.constant 128 : i32
      %mul3A_32 = arith.muli %add3A_30, %mul3A_31 : i32
      %dma_start3A = tpu.memref_slice %arg4[%mul3A_32] : memref<320000xi32, #tpu.memory_space<hbm>> -> memref<128xi32, #tpu.memory_space<hbm>>
      %dma_start3A_33 = tpu.memref_slice %arg4[%mul3A_32] : memref<320000xi32, #tpu.memory_space<hbm>> -> memref<128xi32, #tpu.memory_space<hbm>>
      tpu.enqueue_dma source(%dma_start3A_33 : memref<128xi32, #tpu.memory_space<hbm>>) target(%arg8 : memref<128xi32, #tpu.memory_space<vmem>>) target_semaphore(%arg17 : memref<!tpu.dma_semaphore, #tpu.memory_space<semaphore_mem>>)
      %dma_start3A_34 = tpu.memref_slice %arg5[%mul3A_32] : memref<320000xi32, #tpu.memory_space<hbm>> -> memref<128xi32, #tpu.memory_space<hbm>>
      %dma_start3A_35 = tpu.memref_slice %arg5[%mul3A_32] : memref<320000xi32, #tpu.memory_space<hbm>> -> memref<128xi32, #tpu.memory_space<hbm>>
      tpu.enqueue_dma source(%dma_start3A_35 : memref<128xi32, #tpu.memory_space<hbm>>) target(%arg9 : memref<128xi32, #tpu.memory_space<vmem>>) target_semaphore(%arg17 : memref<!tpu.dma_semaphore, #tpu.memory_space<semaphore_mem>>)
      %add3A_36 = arith.constant 16 : i32
      %add3A_37 = arith.addi %arg1, %add3A_36 : i32
      %mul3A_38 = arith.constant 128 : i32
      %mul3A_39 = arith.muli %add3A_37, %mul3A_38 : i32
      %dma_start3A_40 = tpu.memref_slice %arg4[%mul3A_39] : memref<320000xi32, #tpu.memory_space<hbm>> -> memref<128xi32, #tpu.memory_space<hbm>>
      %dma_start3A_41 = tpu.memref_slice %arg4[%mul3A_39] : memref<320000xi32, #tpu.memory_space<hbm>> -> memref<128xi32, #tpu.memory_space<hbm>>
      tpu.enqueue_dma source(%dma_start3A_41 : memref<128xi32, #tpu.memory_space<hbm>>) target(%arg10 : memref<128xi32, #tpu.memory_space<vmem>>) target_semaphore(%arg18 : memref<!tpu.dma_semaphore, #tpu.memory_space<semaphore_mem>>)
      %dma_start3A_42 = tpu.memref_slice %arg5[%mul3A_39] : memref<320000xi32, #tpu.memory_space<hbm>> -> memref<128xi32, #tpu.memory_space<hbm>>
      %dma_start3A_43 = tpu.memref_slice %arg5[%mul3A_39] : memref<320000xi32, #tpu.memory_space<hbm>> -> memref<128xi32, #tpu.memory_space<hbm>>
      tpu.enqueue_dma source(%dma_start3A_43 : memref<128xi32, #tpu.memory_space<hbm>>) target(%arg11 : memref<128xi32, #tpu.memory_space<vmem>>) target_semaphore(%arg18 : memref<!tpu.dma_semaphore, #tpu.memory_space<semaphore_mem>>)
      %dma_wait3A = arith.constant 0 : i32
      %dma_wait3A_44 = tpu.memref_slice %arg4[%dma_wait3A] : memref<320000xi32, #tpu.memory_space<hbm>> -> memref<128xi32, #tpu.memory_space<hbm>>
      %dma_wait3A_45 = arith.constant 0 : i32
      %dma_wait3A_46 = tpu.memref_slice %arg4[%dma_wait3A_45] : memref<320000xi32, #tpu.memory_space<hbm>> -> memref<128xi32, #tpu.memory_space<hbm>>
      tpu.wait_dma2 semaphore(%arg17 : memref<!tpu.dma_semaphore, #tpu.memory_space<semaphore_mem>>) src(%dma_wait3A_46 : memref<128xi32, #tpu.memory_space<hbm>>) dst(%arg8 : memref<128xi32, #tpu.memory_space<vmem>>)
      %dma_wait3A_47 = arith.constant 0 : i32
      %dma_wait3A_48 = tpu.memref_slice %arg5[%dma_wait3A_47] : memref<320000xi32, #tpu.memory_space<hbm>> -> memref<128xi32, #tpu.memory_space<hbm>>
      %dma_wait3A_49 = arith.constant 0 : i32
      %dma_wait3A_50 = tpu.memref_slice %arg5[%dma_wait3A_49] : memref<320000xi32, #tpu.memory_space<hbm>> -> memref<128xi32, #tpu.memory_space<hbm>>
      tpu.wait_dma2 semaphore(%arg17 : memref<!tpu.dma_semaphore, #tpu.memory_space<semaphore_mem>>) src(%dma_wait3A_50 : memref<128xi32, #tpu.memory_space<hbm>>) dst(%arg9 : memref<128xi32, #tpu.memory_space<vmem>>)
      %dma_start3A_51 = arith.constant 0 : i32
      %dma_start3A_52 = arith.constant 0 : i32
      %dma_start3A_53 = tpu.memref_slice %arg2[%dma_start3A_51, %dma_start3A_52] : memref<10000x128xf32, #tpu.memory_space<hbm>> -> memref<10000x128xf32, #tpu.memory_space<hbm>>
      tpu.enqueue_indirect_dma source(%dma_start3A_53 : memref<10000x128xf32, #tpu.memory_space<hbm>>) target(%arg14 : memref<128x128xf32, #tpu.memory_space<vmem>>) offsets(%arg8 : memref<128xi32, #tpu.memory_space<vmem>>) semaphore(%arg20 : memref<!tpu.dma_semaphore, #tpu.memory_space<semaphore_mem>>)
      %scan3A = arith.constant 0 : i32
      %scan3A_54 = arith.constant 0 : i32
      %scan3A_55 = arith.constant 26 : i32
      %scan3A_56 = arith.addi %scan3A_54, %scan3A_55 : i32
      %scan3A_57 = arith.constant 1 : i32
      scf.for %scan3A_65 = %scan3A_54 to %scan3A_56 step %scan3A_57  : i32 {
        %mul3A_66 = arith.constant 6 : i32
        %mul3A_67 = arith.muli %mul3A_66, %scan3A_65 : i32
        %add3A_68 = arith.constant 0 : i32
        %add3A_69 = arith.addi %mul3A_67, %add3A_68 : i32
        %dma_wait3A_70 = arith.constant 0 : i32
        %dma_wait3A_71 = tpu.memref_slice %arg4[%dma_wait3A_70] : memref<320000xi32, #tpu.memory_space<hbm>> -> memref<128xi32, #tpu.memory_space<hbm>>
        %dma_wait3A_72 = arith.constant 0 : i32
        %dma_wait3A_73 = tpu.memref_slice %arg4[%dma_wait3A_72] : memref<320000xi32, #tpu.memory_space<hbm>> -> memref<128xi32, #tpu.memory_space<hbm>>
        tpu.wait_dma2 semaphore(%arg18 : memref<!tpu.dma_semaphore, #tpu.memory_space<semaphore_mem>>) src(%dma_wait3A_73 : memref<128xi32, #tpu.memory_space<hbm>>) dst(%arg10 : memref<128xi32, #tpu.memory_space<vmem>>)
        %dma_wait3A_74 = arith.constant 0 : i32
        %dma_wait3A_75 = tpu.memref_slice %arg5[%dma_wait3A_74] : memref<320000xi32, #tpu.memory_space<hbm>> -> memref<128xi32, #tpu.memory_space<hbm>>
        %dma_wait3A_76 = arith.constant 0 : i32
        %dma_wait3A_77 = tpu.memref_slice %arg5[%dma_wait3A_76] : memref<320000xi32, #tpu.memory_space<hbm>> -> memref<128xi32, #tpu.memory_space<hbm>>
        tpu.wait_dma2 semaphore(%arg18 : memref<!tpu.dma_semaphore, #tpu.memory_space<semaphore_mem>>) src(%dma_wait3A_77 : memref<128xi32, #tpu.memory_space<hbm>>) dst(%arg11 : memref<128xi32, #tpu.memory_space<vmem>>)
        %gt3A = arith.constant 0 : i32
        %gt3A_78 = arith.cmpi sgt, %scan3A_65, %gt3A : i32
        %convert_element_type3A_79 = arith.extui %gt3A_78 : i1 to i32
        %cond3A_80 = arith.constant 0 : i32
        %cond3A_81 = arith.cmpi ne, %convert_element_type3A_79, %cond3A_80 : i32
        scf.if %cond3A_81 {
          %dma_wait3A_264 = arith.constant 0 : i32
          %dma_wait3A_265 = arith.constant 0 : i32
          %dma_wait3A_266 = tpu.memref_slice %arg16[%dma_wait3A_264, %dma_wait3A_265] : memref<10000x128xf32, #tpu.memory_space<vmem_shared>> -> memref<10000x128xf32, #tpu.memory_space<vmem_shared>>
          tpu.wait_indirect_dma semaphore(%arg23 : memref<!tpu.dma_semaphore, #tpu.memory_space<semaphore_mem>>) src(%arg15 : memref<128x128xf32, #tpu.memory_space<vmem>>) dst(%dma_wait3A_266 : memref<10000x128xf32, #tpu.memory_space<vmem_shared>>)
        } else {
        }
        %add3A_82 = arith.constant 2 : i32
        %add3A_83 = arith.addi %add3A_69, %add3A_82 : i32
        %mul3A_84 = arith.constant 16 : i32
        %mul3A_85 = arith.muli %add3A_83, %mul3A_84 : i32
        %add3A_86 = arith.addi %arg1, %mul3A_85 : i32
        %mul3A_87 = arith.constant 128 : i32
        %mul3A_88 = arith.muli %add3A_86, %mul3A_87 : i32
        %dma_start3A_89 = tpu.memref_slice %arg4[%mul3A_88] : memref<320000xi32, #tpu.memory_space<hbm>> -> memref<128xi32, #tpu.memory_space<hbm>>
        %dma_start3A_90 = tpu.memref_slice %arg4[%mul3A_88] : memref<320000xi32, #tpu.memory_space<hbm>> -> memref<128xi32, #tpu.memory_space<hbm>>
        tpu.enqueue_dma source(%dma_start3A_90 : memref<128xi32, #tpu.memory_space<hbm>>) target(%arg12 : memref<128xi32, #tpu.memory_space<vmem>>) target_semaphore(%arg19 : memref<!tpu.dma_semaphore, #tpu.memory_space<semaphore_mem>>)
        %dma_start3A_91 = tpu.memref_slice %arg5[%mul3A_88] : memref<320000xi32, #tpu.memory_space<hbm>> -> memref<128xi32, #tpu.memory_space<hbm>>
        %dma_start3A_92 = tpu.memref_slice %arg5[%mul3A_88] : memref<320000xi32, #tpu.memory_space<hbm>> -> memref<128xi32, #tpu.memory_space<hbm>>
        tpu.enqueue_dma source(%dma_start3A_92 : memref<128xi32, #tpu.memory_space<hbm>>) target(%arg13 : memref<128xi32, #tpu.memory_space<vmem>>) target_semaphore(%arg19 : memref<!tpu.dma_semaphore, #tpu.memory_space<semaphore_mem>>)
        %dma_start3A_93 = arith.constant 0 : i32
        %dma_start3A_94 = arith.constant 0 : i32
        %dma_start3A_95 = tpu.memref_slice %arg2[%dma_start3A_93, %dma_start3A_94] : memref<10000x128xf32, #tpu.memory_space<hbm>> -> memref<10000x128xf32, #tpu.memory_space<hbm>>
        tpu.enqueue_indirect_dma source(%dma_start3A_95 : memref<10000x128xf32, #tpu.memory_space<hbm>>) target(%arg15 : memref<128x128xf32, #tpu.memory_space<vmem>>) offsets(%arg10 : memref<128xi32, #tpu.memory_space<vmem>>) semaphore(%arg21 : memref<!tpu.dma_semaphore, #tpu.memory_space<semaphore_mem>>)
        %dma_wait3A_96 = arith.constant 0 : i32
        %dma_wait3A_97 = arith.constant 0 : i32
        %dma_wait3A_98 = tpu.memref_slice %arg2[%dma_wait3A_96, %dma_wait3A_97] : memref<10000x128xf32, #tpu.memory_space<hbm>> -> memref<10000x128xf32, #tpu.memory_space<hbm>>
        tpu.wait_indirect_dma semaphore(%arg20 : memref<!tpu.dma_semaphore, #tpu.memory_space<semaphore_mem>>) src(%dma_wait3A_98 : memref<10000x128xf32, #tpu.memory_space<hbm>>) dst(%arg14 : memref<128x128xf32, #tpu.memory_space<vmem>>)
        %dma_start3A_99 = arith.constant 0 : i32
        %dma_start3A_100 = arith.constant 0 : i32
        %dma_start3A_101 = tpu.memref_slice %arg16[%dma_start3A_99, %dma_start3A_100] : memref<10000x128xf32, #tpu.memory_space<vmem_shared>> -> memref<10000x128xf32, #tpu.memory_space<vmem_shared>>
        tpu.enqueue_indirect_dma source(%arg14 : memref<128x128xf32, #tpu.memory_space<vmem>>) target(%dma_start3A_101 : memref<10000x128xf32, #tpu.memory_space<vmem_shared>>) offsets(%arg9 : memref<128xi32, #tpu.memory_space<vmem>>) semaphore(%arg22 : memref<!tpu.dma_semaphore, #tpu.memory_space<semaphore_mem>>) {add = true}
        %mul3A_102 = arith.constant 6 : i32
        %mul3A_103 = arith.muli %mul3A_102, %scan3A_65 : i32
        %add3A_104 = arith.constant 1 : i32
        %add3A_105 = arith.addi %mul3A_103, %add3A_104 : i32
        %dma_wait3A_106 = arith.constant 0 : i32
        %dma_wait3A_107 = tpu.memref_slice %arg4[%dma_wait3A_106] : memref<320000xi32, #tpu.memory_space<hbm>> -> memref<128xi32, #tpu.memory_space<hbm>>
        %dma_wait3A_108 = arith.constant 0 : i32
        %dma_wait3A_109 = tpu.memref_slice %arg4[%dma_wait3A_108] : memref<320000xi32, #tpu.memory_space<hbm>> -> memref<128xi32, #tpu.memory_space<hbm>>
        tpu.wait_dma2 semaphore(%arg19 : memref<!tpu.dma_semaphore, #tpu.memory_space<semaphore_mem>>) src(%dma_wait3A_109 : memref<128xi32, #tpu.memory_space<hbm>>) dst(%arg12 : memref<128xi32, #tpu.memory_space<vmem>>)
        %dma_wait3A_110 = arith.constant 0 : i32
        %dma_wait3A_111 = tpu.memref_slice %arg5[%dma_wait3A_110] : memref<320000xi32, #tpu.memory_space<hbm>> -> memref<128xi32, #tpu.memory_space<hbm>>
        %dma_wait3A_112 = arith.constant 0 : i32
        %dma_wait3A_113 = tpu.memref_slice %arg5[%dma_wait3A_112] : memref<320000xi32, #tpu.memory_space<hbm>> -> memref<128xi32, #tpu.memory_space<hbm>>
        tpu.wait_dma2 semaphore(%arg19 : memref<!tpu.dma_semaphore, #tpu.memory_space<semaphore_mem>>) src(%dma_wait3A_113 : memref<128xi32, #tpu.memory_space<hbm>>) dst(%arg13 : memref<128xi32, #tpu.memory_space<vmem>>)
        %dma_wait3A_114 = arith.constant 0 : i32
        %dma_wait3A_115 = arith.constant 0 : i32
        %dma_wait3A_116 = tpu.memref_slice %arg16[%dma_wait3A_114, %dma_wait3A_115] : memref<10000x128xf32, #tpu.memory_space<vmem_shared>> -> memref<10000x128xf32, #tpu.memory_space<vmem_shared>>
        tpu.wait_indirect_dma semaphore(%arg22 : memref<!tpu.dma_semaphore, #tpu.memory_space<semaphore_mem>>) src(%arg14 : memref<128x128xf32, #tpu.memory_space<vmem>>) dst(%dma_wait3A_116 : memref<10000x128xf32, #tpu.memory_space<vmem_shared>>)
        %add3A_117 = arith.constant 2 : i32
        %add3A_118 = arith.addi %add3A_105, %add3A_117 : i32
        %mul3A_119 = arith.constant 16 : i32
        %mul3A_120 = arith.muli %add3A_118, %mul3A_119 : i32
        %add3A_121 = arith.addi %arg1, %mul3A_120 : i32
        %mul3A_122 = arith.constant 128 : i32
        %mul3A_123 = arith.muli %add3A_121, %mul3A_122 : i32
        %dma_start3A_124 = tpu.memref_slice %arg4[%mul3A_123] : memref<320000xi32, #tpu.memory_space<hbm>> -> memref<128xi32, #tpu.memory_space<hbm>>
        %dma_start3A_125 = tpu.memref_slice %arg4[%mul3A_123] : memref<320000xi32, #tpu.memory_space<hbm>> -> memref<128xi32, #tpu.memory_space<hbm>>
        tpu.enqueue_dma source(%dma_start3A_125 : memref<128xi32, #tpu.memory_space<hbm>>) target(%arg8 : memref<128xi32, #tpu.memory_space<vmem>>) target_semaphore(%arg17 : memref<!tpu.dma_semaphore, #tpu.memory_space<semaphore_mem>>)
        %dma_start3A_126 = tpu.memref_slice %arg5[%mul3A_123] : memref<320000xi32, #tpu.memory_space<hbm>> -> memref<128xi32, #tpu.memory_space<hbm>>
        %dma_start3A_127 = tpu.memref_slice %arg5[%mul3A_123] : memref<320000xi32, #tpu.memory_space<hbm>> -> memref<128xi32, #tpu.memory_space<hbm>>
        tpu.enqueue_dma source(%dma_start3A_127 : memref<128xi32, #tpu.memory_space<hbm>>) target(%arg9 : memref<128xi32, #tpu.memory_space<vmem>>) target_semaphore(%arg17 : memref<!tpu.dma_semaphore, #tpu.memory_space<semaphore_mem>>)
        %dma_start3A_128 = arith.constant 0 : i32
        %dma_start3A_129 = arith.constant 0 : i32
        %dma_start3A_130 = tpu.memref_slice %arg2[%dma_start3A_128, %dma_start3A_129] : memref<10000x128xf32, #tpu.memory_space<hbm>> -> memref<10000x128xf32, #tpu.memory_space<hbm>>
        tpu.enqueue_indirect_dma source(%dma_start3A_130 : memref<10000x128xf32, #tpu.memory_space<hbm>>) target(%arg14 : memref<128x128xf32, #tpu.memory_space<vmem>>) offsets(%arg12 : memref<128xi32, #tpu.memory_space<vmem>>) semaphore(%arg20 : memref<!tpu.dma_semaphore, #tpu.memory_space<semaphore_mem>>)
        %dma_wait3A_131 = arith.constant 0 : i32
        %dma_wait3A_132 = arith.constant 0 : i32
        %dma_wait3A_133 = tpu.memref_slice %arg2[%dma_wait3A_131, %dma_wait3A_132] : memref<10000x128xf32, #tpu.memory_space<hbm>> -> memref<10000x128xf32, #tpu.memory_space<hbm>>
        tpu.wait_indirect_dma semaphore(%arg21 : memref<!tpu.dma_semaphore, #tpu.memory_space<semaphore_mem>>) src(%dma_wait3A_133 : memref<10000x128xf32, #tpu.memory_space<hbm>>) dst(%arg15 : memref<128x128xf32, #tpu.memory_space<vmem>>)
        %dma_start3A_134 = arith.constant 0 : i32
        %dma_start3A_135 = arith.constant 0 : i32
        %dma_start3A_136 = tpu.memref_slice %arg16[%dma_start3A_134, %dma_start3A_135] : memref<10000x128xf32, #tpu.memory_space<vmem_shared>> -> memref<10000x128xf32, #tpu.memory_space<vmem_shared>>
        tpu.enqueue_indirect_dma source(%arg15 : memref<128x128xf32, #tpu.memory_space<vmem>>) target(%dma_start3A_136 : memref<10000x128xf32, #tpu.memory_space<vmem_shared>>) offsets(%arg11 : memref<128xi32, #tpu.memory_space<vmem>>) semaphore(%arg23 : memref<!tpu.dma_semaphore, #tpu.memory_space<semaphore_mem>>) {add = true}
        %mul3A_137 = arith.constant 6 : i32
        %mul3A_138 = arith.muli %mul3A_137, %scan3A_65 : i32
        %add3A_139 = arith.constant 2 : i32
        %add3A_140 = arith.addi %mul3A_138, %add3A_139 : i32
        %dma_wait3A_141 = arith.constant 0 : i32
        %dma_wait3A_142 = tpu.memref_slice %arg4[%dma_wait3A_141] : memref<320000xi32, #tpu.memory_space<hbm>> -> memref<128xi32, #tpu.memory_space<hbm>>
        %dma_wait3A_143 = arith.constant 0 : i32
        %dma_wait3A_144 = tpu.memref_slice %arg4[%dma_wait3A_143] : memref<320000xi32, #tpu.memory_space<hbm>> -> memref<128xi32, #tpu.memory_space<hbm>>
        tpu.wait_dma2 semaphore(%arg17 : memref<!tpu.dma_semaphore, #tpu.memory_space<semaphore_mem>>) src(%dma_wait3A_144 : memref<128xi32, #tpu.memory_space<hbm>>) dst(%arg8 : memref<128xi32, #tpu.memory_space<vmem>>)
        %dma_wait3A_145 = arith.constant 0 : i32
        %dma_wait3A_146 = tpu.memref_slice %arg5[%dma_wait3A_145] : memref<320000xi32, #tpu.memory_space<hbm>> -> memref<128xi32, #tpu.memory_space<hbm>>
        %dma_wait3A_147 = arith.constant 0 : i32
        %dma_wait3A_148 = tpu.memref_slice %arg5[%dma_wait3A_147] : memref<320000xi32, #tpu.memory_space<hbm>> -> memref<128xi32, #tpu.memory_space<hbm>>
        tpu.wait_dma2 semaphore(%arg17 : memref<!tpu.dma_semaphore, #tpu.memory_space<semaphore_mem>>) src(%dma_wait3A_148 : memref<128xi32, #tpu.memory_space<hbm>>) dst(%arg9 : memref<128xi32, #tpu.memory_space<vmem>>)
        %dma_wait3A_149 = arith.constant 0 : i32
        %dma_wait3A_150 = arith.constant 0 : i32
        %dma_wait3A_151 = tpu.memref_slice %arg16[%dma_wait3A_149, %dma_wait3A_150] : memref<10000x128xf32, #tpu.memory_space<vmem_shared>> -> memref<10000x128xf32, #tpu.memory_space<vmem_shared>>
        tpu.wait_indirect_dma semaphore(%arg23 : memref<!tpu.dma_semaphore, #tpu.memory_space<semaphore_mem>>) src(%arg15 : memref<128x128xf32, #tpu.memory_space<vmem>>) dst(%dma_wait3A_151 : memref<10000x128xf32, #tpu.memory_space<vmem_shared>>)
        %add3A_152 = arith.constant 2 : i32
        %add3A_153 = arith.addi %add3A_140, %add3A_152 : i32
        %mul3A_154 = arith.constant 16 : i32
        %mul3A_155 = arith.muli %add3A_153, %mul3A_154 : i32
        %add3A_156 = arith.addi %arg1, %mul3A_155 : i32
        %mul3A_157 = arith.constant 128 : i32
        %mul3A_158 = arith.muli %add3A_156, %mul3A_157 : i32
        %dma_start3A_159 = tpu.memref_slice %arg4[%mul3A_158] : memref<320000xi32, #tpu.memory_space<hbm>> -> memref<128xi32, #tpu.memory_space<hbm>>
        %dma_start3A_160 = tpu.memref_slice %arg4[%mul3A_158] : memref<320000xi32, #tpu.memory_space<hbm>> -> memref<128xi32, #tpu.memory_space<hbm>>
        tpu.enqueue_dma source(%dma_start3A_160 : memref<128xi32, #tpu.memory_space<hbm>>) target(%arg10 : memref<128xi32, #tpu.memory_space<vmem>>) target_semaphore(%arg18 : memref<!tpu.dma_semaphore, #tpu.memory_space<semaphore_mem>>)
        %dma_start3A_161 = tpu.memref_slice %arg5[%mul3A_158] : memref<320000xi32, #tpu.memory_space<hbm>> -> memref<128xi32, #tpu.memory_space<hbm>>
        %dma_start3A_162 = tpu.memref_slice %arg5[%mul3A_158] : memref<320000xi32, #tpu.memory_space<hbm>> -> memref<128xi32, #tpu.memory_space<hbm>>
        tpu.enqueue_dma source(%dma_start3A_162 : memref<128xi32, #tpu.memory_space<hbm>>) target(%arg11 : memref<128xi32, #tpu.memory_space<vmem>>) target_semaphore(%arg18 : memref<!tpu.dma_semaphore, #tpu.memory_space<semaphore_mem>>)
        %dma_start3A_163 = arith.constant 0 : i32
        %dma_start3A_164 = arith.constant 0 : i32
        %dma_start3A_165 = tpu.memref_slice %arg2[%dma_start3A_163, %dma_start3A_164] : memref<10000x128xf32, #tpu.memory_space<hbm>> -> memref<10000x128xf32, #tpu.memory_space<hbm>>
        tpu.enqueue_indirect_dma source(%dma_start3A_165 : memref<10000x128xf32, #tpu.memory_space<hbm>>) target(%arg15 : memref<128x128xf32, #tpu.memory_space<vmem>>) offsets(%arg8 : memref<128xi32, #tpu.memory_space<vmem>>) semaphore(%arg21 : memref<!tpu.dma_semaphore, #tpu.memory_space<semaphore_mem>>)
        %dma_wait3A_166 = arith.constant 0 : i32
        %dma_wait3A_167 = arith.constant 0 : i32
        %dma_wait3A_168 = tpu.memref_slice %arg2[%dma_wait3A_166, %dma_wait3A_167] : memref<10000x128xf32, #tpu.memory_space<hbm>> -> memref<10000x128xf32, #tpu.memory_space<hbm>>
        tpu.wait_indirect_dma semaphore(%arg20 : memref<!tpu.dma_semaphore, #tpu.memory_space<semaphore_mem>>) src(%dma_wait3A_168 : memref<10000x128xf32, #tpu.memory_space<hbm>>) dst(%arg14 : memref<128x128xf32, #tpu.memory_space<vmem>>)
        %dma_start3A_169 = arith.constant 0 : i32
        %dma_start3A_170 = arith.constant 0 : i32
        %dma_start3A_171 = tpu.memref_slice %arg16[%dma_start3A_169, %dma_start3A_170] : memref<10000x128xf32, #tpu.memory_space<vmem_shared>> -> memref<10000x128xf32, #tpu.memory_space<vmem_shared>>
        tpu.enqueue_indirect_dma source(%arg14 : memref<128x128xf32, #tpu.memory_space<vmem>>) target(%dma_start3A_171 : memref<10000x128xf32, #tpu.memory_space<vmem_shared>>) offsets(%arg13 : memref<128xi32, #tpu.memory_space<vmem>>) semaphore(%arg22 : memref<!tpu.dma_semaphore, #tpu.memory_space<semaphore_mem>>) {add = true}
        %mul3A_172 = arith.constant 6 : i32
        %mul3A_173 = arith.muli %mul3A_172, %scan3A_65 : i32
        %add3A_174 = arith.constant 3 : i32
        %add3A_175 = arith.addi %mul3A_173, %add3A_174 : i32
        %dma_wait3A_176 = arith.constant 0 : i32
        %dma_wait3A_177 = tpu.memref_slice %arg4[%dma_wait3A_176] : memref<320000xi32, #tpu.memory_space<hbm>> -> memref<128xi32, #tpu.memory_space<hbm>>
        %dma_wait3A_178 = arith.constant 0 : i32
        %dma_wait3A_179 = tpu.memref_slice %arg4[%dma_wait3A_178] : memref<320000xi32, #tpu.memory_space<hbm>> -> memref<128xi32, #tpu.memory_space<hbm>>
        tpu.wait_dma2 semaphore(%arg18 : memref<!tpu.dma_semaphore, #tpu.memory_space<semaphore_mem>>) src(%dma_wait3A_179 : memref<128xi32, #tpu.memory_space<hbm>>) dst(%arg10 : memref<128xi32, #tpu.memory_space<vmem>>)
        %dma_wait3A_180 = arith.constant 0 : i32
        %dma_wait3A_181 = tpu.memref_slice %arg5[%dma_wait3A_180] : memref<320000xi32, #tpu.memory_space<hbm>> -> memref<128xi32, #tpu.memory_space<hbm>>
        %dma_wait3A_182 = arith.constant 0 : i32
        %dma_wait3A_183 = tpu.memref_slice %arg5[%dma_wait3A_182] : memref<320000xi32, #tpu.memory_space<hbm>> -> memref<128xi32, #tpu.memory_space<hbm>>
        tpu.wait_dma2 semaphore(%arg18 : memref<!tpu.dma_semaphore, #tpu.memory_space<semaphore_mem>>) src(%dma_wait3A_183 : memref<128xi32, #tpu.memory_space<hbm>>) dst(%arg11 : memref<128xi32, #tpu.memory_space<vmem>>)
        %dma_wait3A_184 = arith.constant 0 : i32
        %dma_wait3A_185 = arith.constant 0 : i32
        %dma_wait3A_186 = tpu.memref_slice %arg16[%dma_wait3A_184, %dma_wait3A_185] : memref<10000x128xf32, #tpu.memory_space<vmem_shared>> -> memref<10000x128xf32, #tpu.memory_space<vmem_shared>>
        tpu.wait_indirect_dma semaphore(%arg22 : memref<!tpu.dma_semaphore, #tpu.memory_space<semaphore_mem>>) src(%arg14 : memref<128x128xf32, #tpu.memory_space<vmem>>) dst(%dma_wait3A_186 : memref<10000x128xf32, #tpu.memory_space<vmem_shared>>)
        %add3A_187 = arith.constant 2 : i32
        %add3A_188 = arith.addi %add3A_175, %add3A_187 : i32
        %mul3A_189 = arith.constant 16 : i32
        %mul3A_190 = arith.muli %add3A_188, %mul3A_189 : i32
        %add3A_191 = arith.addi %arg1, %mul3A_190 : i32
        %mul3A_192 = arith.constant 128 : i32
        %mul3A_193 = arith.muli %add3A_191, %mul3A_192 : i32
        %dma_start3A_194 = tpu.memref_slice %arg4[%mul3A_193] : memref<320000xi32, #tpu.memory_space<hbm>> -> memref<128xi32, #tpu.memory_space<hbm>>
        %dma_start3A_195 = tpu.memref_slice %arg4[%mul3A_193] : memref<320000xi32, #tpu.memory_space<hbm>> -> memref<128xi32, #tpu.memory_space<hbm>>
        tpu.enqueue_dma source(%dma_start3A_195 : memref<128xi32, #tpu.memory_space<hbm>>) target(%arg12 : memref<128xi32, #tpu.memory_space<vmem>>) target_semaphore(%arg19 : memref<!tpu.dma_semaphore, #tpu.memory_space<semaphore_mem>>)
        %dma_start3A_196 = tpu.memref_slice %arg5[%mul3A_193] : memref<320000xi32, #tpu.memory_space<hbm>> -> memref<128xi32, #tpu.memory_space<hbm>>
        %dma_start3A_197 = tpu.memref_slice %arg5[%mul3A_193] : memref<320000xi32, #tpu.memory_space<hbm>> -> memref<128xi32, #tpu.memory_space<hbm>>
        tpu.enqueue_dma source(%dma_start3A_197 : memref<128xi32, #tpu.memory_space<hbm>>) target(%arg13 : memref<128xi32, #tpu.memory_space<vmem>>) target_semaphore(%arg19 : memref<!tpu.dma_semaphore, #tpu.memory_space<semaphore_mem>>)
        %dma_start3A_198 = arith.constant 0 : i32
        %dma_start3A_199 = arith.constant 0 : i32
        %dma_start3A_200 = tpu.memref_slice %arg2[%dma_start3A_198, %dma_start3A_199] : memref<10000x128xf32, #tpu.memory_space<hbm>> -> memref<10000x128xf32, #tpu.memory_space<hbm>>
        tpu.enqueue_indirect_dma source(%dma_start3A_200 : memref<10000x128xf32, #tpu.memory_space<hbm>>) target(%arg14 : memref<128x128xf32, #tpu.memory_space<vmem>>) offsets(%arg10 : memref<128xi32, #tpu.memory_space<vmem>>) semaphore(%arg20 : memref<!tpu.dma_semaphore, #tpu.memory_space<semaphore_mem>>)
        %dma_wait3A_201 = arith.constant 0 : i32
        %dma_wait3A_202 = arith.constant 0 : i32
        %dma_wait3A_203 = tpu.memref_slice %arg2[%dma_wait3A_201, %dma_wait3A_202] : memref<10000x128xf32, #tpu.memory_space<hbm>> -> memref<10000x128xf32, #tpu.memory_space<hbm>>
        tpu.wait_indirect_dma semaphore(%arg21 : memref<!tpu.dma_semaphore, #tpu.memory_space<semaphore_mem>>) src(%dma_wait3A_203 : memref<10000x128xf32, #tpu.memory_space<hbm>>) dst(%arg15 : memref<128x128xf32, #tpu.memory_space<vmem>>)
        %dma_start3A_204 = arith.constant 0 : i32
        %dma_start3A_205 = arith.constant 0 : i32
        %dma_start3A_206 = tpu.memref_slice %arg16[%dma_start3A_204, %dma_start3A_205] : memref<10000x128xf32, #tpu.memory_space<vmem_shared>> -> memref<10000x128xf32, #tpu.memory_space<vmem_shared>>
        tpu.enqueue_indirect_dma source(%arg15 : memref<128x128xf32, #tpu.memory_space<vmem>>) target(%dma_start3A_206 : memref<10000x128xf32, #tpu.memory_space<vmem_shared>>) offsets(%arg9 : memref<128xi32, #tpu.memory_space<vmem>>) semaphore(%arg23 : memref<!tpu.dma_semaphore, #tpu.memory_space<semaphore_mem>>) {add = true}
        %mul3A_207 = arith.constant 6 : i32
        %mul3A_208 = arith.muli %mul3A_207, %scan3A_65 : i32
        %add3A_209 = arith.constant 4 : i32
        %add3A_210 = arith.addi %mul3A_208, %add3A_209 : i32
        %dma_wait3A_211 = arith.constant 0 : i32
        %dma_wait3A_212 = tpu.memref_slice %arg4[%dma_wait3A_211] : memref<320000xi32, #tpu.memory_space<hbm>> -> memref<128xi32, #tpu.memory_space<hbm>>
        %dma_wait3A_213 = arith.constant 0 : i32
        %dma_wait3A_214 = tpu.memref_slice %arg4[%dma_wait3A_213] : memref<320000xi32, #tpu.memory_space<hbm>> -> memref<128xi32, #tpu.memory_space<hbm>>
        tpu.wait_dma2 semaphore(%arg19 : memref<!tpu.dma_semaphore, #tpu.memory_space<semaphore_mem>>) src(%dma_wait3A_214 : memref<128xi32, #tpu.memory_space<hbm>>) dst(%arg12 : memref<128xi32, #tpu.memory_space<vmem>>)
        %dma_wait3A_215 = arith.constant 0 : i32
        %dma_wait3A_216 = tpu.memref_slice %arg5[%dma_wait3A_215] : memref<320000xi32, #tpu.memory_space<hbm>> -> memref<128xi32, #tpu.memory_space<hbm>>
        %dma_wait3A_217 = arith.constant 0 : i32
        %dma_wait3A_218 = tpu.memref_slice %arg5[%dma_wait3A_217] : memref<320000xi32, #tpu.memory_space<hbm>> -> memref<128xi32, #tpu.memory_space<hbm>>
        tpu.wait_dma2 semaphore(%arg19 : memref<!tpu.dma_semaphore, #tpu.memory_space<semaphore_mem>>) src(%dma_wait3A_218 : memref<128xi32, #tpu.memory_space<hbm>>) dst(%arg13 : memref<128xi32, #tpu.memory_space<vmem>>)
        %dma_wait3A_219 = arith.constant 0 : i32
        %dma_wait3A_220 = arith.constant 0 : i32
        %dma_wait3A_221 = tpu.memref_slice %arg16[%dma_wait3A_219, %dma_wait3A_220] : memref<10000x128xf32, #tpu.memory_space<vmem_shared>> -> memref<10000x128xf32, #tpu.memory_space<vmem_shared>>
        tpu.wait_indirect_dma semaphore(%arg23 : memref<!tpu.dma_semaphore, #tpu.memory_space<semaphore_mem>>) src(%arg15 : memref<128x128xf32, #tpu.memory_space<vmem>>) dst(%dma_wait3A_221 : memref<10000x128xf32, #tpu.memory_space<vmem_shared>>)
        %lt3A_222 = arith.constant 25 : i32
        %lt3A_223 = arith.cmpi slt, %scan3A_65, %lt3A_222 : i32
        %convert_element_type3A_224 = arith.extui %lt3A_223 : i1 to i32
        %cond3A_225 = arith.constant 0 : i32
        %cond3A_226 = arith.cmpi ne, %convert_element_type3A_224, %cond3A_225 : i32
        scf.if %cond3A_226 {
          %add3A_264 = arith.constant 2 : i32
          %add3A_265 = arith.addi %add3A_210, %add3A_264 : i32
          %mul3A_266 = arith.constant 16 : i32
          %mul3A_267 = arith.muli %add3A_265, %mul3A_266 : i32
          %add3A_268 = arith.addi %arg1, %mul3A_267 : i32
          %mul3A_269 = arith.constant 128 : i32
          %mul3A_270 = arith.muli %add3A_268, %mul3A_269 : i32
          %dma_start3A_271 = tpu.memref_slice %arg4[%mul3A_270] : memref<320000xi32, #tpu.memory_space<hbm>> -> memref<128xi32, #tpu.memory_space<hbm>>
          %dma_start3A_272 = tpu.memref_slice %arg4[%mul3A_270] : memref<320000xi32, #tpu.memory_space<hbm>> -> memref<128xi32, #tpu.memory_space<hbm>>
          tpu.enqueue_dma source(%dma_start3A_272 : memref<128xi32, #tpu.memory_space<hbm>>) target(%arg8 : memref<128xi32, #tpu.memory_space<vmem>>) target_semaphore(%arg17 : memref<!tpu.dma_semaphore, #tpu.memory_space<semaphore_mem>>)
          %dma_start3A_273 = tpu.memref_slice %arg5[%mul3A_270] : memref<320000xi32, #tpu.memory_space<hbm>> -> memref<128xi32, #tpu.memory_space<hbm>>
          %dma_start3A_274 = tpu.memref_slice %arg5[%mul3A_270] : memref<320000xi32, #tpu.memory_space<hbm>> -> memref<128xi32, #tpu.memory_space<hbm>>
          tpu.enqueue_dma source(%dma_start3A_274 : memref<128xi32, #tpu.memory_space<hbm>>) target(%arg9 : memref<128xi32, #tpu.memory_space<vmem>>) target_semaphore(%arg17 : memref<!tpu.dma_semaphore, #tpu.memory_space<semaphore_mem>>)
        } else {
        }
        %dma_start3A_227 = arith.constant 0 : i32
        %dma_start3A_228 = arith.constant 0 : i32
        %dma_start3A_229 = tpu.memref_slice %arg2[%dma_start3A_227, %dma_start3A_228] : memref<10000x128xf32, #tpu.memory_space<hbm>> -> memref<10000x128xf32, #tpu.memory_space<hbm>>
        tpu.enqueue_indirect_dma source(%dma_start3A_229 : memref<10000x128xf32, #tpu.memory_space<hbm>>) target(%arg15 : memref<128x128xf32, #tpu.memory_space<vmem>>) offsets(%arg12 : memref<128xi32, #tpu.memory_space<vmem>>) semaphore(%arg21 : memref<!tpu.dma_semaphore, #tpu.memory_space<semaphore_mem>>)
        %dma_wait3A_230 = arith.constant 0 : i32
        %dma_wait3A_231 = arith.constant 0 : i32
        %dma_wait3A_232 = tpu.memref_slice %arg2[%dma_wait3A_230, %dma_wait3A_231] : memref<10000x128xf32, #tpu.memory_space<hbm>> -> memref<10000x128xf32, #tpu.memory_space<hbm>>
        tpu.wait_indirect_dma semaphore(%arg20 : memref<!tpu.dma_semaphore, #tpu.memory_space<semaphore_mem>>) src(%dma_wait3A_232 : memref<10000x128xf32, #tpu.memory_space<hbm>>) dst(%arg14 : memref<128x128xf32, #tpu.memory_space<vmem>>)
        %dma_start3A_233 = arith.constant 0 : i32
        %dma_start3A_234 = arith.constant 0 : i32
        %dma_start3A_235 = tpu.memref_slice %arg16[%dma_start3A_233, %dma_start3A_234] : memref<10000x128xf32, #tpu.memory_space<vmem_shared>> -> memref<10000x128xf32, #tpu.memory_space<vmem_shared>>
        tpu.enqueue_indirect_dma source(%arg14 : memref<128x128xf32, #tpu.memory_space<vmem>>) target(%dma_start3A_235 : memref<10000x128xf32, #tpu.memory_space<vmem_shared>>) offsets(%arg11 : memref<128xi32, #tpu.memory_space<vmem>>) semaphore(%arg22 : memref<!tpu.dma_semaphore, #tpu.memory_space<semaphore_mem>>) {add = true}
        %mul3A_236 = arith.constant 6 : i32
        %mul3A_237 = arith.muli %mul3A_236, %scan3A_65 : i32
        %add3A_238 = arith.constant 5 : i32
        %add3A_239 = arith.addi %mul3A_237, %add3A_238 : i32
        %lt3A_240 = arith.constant 25 : i32
        %lt3A_241 = arith.cmpi slt, %scan3A_65, %lt3A_240 : i32
        %convert_element_type3A_242 = arith.extui %lt3A_241 : i1 to i32
        %cond3A_243 = arith.constant 0 : i32
        %cond3A_244 = arith.cmpi ne, %convert_element_type3A_242, %cond3A_243 : i32
        scf.if %cond3A_244 {
          %dma_wait3A_264 = arith.constant 0 : i32
          %dma_wait3A_265 = tpu.memref_slice %arg4[%dma_wait3A_264] : memref<320000xi32, #tpu.memory_space<hbm>> -> memref<128xi32, #tpu.memory_space<hbm>>
          %dma_wait3A_266 = arith.constant 0 : i32
          %dma_wait3A_267 = tpu.memref_slice %arg4[%dma_wait3A_266] : memref<320000xi32, #tpu.memory_space<hbm>> -> memref<128xi32, #tpu.memory_space<hbm>>
          tpu.wait_dma2 semaphore(%arg17 : memref<!tpu.dma_semaphore, #tpu.memory_space<semaphore_mem>>) src(%dma_wait3A_267 : memref<128xi32, #tpu.memory_space<hbm>>) dst(%arg8 : memref<128xi32, #tpu.memory_space<vmem>>)
          %dma_wait3A_268 = arith.constant 0 : i32
          %dma_wait3A_269 = tpu.memref_slice %arg5[%dma_wait3A_268] : memref<320000xi32, #tpu.memory_space<hbm>> -> memref<128xi32, #tpu.memory_space<hbm>>
          %dma_wait3A_270 = arith.constant 0 : i32
          %dma_wait3A_271 = tpu.memref_slice %arg5[%dma_wait3A_270] : memref<320000xi32, #tpu.memory_space<hbm>> -> memref<128xi32, #tpu.memory_space<hbm>>
          tpu.wait_dma2 semaphore(%arg17 : memref<!tpu.dma_semaphore, #tpu.memory_space<semaphore_mem>>) src(%dma_wait3A_271 : memref<128xi32, #tpu.memory_space<hbm>>) dst(%arg9 : memref<128xi32, #tpu.memory_space<vmem>>)
        } else {
        }
        %dma_wait3A_245 = arith.constant 0 : i32
        %dma_wait3A_246 = arith.constant 0 : i32
        %dma_wait3A_247 = tpu.memref_slice %arg16[%dma_wait3A_245, %dma_wait3A_246] : memref<10000x128xf32, #tpu.memory_space<vmem_shared>> -> memref<10000x128xf32, #tpu.memory_space<vmem_shared>>
        tpu.wait_indirect_dma semaphore(%arg22 : memref<!tpu.dma_semaphore, #tpu.memory_space<semaphore_mem>>) src(%arg14 : memref<128x128xf32, #tpu.memory_space<vmem>>) dst(%dma_wait3A_247 : memref<10000x128xf32, #tpu.memory_space<vmem_shared>>)
        %lt3A_248 = arith.constant 25 : i32
        %lt3A_249 = arith.cmpi slt, %scan3A_65, %lt3A_248 : i32
        %convert_element_type3A_250 = arith.extui %lt3A_249 : i1 to i32
        %cond3A_251 = arith.constant 0 : i32
        %cond3A_252 = arith.cmpi ne, %convert_element_type3A_250, %cond3A_251 : i32
        scf.if %cond3A_252 {
          %add3A_264 = arith.constant 2 : i32
          %add3A_265 = arith.addi %add3A_239, %add3A_264 : i32
          %mul3A_266 = arith.constant 16 : i32
          %mul3A_267 = arith.muli %add3A_265, %mul3A_266 : i32
          %add3A_268 = arith.addi %arg1, %mul3A_267 : i32
          %mul3A_269 = arith.constant 128 : i32
          %mul3A_270 = arith.muli %add3A_268, %mul3A_269 : i32
          %dma_start3A_271 = tpu.memref_slice %arg4[%mul3A_270] : memref<320000xi32, #tpu.memory_space<hbm>> -> memref<128xi32, #tpu.memory_space<hbm>>
          %dma_start3A_272 = tpu.memref_slice %arg4[%mul3A_270] : memref<320000xi32, #tpu.memory_space<hbm>> -> memref<128xi32, #tpu.memory_space<hbm>>
          tpu.enqueue_dma source(%dma_start3A_272 : memref<128xi32, #tpu.memory_space<hbm>>) target(%arg10 : memref<128xi32, #tpu.memory_space<vmem>>) target_semaphore(%arg18 : memref<!tpu.dma_semaphore, #tpu.memory_space<semaphore_mem>>)
          %dma_start3A_273 = tpu.memref_slice %arg5[%mul3A_270] : memref<320000xi32, #tpu.memory_space<hbm>> -> memref<128xi32, #tpu.memory_space<hbm>>
          %dma_start3A_274 = tpu.memref_slice %arg5[%mul3A_270] : memref<320000xi32, #tpu.memory_space<hbm>> -> memref<128xi32, #tpu.memory_space<hbm>>
          tpu.enqueue_dma source(%dma_start3A_274 : memref<128xi32, #tpu.memory_space<hbm>>) target(%arg11 : memref<128xi32, #tpu.memory_space<vmem>>) target_semaphore(%arg18 : memref<!tpu.dma_semaphore, #tpu.memory_space<semaphore_mem>>)
        } else {
        }
        %lt3A_253 = arith.constant 25 : i32
        %lt3A_254 = arith.cmpi slt, %scan3A_65, %lt3A_253 : i32
        %convert_element_type3A_255 = arith.extui %lt3A_254 : i1 to i32
        %cond3A_256 = arith.constant 0 : i32
        %cond3A_257 = arith.cmpi ne, %convert_element_type3A_255, %cond3A_256 : i32
        scf.if %cond3A_257 {
          %dma_start3A_264 = arith.constant 0 : i32
          %dma_start3A_265 = arith.constant 0 : i32
          %dma_start3A_266 = tpu.memref_slice %arg2[%dma_start3A_264, %dma_start3A_265] : memref<10000x128xf32, #tpu.memory_space<hbm>> -> memref<10000x128xf32, #tpu.memory_space<hbm>>
          tpu.enqueue_indirect_dma source(%dma_start3A_266 : memref<10000x128xf32, #tpu.memory_space<hbm>>) target(%arg14 : memref<128x128xf32, #tpu.memory_space<vmem>>) offsets(%arg8 : memref<128xi32, #tpu.memory_space<vmem>>) semaphore(%arg20 : memref<!tpu.dma_semaphore, #tpu.memory_space<semaphore_mem>>)
        } else {
        }
        %dma_wait3A_258 = arith.constant 0 : i32
        %dma_wait3A_259 = arith.constant 0 : i32
        %dma_wait3A_260 = tpu.memref_slice %arg2[%dma_wait3A_258, %dma_wait3A_259] : memref<10000x128xf32, #tpu.memory_space<hbm>> -> memref<10000x128xf32, #tpu.memory_space<hbm>>
        tpu.wait_indirect_dma semaphore(%arg21 : memref<!tpu.dma_semaphore, #tpu.memory_space<semaphore_mem>>) src(%dma_wait3A_260 : memref<10000x128xf32, #tpu.memory_space<hbm>>) dst(%arg15 : memref<128x128xf32, #tpu.memory_space<vmem>>)
        %dma_start3A_261 = arith.constant 0 : i32
        %dma_start3A_262 = arith.constant 0 : i32
        %dma_start3A_263 = tpu.memref_slice %arg16[%dma_start3A_261, %dma_start3A_262] : memref<10000x128xf32, #tpu.memory_space<vmem_shared>> -> memref<10000x128xf32, #tpu.memory_space<vmem_shared>>
        tpu.enqueue_indirect_dma source(%arg15 : memref<128x128xf32, #tpu.memory_space<vmem>>) target(%dma_start3A_263 : memref<10000x128xf32, #tpu.memory_space<vmem_shared>>) offsets(%arg13 : memref<128xi32, #tpu.memory_space<vmem>>) semaphore(%arg23 : memref<!tpu.dma_semaphore, #tpu.memory_space<semaphore_mem>>) {add = true}
      }
      %scan3A_58 = arith.constant 26 : i32
      %dma_wait3A_59 = arith.constant 0 : i32
      %dma_wait3A_60 = arith.constant 0 : i32
      %dma_wait3A_61 = tpu.memref_slice %arg16[%dma_wait3A_59, %dma_wait3A_60] : memref<10000x128xf32, #tpu.memory_space<vmem_shared>> -> memref<10000x128xf32, #tpu.memory_space<vmem_shared>>
      tpu.wait_indirect_dma semaphore(%arg23 : memref<!tpu.dma_semaphore, #tpu.memory_space<semaphore_mem>>) src(%arg15 : memref<128x128xf32, #tpu.memory_space<vmem>>) dst(%dma_wait3A_61 : memref<10000x128xf32, #tpu.memory_space<vmem_shared>>)
      %convert_element_type3A_62 = arith.extui %lt3A_29 : i1 to i32
      %cond3A_63 = arith.constant 0 : i32
      %cond3A_64 = arith.cmpi ne, %convert_element_type3A_62, %cond3A_63 : i32
      scf.if %cond3A_64 {
        %add3A_65 = arith.constant 2496 : i32
        %add3A_66 = arith.addi %arg1, %add3A_65 : i32
        %mul3A_67 = arith.constant 128 : i32
        %mul3A_68 = arith.muli %add3A_66, %mul3A_67 : i32
        "tpu.region"() ({
          %run_scoped3A = tpu.sem_alloc : memref<!tpu.dma_semaphore, #tpu.memory_space<semaphore_mem>>
          %dma_start3A_81 = tpu.memref_slice %arg4[%mul3A_68] : memref<320000xi32, #tpu.memory_space<hbm>> -> memref<128xi32, #tpu.memory_space<hbm>>
          %dma_start3A_82 = tpu.memref_slice %arg4[%mul3A_68] : memref<320000xi32, #tpu.memory_space<hbm>> -> memref<128xi32, #tpu.memory_space<hbm>>
          tpu.enqueue_dma source(%dma_start3A_82 : memref<128xi32, #tpu.memory_space<hbm>>) target(%arg8 : memref<128xi32, #tpu.memory_space<vmem>>) target_semaphore(%run_scoped3A : memref<!tpu.dma_semaphore, #tpu.memory_space<semaphore_mem>>)
          %dma_wait3A_83 = tpu.memref_slice %arg4[%mul3A_68] : memref<320000xi32, #tpu.memory_space<hbm>> -> memref<128xi32, #tpu.memory_space<hbm>>
          %dma_wait3A_84 = tpu.memref_slice %arg4[%mul3A_68] : memref<320000xi32, #tpu.memory_space<hbm>> -> memref<128xi32, #tpu.memory_space<hbm>>
          tpu.wait_dma2 semaphore(%run_scoped3A : memref<!tpu.dma_semaphore, #tpu.memory_space<semaphore_mem>>) src(%dma_wait3A_84 : memref<128xi32, #tpu.memory_space<hbm>>) dst(%arg8 : memref<128xi32, #tpu.memory_space<vmem>>)
          tpu.yield
        }) : () -> ()
        "tpu.region"() ({
          %run_scoped3A = tpu.sem_alloc : memref<!tpu.dma_semaphore, #tpu.memory_space<semaphore_mem>>
          %dma_start3A_81 = tpu.memref_slice %arg5[%mul3A_68] : memref<320000xi32, #tpu.memory_space<hbm>> -> memref<128xi32, #tpu.memory_space<hbm>>
          %dma_start3A_82 = tpu.memref_slice %arg5[%mul3A_68] : memref<320000xi32, #tpu.memory_space<hbm>> -> memref<128xi32, #tpu.memory_space<hbm>>
          tpu.enqueue_dma source(%dma_start3A_82 : memref<128xi32, #tpu.memory_space<hbm>>) target(%arg9 : memref<128xi32, #tpu.memory_space<vmem>>) target_semaphore(%run_scoped3A : memref<!tpu.dma_semaphore, #tpu.memory_space<semaphore_mem>>)
          %dma_wait3A_83 = tpu.memref_slice %arg5[%mul3A_68] : memref<320000xi32, #tpu.memory_space<hbm>> -> memref<128xi32, #tpu.memory_space<hbm>>
          %dma_wait3A_84 = tpu.memref_slice %arg5[%mul3A_68] : memref<320000xi32, #tpu.memory_space<hbm>> -> memref<128xi32, #tpu.memory_space<hbm>>
          tpu.wait_dma2 semaphore(%run_scoped3A : memref<!tpu.dma_semaphore, #tpu.memory_space<semaphore_mem>>) src(%dma_wait3A_84 : memref<128xi32, #tpu.memory_space<hbm>>) dst(%arg9 : memref<128xi32, #tpu.memory_space<vmem>>)
          tpu.yield
        }) : () -> ()
        %dma_start3A_69 = arith.constant 0 : i32
        %dma_start3A_70 = arith.constant 0 : i32
        %dma_start3A_71 = tpu.memref_slice %arg2[%dma_start3A_69, %dma_start3A_70] : memref<10000x128xf32, #tpu.memory_space<hbm>> -> memref<10000x128xf32, #tpu.memory_space<hbm>>
        tpu.enqueue_indirect_dma source(%dma_start3A_71 : memref<10000x128xf32, #tpu.memory_space<hbm>>) target(%arg14 : memref<128x128xf32, #tpu.memory_space<vmem>>) offsets(%arg8 : memref<128xi32, #tpu.memory_space<vmem>>) semaphore(%arg20 : memref<!tpu.dma_semaphore, #tpu.memory_space<semaphore_mem>>)
        %dma_wait3A_72 = arith.constant 0 : i32
        %dma_wait3A_73 = arith.constant 0 : i32
        %dma_wait3A_74 = tpu.memref_slice %arg2[%dma_wait3A_72, %dma_wait3A_73] : memref<10000x128xf32, #tpu.memory_space<hbm>> -> memref<10000x128xf32, #tpu.memory_space<hbm>>
        tpu.wait_indirect_dma semaphore(%arg20 : memref<!tpu.dma_semaphore, #tpu.memory_space<semaphore_mem>>) src(%dma_wait3A_74 : memref<10000x128xf32, #tpu.memory_space<hbm>>) dst(%arg14 : memref<128x128xf32, #tpu.memory_space<vmem>>)
        %dma_start3A_75 = arith.constant 0 : i32
        %dma_start3A_76 = arith.constant 0 : i32
        %dma_start3A_77 = tpu.memref_slice %arg16[%dma_start3A_75, %dma_start3A_76] : memref<10000x128xf32, #tpu.memory_space<vmem_shared>> -> memref<10000x128xf32, #tpu.memory_space<vmem_shared>>
        tpu.enqueue_indirect_dma source(%arg14 : memref<128x128xf32, #tpu.memory_space<vmem>>) target(%dma_start3A_77 : memref<10000x128xf32, #tpu.memory_space<vmem_shared>>) offsets(%arg9 : memref<128xi32, #tpu.memory_space<vmem>>) semaphore(%arg22 : memref<!tpu.dma_semaphore, #tpu.memory_space<semaphore_mem>>) {add = true}
        %dma_wait3A_78 = arith.constant 0 : i32
        %dma_wait3A_79 = arith.constant 0 : i32
        %dma_wait3A_80 = tpu.memref_slice %arg16[%dma_wait3A_78, %dma_wait3A_79] : memref<10000x128xf32, #tpu.memory_space<vmem_shared>> -> memref<10000x128xf32, #tpu.memory_space<vmem_shared>>
        tpu.wait_indirect_dma semaphore(%arg22 : memref<!tpu.dma_semaphore, #tpu.memory_space<semaphore_mem>>) src(%arg14 : memref<128x128xf32, #tpu.memory_space<vmem>>) dst(%dma_wait3A_80 : memref<10000x128xf32, #tpu.memory_space<vmem_shared>>)
      } else {
      }
    } else {
    }
    %eq3A_13 = arith.constant 1 : i32
    %eq3A_14 = arith.cmpi eq, %arg0, %eq3A_13 : i32
    %convert_element_type3A_15 = arith.extui %eq3A_14 : i1 to i32
    %cond3A_16 = arith.constant 0 : i32
    %cond3A_17 = arith.cmpi ne, %convert_element_type3A_15, %cond3A_16 : i32
    scf.if %cond3A_17 {
      %lt3A = arith.constant 4 : i32
      %lt3A_29 = arith.cmpi slt, %arg1, %lt3A : i32
      %add3A = arith.constant 0 : i32
      %add3A_30 = arith.addi %arg1, %add3A : i32
      %mul3A_31 = arith.constant 128 : i32
      %mul3A_32 = arith.muli %add3A_30, %mul3A_31 : i32
      %dma_start3A = tpu.memref_slice %arg4[%mul3A_32] : memref<320000xi32, #tpu.memory_space<hbm>> -> memref<128xi32, #tpu.memory_space<hbm>>
      %dma_start3A_33 = tpu.memref_slice %arg4[%mul3A_32] : memref<320000xi32, #tpu.memory_space<hbm>> -> memref<128xi32, #tpu.memory_space<hbm>>
      tpu.enqueue_dma source(%dma_start3A_33 : memref<128xi32, #tpu.memory_space<hbm>>) target(%arg8 : memref<128xi32, #tpu.memory_space<vmem>>) target_semaphore(%arg17 : memref<!tpu.dma_semaphore, #tpu.memory_space<semaphore_mem>>)
      %dma_start3A_34 = tpu.memref_slice %arg5[%mul3A_32] : memref<320000xi32, #tpu.memory_space<hbm>> -> memref<128xi32, #tpu.memory_space<hbm>>
      %dma_start3A_35 = tpu.memref_slice %arg5[%mul3A_32] : memref<320000xi32, #tpu.memory_space<hbm>> -> memref<128xi32, #tpu.memory_space<hbm>>
      tpu.enqueue_dma source(%dma_start3A_35 : memref<128xi32, #tpu.memory_space<hbm>>) target(%arg9 : memref<128xi32, #tpu.memory_space<vmem>>) target_semaphore(%arg17 : memref<!tpu.dma_semaphore, #tpu.memory_space<semaphore_mem>>)
      %add3A_36 = arith.constant 16 : i32
      %add3A_37 = arith.addi %arg1, %add3A_36 : i32
      %mul3A_38 = arith.constant 128 : i32
      %mul3A_39 = arith.muli %add3A_37, %mul3A_38 : i32
      %dma_start3A_40 = tpu.memref_slice %arg4[%mul3A_39] : memref<320000xi32, #tpu.memory_space<hbm>> -> memref<128xi32, #tpu.memory_space<hbm>>
      %dma_start3A_41 = tpu.memref_slice %arg4[%mul3A_39] : memref<320000xi32, #tpu.memory_space<hbm>> -> memref<128xi32, #tpu.memory_space<hbm>>
      tpu.enqueue_dma source(%dma_start3A_41 : memref<128xi32, #tpu.memory_space<hbm>>) target(%arg10 : memref<128xi32, #tpu.memory_space<vmem>>) target_semaphore(%arg18 : memref<!tpu.dma_semaphore, #tpu.memory_space<semaphore_mem>>)
      %dma_start3A_42 = tpu.memref_slice %arg5[%mul3A_39] : memref<320000xi32, #tpu.memory_space<hbm>> -> memref<128xi32, #tpu.memory_space<hbm>>
      %dma_start3A_43 = tpu.memref_slice %arg5[%mul3A_39] : memref<320000xi32, #tpu.memory_space<hbm>> -> memref<128xi32, #tpu.memory_space<hbm>>
      tpu.enqueue_dma source(%dma_start3A_43 : memref<128xi32, #tpu.memory_space<hbm>>) target(%arg11 : memref<128xi32, #tpu.memory_space<vmem>>) target_semaphore(%arg18 : memref<!tpu.dma_semaphore, #tpu.memory_space<semaphore_mem>>)
      %dma_wait3A = arith.constant 0 : i32
      %dma_wait3A_44 = tpu.memref_slice %arg4[%dma_wait3A] : memref<320000xi32, #tpu.memory_space<hbm>> -> memref<128xi32, #tpu.memory_space<hbm>>
      %dma_wait3A_45 = arith.constant 0 : i32
      %dma_wait3A_46 = tpu.memref_slice %arg4[%dma_wait3A_45] : memref<320000xi32, #tpu.memory_space<hbm>> -> memref<128xi32, #tpu.memory_space<hbm>>
      tpu.wait_dma2 semaphore(%arg17 : memref<!tpu.dma_semaphore, #tpu.memory_space<semaphore_mem>>) src(%dma_wait3A_46 : memref<128xi32, #tpu.memory_space<hbm>>) dst(%arg8 : memref<128xi32, #tpu.memory_space<vmem>>)
      %dma_wait3A_47 = arith.constant 0 : i32
      %dma_wait3A_48 = tpu.memref_slice %arg5[%dma_wait3A_47] : memref<320000xi32, #tpu.memory_space<hbm>> -> memref<128xi32, #tpu.memory_space<hbm>>
      %dma_wait3A_49 = arith.constant 0 : i32
      %dma_wait3A_50 = tpu.memref_slice %arg5[%dma_wait3A_49] : memref<320000xi32, #tpu.memory_space<hbm>> -> memref<128xi32, #tpu.memory_space<hbm>>
      tpu.wait_dma2 semaphore(%arg17 : memref<!tpu.dma_semaphore, #tpu.memory_space<semaphore_mem>>) src(%dma_wait3A_50 : memref<128xi32, #tpu.memory_space<hbm>>) dst(%arg9 : memref<128xi32, #tpu.memory_space<vmem>>)
      %dma_start3A_51 = arith.constant 0 : i32
      %dma_start3A_52 = arith.constant 0 : i32
      %dma_start3A_53 = tpu.memref_slice %arg3[%dma_start3A_51, %dma_start3A_52] : memref<10000x128xf32, #tpu.memory_space<hbm>> -> memref<10000x128xf32, #tpu.memory_space<hbm>>
      tpu.enqueue_indirect_dma source(%dma_start3A_53 : memref<10000x128xf32, #tpu.memory_space<hbm>>) target(%arg14 : memref<128x128xf32, #tpu.memory_space<vmem>>) offsets(%arg8 : memref<128xi32, #tpu.memory_space<vmem>>) semaphore(%arg20 : memref<!tpu.dma_semaphore, #tpu.memory_space<semaphore_mem>>)
      %scan3A = arith.constant 0 : i32
      %scan3A_54 = arith.constant 0 : i32
      %scan3A_55 = arith.constant 26 : i32
      %scan3A_56 = arith.addi %scan3A_54, %scan3A_55 : i32
      %scan3A_57 = arith.constant 1 : i32
      scf.for %scan3A_65 = %scan3A_54 to %scan3A_56 step %scan3A_57  : i32 {
        %mul3A_66 = arith.constant 6 : i32
        %mul3A_67 = arith.muli %mul3A_66, %scan3A_65 : i32
        %add3A_68 = arith.constant 0 : i32
        %add3A_69 = arith.addi %mul3A_67, %add3A_68 : i32
        %dma_wait3A_70 = arith.constant 0 : i32
        %dma_wait3A_71 = tpu.memref_slice %arg4[%dma_wait3A_70] : memref<320000xi32, #tpu.memory_space<hbm>> -> memref<128xi32, #tpu.memory_space<hbm>>
        %dma_wait3A_72 = arith.constant 0 : i32
        %dma_wait3A_73 = tpu.memref_slice %arg4[%dma_wait3A_72] : memref<320000xi32, #tpu.memory_space<hbm>> -> memref<128xi32, #tpu.memory_space<hbm>>
        tpu.wait_dma2 semaphore(%arg18 : memref<!tpu.dma_semaphore, #tpu.memory_space<semaphore_mem>>) src(%dma_wait3A_73 : memref<128xi32, #tpu.memory_space<hbm>>) dst(%arg10 : memref<128xi32, #tpu.memory_space<vmem>>)
        %dma_wait3A_74 = arith.constant 0 : i32
        %dma_wait3A_75 = tpu.memref_slice %arg5[%dma_wait3A_74] : memref<320000xi32, #tpu.memory_space<hbm>> -> memref<128xi32, #tpu.memory_space<hbm>>
        %dma_wait3A_76 = arith.constant 0 : i32
        %dma_wait3A_77 = tpu.memref_slice %arg5[%dma_wait3A_76] : memref<320000xi32, #tpu.memory_space<hbm>> -> memref<128xi32, #tpu.memory_space<hbm>>
        tpu.wait_dma2 semaphore(%arg18 : memref<!tpu.dma_semaphore, #tpu.memory_space<semaphore_mem>>) src(%dma_wait3A_77 : memref<128xi32, #tpu.memory_space<hbm>>) dst(%arg11 : memref<128xi32, #tpu.memory_space<vmem>>)
        %gt3A = arith.constant 0 : i32
        %gt3A_78 = arith.cmpi sgt, %scan3A_65, %gt3A : i32
        %convert_element_type3A_79 = arith.extui %gt3A_78 : i1 to i32
        %cond3A_80 = arith.constant 0 : i32
        %cond3A_81 = arith.cmpi ne, %convert_element_type3A_79, %cond3A_80 : i32
        scf.if %cond3A_81 {
          %dma_wait3A_264 = arith.constant 0 : i32
          %dma_wait3A_265 = arith.constant 0 : i32
          %dma_wait3A_266 = tpu.memref_slice %arg16[%dma_wait3A_264, %dma_wait3A_265] : memref<10000x128xf32, #tpu.memory_space<vmem_shared>> -> memref<10000x128xf32, #tpu.memory_space<vmem_shared>>
          tpu.wait_indirect_dma semaphore(%arg23 : memref<!tpu.dma_semaphore, #tpu.memory_space<semaphore_mem>>) src(%arg15 : memref<128x128xf32, #tpu.memory_space<vmem>>) dst(%dma_wait3A_266 : memref<10000x128xf32, #tpu.memory_space<vmem_shared>>)
        } else {
        }
        %add3A_82 = arith.constant 2 : i32
        %add3A_83 = arith.addi %add3A_69, %add3A_82 : i32
        %mul3A_84 = arith.constant 16 : i32
        %mul3A_85 = arith.muli %add3A_83, %mul3A_84 : i32
        %add3A_86 = arith.addi %arg1, %mul3A_85 : i32
        %mul3A_87 = arith.constant 128 : i32
        %mul3A_88 = arith.muli %add3A_86, %mul3A_87 : i32
        %dma_start3A_89 = tpu.memref_slice %arg4[%mul3A_88] : memref<320000xi32, #tpu.memory_space<hbm>> -> memref<128xi32, #tpu.memory_space<hbm>>
        %dma_start3A_90 = tpu.memref_slice %arg4[%mul3A_88] : memref<320000xi32, #tpu.memory_space<hbm>> -> memref<128xi32, #tpu.memory_space<hbm>>
        tpu.enqueue_dma source(%dma_start3A_90 : memref<128xi32, #tpu.memory_space<hbm>>) target(%arg12 : memref<128xi32, #tpu.memory_space<vmem>>) target_semaphore(%arg19 : memref<!tpu.dma_semaphore, #tpu.memory_space<semaphore_mem>>)
        %dma_start3A_91 = tpu.memref_slice %arg5[%mul3A_88] : memref<320000xi32, #tpu.memory_space<hbm>> -> memref<128xi32, #tpu.memory_space<hbm>>
        %dma_start3A_92 = tpu.memref_slice %arg5[%mul3A_88] : memref<320000xi32, #tpu.memory_space<hbm>> -> memref<128xi32, #tpu.memory_space<hbm>>
        tpu.enqueue_dma source(%dma_start3A_92 : memref<128xi32, #tpu.memory_space<hbm>>) target(%arg13 : memref<128xi32, #tpu.memory_space<vmem>>) target_semaphore(%arg19 : memref<!tpu.dma_semaphore, #tpu.memory_space<semaphore_mem>>)
        %dma_start3A_93 = arith.constant 0 : i32
        %dma_start3A_94 = arith.constant 0 : i32
        %dma_start3A_95 = tpu.memref_slice %arg3[%dma_start3A_93, %dma_start3A_94] : memref<10000x128xf32, #tpu.memory_space<hbm>> -> memref<10000x128xf32, #tpu.memory_space<hbm>>
        tpu.enqueue_indirect_dma source(%dma_start3A_95 : memref<10000x128xf32, #tpu.memory_space<hbm>>) target(%arg15 : memref<128x128xf32, #tpu.memory_space<vmem>>) offsets(%arg10 : memref<128xi32, #tpu.memory_space<vmem>>) semaphore(%arg21 : memref<!tpu.dma_semaphore, #tpu.memory_space<semaphore_mem>>)
        %dma_wait3A_96 = arith.constant 0 : i32
        %dma_wait3A_97 = arith.constant 0 : i32
        %dma_wait3A_98 = tpu.memref_slice %arg3[%dma_wait3A_96, %dma_wait3A_97] : memref<10000x128xf32, #tpu.memory_space<hbm>> -> memref<10000x128xf32, #tpu.memory_space<hbm>>
        tpu.wait_indirect_dma semaphore(%arg20 : memref<!tpu.dma_semaphore, #tpu.memory_space<semaphore_mem>>) src(%dma_wait3A_98 : memref<10000x128xf32, #tpu.memory_space<hbm>>) dst(%arg14 : memref<128x128xf32, #tpu.memory_space<vmem>>)
        %dma_start3A_99 = arith.constant 0 : i32
        %dma_start3A_100 = arith.constant 0 : i32
        %dma_start3A_101 = tpu.memref_slice %arg16[%dma_start3A_99, %dma_start3A_100] : memref<10000x128xf32, #tpu.memory_space<vmem_shared>> -> memref<10000x128xf32, #tpu.memory_space<vmem_shared>>
        tpu.enqueue_indirect_dma source(%arg14 : memref<128x128xf32, #tpu.memory_space<vmem>>) target(%dma_start3A_101 : memref<10000x128xf32, #tpu.memory_space<vmem_shared>>) offsets(%arg9 : memref<128xi32, #tpu.memory_space<vmem>>) semaphore(%arg22 : memref<!tpu.dma_semaphore, #tpu.memory_space<semaphore_mem>>) {add = true}
        %mul3A_102 = arith.constant 6 : i32
        %mul3A_103 = arith.muli %mul3A_102, %scan3A_65 : i32
        %add3A_104 = arith.constant 1 : i32
        %add3A_105 = arith.addi %mul3A_103, %add3A_104 : i32
        %dma_wait3A_106 = arith.constant 0 : i32
        %dma_wait3A_107 = tpu.memref_slice %arg4[%dma_wait3A_106] : memref<320000xi32, #tpu.memory_space<hbm>> -> memref<128xi32, #tpu.memory_space<hbm>>
        %dma_wait3A_108 = arith.constant 0 : i32
        %dma_wait3A_109 = tpu.memref_slice %arg4[%dma_wait3A_108] : memref<320000xi32, #tpu.memory_space<hbm>> -> memref<128xi32, #tpu.memory_space<hbm>>
        tpu.wait_dma2 semaphore(%arg19 : memref<!tpu.dma_semaphore, #tpu.memory_space<semaphore_mem>>) src(%dma_wait3A_109 : memref<128xi32, #tpu.memory_space<hbm>>) dst(%arg12 : memref<128xi32, #tpu.memory_space<vmem>>)
        %dma_wait3A_110 = arith.constant 0 : i32
        %dma_wait3A_111 = tpu.memref_slice %arg5[%dma_wait3A_110] : memref<320000xi32, #tpu.memory_space<hbm>> -> memref<128xi32, #tpu.memory_space<hbm>>
        %dma_wait3A_112 = arith.constant 0 : i32
        %dma_wait3A_113 = tpu.memref_slice %arg5[%dma_wait3A_112] : memref<320000xi32, #tpu.memory_space<hbm>> -> memref<128xi32, #tpu.memory_space<hbm>>
        tpu.wait_dma2 semaphore(%arg19 : memref<!tpu.dma_semaphore, #tpu.memory_space<semaphore_mem>>) src(%dma_wait3A_113 : memref<128xi32, #tpu.memory_space<hbm>>) dst(%arg13 : memref<128xi32, #tpu.memory_space<vmem>>)
        %dma_wait3A_114 = arith.constant 0 : i32
        %dma_wait3A_115 = arith.constant 0 : i32
        %dma_wait3A_116 = tpu.memref_slice %arg16[%dma_wait3A_114, %dma_wait3A_115] : memref<10000x128xf32, #tpu.memory_space<vmem_shared>> -> memref<10000x128xf32, #tpu.memory_space<vmem_shared>>
        tpu.wait_indirect_dma semaphore(%arg22 : memref<!tpu.dma_semaphore, #tpu.memory_space<semaphore_mem>>) src(%arg14 : memref<128x128xf32, #tpu.memory_space<vmem>>) dst(%dma_wait3A_116 : memref<10000x128xf32, #tpu.memory_space<vmem_shared>>)
        %add3A_117 = arith.constant 2 : i32
        %add3A_118 = arith.addi %add3A_105, %add3A_117 : i32
        %mul3A_119 = arith.constant 16 : i32
        %mul3A_120 = arith.muli %add3A_118, %mul3A_119 : i32
        %add3A_121 = arith.addi %arg1, %mul3A_120 : i32
        %mul3A_122 = arith.constant 128 : i32
        %mul3A_123 = arith.muli %add3A_121, %mul3A_122 : i32
        %dma_start3A_124 = tpu.memref_slice %arg4[%mul3A_123] : memref<320000xi32, #tpu.memory_space<hbm>> -> memref<128xi32, #tpu.memory_space<hbm>>
        %dma_start3A_125 = tpu.memref_slice %arg4[%mul3A_123] : memref<320000xi32, #tpu.memory_space<hbm>> -> memref<128xi32, #tpu.memory_space<hbm>>
        tpu.enqueue_dma source(%dma_start3A_125 : memref<128xi32, #tpu.memory_space<hbm>>) target(%arg8 : memref<128xi32, #tpu.memory_space<vmem>>) target_semaphore(%arg17 : memref<!tpu.dma_semaphore, #tpu.memory_space<semaphore_mem>>)
        %dma_start3A_126 = tpu.memref_slice %arg5[%mul3A_123] : memref<320000xi32, #tpu.memory_space<hbm>> -> memref<128xi32, #tpu.memory_space<hbm>>
        %dma_start3A_127 = tpu.memref_slice %arg5[%mul3A_123] : memref<320000xi32, #tpu.memory_space<hbm>> -> memref<128xi32, #tpu.memory_space<hbm>>
        tpu.enqueue_dma source(%dma_start3A_127 : memref<128xi32, #tpu.memory_space<hbm>>) target(%arg9 : memref<128xi32, #tpu.memory_space<vmem>>) target_semaphore(%arg17 : memref<!tpu.dma_semaphore, #tpu.memory_space<semaphore_mem>>)
        %dma_start3A_128 = arith.constant 0 : i32
        %dma_start3A_129 = arith.constant 0 : i32
        %dma_start3A_130 = tpu.memref_slice %arg3[%dma_start3A_128, %dma_start3A_129] : memref<10000x128xf32, #tpu.memory_space<hbm>> -> memref<10000x128xf32, #tpu.memory_space<hbm>>
        tpu.enqueue_indirect_dma source(%dma_start3A_130 : memref<10000x128xf32, #tpu.memory_space<hbm>>) target(%arg14 : memref<128x128xf32, #tpu.memory_space<vmem>>) offsets(%arg12 : memref<128xi32, #tpu.memory_space<vmem>>) semaphore(%arg20 : memref<!tpu.dma_semaphore, #tpu.memory_space<semaphore_mem>>)
        %dma_wait3A_131 = arith.constant 0 : i32
        %dma_wait3A_132 = arith.constant 0 : i32
        %dma_wait3A_133 = tpu.memref_slice %arg3[%dma_wait3A_131, %dma_wait3A_132] : memref<10000x128xf32, #tpu.memory_space<hbm>> -> memref<10000x128xf32, #tpu.memory_space<hbm>>
        tpu.wait_indirect_dma semaphore(%arg21 : memref<!tpu.dma_semaphore, #tpu.memory_space<semaphore_mem>>) src(%dma_wait3A_133 : memref<10000x128xf32, #tpu.memory_space<hbm>>) dst(%arg15 : memref<128x128xf32, #tpu.memory_space<vmem>>)
        %dma_start3A_134 = arith.constant 0 : i32
        %dma_start3A_135 = arith.constant 0 : i32
        %dma_start3A_136 = tpu.memref_slice %arg16[%dma_start3A_134, %dma_start3A_135] : memref<10000x128xf32, #tpu.memory_space<vmem_shared>> -> memref<10000x128xf32, #tpu.memory_space<vmem_shared>>
        tpu.enqueue_indirect_dma source(%arg15 : memref<128x128xf32, #tpu.memory_space<vmem>>) target(%dma_start3A_136 : memref<10000x128xf32, #tpu.memory_space<vmem_shared>>) offsets(%arg11 : memref<128xi32, #tpu.memory_space<vmem>>) semaphore(%arg23 : memref<!tpu.dma_semaphore, #tpu.memory_space<semaphore_mem>>) {add = true}
        %mul3A_137 = arith.constant 6 : i32
        %mul3A_138 = arith.muli %mul3A_137, %scan3A_65 : i32
        %add3A_139 = arith.constant 2 : i32
        %add3A_140 = arith.addi %mul3A_138, %add3A_139 : i32
        %dma_wait3A_141 = arith.constant 0 : i32
        %dma_wait3A_142 = tpu.memref_slice %arg4[%dma_wait3A_141] : memref<320000xi32, #tpu.memory_space<hbm>> -> memref<128xi32, #tpu.memory_space<hbm>>
        %dma_wait3A_143 = arith.constant 0 : i32
        %dma_wait3A_144 = tpu.memref_slice %arg4[%dma_wait3A_143] : memref<320000xi32, #tpu.memory_space<hbm>> -> memref<128xi32, #tpu.memory_space<hbm>>
        tpu.wait_dma2 semaphore(%arg17 : memref<!tpu.dma_semaphore, #tpu.memory_space<semaphore_mem>>) src(%dma_wait3A_144 : memref<128xi32, #tpu.memory_space<hbm>>) dst(%arg8 : memref<128xi32, #tpu.memory_space<vmem>>)
        %dma_wait3A_145 = arith.constant 0 : i32
        %dma_wait3A_146 = tpu.memref_slice %arg5[%dma_wait3A_145] : memref<320000xi32, #tpu.memory_space<hbm>> -> memref<128xi32, #tpu.memory_space<hbm>>
        %dma_wait3A_147 = arith.constant 0 : i32
        %dma_wait3A_148 = tpu.memref_slice %arg5[%dma_wait3A_147] : memref<320000xi32, #tpu.memory_space<hbm>> -> memref<128xi32, #tpu.memory_space<hbm>>
        tpu.wait_dma2 semaphore(%arg17 : memref<!tpu.dma_semaphore, #tpu.memory_space<semaphore_mem>>) src(%dma_wait3A_148 : memref<128xi32, #tpu.memory_space<hbm>>) dst(%arg9 : memref<128xi32, #tpu.memory_space<vmem>>)
        %dma_wait3A_149 = arith.constant 0 : i32
        %dma_wait3A_150 = arith.constant 0 : i32
        %dma_wait3A_151 = tpu.memref_slice %arg16[%dma_wait3A_149, %dma_wait3A_150] : memref<10000x128xf32, #tpu.memory_space<vmem_shared>> -> memref<10000x128xf32, #tpu.memory_space<vmem_shared>>
        tpu.wait_indirect_dma semaphore(%arg23 : memref<!tpu.dma_semaphore, #tpu.memory_space<semaphore_mem>>) src(%arg15 : memref<128x128xf32, #tpu.memory_space<vmem>>) dst(%dma_wait3A_151 : memref<10000x128xf32, #tpu.memory_space<vmem_shared>>)
        %add3A_152 = arith.constant 2 : i32
        %add3A_153 = arith.addi %add3A_140, %add3A_152 : i32
        %mul3A_154 = arith.constant 16 : i32
        %mul3A_155 = arith.muli %add3A_153, %mul3A_154 : i32
        %add3A_156 = arith.addi %arg1, %mul3A_155 : i32
        %mul3A_157 = arith.constant 128 : i32
        %mul3A_158 = arith.muli %add3A_156, %mul3A_157 : i32
        %dma_start3A_159 = tpu.memref_slice %arg4[%mul3A_158] : memref<320000xi32, #tpu.memory_space<hbm>> -> memref<128xi32, #tpu.memory_space<hbm>>
        %dma_start3A_160 = tpu.memref_slice %arg4[%mul3A_158] : memref<320000xi32, #tpu.memory_space<hbm>> -> memref<128xi32, #tpu.memory_space<hbm>>
        tpu.enqueue_dma source(%dma_start3A_160 : memref<128xi32, #tpu.memory_space<hbm>>) target(%arg10 : memref<128xi32, #tpu.memory_space<vmem>>) target_semaphore(%arg18 : memref<!tpu.dma_semaphore, #tpu.memory_space<semaphore_mem>>)
        %dma_start3A_161 = tpu.memref_slice %arg5[%mul3A_158] : memref<320000xi32, #tpu.memory_space<hbm>> -> memref<128xi32, #tpu.memory_space<hbm>>
        %dma_start3A_162 = tpu.memref_slice %arg5[%mul3A_158] : memref<320000xi32, #tpu.memory_space<hbm>> -> memref<128xi32, #tpu.memory_space<hbm>>
        tpu.enqueue_dma source(%dma_start3A_162 : memref<128xi32, #tpu.memory_space<hbm>>) target(%arg11 : memref<128xi32, #tpu.memory_space<vmem>>) target_semaphore(%arg18 : memref<!tpu.dma_semaphore, #tpu.memory_space<semaphore_mem>>)
        %dma_start3A_163 = arith.constant 0 : i32
        %dma_start3A_164 = arith.constant 0 : i32
        %dma_start3A_165 = tpu.memref_slice %arg3[%dma_start3A_163, %dma_start3A_164] : memref<10000x128xf32, #tpu.memory_space<hbm>> -> memref<10000x128xf32, #tpu.memory_space<hbm>>
        tpu.enqueue_indirect_dma source(%dma_start3A_165 : memref<10000x128xf32, #tpu.memory_space<hbm>>) target(%arg15 : memref<128x128xf32, #tpu.memory_space<vmem>>) offsets(%arg8 : memref<128xi32, #tpu.memory_space<vmem>>) semaphore(%arg21 : memref<!tpu.dma_semaphore, #tpu.memory_space<semaphore_mem>>)
        %dma_wait3A_166 = arith.constant 0 : i32
        %dma_wait3A_167 = arith.constant 0 : i32
        %dma_wait3A_168 = tpu.memref_slice %arg3[%dma_wait3A_166, %dma_wait3A_167] : memref<10000x128xf32, #tpu.memory_space<hbm>> -> memref<10000x128xf32, #tpu.memory_space<hbm>>
        tpu.wait_indirect_dma semaphore(%arg20 : memref<!tpu.dma_semaphore, #tpu.memory_space<semaphore_mem>>) src(%dma_wait3A_168 : memref<10000x128xf32, #tpu.memory_space<hbm>>) dst(%arg14 : memref<128x128xf32, #tpu.memory_space<vmem>>)
        %dma_start3A_169 = arith.constant 0 : i32
        %dma_start3A_170 = arith.constant 0 : i32
        %dma_start3A_171 = tpu.memref_slice %arg16[%dma_start3A_169, %dma_start3A_170] : memref<10000x128xf32, #tpu.memory_space<vmem_shared>> -> memref<10000x128xf32, #tpu.memory_space<vmem_shared>>
        tpu.enqueue_indirect_dma source(%arg14 : memref<128x128xf32, #tpu.memory_space<vmem>>) target(%dma_start3A_171 : memref<10000x128xf32, #tpu.memory_space<vmem_shared>>) offsets(%arg13 : memref<128xi32, #tpu.memory_space<vmem>>) semaphore(%arg22 : memref<!tpu.dma_semaphore, #tpu.memory_space<semaphore_mem>>) {add = true}
        %mul3A_172 = arith.constant 6 : i32
        %mul3A_173 = arith.muli %mul3A_172, %scan3A_65 : i32
        %add3A_174 = arith.constant 3 : i32
        %add3A_175 = arith.addi %mul3A_173, %add3A_174 : i32
        %dma_wait3A_176 = arith.constant 0 : i32
        %dma_wait3A_177 = tpu.memref_slice %arg4[%dma_wait3A_176] : memref<320000xi32, #tpu.memory_space<hbm>> -> memref<128xi32, #tpu.memory_space<hbm>>
        %dma_wait3A_178 = arith.constant 0 : i32
        %dma_wait3A_179 = tpu.memref_slice %arg4[%dma_wait3A_178] : memref<320000xi32, #tpu.memory_space<hbm>> -> memref<128xi32, #tpu.memory_space<hbm>>
        tpu.wait_dma2 semaphore(%arg18 : memref<!tpu.dma_semaphore, #tpu.memory_space<semaphore_mem>>) src(%dma_wait3A_179 : memref<128xi32, #tpu.memory_space<hbm>>) dst(%arg10 : memref<128xi32, #tpu.memory_space<vmem>>)
        %dma_wait3A_180 = arith.constant 0 : i32
        %dma_wait3A_181 = tpu.memref_slice %arg5[%dma_wait3A_180] : memref<320000xi32, #tpu.memory_space<hbm>> -> memref<128xi32, #tpu.memory_space<hbm>>
        %dma_wait3A_182 = arith.constant 0 : i32
        %dma_wait3A_183 = tpu.memref_slice %arg5[%dma_wait3A_182] : memref<320000xi32, #tpu.memory_space<hbm>> -> memref<128xi32, #tpu.memory_space<hbm>>
        tpu.wait_dma2 semaphore(%arg18 : memref<!tpu.dma_semaphore, #tpu.memory_space<semaphore_mem>>) src(%dma_wait3A_183 : memref<128xi32, #tpu.memory_space<hbm>>) dst(%arg11 : memref<128xi32, #tpu.memory_space<vmem>>)
        %dma_wait3A_184 = arith.constant 0 : i32
        %dma_wait3A_185 = arith.constant 0 : i32
        %dma_wait3A_186 = tpu.memref_slice %arg16[%dma_wait3A_184, %dma_wait3A_185] : memref<10000x128xf32, #tpu.memory_space<vmem_shared>> -> memref<10000x128xf32, #tpu.memory_space<vmem_shared>>
        tpu.wait_indirect_dma semaphore(%arg22 : memref<!tpu.dma_semaphore, #tpu.memory_space<semaphore_mem>>) src(%arg14 : memref<128x128xf32, #tpu.memory_space<vmem>>) dst(%dma_wait3A_186 : memref<10000x128xf32, #tpu.memory_space<vmem_shared>>)
        %add3A_187 = arith.constant 2 : i32
        %add3A_188 = arith.addi %add3A_175, %add3A_187 : i32
        %mul3A_189 = arith.constant 16 : i32
        %mul3A_190 = arith.muli %add3A_188, %mul3A_189 : i32
        %add3A_191 = arith.addi %arg1, %mul3A_190 : i32
        %mul3A_192 = arith.constant 128 : i32
        %mul3A_193 = arith.muli %add3A_191, %mul3A_192 : i32
        %dma_start3A_194 = tpu.memref_slice %arg4[%mul3A_193] : memref<320000xi32, #tpu.memory_space<hbm>> -> memref<128xi32, #tpu.memory_space<hbm>>
        %dma_start3A_195 = tpu.memref_slice %arg4[%mul3A_193] : memref<320000xi32, #tpu.memory_space<hbm>> -> memref<128xi32, #tpu.memory_space<hbm>>
        tpu.enqueue_dma source(%dma_start3A_195 : memref<128xi32, #tpu.memory_space<hbm>>) target(%arg12 : memref<128xi32, #tpu.memory_space<vmem>>) target_semaphore(%arg19 : memref<!tpu.dma_semaphore, #tpu.memory_space<semaphore_mem>>)
        %dma_start3A_196 = tpu.memref_slice %arg5[%mul3A_193] : memref<320000xi32, #tpu.memory_space<hbm>> -> memref<128xi32, #tpu.memory_space<hbm>>
        %dma_start3A_197 = tpu.memref_slice %arg5[%mul3A_193] : memref<320000xi32, #tpu.memory_space<hbm>> -> memref<128xi32, #tpu.memory_space<hbm>>
        tpu.enqueue_dma source(%dma_start3A_197 : memref<128xi32, #tpu.memory_space<hbm>>) target(%arg13 : memref<128xi32, #tpu.memory_space<vmem>>) target_semaphore(%arg19 : memref<!tpu.dma_semaphore, #tpu.memory_space<semaphore_mem>>)
        %dma_start3A_198 = arith.constant 0 : i32
        %dma_start3A_199 = arith.constant 0 : i32
        %dma_start3A_200 = tpu.memref_slice %arg3[%dma_start3A_198, %dma_start3A_199] : memref<10000x128xf32, #tpu.memory_space<hbm>> -> memref<10000x128xf32, #tpu.memory_space<hbm>>
        tpu.enqueue_indirect_dma source(%dma_start3A_200 : memref<10000x128xf32, #tpu.memory_space<hbm>>) target(%arg14 : memref<128x128xf32, #tpu.memory_space<vmem>>) offsets(%arg10 : memref<128xi32, #tpu.memory_space<vmem>>) semaphore(%arg20 : memref<!tpu.dma_semaphore, #tpu.memory_space<semaphore_mem>>)
        %dma_wait3A_201 = arith.constant 0 : i32
        %dma_wait3A_202 = arith.constant 0 : i32
        %dma_wait3A_203 = tpu.memref_slice %arg3[%dma_wait3A_201, %dma_wait3A_202] : memref<10000x128xf32, #tpu.memory_space<hbm>> -> memref<10000x128xf32, #tpu.memory_space<hbm>>
        tpu.wait_indirect_dma semaphore(%arg21 : memref<!tpu.dma_semaphore, #tpu.memory_space<semaphore_mem>>) src(%dma_wait3A_203 : memref<10000x128xf32, #tpu.memory_space<hbm>>) dst(%arg15 : memref<128x128xf32, #tpu.memory_space<vmem>>)
        %dma_start3A_204 = arith.constant 0 : i32
        %dma_start3A_205 = arith.constant 0 : i32
        %dma_start3A_206 = tpu.memref_slice %arg16[%dma_start3A_204, %dma_start3A_205] : memref<10000x128xf32, #tpu.memory_space<vmem_shared>> -> memref<10000x128xf32, #tpu.memory_space<vmem_shared>>
        tpu.enqueue_indirect_dma source(%arg15 : memref<128x128xf32, #tpu.memory_space<vmem>>) target(%dma_start3A_206 : memref<10000x128xf32, #tpu.memory_space<vmem_shared>>) offsets(%arg9 : memref<128xi32, #tpu.memory_space<vmem>>) semaphore(%arg23 : memref<!tpu.dma_semaphore, #tpu.memory_space<semaphore_mem>>) {add = true}
        %mul3A_207 = arith.constant 6 : i32
        %mul3A_208 = arith.muli %mul3A_207, %scan3A_65 : i32
        %add3A_209 = arith.constant 4 : i32
        %add3A_210 = arith.addi %mul3A_208, %add3A_209 : i32
        %dma_wait3A_211 = arith.constant 0 : i32
        %dma_wait3A_212 = tpu.memref_slice %arg4[%dma_wait3A_211] : memref<320000xi32, #tpu.memory_space<hbm>> -> memref<128xi32, #tpu.memory_space<hbm>>
        %dma_wait3A_213 = arith.constant 0 : i32
        %dma_wait3A_214 = tpu.memref_slice %arg4[%dma_wait3A_213] : memref<320000xi32, #tpu.memory_space<hbm>> -> memref<128xi32, #tpu.memory_space<hbm>>
        tpu.wait_dma2 semaphore(%arg19 : memref<!tpu.dma_semaphore, #tpu.memory_space<semaphore_mem>>) src(%dma_wait3A_214 : memref<128xi32, #tpu.memory_space<hbm>>) dst(%arg12 : memref<128xi32, #tpu.memory_space<vmem>>)
        %dma_wait3A_215 = arith.constant 0 : i32
        %dma_wait3A_216 = tpu.memref_slice %arg5[%dma_wait3A_215] : memref<320000xi32, #tpu.memory_space<hbm>> -> memref<128xi32, #tpu.memory_space<hbm>>
        %dma_wait3A_217 = arith.constant 0 : i32
        %dma_wait3A_218 = tpu.memref_slice %arg5[%dma_wait3A_217] : memref<320000xi32, #tpu.memory_space<hbm>> -> memref<128xi32, #tpu.memory_space<hbm>>
        tpu.wait_dma2 semaphore(%arg19 : memref<!tpu.dma_semaphore, #tpu.memory_space<semaphore_mem>>) src(%dma_wait3A_218 : memref<128xi32, #tpu.memory_space<hbm>>) dst(%arg13 : memref<128xi32, #tpu.memory_space<vmem>>)
        %dma_wait3A_219 = arith.constant 0 : i32
        %dma_wait3A_220 = arith.constant 0 : i32
        %dma_wait3A_221 = tpu.memref_slice %arg16[%dma_wait3A_219, %dma_wait3A_220] : memref<10000x128xf32, #tpu.memory_space<vmem_shared>> -> memref<10000x128xf32, #tpu.memory_space<vmem_shared>>
        tpu.wait_indirect_dma semaphore(%arg23 : memref<!tpu.dma_semaphore, #tpu.memory_space<semaphore_mem>>) src(%arg15 : memref<128x128xf32, #tpu.memory_space<vmem>>) dst(%dma_wait3A_221 : memref<10000x128xf32, #tpu.memory_space<vmem_shared>>)
        %lt3A_222 = arith.constant 25 : i32
        %lt3A_223 = arith.cmpi slt, %scan3A_65, %lt3A_222 : i32
        %convert_element_type3A_224 = arith.extui %lt3A_223 : i1 to i32
        %cond3A_225 = arith.constant 0 : i32
        %cond3A_226 = arith.cmpi ne, %convert_element_type3A_224, %cond3A_225 : i32
        scf.if %cond3A_226 {
          %add3A_264 = arith.constant 2 : i32
          %add3A_265 = arith.addi %add3A_210, %add3A_264 : i32
          %mul3A_266 = arith.constant 16 : i32
          %mul3A_267 = arith.muli %add3A_265, %mul3A_266 : i32
          %add3A_268 = arith.addi %arg1, %mul3A_267 : i32
          %mul3A_269 = arith.constant 128 : i32
          %mul3A_270 = arith.muli %add3A_268, %mul3A_269 : i32
          %dma_start3A_271 = tpu.memref_slice %arg4[%mul3A_270] : memref<320000xi32, #tpu.memory_space<hbm>> -> memref<128xi32, #tpu.memory_space<hbm>>
          %dma_start3A_272 = tpu.memref_slice %arg4[%mul3A_270] : memref<320000xi32, #tpu.memory_space<hbm>> -> memref<128xi32, #tpu.memory_space<hbm>>
          tpu.enqueue_dma source(%dma_start3A_272 : memref<128xi32, #tpu.memory_space<hbm>>) target(%arg8 : memref<128xi32, #tpu.memory_space<vmem>>) target_semaphore(%arg17 : memref<!tpu.dma_semaphore, #tpu.memory_space<semaphore_mem>>)
          %dma_start3A_273 = tpu.memref_slice %arg5[%mul3A_270] : memref<320000xi32, #tpu.memory_space<hbm>> -> memref<128xi32, #tpu.memory_space<hbm>>
          %dma_start3A_274 = tpu.memref_slice %arg5[%mul3A_270] : memref<320000xi32, #tpu.memory_space<hbm>> -> memref<128xi32, #tpu.memory_space<hbm>>
          tpu.enqueue_dma source(%dma_start3A_274 : memref<128xi32, #tpu.memory_space<hbm>>) target(%arg9 : memref<128xi32, #tpu.memory_space<vmem>>) target_semaphore(%arg17 : memref<!tpu.dma_semaphore, #tpu.memory_space<semaphore_mem>>)
        } else {
        }
        %dma_start3A_227 = arith.constant 0 : i32
        %dma_start3A_228 = arith.constant 0 : i32
        %dma_start3A_229 = tpu.memref_slice %arg3[%dma_start3A_227, %dma_start3A_228] : memref<10000x128xf32, #tpu.memory_space<hbm>> -> memref<10000x128xf32, #tpu.memory_space<hbm>>
        tpu.enqueue_indirect_dma source(%dma_start3A_229 : memref<10000x128xf32, #tpu.memory_space<hbm>>) target(%arg15 : memref<128x128xf32, #tpu.memory_space<vmem>>) offsets(%arg12 : memref<128xi32, #tpu.memory_space<vmem>>) semaphore(%arg21 : memref<!tpu.dma_semaphore, #tpu.memory_space<semaphore_mem>>)
        %dma_wait3A_230 = arith.constant 0 : i32
        %dma_wait3A_231 = arith.constant 0 : i32
        %dma_wait3A_232 = tpu.memref_slice %arg3[%dma_wait3A_230, %dma_wait3A_231] : memref<10000x128xf32, #tpu.memory_space<hbm>> -> memref<10000x128xf32, #tpu.memory_space<hbm>>
        tpu.wait_indirect_dma semaphore(%arg20 : memref<!tpu.dma_semaphore, #tpu.memory_space<semaphore_mem>>) src(%dma_wait3A_232 : memref<10000x128xf32, #tpu.memory_space<hbm>>) dst(%arg14 : memref<128x128xf32, #tpu.memory_space<vmem>>)
        %dma_start3A_233 = arith.constant 0 : i32
        %dma_start3A_234 = arith.constant 0 : i32
        %dma_start3A_235 = tpu.memref_slice %arg16[%dma_start3A_233, %dma_start3A_234] : memref<10000x128xf32, #tpu.memory_space<vmem_shared>> -> memref<10000x128xf32, #tpu.memory_space<vmem_shared>>
        tpu.enqueue_indirect_dma source(%arg14 : memref<128x128xf32, #tpu.memory_space<vmem>>) target(%dma_start3A_235 : memref<10000x128xf32, #tpu.memory_space<vmem_shared>>) offsets(%arg11 : memref<128xi32, #tpu.memory_space<vmem>>) semaphore(%arg22 : memref<!tpu.dma_semaphore, #tpu.memory_space<semaphore_mem>>) {add = true}
        %mul3A_236 = arith.constant 6 : i32
        %mul3A_237 = arith.muli %mul3A_236, %scan3A_65 : i32
        %add3A_238 = arith.constant 5 : i32
        %add3A_239 = arith.addi %mul3A_237, %add3A_238 : i32
        %lt3A_240 = arith.constant 25 : i32
        %lt3A_241 = arith.cmpi slt, %scan3A_65, %lt3A_240 : i32
        %convert_element_type3A_242 = arith.extui %lt3A_241 : i1 to i32
        %cond3A_243 = arith.constant 0 : i32
        %cond3A_244 = arith.cmpi ne, %convert_element_type3A_242, %cond3A_243 : i32
        scf.if %cond3A_244 {
          %dma_wait3A_264 = arith.constant 0 : i32
          %dma_wait3A_265 = tpu.memref_slice %arg4[%dma_wait3A_264] : memref<320000xi32, #tpu.memory_space<hbm>> -> memref<128xi32, #tpu.memory_space<hbm>>
          %dma_wait3A_266 = arith.constant 0 : i32
          %dma_wait3A_267 = tpu.memref_slice %arg4[%dma_wait3A_266] : memref<320000xi32, #tpu.memory_space<hbm>> -> memref<128xi32, #tpu.memory_space<hbm>>
          tpu.wait_dma2 semaphore(%arg17 : memref<!tpu.dma_semaphore, #tpu.memory_space<semaphore_mem>>) src(%dma_wait3A_267 : memref<128xi32, #tpu.memory_space<hbm>>) dst(%arg8 : memref<128xi32, #tpu.memory_space<vmem>>)
          %dma_wait3A_268 = arith.constant 0 : i32
          %dma_wait3A_269 = tpu.memref_slice %arg5[%dma_wait3A_268] : memref<320000xi32, #tpu.memory_space<hbm>> -> memref<128xi32, #tpu.memory_space<hbm>>
          %dma_wait3A_270 = arith.constant 0 : i32
          %dma_wait3A_271 = tpu.memref_slice %arg5[%dma_wait3A_270] : memref<320000xi32, #tpu.memory_space<hbm>> -> memref<128xi32, #tpu.memory_space<hbm>>
          tpu.wait_dma2 semaphore(%arg17 : memref<!tpu.dma_semaphore, #tpu.memory_space<semaphore_mem>>) src(%dma_wait3A_271 : memref<128xi32, #tpu.memory_space<hbm>>) dst(%arg9 : memref<128xi32, #tpu.memory_space<vmem>>)
        } else {
        }
        %dma_wait3A_245 = arith.constant 0 : i32
        %dma_wait3A_246 = arith.constant 0 : i32
        %dma_wait3A_247 = tpu.memref_slice %arg16[%dma_wait3A_245, %dma_wait3A_246] : memref<10000x128xf32, #tpu.memory_space<vmem_shared>> -> memref<10000x128xf32, #tpu.memory_space<vmem_shared>>
        tpu.wait_indirect_dma semaphore(%arg22 : memref<!tpu.dma_semaphore, #tpu.memory_space<semaphore_mem>>) src(%arg14 : memref<128x128xf32, #tpu.memory_space<vmem>>) dst(%dma_wait3A_247 : memref<10000x128xf32, #tpu.memory_space<vmem_shared>>)
        %lt3A_248 = arith.constant 25 : i32
        %lt3A_249 = arith.cmpi slt, %scan3A_65, %lt3A_248 : i32
        %convert_element_type3A_250 = arith.extui %lt3A_249 : i1 to i32
        %cond3A_251 = arith.constant 0 : i32
        %cond3A_252 = arith.cmpi ne, %convert_element_type3A_250, %cond3A_251 : i32
        scf.if %cond3A_252 {
          %add3A_264 = arith.constant 2 : i32
          %add3A_265 = arith.addi %add3A_239, %add3A_264 : i32
          %mul3A_266 = arith.constant 16 : i32
          %mul3A_267 = arith.muli %add3A_265, %mul3A_266 : i32
          %add3A_268 = arith.addi %arg1, %mul3A_267 : i32
          %mul3A_269 = arith.constant 128 : i32
          %mul3A_270 = arith.muli %add3A_268, %mul3A_269 : i32
          %dma_start3A_271 = tpu.memref_slice %arg4[%mul3A_270] : memref<320000xi32, #tpu.memory_space<hbm>> -> memref<128xi32, #tpu.memory_space<hbm>>
          %dma_start3A_272 = tpu.memref_slice %arg4[%mul3A_270] : memref<320000xi32, #tpu.memory_space<hbm>> -> memref<128xi32, #tpu.memory_space<hbm>>
          tpu.enqueue_dma source(%dma_start3A_272 : memref<128xi32, #tpu.memory_space<hbm>>) target(%arg10 : memref<128xi32, #tpu.memory_space<vmem>>) target_semaphore(%arg18 : memref<!tpu.dma_semaphore, #tpu.memory_space<semaphore_mem>>)
          %dma_start3A_273 = tpu.memref_slice %arg5[%mul3A_270] : memref<320000xi32, #tpu.memory_space<hbm>> -> memref<128xi32, #tpu.memory_space<hbm>>
          %dma_start3A_274 = tpu.memref_slice %arg5[%mul3A_270] : memref<320000xi32, #tpu.memory_space<hbm>> -> memref<128xi32, #tpu.memory_space<hbm>>
          tpu.enqueue_dma source(%dma_start3A_274 : memref<128xi32, #tpu.memory_space<hbm>>) target(%arg11 : memref<128xi32, #tpu.memory_space<vmem>>) target_semaphore(%arg18 : memref<!tpu.dma_semaphore, #tpu.memory_space<semaphore_mem>>)
        } else {
        }
        %lt3A_253 = arith.constant 25 : i32
        %lt3A_254 = arith.cmpi slt, %scan3A_65, %lt3A_253 : i32
        %convert_element_type3A_255 = arith.extui %lt3A_254 : i1 to i32
        %cond3A_256 = arith.constant 0 : i32
        %cond3A_257 = arith.cmpi ne, %convert_element_type3A_255, %cond3A_256 : i32
        scf.if %cond3A_257 {
          %dma_start3A_264 = arith.constant 0 : i32
          %dma_start3A_265 = arith.constant 0 : i32
          %dma_start3A_266 = tpu.memref_slice %arg3[%dma_start3A_264, %dma_start3A_265] : memref<10000x128xf32, #tpu.memory_space<hbm>> -> memref<10000x128xf32, #tpu.memory_space<hbm>>
          tpu.enqueue_indirect_dma source(%dma_start3A_266 : memref<10000x128xf32, #tpu.memory_space<hbm>>) target(%arg14 : memref<128x128xf32, #tpu.memory_space<vmem>>) offsets(%arg8 : memref<128xi32, #tpu.memory_space<vmem>>) semaphore(%arg20 : memref<!tpu.dma_semaphore, #tpu.memory_space<semaphore_mem>>)
        } else {
        }
        %dma_wait3A_258 = arith.constant 0 : i32
        %dma_wait3A_259 = arith.constant 0 : i32
        %dma_wait3A_260 = tpu.memref_slice %arg3[%dma_wait3A_258, %dma_wait3A_259] : memref<10000x128xf32, #tpu.memory_space<hbm>> -> memref<10000x128xf32, #tpu.memory_space<hbm>>
        tpu.wait_indirect_dma semaphore(%arg21 : memref<!tpu.dma_semaphore, #tpu.memory_space<semaphore_mem>>) src(%dma_wait3A_260 : memref<10000x128xf32, #tpu.memory_space<hbm>>) dst(%arg15 : memref<128x128xf32, #tpu.memory_space<vmem>>)
        %dma_start3A_261 = arith.constant 0 : i32
        %dma_start3A_262 = arith.constant 0 : i32
        %dma_start3A_263 = tpu.memref_slice %arg16[%dma_start3A_261, %dma_start3A_262] : memref<10000x128xf32, #tpu.memory_space<vmem_shared>> -> memref<10000x128xf32, #tpu.memory_space<vmem_shared>>
        tpu.enqueue_indirect_dma source(%arg15 : memref<128x128xf32, #tpu.memory_space<vmem>>) target(%dma_start3A_263 : memref<10000x128xf32, #tpu.memory_space<vmem_shared>>) offsets(%arg13 : memref<128xi32, #tpu.memory_space<vmem>>) semaphore(%arg23 : memref<!tpu.dma_semaphore, #tpu.memory_space<semaphore_mem>>) {add = true}
      }
      %scan3A_58 = arith.constant 26 : i32
      %dma_wait3A_59 = arith.constant 0 : i32
      %dma_wait3A_60 = arith.constant 0 : i32
      %dma_wait3A_61 = tpu.memref_slice %arg16[%dma_wait3A_59, %dma_wait3A_60] : memref<10000x128xf32, #tpu.memory_space<vmem_shared>> -> memref<10000x128xf32, #tpu.memory_space<vmem_shared>>
      tpu.wait_indirect_dma semaphore(%arg23 : memref<!tpu.dma_semaphore, #tpu.memory_space<semaphore_mem>>) src(%arg15 : memref<128x128xf32, #tpu.memory_space<vmem>>) dst(%dma_wait3A_61 : memref<10000x128xf32, #tpu.memory_space<vmem_shared>>)
      %convert_element_type3A_62 = arith.extui %lt3A_29 : i1 to i32
      %cond3A_63 = arith.constant 0 : i32
      %cond3A_64 = arith.cmpi ne, %convert_element_type3A_62, %cond3A_63 : i32
      scf.if %cond3A_64 {
        %add3A_65 = arith.constant 2496 : i32
        %add3A_66 = arith.addi %arg1, %add3A_65 : i32
        %mul3A_67 = arith.constant 128 : i32
        %mul3A_68 = arith.muli %add3A_66, %mul3A_67 : i32
        "tpu.region"() ({
          %run_scoped3A = tpu.sem_alloc : memref<!tpu.dma_semaphore, #tpu.memory_space<semaphore_mem>>
          %dma_start3A_81 = tpu.memref_slice %arg4[%mul3A_68] : memref<320000xi32, #tpu.memory_space<hbm>> -> memref<128xi32, #tpu.memory_space<hbm>>
          %dma_start3A_82 = tpu.memref_slice %arg4[%mul3A_68] : memref<320000xi32, #tpu.memory_space<hbm>> -> memref<128xi32, #tpu.memory_space<hbm>>
          tpu.enqueue_dma source(%dma_start3A_82 : memref<128xi32, #tpu.memory_space<hbm>>) target(%arg8 : memref<128xi32, #tpu.memory_space<vmem>>) target_semaphore(%run_scoped3A : memref<!tpu.dma_semaphore, #tpu.memory_space<semaphore_mem>>)
          %dma_wait3A_83 = tpu.memref_slice %arg4[%mul3A_68] : memref<320000xi32, #tpu.memory_space<hbm>> -> memref<128xi32, #tpu.memory_space<hbm>>
          %dma_wait3A_84 = tpu.memref_slice %arg4[%mul3A_68] : memref<320000xi32, #tpu.memory_space<hbm>> -> memref<128xi32, #tpu.memory_space<hbm>>
          tpu.wait_dma2 semaphore(%run_scoped3A : memref<!tpu.dma_semaphore, #tpu.memory_space<semaphore_mem>>) src(%dma_wait3A_84 : memref<128xi32, #tpu.memory_space<hbm>>) dst(%arg8 : memref<128xi32, #tpu.memory_space<vmem>>)
          tpu.yield
        }) : () -> ()
        "tpu.region"() ({
          %run_scoped3A = tpu.sem_alloc : memref<!tpu.dma_semaphore, #tpu.memory_space<semaphore_mem>>
          %dma_start3A_81 = tpu.memref_slice %arg5[%mul3A_68] : memref<320000xi32, #tpu.memory_space<hbm>> -> memref<128xi32, #tpu.memory_space<hbm>>
          %dma_start3A_82 = tpu.memref_slice %arg5[%mul3A_68] : memref<320000xi32, #tpu.memory_space<hbm>> -> memref<128xi32, #tpu.memory_space<hbm>>
          tpu.enqueue_dma source(%dma_start3A_82 : memref<128xi32, #tpu.memory_space<hbm>>) target(%arg9 : memref<128xi32, #tpu.memory_space<vmem>>) target_semaphore(%run_scoped3A : memref<!tpu.dma_semaphore, #tpu.memory_space<semaphore_mem>>)
          %dma_wait3A_83 = tpu.memref_slice %arg5[%mul3A_68] : memref<320000xi32, #tpu.memory_space<hbm>> -> memref<128xi32, #tpu.memory_space<hbm>>
          %dma_wait3A_84 = tpu.memref_slice %arg5[%mul3A_68] : memref<320000xi32, #tpu.memory_space<hbm>> -> memref<128xi32, #tpu.memory_space<hbm>>
          tpu.wait_dma2 semaphore(%run_scoped3A : memref<!tpu.dma_semaphore, #tpu.memory_space<semaphore_mem>>) src(%dma_wait3A_84 : memref<128xi32, #tpu.memory_space<hbm>>) dst(%arg9 : memref<128xi32, #tpu.memory_space<vmem>>)
          tpu.yield
        }) : () -> ()
        %dma_start3A_69 = arith.constant 0 : i32
        %dma_start3A_70 = arith.constant 0 : i32
        %dma_start3A_71 = tpu.memref_slice %arg3[%dma_start3A_69, %dma_start3A_70] : memref<10000x128xf32, #tpu.memory_space<hbm>> -> memref<10000x128xf32, #tpu.memory_space<hbm>>
        tpu.enqueue_indirect_dma source(%dma_start3A_71 : memref<10000x128xf32, #tpu.memory_space<hbm>>) target(%arg14 : memref<128x128xf32, #tpu.memory_space<vmem>>) offsets(%arg8 : memref<128xi32, #tpu.memory_space<vmem>>) semaphore(%arg20 : memref<!tpu.dma_semaphore, #tpu.memory_space<semaphore_mem>>)
        %dma_wait3A_72 = arith.constant 0 : i32
        %dma_wait3A_73 = arith.constant 0 : i32
        %dma_wait3A_74 = tpu.memref_slice %arg3[%dma_wait3A_72, %dma_wait3A_73] : memref<10000x128xf32, #tpu.memory_space<hbm>> -> memref<10000x128xf32, #tpu.memory_space<hbm>>
        tpu.wait_indirect_dma semaphore(%arg20 : memref<!tpu.dma_semaphore, #tpu.memory_space<semaphore_mem>>) src(%dma_wait3A_74 : memref<10000x128xf32, #tpu.memory_space<hbm>>) dst(%arg14 : memref<128x128xf32, #tpu.memory_space<vmem>>)
        %dma_start3A_75 = arith.constant 0 : i32
        %dma_start3A_76 = arith.constant 0 : i32
        %dma_start3A_77 = tpu.memref_slice %arg16[%dma_start3A_75, %dma_start3A_76] : memref<10000x128xf32, #tpu.memory_space<vmem_shared>> -> memref<10000x128xf32, #tpu.memory_space<vmem_shared>>
        tpu.enqueue_indirect_dma source(%arg14 : memref<128x128xf32, #tpu.memory_space<vmem>>) target(%dma_start3A_77 : memref<10000x128xf32, #tpu.memory_space<vmem_shared>>) offsets(%arg9 : memref<128xi32, #tpu.memory_space<vmem>>) semaphore(%arg22 : memref<!tpu.dma_semaphore, #tpu.memory_space<semaphore_mem>>) {add = true}
        %dma_wait3A_78 = arith.constant 0 : i32
        %dma_wait3A_79 = arith.constant 0 : i32
        %dma_wait3A_80 = tpu.memref_slice %arg16[%dma_wait3A_78, %dma_wait3A_79] : memref<10000x128xf32, #tpu.memory_space<vmem_shared>> -> memref<10000x128xf32, #tpu.memory_space<vmem_shared>>
        tpu.wait_indirect_dma semaphore(%arg22 : memref<!tpu.dma_semaphore, #tpu.memory_space<semaphore_mem>>) src(%arg14 : memref<128x128xf32, #tpu.memory_space<vmem>>) dst(%dma_wait3A_80 : memref<10000x128xf32, #tpu.memory_space<vmem_shared>>)
      } else {
      }
    } else {
    }
    %barrier3A_18 = arith.constant 0 : index
    tpu.barrier barrier_id(%barrier3A_18)
    %eq3A_19 = arith.constant 0 : i32
    %eq3A_20 = arith.cmpi eq, %arg0, %eq3A_19 : i32
    %convert_element_type3A_21 = arith.extui %eq3A_20 : i1 to i32
    %cond3A_22 = arith.constant 0 : i32
    %cond3A_23 = arith.cmpi ne, %convert_element_type3A_21, %cond3A_22 : i32
    scf.if %cond3A_23 {
      %scan3A = arith.constant 0 : i32
      %scan3A_29 = arith.constant 0 : i32
      %scan3A_30 = arith.constant 4 : i32
      %scan3A_31 = arith.addi %scan3A_29, %scan3A_30 : i32
      %scan3A_32 = arith.constant 1 : i32
      scf.for %scan3A_40 = %scan3A_29 to %scan3A_31 step %scan3A_32  : i32 {
        %mul3A_41 = arith.constant 128 : i32
        %mul3A_42 = arith.muli %scan3A_40, %mul3A_41 : i32
        %add3A_43 = arith.addi %mul3A_0, %mul3A_42 : i32
        "tpu.region"() ({
          %run_scoped3A = tpu.sem_alloc : memref<!tpu.dma_semaphore, #tpu.memory_space<semaphore_mem>>
          %dma_start3A = arith.constant 0 : i32
          %dma_start3A_44 = tpu.memref_slice %arg16[%add3A_43, %dma_start3A] : memref<10000x128xf32, #tpu.memory_space<vmem_shared>> -> memref<128x128xf32, #tpu.memory_space<vmem_shared>>
          %dma_start3A_45 = arith.constant 0 : i32
          %dma_start3A_46 = tpu.memref_slice %arg16[%add3A_43, %dma_start3A_45] : memref<10000x128xf32, #tpu.memory_space<vmem_shared>> -> memref<128x128xf32, #tpu.memory_space<vmem_shared>>
          tpu.enqueue_dma source(%dma_start3A_46 : memref<128x128xf32, #tpu.memory_space<vmem_shared>>) target(%arg14 : memref<128x128xf32, #tpu.memory_space<vmem>>) target_semaphore(%run_scoped3A : memref<!tpu.dma_semaphore, #tpu.memory_space<semaphore_mem>>)
          %dma_wait3A = arith.constant 0 : i32
          %dma_wait3A_47 = tpu.memref_slice %arg16[%add3A_43, %dma_wait3A] : memref<10000x128xf32, #tpu.memory_space<vmem_shared>> -> memref<128x128xf32, #tpu.memory_space<vmem_shared>>
          %dma_wait3A_48 = arith.constant 0 : i32
          %dma_wait3A_49 = tpu.memref_slice %arg16[%add3A_43, %dma_wait3A_48] : memref<10000x128xf32, #tpu.memory_space<vmem_shared>> -> memref<128x128xf32, #tpu.memory_space<vmem_shared>>
          tpu.wait_dma2 semaphore(%run_scoped3A : memref<!tpu.dma_semaphore, #tpu.memory_space<semaphore_mem>>) src(%dma_wait3A_49 : memref<128x128xf32, #tpu.memory_space<vmem_shared>>) dst(%arg14 : memref<128x128xf32, #tpu.memory_space<vmem>>)
          tpu.yield
        }) : () -> ()
        "tpu.region"() ({
          %run_scoped3A = tpu.sem_alloc : memref<!tpu.dma_semaphore, #tpu.memory_space<semaphore_mem>>
          %dma_start3A = arith.constant 0 : i32
          %dma_start3A_44 = tpu.memref_slice %arg6[%add3A_43, %dma_start3A] : memref<10000x128xf32, #tpu.memory_space<hbm>> -> memref<128x128xf32, #tpu.memory_space<hbm>>
          %dma_start3A_45 = arith.constant 0 : i32
          %dma_start3A_46 = tpu.memref_slice %arg6[%add3A_43, %dma_start3A_45] : memref<10000x128xf32, #tpu.memory_space<hbm>> -> memref<128x128xf32, #tpu.memory_space<hbm>>
          tpu.enqueue_dma source(%arg14 : memref<128x128xf32, #tpu.memory_space<vmem>>) target(%dma_start3A_46 : memref<128x128xf32, #tpu.memory_space<hbm>>) target_semaphore(%run_scoped3A : memref<!tpu.dma_semaphore, #tpu.memory_space<semaphore_mem>>)
          %dma_wait3A = arith.constant 0 : i32
          %dma_wait3A_47 = tpu.memref_slice %arg6[%add3A_43, %dma_wait3A] : memref<10000x128xf32, #tpu.memory_space<hbm>> -> memref<128x128xf32, #tpu.memory_space<hbm>>
          %dma_wait3A_48 = arith.constant 0 : i32
          %dma_wait3A_49 = tpu.memref_slice %arg6[%add3A_43, %dma_wait3A_48] : memref<10000x128xf32, #tpu.memory_space<hbm>> -> memref<128x128xf32, #tpu.memory_space<hbm>>
          tpu.wait_dma2 semaphore(%run_scoped3A : memref<!tpu.dma_semaphore, #tpu.memory_space<semaphore_mem>>) src(%arg14 : memref<128x128xf32, #tpu.memory_space<vmem>>) dst(%dma_wait3A_49 : memref<128x128xf32, #tpu.memory_space<hbm>>)
          tpu.yield
        }) : () -> ()
      }
      %scan3A_33 = arith.constant 4 : i32
      %add3A = arith.constant 512 : i32
      %add3A_34 = arith.addi %mul3A_0, %add3A : i32
      "tpu.region"() ({
        %run_scoped3A = tpu.sem_alloc : memref<!tpu.dma_semaphore, #tpu.memory_space<semaphore_mem>>
        %dma_start3A = arith.constant 0 : i32
        %dma_start3A_40 = arith.constant 0 : i32
        %dma_start3A_41 = tpu.memref_slice %arg14[%dma_start3A, %dma_start3A_40] : memref<128x128xf32, #tpu.memory_space<vmem>> -> memref<112x128xf32, #tpu.memory_space<vmem>>
        %dma_start3A_42 = arith.constant 0 : i32
        %dma_start3A_43 = tpu.memref_slice %arg16[%add3A_34, %dma_start3A_42] : memref<10000x128xf32, #tpu.memory_space<vmem_shared>> -> memref<112x128xf32, #tpu.memory_space<vmem_shared>>
        %dma_start3A_44 = arith.constant 0 : i32
        %dma_start3A_45 = arith.constant 0 : i32
        %dma_start3A_46 = tpu.memref_slice %arg14[%dma_start3A_44, %dma_start3A_45] : memref<128x128xf32, #tpu.memory_space<vmem>> -> memref<112x128xf32, #tpu.memory_space<vmem>>
        %dma_start3A_47 = arith.constant 0 : i32
        %dma_start3A_48 = tpu.memref_slice %arg16[%add3A_34, %dma_start3A_47] : memref<10000x128xf32, #tpu.memory_space<vmem_shared>> -> memref<112x128xf32, #tpu.memory_space<vmem_shared>>
        tpu.enqueue_dma source(%dma_start3A_48 : memref<112x128xf32, #tpu.memory_space<vmem_shared>>) target(%dma_start3A_46 : memref<112x128xf32, #tpu.memory_space<vmem>>) target_semaphore(%run_scoped3A : memref<!tpu.dma_semaphore, #tpu.memory_space<semaphore_mem>>)
        %dma_wait3A = arith.constant 0 : i32
        %dma_wait3A_49 = arith.constant 0 : i32
        %dma_wait3A_50 = tpu.memref_slice %arg14[%dma_wait3A, %dma_wait3A_49] : memref<128x128xf32, #tpu.memory_space<vmem>> -> memref<112x128xf32, #tpu.memory_space<vmem>>
        %dma_wait3A_51 = arith.constant 0 : i32
        %dma_wait3A_52 = tpu.memref_slice %arg16[%add3A_34, %dma_wait3A_51] : memref<10000x128xf32, #tpu.memory_space<vmem_shared>> -> memref<112x128xf32, #tpu.memory_space<vmem_shared>>
        %dma_wait3A_53 = arith.constant 0 : i32
        %dma_wait3A_54 = arith.constant 0 : i32
        %dma_wait3A_55 = tpu.memref_slice %arg14[%dma_wait3A_53, %dma_wait3A_54] : memref<128x128xf32, #tpu.memory_space<vmem>> -> memref<112x128xf32, #tpu.memory_space<vmem>>
        %dma_wait3A_56 = arith.constant 0 : i32
        %dma_wait3A_57 = tpu.memref_slice %arg16[%add3A_34, %dma_wait3A_56] : memref<10000x128xf32, #tpu.memory_space<vmem_shared>> -> memref<112x128xf32, #tpu.memory_space<vmem_shared>>
        tpu.wait_dma2 semaphore(%run_scoped3A : memref<!tpu.dma_semaphore, #tpu.memory_space<semaphore_mem>>) src(%dma_wait3A_57 : memref<112x128xf32, #tpu.memory_space<vmem_shared>>) dst(%dma_wait3A_55 : memref<112x128xf32, #tpu.memory_space<vmem>>)
        tpu.yield
      }) : () -> ()
      "tpu.region"() ({
        %run_scoped3A = tpu.sem_alloc : memref<!tpu.dma_semaphore, #tpu.memory_space<semaphore_mem>>
        %dma_start3A = arith.constant 0 : i32
        %dma_start3A_40 = arith.constant 0 : i32
        %dma_start3A_41 = tpu.memref_slice %arg14[%dma_start3A, %dma_start3A_40] : memref<128x128xf32, #tpu.memory_space<vmem>> -> memref<112x128xf32, #tpu.memory_space<vmem>>
        %dma_start3A_42 = arith.constant 0 : i32
        %dma_start3A_43 = tpu.memref_slice %arg6[%add3A_34, %dma_start3A_42] : memref<10000x128xf32, #tpu.memory_space<hbm>> -> memref<112x128xf32, #tpu.memory_space<hbm>>
        %dma_start3A_44 = arith.constant 0 : i32
        %dma_start3A_45 = tpu.memref_slice %arg6[%add3A_34, %dma_start3A_44] : memref<10000x128xf32, #tpu.memory_space<hbm>> -> memref<112x128xf32, #tpu.memory_space<hbm>>
        %dma_start3A_46 = arith.constant 0 : i32
        %dma_start3A_47 = arith.constant 0 : i32
        %dma_start3A_48 = tpu.memref_slice %arg14[%dma_start3A_46, %dma_start3A_47] : memref<128x128xf32, #tpu.memory_space<vmem>> -> memref<112x128xf32, #tpu.memory_space<vmem>>
        tpu.enqueue_dma source(%dma_start3A_48 : memref<112x128xf32, #tpu.memory_space<vmem>>) target(%dma_start3A_45 : memref<112x128xf32, #tpu.memory_space<hbm>>) target_semaphore(%run_scoped3A : memref<!tpu.dma_semaphore, #tpu.memory_space<semaphore_mem>>)
        %dma_wait3A = arith.constant 0 : i32
        %dma_wait3A_49 = arith.constant 0 : i32
        %dma_wait3A_50 = tpu.memref_slice %arg14[%dma_wait3A, %dma_wait3A_49] : memref<128x128xf32, #tpu.memory_space<vmem>> -> memref<112x128xf32, #tpu.memory_space<vmem>>
        %dma_wait3A_51 = arith.constant 0 : i32
        %dma_wait3A_52 = tpu.memref_slice %arg6[%add3A_34, %dma_wait3A_51] : memref<10000x128xf32, #tpu.memory_space<hbm>> -> memref<112x128xf32, #tpu.memory_space<hbm>>
        %dma_wait3A_53 = arith.constant 0 : i32
        %dma_wait3A_54 = tpu.memref_slice %arg6[%add3A_34, %dma_wait3A_53] : memref<10000x128xf32, #tpu.memory_space<hbm>> -> memref<112x128xf32, #tpu.memory_space<hbm>>
        %dma_wait3A_55 = arith.constant 0 : i32
        %dma_wait3A_56 = arith.constant 0 : i32
        %dma_wait3A_57 = tpu.memref_slice %arg14[%dma_wait3A_55, %dma_wait3A_56] : memref<128x128xf32, #tpu.memory_space<vmem>> -> memref<112x128xf32, #tpu.memory_space<vmem>>
        tpu.wait_dma2 semaphore(%run_scoped3A : memref<!tpu.dma_semaphore, #tpu.memory_space<semaphore_mem>>) src(%dma_wait3A_57 : memref<112x128xf32, #tpu.memory_space<vmem>>) dst(%dma_wait3A_54 : memref<112x128xf32, #tpu.memory_space<hbm>>)
        tpu.yield
      }) : () -> ()
      %eq3A_35 = arith.constant 15 : i32
      %eq3A_36 = arith.cmpi eq, %arg1, %eq3A_35 : i32
      %convert_element_type3A_37 = arith.extui %eq3A_36 : i1 to i32
      %cond3A_38 = arith.constant 0 : i32
      %cond3A_39 = arith.cmpi ne, %convert_element_type3A_37, %cond3A_38 : i32
      scf.if %cond3A_39 {
        "tpu.region"() ({
          %run_scoped3A = tpu.sem_alloc : memref<!tpu.dma_semaphore, #tpu.memory_space<semaphore_mem>>
          %dma_start3A = arith.constant 0 : i32
          %dma_start3A_40 = arith.constant 0 : i32
          %dma_start3A_41 = tpu.memref_slice %arg14[%dma_start3A, %dma_start3A_40] : memref<128x128xf32, #tpu.memory_space<vmem>> -> memref<16x128xf32, #tpu.memory_space<vmem>>
          %dma_start3A_42 = arith.constant 9984 : i32
          %dma_start3A_43 = arith.constant 0 : i32
          %dma_start3A_44 = tpu.memref_slice %arg16[%dma_start3A_42, %dma_start3A_43] : memref<10000x128xf32, #tpu.memory_space<vmem_shared>> -> memref<16x128xf32, #tpu.memory_space<vmem_shared>>
          %dma_start3A_45 = arith.constant 0 : i32
          %dma_start3A_46 = arith.constant 0 : i32
          %dma_start3A_47 = tpu.memref_slice %arg14[%dma_start3A_45, %dma_start3A_46] : memref<128x128xf32, #tpu.memory_space<vmem>> -> memref<16x128xf32, #tpu.memory_space<vmem>>
          %dma_start3A_48 = arith.constant 9984 : i32
          %dma_start3A_49 = arith.constant 0 : i32
          %dma_start3A_50 = tpu.memref_slice %arg16[%dma_start3A_48, %dma_start3A_49] : memref<10000x128xf32, #tpu.memory_space<vmem_shared>> -> memref<16x128xf32, #tpu.memory_space<vmem_shared>>
          tpu.enqueue_dma source(%dma_start3A_50 : memref<16x128xf32, #tpu.memory_space<vmem_shared>>) target(%dma_start3A_47 : memref<16x128xf32, #tpu.memory_space<vmem>>) target_semaphore(%run_scoped3A : memref<!tpu.dma_semaphore, #tpu.memory_space<semaphore_mem>>)
          %dma_wait3A = arith.constant 0 : i32
          %dma_wait3A_51 = arith.constant 0 : i32
          %dma_wait3A_52 = tpu.memref_slice %arg14[%dma_wait3A, %dma_wait3A_51] : memref<128x128xf32, #tpu.memory_space<vmem>> -> memref<16x128xf32, #tpu.memory_space<vmem>>
          %dma_wait3A_53 = arith.constant 9984 : i32
          %dma_wait3A_54 = arith.constant 0 : i32
          %dma_wait3A_55 = tpu.memref_slice %arg16[%dma_wait3A_53, %dma_wait3A_54] : memref<10000x128xf32, #tpu.memory_space<vmem_shared>> -> memref<16x128xf32, #tpu.memory_space<vmem_shared>>
          %dma_wait3A_56 = arith.constant 0 : i32
          %dma_wait3A_57 = arith.constant 0 : i32
          %dma_wait3A_58 = tpu.memref_slice %arg14[%dma_wait3A_56, %dma_wait3A_57] : memref<128x128xf32, #tpu.memory_space<vmem>> -> memref<16x128xf32, #tpu.memory_space<vmem>>
          %dma_wait3A_59 = arith.constant 9984 : i32
          %dma_wait3A_60 = arith.constant 0 : i32
          %dma_wait3A_61 = tpu.memref_slice %arg16[%dma_wait3A_59, %dma_wait3A_60] : memref<10000x128xf32, #tpu.memory_space<vmem_shared>> -> memref<16x128xf32, #tpu.memory_space<vmem_shared>>
          tpu.wait_dma2 semaphore(%run_scoped3A : memref<!tpu.dma_semaphore, #tpu.memory_space<semaphore_mem>>) src(%dma_wait3A_61 : memref<16x128xf32, #tpu.memory_space<vmem_shared>>) dst(%dma_wait3A_58 : memref<16x128xf32, #tpu.memory_space<vmem>>)
          tpu.yield
        }) : () -> ()
        "tpu.region"() ({
          %run_scoped3A = tpu.sem_alloc : memref<!tpu.dma_semaphore, #tpu.memory_space<semaphore_mem>>
          %dma_start3A = arith.constant 0 : i32
          %dma_start3A_40 = arith.constant 0 : i32
          %dma_start3A_41 = tpu.memref_slice %arg14[%dma_start3A, %dma_start3A_40] : memref<128x128xf32, #tpu.memory_space<vmem>> -> memref<16x128xf32, #tpu.memory_space<vmem>>
          %dma_start3A_42 = arith.constant 9984 : i32
          %dma_start3A_43 = arith.constant 0 : i32
          %dma_start3A_44 = tpu.memref_slice %arg6[%dma_start3A_42, %dma_start3A_43] : memref<10000x128xf32, #tpu.memory_space<hbm>> -> memref<16x128xf32, #tpu.memory_space<hbm>>
          %dma_start3A_45 = arith.constant 9984 : i32
          %dma_start3A_46 = arith.constant 0 : i32
          %dma_start3A_47 = tpu.memref_slice %arg6[%dma_start3A_45, %dma_start3A_46] : memref<10000x128xf32, #tpu.memory_space<hbm>> -> memref<16x128xf32, #tpu.memory_space<hbm>>
          %dma_start3A_48 = arith.constant 0 : i32
          %dma_start3A_49 = arith.constant 0 : i32
          %dma_start3A_50 = tpu.memref_slice %arg14[%dma_start3A_48, %dma_start3A_49] : memref<128x128xf32, #tpu.memory_space<vmem>> -> memref<16x128xf32, #tpu.memory_space<vmem>>
          tpu.enqueue_dma source(%dma_start3A_50 : memref<16x128xf32, #tpu.memory_space<vmem>>) target(%dma_start3A_47 : memref<16x128xf32, #tpu.memory_space<hbm>>) target_semaphore(%run_scoped3A : memref<!tpu.dma_semaphore, #tpu.memory_space<semaphore_mem>>)
          %dma_wait3A = arith.constant 0 : i32
          %dma_wait3A_51 = arith.constant 0 : i32
          %dma_wait3A_52 = tpu.memref_slice %arg14[%dma_wait3A, %dma_wait3A_51] : memref<128x128xf32, #tpu.memory_space<vmem>> -> memref<16x128xf32, #tpu.memory_space<vmem>>
          %dma_wait3A_53 = arith.constant 9984 : i32
          %dma_wait3A_54 = arith.constant 0 : i32
          %dma_wait3A_55 = tpu.memref_slice %arg6[%dma_wait3A_53, %dma_wait3A_54] : memref<10000x128xf32, #tpu.memory_space<hbm>> -> memref<16x128xf32, #tpu.memory_space<hbm>>
          %dma_wait3A_56 = arith.constant 9984 : i32
          %dma_wait3A_57 = arith.constant 0 : i32
          %dma_wait3A_58 = tpu.memref_slice %arg6[%dma_wait3A_56, %dma_wait3A_57] : memref<10000x128xf32, #tpu.memory_space<hbm>> -> memref<16x128xf32, #tpu.memory_space<hbm>>
          %dma_wait3A_59 = arith.constant 0 : i32
          %dma_wait3A_60 = arith.constant 0 : i32
          %dma_wait3A_61 = tpu.memref_slice %arg14[%dma_wait3A_59, %dma_wait3A_60] : memref<128x128xf32, #tpu.memory_space<vmem>> -> memref<16x128xf32, #tpu.memory_space<vmem>>
          tpu.wait_dma2 semaphore(%run_scoped3A : memref<!tpu.dma_semaphore, #tpu.memory_space<semaphore_mem>>) src(%dma_wait3A_61 : memref<16x128xf32, #tpu.memory_space<vmem>>) dst(%dma_wait3A_58 : memref<16x128xf32, #tpu.memory_space<hbm>>)
          tpu.yield
        }) : () -> ()
      } else {
      }
    } else {
    }
    %eq3A_24 = arith.constant 1 : i32
    %eq3A_25 = arith.cmpi eq, %arg0, %eq3A_24 : i32
    %convert_element_type3A_26 = arith.extui %eq3A_25 : i1 to i32
    %cond3A_27 = arith.constant 0 : i32
    %cond3A_28 = arith.cmpi ne, %convert_element_type3A_26, %cond3A_27 : i32
    scf.if %cond3A_28 {
      %scan3A = arith.constant 0 : i32
      %scan3A_29 = arith.constant 0 : i32
      %scan3A_30 = arith.constant 4 : i32
      %scan3A_31 = arith.addi %scan3A_29, %scan3A_30 : i32
      %scan3A_32 = arith.constant 1 : i32
      scf.for %scan3A_40 = %scan3A_29 to %scan3A_31 step %scan3A_32  : i32 {
        %mul3A_41 = arith.constant 128 : i32
        %mul3A_42 = arith.muli %scan3A_40, %mul3A_41 : i32
        %add3A_43 = arith.addi %mul3A_0, %mul3A_42 : i32
        "tpu.region"() ({
          %run_scoped3A = tpu.sem_alloc : memref<!tpu.dma_semaphore, #tpu.memory_space<semaphore_mem>>
          %dma_start3A = arith.constant 0 : i32
          %dma_start3A_44 = tpu.memref_slice %arg16[%add3A_43, %dma_start3A] : memref<10000x128xf32, #tpu.memory_space<vmem_shared>> -> memref<128x128xf32, #tpu.memory_space<vmem_shared>>
          %dma_start3A_45 = arith.constant 0 : i32
          %dma_start3A_46 = tpu.memref_slice %arg16[%add3A_43, %dma_start3A_45] : memref<10000x128xf32, #tpu.memory_space<vmem_shared>> -> memref<128x128xf32, #tpu.memory_space<vmem_shared>>
          tpu.enqueue_dma source(%dma_start3A_46 : memref<128x128xf32, #tpu.memory_space<vmem_shared>>) target(%arg14 : memref<128x128xf32, #tpu.memory_space<vmem>>) target_semaphore(%run_scoped3A : memref<!tpu.dma_semaphore, #tpu.memory_space<semaphore_mem>>)
          %dma_wait3A = arith.constant 0 : i32
          %dma_wait3A_47 = tpu.memref_slice %arg16[%add3A_43, %dma_wait3A] : memref<10000x128xf32, #tpu.memory_space<vmem_shared>> -> memref<128x128xf32, #tpu.memory_space<vmem_shared>>
          %dma_wait3A_48 = arith.constant 0 : i32
          %dma_wait3A_49 = tpu.memref_slice %arg16[%add3A_43, %dma_wait3A_48] : memref<10000x128xf32, #tpu.memory_space<vmem_shared>> -> memref<128x128xf32, #tpu.memory_space<vmem_shared>>
          tpu.wait_dma2 semaphore(%run_scoped3A : memref<!tpu.dma_semaphore, #tpu.memory_space<semaphore_mem>>) src(%dma_wait3A_49 : memref<128x128xf32, #tpu.memory_space<vmem_shared>>) dst(%arg14 : memref<128x128xf32, #tpu.memory_space<vmem>>)
          tpu.yield
        }) : () -> ()
        "tpu.region"() ({
          %run_scoped3A = tpu.sem_alloc : memref<!tpu.dma_semaphore, #tpu.memory_space<semaphore_mem>>
          %dma_start3A = arith.constant 0 : i32
          %dma_start3A_44 = tpu.memref_slice %arg7[%add3A_43, %dma_start3A] : memref<10000x128xf32, #tpu.memory_space<hbm>> -> memref<128x128xf32, #tpu.memory_space<hbm>>
          %dma_start3A_45 = arith.constant 0 : i32
          %dma_start3A_46 = tpu.memref_slice %arg7[%add3A_43, %dma_start3A_45] : memref<10000x128xf32, #tpu.memory_space<hbm>> -> memref<128x128xf32, #tpu.memory_space<hbm>>
          tpu.enqueue_dma source(%arg14 : memref<128x128xf32, #tpu.memory_space<vmem>>) target(%dma_start3A_46 : memref<128x128xf32, #tpu.memory_space<hbm>>) target_semaphore(%run_scoped3A : memref<!tpu.dma_semaphore, #tpu.memory_space<semaphore_mem>>)
          %dma_wait3A = arith.constant 0 : i32
          %dma_wait3A_47 = tpu.memref_slice %arg7[%add3A_43, %dma_wait3A] : memref<10000x128xf32, #tpu.memory_space<hbm>> -> memref<128x128xf32, #tpu.memory_space<hbm>>
          %dma_wait3A_48 = arith.constant 0 : i32
          %dma_wait3A_49 = tpu.memref_slice %arg7[%add3A_43, %dma_wait3A_48] : memref<10000x128xf32, #tpu.memory_space<hbm>> -> memref<128x128xf32, #tpu.memory_space<hbm>>
          tpu.wait_dma2 semaphore(%run_scoped3A : memref<!tpu.dma_semaphore, #tpu.memory_space<semaphore_mem>>) src(%arg14 : memref<128x128xf32, #tpu.memory_space<vmem>>) dst(%dma_wait3A_49 : memref<128x128xf32, #tpu.memory_space<hbm>>)
          tpu.yield
        }) : () -> ()
      }
      %scan3A_33 = arith.constant 4 : i32
      %add3A = arith.constant 512 : i32
      %add3A_34 = arith.addi %mul3A_0, %add3A : i32
      "tpu.region"() ({
        %run_scoped3A = tpu.sem_alloc : memref<!tpu.dma_semaphore, #tpu.memory_space<semaphore_mem>>
        %dma_start3A = arith.constant 0 : i32
        %dma_start3A_40 = arith.constant 0 : i32
        %dma_start3A_41 = tpu.memref_slice %arg14[%dma_start3A, %dma_start3A_40] : memref<128x128xf32, #tpu.memory_space<vmem>> -> memref<112x128xf32, #tpu.memory_space<vmem>>
        %dma_start3A_42 = arith.constant 0 : i32
        %dma_start3A_43 = tpu.memref_slice %arg16[%add3A_34, %dma_start3A_42] : memref<10000x128xf32, #tpu.memory_space<vmem_shared>> -> memref<112x128xf32, #tpu.memory_space<vmem_shared>>
        %dma_start3A_44 = arith.constant 0 : i32
        %dma_start3A_45 = arith.constant 0 : i32
        %dma_start3A_46 = tpu.memref_slice %arg14[%dma_start3A_44, %dma_start3A_45] : memref<128x128xf32, #tpu.memory_space<vmem>> -> memref<112x128xf32, #tpu.memory_space<vmem>>
        %dma_start3A_47 = arith.constant 0 : i32
        %dma_start3A_48 = tpu.memref_slice %arg16[%add3A_34, %dma_start3A_47] : memref<10000x128xf32, #tpu.memory_space<vmem_shared>> -> memref<112x128xf32, #tpu.memory_space<vmem_shared>>
        tpu.enqueue_dma source(%dma_start3A_48 : memref<112x128xf32, #tpu.memory_space<vmem_shared>>) target(%dma_start3A_46 : memref<112x128xf32, #tpu.memory_space<vmem>>) target_semaphore(%run_scoped3A : memref<!tpu.dma_semaphore, #tpu.memory_space<semaphore_mem>>)
        %dma_wait3A = arith.constant 0 : i32
        %dma_wait3A_49 = arith.constant 0 : i32
        %dma_wait3A_50 = tpu.memref_slice %arg14[%dma_wait3A, %dma_wait3A_49] : memref<128x128xf32, #tpu.memory_space<vmem>> -> memref<112x128xf32, #tpu.memory_space<vmem>>
        %dma_wait3A_51 = arith.constant 0 : i32
        %dma_wait3A_52 = tpu.memref_slice %arg16[%add3A_34, %dma_wait3A_51] : memref<10000x128xf32, #tpu.memory_space<vmem_shared>> -> memref<112x128xf32, #tpu.memory_space<vmem_shared>>
        %dma_wait3A_53 = arith.constant 0 : i32
        %dma_wait3A_54 = arith.constant 0 : i32
        %dma_wait3A_55 = tpu.memref_slice %arg14[%dma_wait3A_53, %dma_wait3A_54] : memref<128x128xf32, #tpu.memory_space<vmem>> -> memref<112x128xf32, #tpu.memory_space<vmem>>
        %dma_wait3A_56 = arith.constant 0 : i32
        %dma_wait3A_57 = tpu.memref_slice %arg16[%add3A_34, %dma_wait3A_56] : memref<10000x128xf32, #tpu.memory_space<vmem_shared>> -> memref<112x128xf32, #tpu.memory_space<vmem_shared>>
        tpu.wait_dma2 semaphore(%run_scoped3A : memref<!tpu.dma_semaphore, #tpu.memory_space<semaphore_mem>>) src(%dma_wait3A_57 : memref<112x128xf32, #tpu.memory_space<vmem_shared>>) dst(%dma_wait3A_55 : memref<112x128xf32, #tpu.memory_space<vmem>>)
        tpu.yield
      }) : () -> ()
      "tpu.region"() ({
        %run_scoped3A = tpu.sem_alloc : memref<!tpu.dma_semaphore, #tpu.memory_space<semaphore_mem>>
        %dma_start3A = arith.constant 0 : i32
        %dma_start3A_40 = arith.constant 0 : i32
        %dma_start3A_41 = tpu.memref_slice %arg14[%dma_start3A, %dma_start3A_40] : memref<128x128xf32, #tpu.memory_space<vmem>> -> memref<112x128xf32, #tpu.memory_space<vmem>>
        %dma_start3A_42 = arith.constant 0 : i32
        %dma_start3A_43 = tpu.memref_slice %arg7[%add3A_34, %dma_start3A_42] : memref<10000x128xf32, #tpu.memory_space<hbm>> -> memref<112x128xf32, #tpu.memory_space<hbm>>
        %dma_start3A_44 = arith.constant 0 : i32
        %dma_start3A_45 = tpu.memref_slice %arg7[%add3A_34, %dma_start3A_44] : memref<10000x128xf32, #tpu.memory_space<hbm>> -> memref<112x128xf32, #tpu.memory_space<hbm>>
        %dma_start3A_46 = arith.constant 0 : i32
        %dma_start3A_47 = arith.constant 0 : i32
        %dma_start3A_48 = tpu.memref_slice %arg14[%dma_start3A_46, %dma_start3A_47] : memref<128x128xf32, #tpu.memory_space<vmem>> -> memref<112x128xf32, #tpu.memory_space<vmem>>
        tpu.enqueue_dma source(%dma_start3A_48 : memref<112x128xf32, #tpu.memory_space<vmem>>) target(%dma_start3A_45 : memref<112x128xf32, #tpu.memory_space<hbm>>) target_semaphore(%run_scoped3A : memref<!tpu.dma_semaphore, #tpu.memory_space<semaphore_mem>>)
        %dma_wait3A = arith.constant 0 : i32
        %dma_wait3A_49 = arith.constant 0 : i32
        %dma_wait3A_50 = tpu.memref_slice %arg14[%dma_wait3A, %dma_wait3A_49] : memref<128x128xf32, #tpu.memory_space<vmem>> -> memref<112x128xf32, #tpu.memory_space<vmem>>
        %dma_wait3A_51 = arith.constant 0 : i32
        %dma_wait3A_52 = tpu.memref_slice %arg7[%add3A_34, %dma_wait3A_51] : memref<10000x128xf32, #tpu.memory_space<hbm>> -> memref<112x128xf32, #tpu.memory_space<hbm>>
        %dma_wait3A_53 = arith.constant 0 : i32
        %dma_wait3A_54 = tpu.memref_slice %arg7[%add3A_34, %dma_wait3A_53] : memref<10000x128xf32, #tpu.memory_space<hbm>> -> memref<112x128xf32, #tpu.memory_space<hbm>>
        %dma_wait3A_55 = arith.constant 0 : i32
        %dma_wait3A_56 = arith.constant 0 : i32
        %dma_wait3A_57 = tpu.memref_slice %arg14[%dma_wait3A_55, %dma_wait3A_56] : memref<128x128xf32, #tpu.memory_space<vmem>> -> memref<112x128xf32, #tpu.memory_space<vmem>>
        tpu.wait_dma2 semaphore(%run_scoped3A : memref<!tpu.dma_semaphore, #tpu.memory_space<semaphore_mem>>) src(%dma_wait3A_57 : memref<112x128xf32, #tpu.memory_space<vmem>>) dst(%dma_wait3A_54 : memref<112x128xf32, #tpu.memory_space<hbm>>)
        tpu.yield
      }) : () -> ()
      %eq3A_35 = arith.constant 15 : i32
      %eq3A_36 = arith.cmpi eq, %arg1, %eq3A_35 : i32
      %convert_element_type3A_37 = arith.extui %eq3A_36 : i1 to i32
      %cond3A_38 = arith.constant 0 : i32
      %cond3A_39 = arith.cmpi ne, %convert_element_type3A_37, %cond3A_38 : i32
      scf.if %cond3A_39 {
        "tpu.region"() ({
          %run_scoped3A = tpu.sem_alloc : memref<!tpu.dma_semaphore, #tpu.memory_space<semaphore_mem>>
          %dma_start3A = arith.constant 0 : i32
          %dma_start3A_40 = arith.constant 0 : i32
          %dma_start3A_41 = tpu.memref_slice %arg14[%dma_start3A, %dma_start3A_40] : memref<128x128xf32, #tpu.memory_space<vmem>> -> memref<16x128xf32, #tpu.memory_space<vmem>>
          %dma_start3A_42 = arith.constant 9984 : i32
          %dma_start3A_43 = arith.constant 0 : i32
          %dma_start3A_44 = tpu.memref_slice %arg16[%dma_start3A_42, %dma_start3A_43] : memref<10000x128xf32, #tpu.memory_space<vmem_shared>> -> memref<16x128xf32, #tpu.memory_space<vmem_shared>>
          %dma_start3A_45 = arith.constant 0 : i32
          %dma_start3A_46 = arith.constant 0 : i32
          %dma_start3A_47 = tpu.memref_slice %arg14[%dma_start3A_45, %dma_start3A_46] : memref<128x128xf32, #tpu.memory_space<vmem>> -> memref<16x128xf32, #tpu.memory_space<vmem>>
          %dma_start3A_48 = arith.constant 9984 : i32
          %dma_start3A_49 = arith.constant 0 : i32
          %dma_start3A_50 = tpu.memref_slice %arg16[%dma_start3A_48, %dma_start3A_49] : memref<10000x128xf32, #tpu.memory_space<vmem_shared>> -> memref<16x128xf32, #tpu.memory_space<vmem_shared>>
          tpu.enqueue_dma source(%dma_start3A_50 : memref<16x128xf32, #tpu.memory_space<vmem_shared>>) target(%dma_start3A_47 : memref<16x128xf32, #tpu.memory_space<vmem>>) target_semaphore(%run_scoped3A : memref<!tpu.dma_semaphore, #tpu.memory_space<semaphore_mem>>)
          %dma_wait3A = arith.constant 0 : i32
          %dma_wait3A_51 = arith.constant 0 : i32
          %dma_wait3A_52 = tpu.memref_slice %arg14[%dma_wait3A, %dma_wait3A_51] : memref<128x128xf32, #tpu.memory_space<vmem>> -> memref<16x128xf32, #tpu.memory_space<vmem>>
          %dma_wait3A_53 = arith.constant 9984 : i32
          %dma_wait3A_54 = arith.constant 0 : i32
          %dma_wait3A_55 = tpu.memref_slice %arg16[%dma_wait3A_53, %dma_wait3A_54] : memref<10000x128xf32, #tpu.memory_space<vmem_shared>> -> memref<16x128xf32, #tpu.memory_space<vmem_shared>>
          %dma_wait3A_56 = arith.constant 0 : i32
          %dma_wait3A_57 = arith.constant 0 : i32
          %dma_wait3A_58 = tpu.memref_slice %arg14[%dma_wait3A_56, %dma_wait3A_57] : memref<128x128xf32, #tpu.memory_space<vmem>> -> memref<16x128xf32, #tpu.memory_space<vmem>>
          %dma_wait3A_59 = arith.constant 9984 : i32
          %dma_wait3A_60 = arith.constant 0 : i32
          %dma_wait3A_61 = tpu.memref_slice %arg16[%dma_wait3A_59, %dma_wait3A_60] : memref<10000x128xf32, #tpu.memory_space<vmem_shared>> -> memref<16x128xf32, #tpu.memory_space<vmem_shared>>
          tpu.wait_dma2 semaphore(%run_scoped3A : memref<!tpu.dma_semaphore, #tpu.memory_space<semaphore_mem>>) src(%dma_wait3A_61 : memref<16x128xf32, #tpu.memory_space<vmem_shared>>) dst(%dma_wait3A_58 : memref<16x128xf32, #tpu.memory_space<vmem>>)
          tpu.yield
        }) : () -> ()
        "tpu.region"() ({
          %run_scoped3A = tpu.sem_alloc : memref<!tpu.dma_semaphore, #tpu.memory_space<semaphore_mem>>
          %dma_start3A = arith.constant 0 : i32
          %dma_start3A_40 = arith.constant 0 : i32
          %dma_start3A_41 = tpu.memref_slice %arg14[%dma_start3A, %dma_start3A_40] : memref<128x128xf32, #tpu.memory_space<vmem>> -> memref<16x128xf32, #tpu.memory_space<vmem>>
          %dma_start3A_42 = arith.constant 9984 : i32
          %dma_start3A_43 = arith.constant 0 : i32
          %dma_start3A_44 = tpu.memref_slice %arg7[%dma_start3A_42, %dma_start3A_43] : memref<10000x128xf32, #tpu.memory_space<hbm>> -> memref<16x128xf32, #tpu.memory_space<hbm>>
          %dma_start3A_45 = arith.constant 9984 : i32
          %dma_start3A_46 = arith.constant 0 : i32
          %dma_start3A_47 = tpu.memref_slice %arg7[%dma_start3A_45, %dma_start3A_46] : memref<10000x128xf32, #tpu.memory_space<hbm>> -> memref<16x128xf32, #tpu.memory_space<hbm>>
          %dma_start3A_48 = arith.constant 0 : i32
          %dma_start3A_49 = arith.constant 0 : i32
          %dma_start3A_50 = tpu.memref_slice %arg14[%dma_start3A_48, %dma_start3A_49] : memref<128x128xf32, #tpu.memory_space<vmem>> -> memref<16x128xf32, #tpu.memory_space<vmem>>
          tpu.enqueue_dma source(%dma_start3A_50 : memref<16x128xf32, #tpu.memory_space<vmem>>) target(%dma_start3A_47 : memref<16x128xf32, #tpu.memory_space<hbm>>) target_semaphore(%run_scoped3A : memref<!tpu.dma_semaphore, #tpu.memory_space<semaphore_mem>>)
          %dma_wait3A = arith.constant 0 : i32
          %dma_wait3A_51 = arith.constant 0 : i32
          %dma_wait3A_52 = tpu.memref_slice %arg14[%dma_wait3A, %dma_wait3A_51] : memref<128x128xf32, #tpu.memory_space<vmem>> -> memref<16x128xf32, #tpu.memory_space<vmem>>
          %dma_wait3A_53 = arith.constant 9984 : i32
          %dma_wait3A_54 = arith.constant 0 : i32
          %dma_wait3A_55 = tpu.memref_slice %arg7[%dma_wait3A_53, %dma_wait3A_54] : memref<10000x128xf32, #tpu.memory_space<hbm>> -> memref<16x128xf32, #tpu.memory_space<hbm>>
          %dma_wait3A_56 = arith.constant 9984 : i32
          %dma_wait3A_57 = arith.constant 0 : i32
          %dma_wait3A_58 = tpu.memref_slice %arg7[%dma_wait3A_56, %dma_wait3A_57] : memref<10000x128xf32, #tpu.memory_space<hbm>> -> memref<16x128xf32, #tpu.memory_space<hbm>>
          %dma_wait3A_59 = arith.constant 0 : i32
          %dma_wait3A_60 = arith.constant 0 : i32
          %dma_wait3A_61 = tpu.memref_slice %arg14[%dma_wait3A_59, %dma_wait3A_60] : memref<128x128xf32, #tpu.memory_space<vmem>> -> memref<16x128xf32, #tpu.memory_space<vmem>>
          tpu.wait_dma2 semaphore(%run_scoped3A : memref<!tpu.dma_semaphore, #tpu.memory_space<semaphore_mem>>) src(%dma_wait3A_61 : memref<16x128xf32, #tpu.memory_space<vmem>>) dst(%dma_wait3A_58 : memref<16x128xf32, #tpu.memory_space<hbm>>)
          tpu.yield
        }) : () -> ()
      } else {
      }
    } else {
    }
    return
  }
}

#map = affine_map<(d0, d1) -> (0, 0)>
#map1 = affine_map<(d0, d1) -> (0)>
module attributes {stable_mosaic.version = 14 : i64} {
  func.func @mp2(%arg0: i32, %arg1: i32, %arg2: memref<10000x128xf32, #tpu.memory_space<hbm>>, %arg3: memref<320000xi32, #tpu.memory_space<hbm>>, %arg4: memref<320000xi32, #tpu.memory_space<hbm>>, %arg5: memref<10000x128xf32, #tpu.memory_space<hbm>>, %arg6: memref<10000x128xf32, #tpu.memory_space<hbm>>, %arg7: memref<128xi32, #tpu.memory_space<vmem>>, %arg8: memref<128xi32, #tpu.memory_space<vmem>>, %arg9: memref<128xi32, #tpu.memory_space<vmem>>, %arg10: memref<128xi32, #tpu.memory_space<vmem>>, %arg11: memref<128xi32, #tpu.memory_space<vmem>>, %arg12: memref<128xi32, #tpu.memory_space<vmem>>, %arg13: memref<128x128xf32, #tpu.memory_space<vmem>>, %arg14: memref<128x128xf32, #tpu.memory_space<vmem>>, %arg15: memref<10000x128xf32, #tpu.memory_space<vmem_shared>>, %arg16: memref<!tpu.dma_semaphore, #tpu.memory_space<semaphore_mem>>, %arg17: memref<!tpu.dma_semaphore, #tpu.memory_space<semaphore_mem>>, %arg18: memref<!tpu.dma_semaphore, #tpu.memory_space<semaphore_mem>>, %arg19: memref<!tpu.dma_semaphore, #tpu.memory_space<semaphore_mem>>, %arg20: memref<!tpu.dma_semaphore, #tpu.memory_space<semaphore_mem>>, %arg21: memref<!tpu.dma_semaphore, #tpu.memory_space<semaphore_mem>>, %arg22: memref<!tpu.dma_semaphore, #tpu.memory_space<semaphore_mem>>) attributes {dimension_semantics = [#tpu.dimension_semantics<core_parallel>, #tpu.dimension_semantics<subcore_parallel>], iteration_bounds = array<i64: 2, 16>, scalar_prefetch = 0 : i64, scratch_operands = 16 : i64, tpu.core_type = #tpu.core_type<sc_vector_subcore>, window_params = [{transform_indices = #map}, {transform_indices = #map1}, {transform_indices = #map1}, {transform_indices = #map}, {transform_indices = #map}]} {
    %mul3A = arith.constant 624 : i32
    %mul3A_0 = arith.muli %arg1, %mul3A : i32
    %scan3A = arith.constant 0 : i32
    %scan3A_1 = arith.constant 0 : i32
    %scan3A_2 = arith.constant 4 : i32
    %scan3A_3 = arith.addi %scan3A_1, %scan3A_2 : i32
    %scan3A_4 = arith.constant 1 : i32
    scf.for %scan3A_61 = %scan3A_1 to %scan3A_3 step %scan3A_4  : i32 {
      %mul3A_62 = arith.constant 128 : i32
      %mul3A_63 = arith.muli %scan3A_61, %mul3A_62 : i32
      %add3A_64 = arith.addi %mul3A_0, %mul3A_63 : i32
      "tpu.region"() ({
        %run_scoped3A = tpu.sem_alloc : memref<!tpu.dma_semaphore, #tpu.memory_space<semaphore_mem>>
        %dma_start3A_65 = arith.constant 0 : i32
        %dma_start3A_66 = tpu.memref_slice %arg2[%add3A_64, %dma_start3A_65] : memref<10000x128xf32, #tpu.memory_space<hbm>> -> memref<128x128xf32, #tpu.memory_space<hbm>>
        %dma_start3A_67 = arith.constant 0 : i32
        %dma_start3A_68 = tpu.memref_slice %arg2[%add3A_64, %dma_start3A_67] : memref<10000x128xf32, #tpu.memory_space<hbm>> -> memref<128x128xf32, #tpu.memory_space<hbm>>
        tpu.enqueue_dma source(%dma_start3A_68 : memref<128x128xf32, #tpu.memory_space<hbm>>) target(%arg13 : memref<128x128xf32, #tpu.memory_space<vmem>>) target_semaphore(%run_scoped3A : memref<!tpu.dma_semaphore, #tpu.memory_space<semaphore_mem>>)
        %dma_wait3A_69 = arith.constant 0 : i32
        %dma_wait3A_70 = tpu.memref_slice %arg2[%add3A_64, %dma_wait3A_69] : memref<10000x128xf32, #tpu.memory_space<hbm>> -> memref<128x128xf32, #tpu.memory_space<hbm>>
        %dma_wait3A_71 = arith.constant 0 : i32
        %dma_wait3A_72 = tpu.memref_slice %arg2[%add3A_64, %dma_wait3A_71] : memref<10000x128xf32, #tpu.memory_space<hbm>> -> memref<128x128xf32, #tpu.memory_space<hbm>>
        tpu.wait_dma2 semaphore(%run_scoped3A : memref<!tpu.dma_semaphore, #tpu.memory_space<semaphore_mem>>) src(%dma_wait3A_72 : memref<128x128xf32, #tpu.memory_space<hbm>>) dst(%arg13 : memref<128x128xf32, #tpu.memory_space<vmem>>)
        tpu.yield
      }) : () -> ()
      "tpu.region"() ({
        %run_scoped3A = tpu.sem_alloc : memref<!tpu.dma_semaphore, #tpu.memory_space<semaphore_mem>>
        %dma_start3A_65 = arith.constant 0 : i32
        %dma_start3A_66 = tpu.memref_slice %arg15[%add3A_64, %dma_start3A_65] : memref<10000x128xf32, #tpu.memory_space<vmem_shared>> -> memref<128x128xf32, #tpu.memory_space<vmem_shared>>
        %dma_start3A_67 = arith.constant 0 : i32
        %dma_start3A_68 = tpu.memref_slice %arg15[%add3A_64, %dma_start3A_67] : memref<10000x128xf32, #tpu.memory_space<vmem_shared>> -> memref<128x128xf32, #tpu.memory_space<vmem_shared>>
        tpu.enqueue_dma source(%arg13 : memref<128x128xf32, #tpu.memory_space<vmem>>) target(%dma_start3A_68 : memref<128x128xf32, #tpu.memory_space<vmem_shared>>) target_semaphore(%run_scoped3A : memref<!tpu.dma_semaphore, #tpu.memory_space<semaphore_mem>>)
        %dma_wait3A_69 = arith.constant 0 : i32
        %dma_wait3A_70 = tpu.memref_slice %arg15[%add3A_64, %dma_wait3A_69] : memref<10000x128xf32, #tpu.memory_space<vmem_shared>> -> memref<128x128xf32, #tpu.memory_space<vmem_shared>>
        %dma_wait3A_71 = arith.constant 0 : i32
        %dma_wait3A_72 = tpu.memref_slice %arg15[%add3A_64, %dma_wait3A_71] : memref<10000x128xf32, #tpu.memory_space<vmem_shared>> -> memref<128x128xf32, #tpu.memory_space<vmem_shared>>
        tpu.wait_dma2 semaphore(%run_scoped3A : memref<!tpu.dma_semaphore, #tpu.memory_space<semaphore_mem>>) src(%arg13 : memref<128x128xf32, #tpu.memory_space<vmem>>) dst(%dma_wait3A_72 : memref<128x128xf32, #tpu.memory_space<vmem_shared>>)
        tpu.yield
      }) : () -> ()
    }
    %scan3A_5 = arith.constant 4 : i32
    %add3A = arith.constant 512 : i32
    %add3A_6 = arith.addi %mul3A_0, %add3A : i32
    "tpu.region"() ({
      %run_scoped3A = tpu.sem_alloc : memref<!tpu.dma_semaphore, #tpu.memory_space<semaphore_mem>>
      %dma_start3A_61 = arith.constant 0 : i32
      %dma_start3A_62 = arith.constant 0 : i32
      %dma_start3A_63 = tpu.memref_slice %arg13[%dma_start3A_61, %dma_start3A_62] : memref<128x128xf32, #tpu.memory_space<vmem>> -> memref<112x128xf32, #tpu.memory_space<vmem>>
      %dma_start3A_64 = arith.constant 0 : i32
      %dma_start3A_65 = tpu.memref_slice %arg2[%add3A_6, %dma_start3A_64] : memref<10000x128xf32, #tpu.memory_space<hbm>> -> memref<112x128xf32, #tpu.memory_space<hbm>>
      %dma_start3A_66 = arith.constant 0 : i32
      %dma_start3A_67 = arith.constant 0 : i32
      %dma_start3A_68 = tpu.memref_slice %arg13[%dma_start3A_66, %dma_start3A_67] : memref<128x128xf32, #tpu.memory_space<vmem>> -> memref<112x128xf32, #tpu.memory_space<vmem>>
      %dma_start3A_69 = arith.constant 0 : i32
      %dma_start3A_70 = tpu.memref_slice %arg2[%add3A_6, %dma_start3A_69] : memref<10000x128xf32, #tpu.memory_space<hbm>> -> memref<112x128xf32, #tpu.memory_space<hbm>>
      tpu.enqueue_dma source(%dma_start3A_70 : memref<112x128xf32, #tpu.memory_space<hbm>>) target(%dma_start3A_68 : memref<112x128xf32, #tpu.memory_space<vmem>>) target_semaphore(%run_scoped3A : memref<!tpu.dma_semaphore, #tpu.memory_space<semaphore_mem>>)
      %dma_wait3A_71 = arith.constant 0 : i32
      %dma_wait3A_72 = arith.constant 0 : i32
      %dma_wait3A_73 = tpu.memref_slice %arg13[%dma_wait3A_71, %dma_wait3A_72] : memref<128x128xf32, #tpu.memory_space<vmem>> -> memref<112x128xf32, #tpu.memory_space<vmem>>
      %dma_wait3A_74 = arith.constant 0 : i32
      %dma_wait3A_75 = tpu.memref_slice %arg2[%add3A_6, %dma_wait3A_74] : memref<10000x128xf32, #tpu.memory_space<hbm>> -> memref<112x128xf32, #tpu.memory_space<hbm>>
      %dma_wait3A_76 = arith.constant 0 : i32
      %dma_wait3A_77 = arith.constant 0 : i32
      %dma_wait3A_78 = tpu.memref_slice %arg13[%dma_wait3A_76, %dma_wait3A_77] : memref<128x128xf32, #tpu.memory_space<vmem>> -> memref<112x128xf32, #tpu.memory_space<vmem>>
      %dma_wait3A_79 = arith.constant 0 : i32
      %dma_wait3A_80 = tpu.memref_slice %arg2[%add3A_6, %dma_wait3A_79] : memref<10000x128xf32, #tpu.memory_space<hbm>> -> memref<112x128xf32, #tpu.memory_space<hbm>>
      tpu.wait_dma2 semaphore(%run_scoped3A : memref<!tpu.dma_semaphore, #tpu.memory_space<semaphore_mem>>) src(%dma_wait3A_80 : memref<112x128xf32, #tpu.memory_space<hbm>>) dst(%dma_wait3A_78 : memref<112x128xf32, #tpu.memory_space<vmem>>)
      tpu.yield
    }) : () -> ()
    "tpu.region"() ({
      %run_scoped3A = tpu.sem_alloc : memref<!tpu.dma_semaphore, #tpu.memory_space<semaphore_mem>>
      %dma_start3A_61 = arith.constant 0 : i32
      %dma_start3A_62 = arith.constant 0 : i32
      %dma_start3A_63 = tpu.memref_slice %arg13[%dma_start3A_61, %dma_start3A_62] : memref<128x128xf32, #tpu.memory_space<vmem>> -> memref<112x128xf32, #tpu.memory_space<vmem>>
      %dma_start3A_64 = arith.constant 0 : i32
      %dma_start3A_65 = tpu.memref_slice %arg15[%add3A_6, %dma_start3A_64] : memref<10000x128xf32, #tpu.memory_space<vmem_shared>> -> memref<112x128xf32, #tpu.memory_space<vmem_shared>>
      %dma_start3A_66 = arith.constant 0 : i32
      %dma_start3A_67 = tpu.memref_slice %arg15[%add3A_6, %dma_start3A_66] : memref<10000x128xf32, #tpu.memory_space<vmem_shared>> -> memref<112x128xf32, #tpu.memory_space<vmem_shared>>
      %dma_start3A_68 = arith.constant 0 : i32
      %dma_start3A_69 = arith.constant 0 : i32
      %dma_start3A_70 = tpu.memref_slice %arg13[%dma_start3A_68, %dma_start3A_69] : memref<128x128xf32, #tpu.memory_space<vmem>> -> memref<112x128xf32, #tpu.memory_space<vmem>>
      tpu.enqueue_dma source(%dma_start3A_70 : memref<112x128xf32, #tpu.memory_space<vmem>>) target(%dma_start3A_67 : memref<112x128xf32, #tpu.memory_space<vmem_shared>>) target_semaphore(%run_scoped3A : memref<!tpu.dma_semaphore, #tpu.memory_space<semaphore_mem>>)
      %dma_wait3A_71 = arith.constant 0 : i32
      %dma_wait3A_72 = arith.constant 0 : i32
      %dma_wait3A_73 = tpu.memref_slice %arg13[%dma_wait3A_71, %dma_wait3A_72] : memref<128x128xf32, #tpu.memory_space<vmem>> -> memref<112x128xf32, #tpu.memory_space<vmem>>
      %dma_wait3A_74 = arith.constant 0 : i32
      %dma_wait3A_75 = tpu.memref_slice %arg15[%add3A_6, %dma_wait3A_74] : memref<10000x128xf32, #tpu.memory_space<vmem_shared>> -> memref<112x128xf32, #tpu.memory_space<vmem_shared>>
      %dma_wait3A_76 = arith.constant 0 : i32
      %dma_wait3A_77 = tpu.memref_slice %arg15[%add3A_6, %dma_wait3A_76] : memref<10000x128xf32, #tpu.memory_space<vmem_shared>> -> memref<112x128xf32, #tpu.memory_space<vmem_shared>>
      %dma_wait3A_78 = arith.constant 0 : i32
      %dma_wait3A_79 = arith.constant 0 : i32
      %dma_wait3A_80 = tpu.memref_slice %arg13[%dma_wait3A_78, %dma_wait3A_79] : memref<128x128xf32, #tpu.memory_space<vmem>> -> memref<112x128xf32, #tpu.memory_space<vmem>>
      tpu.wait_dma2 semaphore(%run_scoped3A : memref<!tpu.dma_semaphore, #tpu.memory_space<semaphore_mem>>) src(%dma_wait3A_80 : memref<112x128xf32, #tpu.memory_space<vmem>>) dst(%dma_wait3A_77 : memref<112x128xf32, #tpu.memory_space<vmem_shared>>)
      tpu.yield
    }) : () -> ()
    %eq3A = arith.constant 15 : i32
    %eq3A_7 = arith.cmpi eq, %arg1, %eq3A : i32
    %convert_element_type3A = arith.extui %eq3A_7 : i1 to i32
    %cond3A = arith.constant 0 : i32
    %cond3A_8 = arith.cmpi ne, %convert_element_type3A, %cond3A : i32
    scf.if %cond3A_8 {
      "tpu.region"() ({
        %run_scoped3A = tpu.sem_alloc : memref<!tpu.dma_semaphore, #tpu.memory_space<semaphore_mem>>
        %dma_start3A_61 = arith.constant 0 : i32
        %dma_start3A_62 = arith.constant 0 : i32
        %dma_start3A_63 = tpu.memref_slice %arg13[%dma_start3A_61, %dma_start3A_62] : memref<128x128xf32, #tpu.memory_space<vmem>> -> memref<16x128xf32, #tpu.memory_space<vmem>>
        %dma_start3A_64 = arith.constant 9984 : i32
        %dma_start3A_65 = arith.constant 0 : i32
        %dma_start3A_66 = tpu.memref_slice %arg2[%dma_start3A_64, %dma_start3A_65] : memref<10000x128xf32, #tpu.memory_space<hbm>> -> memref<16x128xf32, #tpu.memory_space<hbm>>
        %dma_start3A_67 = arith.constant 0 : i32
        %dma_start3A_68 = arith.constant 0 : i32
        %dma_start3A_69 = tpu.memref_slice %arg13[%dma_start3A_67, %dma_start3A_68] : memref<128x128xf32, #tpu.memory_space<vmem>> -> memref<16x128xf32, #tpu.memory_space<vmem>>
        %dma_start3A_70 = arith.constant 9984 : i32
        %dma_start3A_71 = arith.constant 0 : i32
        %dma_start3A_72 = tpu.memref_slice %arg2[%dma_start3A_70, %dma_start3A_71] : memref<10000x128xf32, #tpu.memory_space<hbm>> -> memref<16x128xf32, #tpu.memory_space<hbm>>
        tpu.enqueue_dma source(%dma_start3A_72 : memref<16x128xf32, #tpu.memory_space<hbm>>) target(%dma_start3A_69 : memref<16x128xf32, #tpu.memory_space<vmem>>) target_semaphore(%run_scoped3A : memref<!tpu.dma_semaphore, #tpu.memory_space<semaphore_mem>>)
        %dma_wait3A_73 = arith.constant 0 : i32
        %dma_wait3A_74 = arith.constant 0 : i32
        %dma_wait3A_75 = tpu.memref_slice %arg13[%dma_wait3A_73, %dma_wait3A_74] : memref<128x128xf32, #tpu.memory_space<vmem>> -> memref<16x128xf32, #tpu.memory_space<vmem>>
        %dma_wait3A_76 = arith.constant 9984 : i32
        %dma_wait3A_77 = arith.constant 0 : i32
        %dma_wait3A_78 = tpu.memref_slice %arg2[%dma_wait3A_76, %dma_wait3A_77] : memref<10000x128xf32, #tpu.memory_space<hbm>> -> memref<16x128xf32, #tpu.memory_space<hbm>>
        %dma_wait3A_79 = arith.constant 0 : i32
        %dma_wait3A_80 = arith.constant 0 : i32
        %dma_wait3A_81 = tpu.memref_slice %arg13[%dma_wait3A_79, %dma_wait3A_80] : memref<128x128xf32, #tpu.memory_space<vmem>> -> memref<16x128xf32, #tpu.memory_space<vmem>>
        %dma_wait3A_82 = arith.constant 9984 : i32
        %dma_wait3A_83 = arith.constant 0 : i32
        %dma_wait3A_84 = tpu.memref_slice %arg2[%dma_wait3A_82, %dma_wait3A_83] : memref<10000x128xf32, #tpu.memory_space<hbm>> -> memref<16x128xf32, #tpu.memory_space<hbm>>
        tpu.wait_dma2 semaphore(%run_scoped3A : memref<!tpu.dma_semaphore, #tpu.memory_space<semaphore_mem>>) src(%dma_wait3A_84 : memref<16x128xf32, #tpu.memory_space<hbm>>) dst(%dma_wait3A_81 : memref<16x128xf32, #tpu.memory_space<vmem>>)
        tpu.yield
      }) : () -> ()
      "tpu.region"() ({
        %run_scoped3A = tpu.sem_alloc : memref<!tpu.dma_semaphore, #tpu.memory_space<semaphore_mem>>
        %dma_start3A_61 = arith.constant 0 : i32
        %dma_start3A_62 = arith.constant 0 : i32
        %dma_start3A_63 = tpu.memref_slice %arg13[%dma_start3A_61, %dma_start3A_62] : memref<128x128xf32, #tpu.memory_space<vmem>> -> memref<16x128xf32, #tpu.memory_space<vmem>>
        %dma_start3A_64 = arith.constant 9984 : i32
        %dma_start3A_65 = arith.constant 0 : i32
        %dma_start3A_66 = tpu.memref_slice %arg15[%dma_start3A_64, %dma_start3A_65] : memref<10000x128xf32, #tpu.memory_space<vmem_shared>> -> memref<16x128xf32, #tpu.memory_space<vmem_shared>>
        %dma_start3A_67 = arith.constant 9984 : i32
        %dma_start3A_68 = arith.constant 0 : i32
        %dma_start3A_69 = tpu.memref_slice %arg15[%dma_start3A_67, %dma_start3A_68] : memref<10000x128xf32, #tpu.memory_space<vmem_shared>> -> memref<16x128xf32, #tpu.memory_space<vmem_shared>>
        %dma_start3A_70 = arith.constant 0 : i32
        %dma_start3A_71 = arith.constant 0 : i32
        %dma_start3A_72 = tpu.memref_slice %arg13[%dma_start3A_70, %dma_start3A_71] : memref<128x128xf32, #tpu.memory_space<vmem>> -> memref<16x128xf32, #tpu.memory_space<vmem>>
        tpu.enqueue_dma source(%dma_start3A_72 : memref<16x128xf32, #tpu.memory_space<vmem>>) target(%dma_start3A_69 : memref<16x128xf32, #tpu.memory_space<vmem_shared>>) target_semaphore(%run_scoped3A : memref<!tpu.dma_semaphore, #tpu.memory_space<semaphore_mem>>)
        %dma_wait3A_73 = arith.constant 0 : i32
        %dma_wait3A_74 = arith.constant 0 : i32
        %dma_wait3A_75 = tpu.memref_slice %arg13[%dma_wait3A_73, %dma_wait3A_74] : memref<128x128xf32, #tpu.memory_space<vmem>> -> memref<16x128xf32, #tpu.memory_space<vmem>>
        %dma_wait3A_76 = arith.constant 9984 : i32
        %dma_wait3A_77 = arith.constant 0 : i32
        %dma_wait3A_78 = tpu.memref_slice %arg15[%dma_wait3A_76, %dma_wait3A_77] : memref<10000x128xf32, #tpu.memory_space<vmem_shared>> -> memref<16x128xf32, #tpu.memory_space<vmem_shared>>
        %dma_wait3A_79 = arith.constant 9984 : i32
        %dma_wait3A_80 = arith.constant 0 : i32
        %dma_wait3A_81 = tpu.memref_slice %arg15[%dma_wait3A_79, %dma_wait3A_80] : memref<10000x128xf32, #tpu.memory_space<vmem_shared>> -> memref<16x128xf32, #tpu.memory_space<vmem_shared>>
        %dma_wait3A_82 = arith.constant 0 : i32
        %dma_wait3A_83 = arith.constant 0 : i32
        %dma_wait3A_84 = tpu.memref_slice %arg13[%dma_wait3A_82, %dma_wait3A_83] : memref<128x128xf32, #tpu.memory_space<vmem>> -> memref<16x128xf32, #tpu.memory_space<vmem>>
        tpu.wait_dma2 semaphore(%run_scoped3A : memref<!tpu.dma_semaphore, #tpu.memory_space<semaphore_mem>>) src(%dma_wait3A_84 : memref<16x128xf32, #tpu.memory_space<vmem>>) dst(%dma_wait3A_81 : memref<16x128xf32, #tpu.memory_space<vmem_shared>>)
        tpu.yield
      }) : () -> ()
    } else {
    }
    %barrier3A = arith.constant 0 : index
    tpu.barrier barrier_id(%barrier3A)
    %mul3A_9 = arith.constant 1250 : i32
    %mul3A_10 = arith.muli %arg0, %mul3A_9 : i32
    %add3A_11 = arith.addi %mul3A_10, %arg1 : i32
    %lt3A = arith.constant 2 : i32
    %lt3A_12 = arith.cmpi slt, %arg1, %lt3A : i32
    %add3A_13 = arith.constant 0 : i32
    %add3A_14 = arith.addi %add3A_11, %add3A_13 : i32
    %mul3A_15 = arith.constant 128 : i32
    %mul3A_16 = arith.muli %add3A_14, %mul3A_15 : i32
    %dma_start3A = tpu.memref_slice %arg3[%mul3A_16] : memref<320000xi32, #tpu.memory_space<hbm>> -> memref<128xi32, #tpu.memory_space<hbm>>
    %dma_start3A_17 = tpu.memref_slice %arg3[%mul3A_16] : memref<320000xi32, #tpu.memory_space<hbm>> -> memref<128xi32, #tpu.memory_space<hbm>>
    tpu.enqueue_dma source(%dma_start3A_17 : memref<128xi32, #tpu.memory_space<hbm>>) target(%arg7 : memref<128xi32, #tpu.memory_space<vmem>>) target_semaphore(%arg16 : memref<!tpu.dma_semaphore, #tpu.memory_space<semaphore_mem>>)
    %dma_start3A_18 = tpu.memref_slice %arg4[%mul3A_16] : memref<320000xi32, #tpu.memory_space<hbm>> -> memref<128xi32, #tpu.memory_space<hbm>>
    %dma_start3A_19 = tpu.memref_slice %arg4[%mul3A_16] : memref<320000xi32, #tpu.memory_space<hbm>> -> memref<128xi32, #tpu.memory_space<hbm>>
    tpu.enqueue_dma source(%dma_start3A_19 : memref<128xi32, #tpu.memory_space<hbm>>) target(%arg8 : memref<128xi32, #tpu.memory_space<vmem>>) target_semaphore(%arg16 : memref<!tpu.dma_semaphore, #tpu.memory_space<semaphore_mem>>)
    %add3A_20 = arith.constant 16 : i32
    %add3A_21 = arith.addi %add3A_11, %add3A_20 : i32
    %mul3A_22 = arith.constant 128 : i32
    %mul3A_23 = arith.muli %add3A_21, %mul3A_22 : i32
    %dma_start3A_24 = tpu.memref_slice %arg3[%mul3A_23] : memref<320000xi32, #tpu.memory_space<hbm>> -> memref<128xi32, #tpu.memory_space<hbm>>
    %dma_start3A_25 = tpu.memref_slice %arg3[%mul3A_23] : memref<320000xi32, #tpu.memory_space<hbm>> -> memref<128xi32, #tpu.memory_space<hbm>>
    tpu.enqueue_dma source(%dma_start3A_25 : memref<128xi32, #tpu.memory_space<hbm>>) target(%arg9 : memref<128xi32, #tpu.memory_space<vmem>>) target_semaphore(%arg17 : memref<!tpu.dma_semaphore, #tpu.memory_space<semaphore_mem>>)
    %dma_start3A_26 = tpu.memref_slice %arg4[%mul3A_23] : memref<320000xi32, #tpu.memory_space<hbm>> -> memref<128xi32, #tpu.memory_space<hbm>>
    %dma_start3A_27 = tpu.memref_slice %arg4[%mul3A_23] : memref<320000xi32, #tpu.memory_space<hbm>> -> memref<128xi32, #tpu.memory_space<hbm>>
    tpu.enqueue_dma source(%dma_start3A_27 : memref<128xi32, #tpu.memory_space<hbm>>) target(%arg10 : memref<128xi32, #tpu.memory_space<vmem>>) target_semaphore(%arg17 : memref<!tpu.dma_semaphore, #tpu.memory_space<semaphore_mem>>)
    %dma_wait3A = arith.constant 0 : i32
    %dma_wait3A_28 = tpu.memref_slice %arg3[%dma_wait3A] : memref<320000xi32, #tpu.memory_space<hbm>> -> memref<128xi32, #tpu.memory_space<hbm>>
    %dma_wait3A_29 = arith.constant 0 : i32
    %dma_wait3A_30 = tpu.memref_slice %arg3[%dma_wait3A_29] : memref<320000xi32, #tpu.memory_space<hbm>> -> memref<128xi32, #tpu.memory_space<hbm>>
    tpu.wait_dma2 semaphore(%arg16 : memref<!tpu.dma_semaphore, #tpu.memory_space<semaphore_mem>>) src(%dma_wait3A_30 : memref<128xi32, #tpu.memory_space<hbm>>) dst(%arg7 : memref<128xi32, #tpu.memory_space<vmem>>)
    %dma_wait3A_31 = arith.constant 0 : i32
    %dma_wait3A_32 = tpu.memref_slice %arg4[%dma_wait3A_31] : memref<320000xi32, #tpu.memory_space<hbm>> -> memref<128xi32, #tpu.memory_space<hbm>>
    %dma_wait3A_33 = arith.constant 0 : i32
    %dma_wait3A_34 = tpu.memref_slice %arg4[%dma_wait3A_33] : memref<320000xi32, #tpu.memory_space<hbm>> -> memref<128xi32, #tpu.memory_space<hbm>>
    tpu.wait_dma2 semaphore(%arg16 : memref<!tpu.dma_semaphore, #tpu.memory_space<semaphore_mem>>) src(%dma_wait3A_34 : memref<128xi32, #tpu.memory_space<hbm>>) dst(%arg8 : memref<128xi32, #tpu.memory_space<vmem>>)
    %dma_start3A_35 = arith.constant 0 : i32
    %dma_start3A_36 = arith.constant 0 : i32
    %dma_start3A_37 = tpu.memref_slice %arg2[%dma_start3A_35, %dma_start3A_36] : memref<10000x128xf32, #tpu.memory_space<hbm>> -> memref<10000x128xf32, #tpu.memory_space<hbm>>
    tpu.enqueue_indirect_dma source(%dma_start3A_37 : memref<10000x128xf32, #tpu.memory_space<hbm>>) target(%arg13 : memref<128x128xf32, #tpu.memory_space<vmem>>) offsets(%arg7 : memref<128xi32, #tpu.memory_space<vmem>>) semaphore(%arg19 : memref<!tpu.dma_semaphore, #tpu.memory_space<semaphore_mem>>)
    %scan3A_38 = arith.constant 0 : i32
    %scan3A_39 = arith.constant 0 : i32
    %scan3A_40 = arith.constant 13 : i32
    %scan3A_41 = arith.addi %scan3A_39, %scan3A_40 : i32
    %scan3A_42 = arith.constant 1 : i32
    scf.for %scan3A_61 = %scan3A_39 to %scan3A_41 step %scan3A_42  : i32 {
      %mul3A_62 = arith.constant 6 : i32
      %mul3A_63 = arith.muli %mul3A_62, %scan3A_61 : i32
      %add3A_64 = arith.constant 0 : i32
      %add3A_65 = arith.addi %mul3A_63, %add3A_64 : i32
      %dma_wait3A_66 = arith.constant 0 : i32
      %dma_wait3A_67 = tpu.memref_slice %arg3[%dma_wait3A_66] : memref<320000xi32, #tpu.memory_space<hbm>> -> memref<128xi32, #tpu.memory_space<hbm>>
      %dma_wait3A_68 = arith.constant 0 : i32
      %dma_wait3A_69 = tpu.memref_slice %arg3[%dma_wait3A_68] : memref<320000xi32, #tpu.memory_space<hbm>> -> memref<128xi32, #tpu.memory_space<hbm>>
      tpu.wait_dma2 semaphore(%arg17 : memref<!tpu.dma_semaphore, #tpu.memory_space<semaphore_mem>>) src(%dma_wait3A_69 : memref<128xi32, #tpu.memory_space<hbm>>) dst(%arg9 : memref<128xi32, #tpu.memory_space<vmem>>)
      %dma_wait3A_70 = arith.constant 0 : i32
      %dma_wait3A_71 = tpu.memref_slice %arg4[%dma_wait3A_70] : memref<320000xi32, #tpu.memory_space<hbm>> -> memref<128xi32, #tpu.memory_space<hbm>>
      %dma_wait3A_72 = arith.constant 0 : i32
      %dma_wait3A_73 = tpu.memref_slice %arg4[%dma_wait3A_72] : memref<320000xi32, #tpu.memory_space<hbm>> -> memref<128xi32, #tpu.memory_space<hbm>>
      tpu.wait_dma2 semaphore(%arg17 : memref<!tpu.dma_semaphore, #tpu.memory_space<semaphore_mem>>) src(%dma_wait3A_73 : memref<128xi32, #tpu.memory_space<hbm>>) dst(%arg10 : memref<128xi32, #tpu.memory_space<vmem>>)
      %gt3A = arith.constant 0 : i32
      %gt3A_74 = arith.cmpi sgt, %scan3A_61, %gt3A : i32
      %convert_element_type3A_75 = arith.extui %gt3A_74 : i1 to i32
      %cond3A_76 = arith.constant 0 : i32
      %cond3A_77 = arith.cmpi ne, %convert_element_type3A_75, %cond3A_76 : i32
      scf.if %cond3A_77 {
        %dma_wait3A_260 = arith.constant 0 : i32
        %dma_wait3A_261 = arith.constant 0 : i32
        %dma_wait3A_262 = tpu.memref_slice %arg15[%dma_wait3A_260, %dma_wait3A_261] : memref<10000x128xf32, #tpu.memory_space<vmem_shared>> -> memref<10000x128xf32, #tpu.memory_space<vmem_shared>>
        tpu.wait_indirect_dma semaphore(%arg22 : memref<!tpu.dma_semaphore, #tpu.memory_space<semaphore_mem>>) src(%arg14 : memref<128x128xf32, #tpu.memory_space<vmem>>) dst(%dma_wait3A_262 : memref<10000x128xf32, #tpu.memory_space<vmem_shared>>)
      } else {
      }
      %add3A_78 = arith.constant 2 : i32
      %add3A_79 = arith.addi %add3A_65, %add3A_78 : i32
      %mul3A_80 = arith.constant 16 : i32
      %mul3A_81 = arith.muli %add3A_79, %mul3A_80 : i32
      %add3A_82 = arith.addi %add3A_11, %mul3A_81 : i32
      %mul3A_83 = arith.constant 128 : i32
      %mul3A_84 = arith.muli %add3A_82, %mul3A_83 : i32
      %dma_start3A_85 = tpu.memref_slice %arg3[%mul3A_84] : memref<320000xi32, #tpu.memory_space<hbm>> -> memref<128xi32, #tpu.memory_space<hbm>>
      %dma_start3A_86 = tpu.memref_slice %arg3[%mul3A_84] : memref<320000xi32, #tpu.memory_space<hbm>> -> memref<128xi32, #tpu.memory_space<hbm>>
      tpu.enqueue_dma source(%dma_start3A_86 : memref<128xi32, #tpu.memory_space<hbm>>) target(%arg11 : memref<128xi32, #tpu.memory_space<vmem>>) target_semaphore(%arg18 : memref<!tpu.dma_semaphore, #tpu.memory_space<semaphore_mem>>)
      %dma_start3A_87 = tpu.memref_slice %arg4[%mul3A_84] : memref<320000xi32, #tpu.memory_space<hbm>> -> memref<128xi32, #tpu.memory_space<hbm>>
      %dma_start3A_88 = tpu.memref_slice %arg4[%mul3A_84] : memref<320000xi32, #tpu.memory_space<hbm>> -> memref<128xi32, #tpu.memory_space<hbm>>
      tpu.enqueue_dma source(%dma_start3A_88 : memref<128xi32, #tpu.memory_space<hbm>>) target(%arg12 : memref<128xi32, #tpu.memory_space<vmem>>) target_semaphore(%arg18 : memref<!tpu.dma_semaphore, #tpu.memory_space<semaphore_mem>>)
      %dma_start3A_89 = arith.constant 0 : i32
      %dma_start3A_90 = arith.constant 0 : i32
      %dma_start3A_91 = tpu.memref_slice %arg2[%dma_start3A_89, %dma_start3A_90] : memref<10000x128xf32, #tpu.memory_space<hbm>> -> memref<10000x128xf32, #tpu.memory_space<hbm>>
      tpu.enqueue_indirect_dma source(%dma_start3A_91 : memref<10000x128xf32, #tpu.memory_space<hbm>>) target(%arg14 : memref<128x128xf32, #tpu.memory_space<vmem>>) offsets(%arg9 : memref<128xi32, #tpu.memory_space<vmem>>) semaphore(%arg20 : memref<!tpu.dma_semaphore, #tpu.memory_space<semaphore_mem>>)
      %dma_wait3A_92 = arith.constant 0 : i32
      %dma_wait3A_93 = arith.constant 0 : i32
      %dma_wait3A_94 = tpu.memref_slice %arg2[%dma_wait3A_92, %dma_wait3A_93] : memref<10000x128xf32, #tpu.memory_space<hbm>> -> memref<10000x128xf32, #tpu.memory_space<hbm>>
      tpu.wait_indirect_dma semaphore(%arg19 : memref<!tpu.dma_semaphore, #tpu.memory_space<semaphore_mem>>) src(%dma_wait3A_94 : memref<10000x128xf32, #tpu.memory_space<hbm>>) dst(%arg13 : memref<128x128xf32, #tpu.memory_space<vmem>>)
      %dma_start3A_95 = arith.constant 0 : i32
      %dma_start3A_96 = arith.constant 0 : i32
      %dma_start3A_97 = tpu.memref_slice %arg15[%dma_start3A_95, %dma_start3A_96] : memref<10000x128xf32, #tpu.memory_space<vmem_shared>> -> memref<10000x128xf32, #tpu.memory_space<vmem_shared>>
      tpu.enqueue_indirect_dma source(%arg13 : memref<128x128xf32, #tpu.memory_space<vmem>>) target(%dma_start3A_97 : memref<10000x128xf32, #tpu.memory_space<vmem_shared>>) offsets(%arg8 : memref<128xi32, #tpu.memory_space<vmem>>) semaphore(%arg21 : memref<!tpu.dma_semaphore, #tpu.memory_space<semaphore_mem>>) {add = true}
      %mul3A_98 = arith.constant 6 : i32
      %mul3A_99 = arith.muli %mul3A_98, %scan3A_61 : i32
      %add3A_100 = arith.constant 1 : i32
      %add3A_101 = arith.addi %mul3A_99, %add3A_100 : i32
      %dma_wait3A_102 = arith.constant 0 : i32
      %dma_wait3A_103 = tpu.memref_slice %arg3[%dma_wait3A_102] : memref<320000xi32, #tpu.memory_space<hbm>> -> memref<128xi32, #tpu.memory_space<hbm>>
      %dma_wait3A_104 = arith.constant 0 : i32
      %dma_wait3A_105 = tpu.memref_slice %arg3[%dma_wait3A_104] : memref<320000xi32, #tpu.memory_space<hbm>> -> memref<128xi32, #tpu.memory_space<hbm>>
      tpu.wait_dma2 semaphore(%arg18 : memref<!tpu.dma_semaphore, #tpu.memory_space<semaphore_mem>>) src(%dma_wait3A_105 : memref<128xi32, #tpu.memory_space<hbm>>) dst(%arg11 : memref<128xi32, #tpu.memory_space<vmem>>)
      %dma_wait3A_106 = arith.constant 0 : i32
      %dma_wait3A_107 = tpu.memref_slice %arg4[%dma_wait3A_106] : memref<320000xi32, #tpu.memory_space<hbm>> -> memref<128xi32, #tpu.memory_space<hbm>>
      %dma_wait3A_108 = arith.constant 0 : i32
      %dma_wait3A_109 = tpu.memref_slice %arg4[%dma_wait3A_108] : memref<320000xi32, #tpu.memory_space<hbm>> -> memref<128xi32, #tpu.memory_space<hbm>>
      tpu.wait_dma2 semaphore(%arg18 : memref<!tpu.dma_semaphore, #tpu.memory_space<semaphore_mem>>) src(%dma_wait3A_109 : memref<128xi32, #tpu.memory_space<hbm>>) dst(%arg12 : memref<128xi32, #tpu.memory_space<vmem>>)
      %dma_wait3A_110 = arith.constant 0 : i32
      %dma_wait3A_111 = arith.constant 0 : i32
      %dma_wait3A_112 = tpu.memref_slice %arg15[%dma_wait3A_110, %dma_wait3A_111] : memref<10000x128xf32, #tpu.memory_space<vmem_shared>> -> memref<10000x128xf32, #tpu.memory_space<vmem_shared>>
      tpu.wait_indirect_dma semaphore(%arg21 : memref<!tpu.dma_semaphore, #tpu.memory_space<semaphore_mem>>) src(%arg13 : memref<128x128xf32, #tpu.memory_space<vmem>>) dst(%dma_wait3A_112 : memref<10000x128xf32, #tpu.memory_space<vmem_shared>>)
      %add3A_113 = arith.constant 2 : i32
      %add3A_114 = arith.addi %add3A_101, %add3A_113 : i32
      %mul3A_115 = arith.constant 16 : i32
      %mul3A_116 = arith.muli %add3A_114, %mul3A_115 : i32
      %add3A_117 = arith.addi %add3A_11, %mul3A_116 : i32
      %mul3A_118 = arith.constant 128 : i32
      %mul3A_119 = arith.muli %add3A_117, %mul3A_118 : i32
      %dma_start3A_120 = tpu.memref_slice %arg3[%mul3A_119] : memref<320000xi32, #tpu.memory_space<hbm>> -> memref<128xi32, #tpu.memory_space<hbm>>
      %dma_start3A_121 = tpu.memref_slice %arg3[%mul3A_119] : memref<320000xi32, #tpu.memory_space<hbm>> -> memref<128xi32, #tpu.memory_space<hbm>>
      tpu.enqueue_dma source(%dma_start3A_121 : memref<128xi32, #tpu.memory_space<hbm>>) target(%arg7 : memref<128xi32, #tpu.memory_space<vmem>>) target_semaphore(%arg16 : memref<!tpu.dma_semaphore, #tpu.memory_space<semaphore_mem>>)
      %dma_start3A_122 = tpu.memref_slice %arg4[%mul3A_119] : memref<320000xi32, #tpu.memory_space<hbm>> -> memref<128xi32, #tpu.memory_space<hbm>>
      %dma_start3A_123 = tpu.memref_slice %arg4[%mul3A_119] : memref<320000xi32, #tpu.memory_space<hbm>> -> memref<128xi32, #tpu.memory_space<hbm>>
      tpu.enqueue_dma source(%dma_start3A_123 : memref<128xi32, #tpu.memory_space<hbm>>) target(%arg8 : memref<128xi32, #tpu.memory_space<vmem>>) target_semaphore(%arg16 : memref<!tpu.dma_semaphore, #tpu.memory_space<semaphore_mem>>)
      %dma_start3A_124 = arith.constant 0 : i32
      %dma_start3A_125 = arith.constant 0 : i32
      %dma_start3A_126 = tpu.memref_slice %arg2[%dma_start3A_124, %dma_start3A_125] : memref<10000x128xf32, #tpu.memory_space<hbm>> -> memref<10000x128xf32, #tpu.memory_space<hbm>>
      tpu.enqueue_indirect_dma source(%dma_start3A_126 : memref<10000x128xf32, #tpu.memory_space<hbm>>) target(%arg13 : memref<128x128xf32, #tpu.memory_space<vmem>>) offsets(%arg11 : memref<128xi32, #tpu.memory_space<vmem>>) semaphore(%arg19 : memref<!tpu.dma_semaphore, #tpu.memory_space<semaphore_mem>>)
      %dma_wait3A_127 = arith.constant 0 : i32
      %dma_wait3A_128 = arith.constant 0 : i32
      %dma_wait3A_129 = tpu.memref_slice %arg2[%dma_wait3A_127, %dma_wait3A_128] : memref<10000x128xf32, #tpu.memory_space<hbm>> -> memref<10000x128xf32, #tpu.memory_space<hbm>>
      tpu.wait_indirect_dma semaphore(%arg20 : memref<!tpu.dma_semaphore, #tpu.memory_space<semaphore_mem>>) src(%dma_wait3A_129 : memref<10000x128xf32, #tpu.memory_space<hbm>>) dst(%arg14 : memref<128x128xf32, #tpu.memory_space<vmem>>)
      %dma_start3A_130 = arith.constant 0 : i32
      %dma_start3A_131 = arith.constant 0 : i32
      %dma_start3A_132 = tpu.memref_slice %arg15[%dma_start3A_130, %dma_start3A_131] : memref<10000x128xf32, #tpu.memory_space<vmem_shared>> -> memref<10000x128xf32, #tpu.memory_space<vmem_shared>>
      tpu.enqueue_indirect_dma source(%arg14 : memref<128x128xf32, #tpu.memory_space<vmem>>) target(%dma_start3A_132 : memref<10000x128xf32, #tpu.memory_space<vmem_shared>>) offsets(%arg10 : memref<128xi32, #tpu.memory_space<vmem>>) semaphore(%arg22 : memref<!tpu.dma_semaphore, #tpu.memory_space<semaphore_mem>>) {add = true}
      %mul3A_133 = arith.constant 6 : i32
      %mul3A_134 = arith.muli %mul3A_133, %scan3A_61 : i32
      %add3A_135 = arith.constant 2 : i32
      %add3A_136 = arith.addi %mul3A_134, %add3A_135 : i32
      %dma_wait3A_137 = arith.constant 0 : i32
      %dma_wait3A_138 = tpu.memref_slice %arg3[%dma_wait3A_137] : memref<320000xi32, #tpu.memory_space<hbm>> -> memref<128xi32, #tpu.memory_space<hbm>>
      %dma_wait3A_139 = arith.constant 0 : i32
      %dma_wait3A_140 = tpu.memref_slice %arg3[%dma_wait3A_139] : memref<320000xi32, #tpu.memory_space<hbm>> -> memref<128xi32, #tpu.memory_space<hbm>>
      tpu.wait_dma2 semaphore(%arg16 : memref<!tpu.dma_semaphore, #tpu.memory_space<semaphore_mem>>) src(%dma_wait3A_140 : memref<128xi32, #tpu.memory_space<hbm>>) dst(%arg7 : memref<128xi32, #tpu.memory_space<vmem>>)
      %dma_wait3A_141 = arith.constant 0 : i32
      %dma_wait3A_142 = tpu.memref_slice %arg4[%dma_wait3A_141] : memref<320000xi32, #tpu.memory_space<hbm>> -> memref<128xi32, #tpu.memory_space<hbm>>
      %dma_wait3A_143 = arith.constant 0 : i32
      %dma_wait3A_144 = tpu.memref_slice %arg4[%dma_wait3A_143] : memref<320000xi32, #tpu.memory_space<hbm>> -> memref<128xi32, #tpu.memory_space<hbm>>
      tpu.wait_dma2 semaphore(%arg16 : memref<!tpu.dma_semaphore, #tpu.memory_space<semaphore_mem>>) src(%dma_wait3A_144 : memref<128xi32, #tpu.memory_space<hbm>>) dst(%arg8 : memref<128xi32, #tpu.memory_space<vmem>>)
      %dma_wait3A_145 = arith.constant 0 : i32
      %dma_wait3A_146 = arith.constant 0 : i32
      %dma_wait3A_147 = tpu.memref_slice %arg15[%dma_wait3A_145, %dma_wait3A_146] : memref<10000x128xf32, #tpu.memory_space<vmem_shared>> -> memref<10000x128xf32, #tpu.memory_space<vmem_shared>>
      tpu.wait_indirect_dma semaphore(%arg22 : memref<!tpu.dma_semaphore, #tpu.memory_space<semaphore_mem>>) src(%arg14 : memref<128x128xf32, #tpu.memory_space<vmem>>) dst(%dma_wait3A_147 : memref<10000x128xf32, #tpu.memory_space<vmem_shared>>)
      %add3A_148 = arith.constant 2 : i32
      %add3A_149 = arith.addi %add3A_136, %add3A_148 : i32
      %mul3A_150 = arith.constant 16 : i32
      %mul3A_151 = arith.muli %add3A_149, %mul3A_150 : i32
      %add3A_152 = arith.addi %add3A_11, %mul3A_151 : i32
      %mul3A_153 = arith.constant 128 : i32
      %mul3A_154 = arith.muli %add3A_152, %mul3A_153 : i32
      %dma_start3A_155 = tpu.memref_slice %arg3[%mul3A_154] : memref<320000xi32, #tpu.memory_space<hbm>> -> memref<128xi32, #tpu.memory_space<hbm>>
      %dma_start3A_156 = tpu.memref_slice %arg3[%mul3A_154] : memref<320000xi32, #tpu.memory_space<hbm>> -> memref<128xi32, #tpu.memory_space<hbm>>
      tpu.enqueue_dma source(%dma_start3A_156 : memref<128xi32, #tpu.memory_space<hbm>>) target(%arg9 : memref<128xi32, #tpu.memory_space<vmem>>) target_semaphore(%arg17 : memref<!tpu.dma_semaphore, #tpu.memory_space<semaphore_mem>>)
      %dma_start3A_157 = tpu.memref_slice %arg4[%mul3A_154] : memref<320000xi32, #tpu.memory_space<hbm>> -> memref<128xi32, #tpu.memory_space<hbm>>
      %dma_start3A_158 = tpu.memref_slice %arg4[%mul3A_154] : memref<320000xi32, #tpu.memory_space<hbm>> -> memref<128xi32, #tpu.memory_space<hbm>>
      tpu.enqueue_dma source(%dma_start3A_158 : memref<128xi32, #tpu.memory_space<hbm>>) target(%arg10 : memref<128xi32, #tpu.memory_space<vmem>>) target_semaphore(%arg17 : memref<!tpu.dma_semaphore, #tpu.memory_space<semaphore_mem>>)
      %dma_start3A_159 = arith.constant 0 : i32
      %dma_start3A_160 = arith.constant 0 : i32
      %dma_start3A_161 = tpu.memref_slice %arg2[%dma_start3A_159, %dma_start3A_160] : memref<10000x128xf32, #tpu.memory_space<hbm>> -> memref<10000x128xf32, #tpu.memory_space<hbm>>
      tpu.enqueue_indirect_dma source(%dma_start3A_161 : memref<10000x128xf32, #tpu.memory_space<hbm>>) target(%arg14 : memref<128x128xf32, #tpu.memory_space<vmem>>) offsets(%arg7 : memref<128xi32, #tpu.memory_space<vmem>>) semaphore(%arg20 : memref<!tpu.dma_semaphore, #tpu.memory_space<semaphore_mem>>)
      %dma_wait3A_162 = arith.constant 0 : i32
      %dma_wait3A_163 = arith.constant 0 : i32
      %dma_wait3A_164 = tpu.memref_slice %arg2[%dma_wait3A_162, %dma_wait3A_163] : memref<10000x128xf32, #tpu.memory_space<hbm>> -> memref<10000x128xf32, #tpu.memory_space<hbm>>
      tpu.wait_indirect_dma semaphore(%arg19 : memref<!tpu.dma_semaphore, #tpu.memory_space<semaphore_mem>>) src(%dma_wait3A_164 : memref<10000x128xf32, #tpu.memory_space<hbm>>) dst(%arg13 : memref<128x128xf32, #tpu.memory_space<vmem>>)
      %dma_start3A_165 = arith.constant 0 : i32
      %dma_start3A_166 = arith.constant 0 : i32
      %dma_start3A_167 = tpu.memref_slice %arg15[%dma_start3A_165, %dma_start3A_166] : memref<10000x128xf32, #tpu.memory_space<vmem_shared>> -> memref<10000x128xf32, #tpu.memory_space<vmem_shared>>
      tpu.enqueue_indirect_dma source(%arg13 : memref<128x128xf32, #tpu.memory_space<vmem>>) target(%dma_start3A_167 : memref<10000x128xf32, #tpu.memory_space<vmem_shared>>) offsets(%arg12 : memref<128xi32, #tpu.memory_space<vmem>>) semaphore(%arg21 : memref<!tpu.dma_semaphore, #tpu.memory_space<semaphore_mem>>) {add = true}
      %mul3A_168 = arith.constant 6 : i32
      %mul3A_169 = arith.muli %mul3A_168, %scan3A_61 : i32
      %add3A_170 = arith.constant 3 : i32
      %add3A_171 = arith.addi %mul3A_169, %add3A_170 : i32
      %dma_wait3A_172 = arith.constant 0 : i32
      %dma_wait3A_173 = tpu.memref_slice %arg3[%dma_wait3A_172] : memref<320000xi32, #tpu.memory_space<hbm>> -> memref<128xi32, #tpu.memory_space<hbm>>
      %dma_wait3A_174 = arith.constant 0 : i32
      %dma_wait3A_175 = tpu.memref_slice %arg3[%dma_wait3A_174] : memref<320000xi32, #tpu.memory_space<hbm>> -> memref<128xi32, #tpu.memory_space<hbm>>
      tpu.wait_dma2 semaphore(%arg17 : memref<!tpu.dma_semaphore, #tpu.memory_space<semaphore_mem>>) src(%dma_wait3A_175 : memref<128xi32, #tpu.memory_space<hbm>>) dst(%arg9 : memref<128xi32, #tpu.memory_space<vmem>>)
      %dma_wait3A_176 = arith.constant 0 : i32
      %dma_wait3A_177 = tpu.memref_slice %arg4[%dma_wait3A_176] : memref<320000xi32, #tpu.memory_space<hbm>> -> memref<128xi32, #tpu.memory_space<hbm>>
      %dma_wait3A_178 = arith.constant 0 : i32
      %dma_wait3A_179 = tpu.memref_slice %arg4[%dma_wait3A_178] : memref<320000xi32, #tpu.memory_space<hbm>> -> memref<128xi32, #tpu.memory_space<hbm>>
      tpu.wait_dma2 semaphore(%arg17 : memref<!tpu.dma_semaphore, #tpu.memory_space<semaphore_mem>>) src(%dma_wait3A_179 : memref<128xi32, #tpu.memory_space<hbm>>) dst(%arg10 : memref<128xi32, #tpu.memory_space<vmem>>)
      %dma_wait3A_180 = arith.constant 0 : i32
      %dma_wait3A_181 = arith.constant 0 : i32
      %dma_wait3A_182 = tpu.memref_slice %arg15[%dma_wait3A_180, %dma_wait3A_181] : memref<10000x128xf32, #tpu.memory_space<vmem_shared>> -> memref<10000x128xf32, #tpu.memory_space<vmem_shared>>
      tpu.wait_indirect_dma semaphore(%arg21 : memref<!tpu.dma_semaphore, #tpu.memory_space<semaphore_mem>>) src(%arg13 : memref<128x128xf32, #tpu.memory_space<vmem>>) dst(%dma_wait3A_182 : memref<10000x128xf32, #tpu.memory_space<vmem_shared>>)
      %add3A_183 = arith.constant 2 : i32
      %add3A_184 = arith.addi %add3A_171, %add3A_183 : i32
      %mul3A_185 = arith.constant 16 : i32
      %mul3A_186 = arith.muli %add3A_184, %mul3A_185 : i32
      %add3A_187 = arith.addi %add3A_11, %mul3A_186 : i32
      %mul3A_188 = arith.constant 128 : i32
      %mul3A_189 = arith.muli %add3A_187, %mul3A_188 : i32
      %dma_start3A_190 = tpu.memref_slice %arg3[%mul3A_189] : memref<320000xi32, #tpu.memory_space<hbm>> -> memref<128xi32, #tpu.memory_space<hbm>>
      %dma_start3A_191 = tpu.memref_slice %arg3[%mul3A_189] : memref<320000xi32, #tpu.memory_space<hbm>> -> memref<128xi32, #tpu.memory_space<hbm>>
      tpu.enqueue_dma source(%dma_start3A_191 : memref<128xi32, #tpu.memory_space<hbm>>) target(%arg11 : memref<128xi32, #tpu.memory_space<vmem>>) target_semaphore(%arg18 : memref<!tpu.dma_semaphore, #tpu.memory_space<semaphore_mem>>)
      %dma_start3A_192 = tpu.memref_slice %arg4[%mul3A_189] : memref<320000xi32, #tpu.memory_space<hbm>> -> memref<128xi32, #tpu.memory_space<hbm>>
      %dma_start3A_193 = tpu.memref_slice %arg4[%mul3A_189] : memref<320000xi32, #tpu.memory_space<hbm>> -> memref<128xi32, #tpu.memory_space<hbm>>
      tpu.enqueue_dma source(%dma_start3A_193 : memref<128xi32, #tpu.memory_space<hbm>>) target(%arg12 : memref<128xi32, #tpu.memory_space<vmem>>) target_semaphore(%arg18 : memref<!tpu.dma_semaphore, #tpu.memory_space<semaphore_mem>>)
      %dma_start3A_194 = arith.constant 0 : i32
      %dma_start3A_195 = arith.constant 0 : i32
      %dma_start3A_196 = tpu.memref_slice %arg2[%dma_start3A_194, %dma_start3A_195] : memref<10000x128xf32, #tpu.memory_space<hbm>> -> memref<10000x128xf32, #tpu.memory_space<hbm>>
      tpu.enqueue_indirect_dma source(%dma_start3A_196 : memref<10000x128xf32, #tpu.memory_space<hbm>>) target(%arg13 : memref<128x128xf32, #tpu.memory_space<vmem>>) offsets(%arg9 : memref<128xi32, #tpu.memory_space<vmem>>) semaphore(%arg19 : memref<!tpu.dma_semaphore, #tpu.memory_space<semaphore_mem>>)
      %dma_wait3A_197 = arith.constant 0 : i32
      %dma_wait3A_198 = arith.constant 0 : i32
      %dma_wait3A_199 = tpu.memref_slice %arg2[%dma_wait3A_197, %dma_wait3A_198] : memref<10000x128xf32, #tpu.memory_space<hbm>> -> memref<10000x128xf32, #tpu.memory_space<hbm>>
      tpu.wait_indirect_dma semaphore(%arg20 : memref<!tpu.dma_semaphore, #tpu.memory_space<semaphore_mem>>) src(%dma_wait3A_199 : memref<10000x128xf32, #tpu.memory_space<hbm>>) dst(%arg14 : memref<128x128xf32, #tpu.memory_space<vmem>>)
      %dma_start3A_200 = arith.constant 0 : i32
      %dma_start3A_201 = arith.constant 0 : i32
      %dma_start3A_202 = tpu.memref_slice %arg15[%dma_start3A_200, %dma_start3A_201] : memref<10000x128xf32, #tpu.memory_space<vmem_shared>> -> memref<10000x128xf32, #tpu.memory_space<vmem_shared>>
      tpu.enqueue_indirect_dma source(%arg14 : memref<128x128xf32, #tpu.memory_space<vmem>>) target(%dma_start3A_202 : memref<10000x128xf32, #tpu.memory_space<vmem_shared>>) offsets(%arg8 : memref<128xi32, #tpu.memory_space<vmem>>) semaphore(%arg22 : memref<!tpu.dma_semaphore, #tpu.memory_space<semaphore_mem>>) {add = true}
      %mul3A_203 = arith.constant 6 : i32
      %mul3A_204 = arith.muli %mul3A_203, %scan3A_61 : i32
      %add3A_205 = arith.constant 4 : i32
      %add3A_206 = arith.addi %mul3A_204, %add3A_205 : i32
      %dma_wait3A_207 = arith.constant 0 : i32
      %dma_wait3A_208 = tpu.memref_slice %arg3[%dma_wait3A_207] : memref<320000xi32, #tpu.memory_space<hbm>> -> memref<128xi32, #tpu.memory_space<hbm>>
      %dma_wait3A_209 = arith.constant 0 : i32
      %dma_wait3A_210 = tpu.memref_slice %arg3[%dma_wait3A_209] : memref<320000xi32, #tpu.memory_space<hbm>> -> memref<128xi32, #tpu.memory_space<hbm>>
      tpu.wait_dma2 semaphore(%arg18 : memref<!tpu.dma_semaphore, #tpu.memory_space<semaphore_mem>>) src(%dma_wait3A_210 : memref<128xi32, #tpu.memory_space<hbm>>) dst(%arg11 : memref<128xi32, #tpu.memory_space<vmem>>)
      %dma_wait3A_211 = arith.constant 0 : i32
      %dma_wait3A_212 = tpu.memref_slice %arg4[%dma_wait3A_211] : memref<320000xi32, #tpu.memory_space<hbm>> -> memref<128xi32, #tpu.memory_space<hbm>>
      %dma_wait3A_213 = arith.constant 0 : i32
      %dma_wait3A_214 = tpu.memref_slice %arg4[%dma_wait3A_213] : memref<320000xi32, #tpu.memory_space<hbm>> -> memref<128xi32, #tpu.memory_space<hbm>>
      tpu.wait_dma2 semaphore(%arg18 : memref<!tpu.dma_semaphore, #tpu.memory_space<semaphore_mem>>) src(%dma_wait3A_214 : memref<128xi32, #tpu.memory_space<hbm>>) dst(%arg12 : memref<128xi32, #tpu.memory_space<vmem>>)
      %dma_wait3A_215 = arith.constant 0 : i32
      %dma_wait3A_216 = arith.constant 0 : i32
      %dma_wait3A_217 = tpu.memref_slice %arg15[%dma_wait3A_215, %dma_wait3A_216] : memref<10000x128xf32, #tpu.memory_space<vmem_shared>> -> memref<10000x128xf32, #tpu.memory_space<vmem_shared>>
      tpu.wait_indirect_dma semaphore(%arg22 : memref<!tpu.dma_semaphore, #tpu.memory_space<semaphore_mem>>) src(%arg14 : memref<128x128xf32, #tpu.memory_space<vmem>>) dst(%dma_wait3A_217 : memref<10000x128xf32, #tpu.memory_space<vmem_shared>>)
      %lt3A_218 = arith.constant 12 : i32
      %lt3A_219 = arith.cmpi slt, %scan3A_61, %lt3A_218 : i32
      %convert_element_type3A_220 = arith.extui %lt3A_219 : i1 to i32
      %cond3A_221 = arith.constant 0 : i32
      %cond3A_222 = arith.cmpi ne, %convert_element_type3A_220, %cond3A_221 : i32
      scf.if %cond3A_222 {
        %add3A_260 = arith.constant 2 : i32
        %add3A_261 = arith.addi %add3A_206, %add3A_260 : i32
        %mul3A_262 = arith.constant 16 : i32
        %mul3A_263 = arith.muli %add3A_261, %mul3A_262 : i32
        %add3A_264 = arith.addi %add3A_11, %mul3A_263 : i32
        %mul3A_265 = arith.constant 128 : i32
        %mul3A_266 = arith.muli %add3A_264, %mul3A_265 : i32
        %dma_start3A_267 = tpu.memref_slice %arg3[%mul3A_266] : memref<320000xi32, #tpu.memory_space<hbm>> -> memref<128xi32, #tpu.memory_space<hbm>>
        %dma_start3A_268 = tpu.memref_slice %arg3[%mul3A_266] : memref<320000xi32, #tpu.memory_space<hbm>> -> memref<128xi32, #tpu.memory_space<hbm>>
        tpu.enqueue_dma source(%dma_start3A_268 : memref<128xi32, #tpu.memory_space<hbm>>) target(%arg7 : memref<128xi32, #tpu.memory_space<vmem>>) target_semaphore(%arg16 : memref<!tpu.dma_semaphore, #tpu.memory_space<semaphore_mem>>)
        %dma_start3A_269 = tpu.memref_slice %arg4[%mul3A_266] : memref<320000xi32, #tpu.memory_space<hbm>> -> memref<128xi32, #tpu.memory_space<hbm>>
        %dma_start3A_270 = tpu.memref_slice %arg4[%mul3A_266] : memref<320000xi32, #tpu.memory_space<hbm>> -> memref<128xi32, #tpu.memory_space<hbm>>
        tpu.enqueue_dma source(%dma_start3A_270 : memref<128xi32, #tpu.memory_space<hbm>>) target(%arg8 : memref<128xi32, #tpu.memory_space<vmem>>) target_semaphore(%arg16 : memref<!tpu.dma_semaphore, #tpu.memory_space<semaphore_mem>>)
      } else {
      }
      %dma_start3A_223 = arith.constant 0 : i32
      %dma_start3A_224 = arith.constant 0 : i32
      %dma_start3A_225 = tpu.memref_slice %arg2[%dma_start3A_223, %dma_start3A_224] : memref<10000x128xf32, #tpu.memory_space<hbm>> -> memref<10000x128xf32, #tpu.memory_space<hbm>>
      tpu.enqueue_indirect_dma source(%dma_start3A_225 : memref<10000x128xf32, #tpu.memory_space<hbm>>) target(%arg14 : memref<128x128xf32, #tpu.memory_space<vmem>>) offsets(%arg11 : memref<128xi32, #tpu.memory_space<vmem>>) semaphore(%arg20 : memref<!tpu.dma_semaphore, #tpu.memory_space<semaphore_mem>>)
      %dma_wait3A_226 = arith.constant 0 : i32
      %dma_wait3A_227 = arith.constant 0 : i32
      %dma_wait3A_228 = tpu.memref_slice %arg2[%dma_wait3A_226, %dma_wait3A_227] : memref<10000x128xf32, #tpu.memory_space<hbm>> -> memref<10000x128xf32, #tpu.memory_space<hbm>>
      tpu.wait_indirect_dma semaphore(%arg19 : memref<!tpu.dma_semaphore, #tpu.memory_space<semaphore_mem>>) src(%dma_wait3A_228 : memref<10000x128xf32, #tpu.memory_space<hbm>>) dst(%arg13 : memref<128x128xf32, #tpu.memory_space<vmem>>)
      %dma_start3A_229 = arith.constant 0 : i32
      %dma_start3A_230 = arith.constant 0 : i32
      %dma_start3A_231 = tpu.memref_slice %arg15[%dma_start3A_229, %dma_start3A_230] : memref<10000x128xf32, #tpu.memory_space<vmem_shared>> -> memref<10000x128xf32, #tpu.memory_space<vmem_shared>>
      tpu.enqueue_indirect_dma source(%arg13 : memref<128x128xf32, #tpu.memory_space<vmem>>) target(%dma_start3A_231 : memref<10000x128xf32, #tpu.memory_space<vmem_shared>>) offsets(%arg10 : memref<128xi32, #tpu.memory_space<vmem>>) semaphore(%arg21 : memref<!tpu.dma_semaphore, #tpu.memory_space<semaphore_mem>>) {add = true}
      %mul3A_232 = arith.constant 6 : i32
      %mul3A_233 = arith.muli %mul3A_232, %scan3A_61 : i32
      %add3A_234 = arith.constant 5 : i32
      %add3A_235 = arith.addi %mul3A_233, %add3A_234 : i32
      %lt3A_236 = arith.constant 12 : i32
      %lt3A_237 = arith.cmpi slt, %scan3A_61, %lt3A_236 : i32
      %convert_element_type3A_238 = arith.extui %lt3A_237 : i1 to i32
      %cond3A_239 = arith.constant 0 : i32
      %cond3A_240 = arith.cmpi ne, %convert_element_type3A_238, %cond3A_239 : i32
      scf.if %cond3A_240 {
        %dma_wait3A_260 = arith.constant 0 : i32
        %dma_wait3A_261 = tpu.memref_slice %arg3[%dma_wait3A_260] : memref<320000xi32, #tpu.memory_space<hbm>> -> memref<128xi32, #tpu.memory_space<hbm>>
        %dma_wait3A_262 = arith.constant 0 : i32
        %dma_wait3A_263 = tpu.memref_slice %arg3[%dma_wait3A_262] : memref<320000xi32, #tpu.memory_space<hbm>> -> memref<128xi32, #tpu.memory_space<hbm>>
        tpu.wait_dma2 semaphore(%arg16 : memref<!tpu.dma_semaphore, #tpu.memory_space<semaphore_mem>>) src(%dma_wait3A_263 : memref<128xi32, #tpu.memory_space<hbm>>) dst(%arg7 : memref<128xi32, #tpu.memory_space<vmem>>)
        %dma_wait3A_264 = arith.constant 0 : i32
        %dma_wait3A_265 = tpu.memref_slice %arg4[%dma_wait3A_264] : memref<320000xi32, #tpu.memory_space<hbm>> -> memref<128xi32, #tpu.memory_space<hbm>>
        %dma_wait3A_266 = arith.constant 0 : i32
        %dma_wait3A_267 = tpu.memref_slice %arg4[%dma_wait3A_266] : memref<320000xi32, #tpu.memory_space<hbm>> -> memref<128xi32, #tpu.memory_space<hbm>>
        tpu.wait_dma2 semaphore(%arg16 : memref<!tpu.dma_semaphore, #tpu.memory_space<semaphore_mem>>) src(%dma_wait3A_267 : memref<128xi32, #tpu.memory_space<hbm>>) dst(%arg8 : memref<128xi32, #tpu.memory_space<vmem>>)
      } else {
      }
      %dma_wait3A_241 = arith.constant 0 : i32
      %dma_wait3A_242 = arith.constant 0 : i32
      %dma_wait3A_243 = tpu.memref_slice %arg15[%dma_wait3A_241, %dma_wait3A_242] : memref<10000x128xf32, #tpu.memory_space<vmem_shared>> -> memref<10000x128xf32, #tpu.memory_space<vmem_shared>>
      tpu.wait_indirect_dma semaphore(%arg21 : memref<!tpu.dma_semaphore, #tpu.memory_space<semaphore_mem>>) src(%arg13 : memref<128x128xf32, #tpu.memory_space<vmem>>) dst(%dma_wait3A_243 : memref<10000x128xf32, #tpu.memory_space<vmem_shared>>)
      %lt3A_244 = arith.constant 12 : i32
      %lt3A_245 = arith.cmpi slt, %scan3A_61, %lt3A_244 : i32
      %convert_element_type3A_246 = arith.extui %lt3A_245 : i1 to i32
      %cond3A_247 = arith.constant 0 : i32
      %cond3A_248 = arith.cmpi ne, %convert_element_type3A_246, %cond3A_247 : i32
      scf.if %cond3A_248 {
        %add3A_260 = arith.constant 2 : i32
        %add3A_261 = arith.addi %add3A_235, %add3A_260 : i32
        %mul3A_262 = arith.constant 16 : i32
        %mul3A_263 = arith.muli %add3A_261, %mul3A_262 : i32
        %add3A_264 = arith.addi %add3A_11, %mul3A_263 : i32
        %mul3A_265 = arith.constant 128 : i32
        %mul3A_266 = arith.muli %add3A_264, %mul3A_265 : i32
        %dma_start3A_267 = tpu.memref_slice %arg3[%mul3A_266] : memref<320000xi32, #tpu.memory_space<hbm>> -> memref<128xi32, #tpu.memory_space<hbm>>
        %dma_start3A_268 = tpu.memref_slice %arg3[%mul3A_266] : memref<320000xi32, #tpu.memory_space<hbm>> -> memref<128xi32, #tpu.memory_space<hbm>>
        tpu.enqueue_dma source(%dma_start3A_268 : memref<128xi32, #tpu.memory_space<hbm>>) target(%arg9 : memref<128xi32, #tpu.memory_space<vmem>>) target_semaphore(%arg17 : memref<!tpu.dma_semaphore, #tpu.memory_space<semaphore_mem>>)
        %dma_start3A_269 = tpu.memref_slice %arg4[%mul3A_266] : memref<320000xi32, #tpu.memory_space<hbm>> -> memref<128xi32, #tpu.memory_space<hbm>>
        %dma_start3A_270 = tpu.memref_slice %arg4[%mul3A_266] : memref<320000xi32, #tpu.memory_space<hbm>> -> memref<128xi32, #tpu.memory_space<hbm>>
        tpu.enqueue_dma source(%dma_start3A_270 : memref<128xi32, #tpu.memory_space<hbm>>) target(%arg10 : memref<128xi32, #tpu.memory_space<vmem>>) target_semaphore(%arg17 : memref<!tpu.dma_semaphore, #tpu.memory_space<semaphore_mem>>)
      } else {
      }
      %lt3A_249 = arith.constant 12 : i32
      %lt3A_250 = arith.cmpi slt, %scan3A_61, %lt3A_249 : i32
      %convert_element_type3A_251 = arith.extui %lt3A_250 : i1 to i32
      %cond3A_252 = arith.constant 0 : i32
      %cond3A_253 = arith.cmpi ne, %convert_element_type3A_251, %cond3A_252 : i32
      scf.if %cond3A_253 {
        %dma_start3A_260 = arith.constant 0 : i32
        %dma_start3A_261 = arith.constant 0 : i32
        %dma_start3A_262 = tpu.memref_slice %arg2[%dma_start3A_260, %dma_start3A_261] : memref<10000x128xf32, #tpu.memory_space<hbm>> -> memref<10000x128xf32, #tpu.memory_space<hbm>>
        tpu.enqueue_indirect_dma source(%dma_start3A_262 : memref<10000x128xf32, #tpu.memory_space<hbm>>) target(%arg13 : memref<128x128xf32, #tpu.memory_space<vmem>>) offsets(%arg7 : memref<128xi32, #tpu.memory_space<vmem>>) semaphore(%arg19 : memref<!tpu.dma_semaphore, #tpu.memory_space<semaphore_mem>>)
      } else {
      }
      %dma_wait3A_254 = arith.constant 0 : i32
      %dma_wait3A_255 = arith.constant 0 : i32
      %dma_wait3A_256 = tpu.memref_slice %arg2[%dma_wait3A_254, %dma_wait3A_255] : memref<10000x128xf32, #tpu.memory_space<hbm>> -> memref<10000x128xf32, #tpu.memory_space<hbm>>
      tpu.wait_indirect_dma semaphore(%arg20 : memref<!tpu.dma_semaphore, #tpu.memory_space<semaphore_mem>>) src(%dma_wait3A_256 : memref<10000x128xf32, #tpu.memory_space<hbm>>) dst(%arg14 : memref<128x128xf32, #tpu.memory_space<vmem>>)
      %dma_start3A_257 = arith.constant 0 : i32
      %dma_start3A_258 = arith.constant 0 : i32
      %dma_start3A_259 = tpu.memref_slice %arg15[%dma_start3A_257, %dma_start3A_258] : memref<10000x128xf32, #tpu.memory_space<vmem_shared>> -> memref<10000x128xf32, #tpu.memory_space<vmem_shared>>
      tpu.enqueue_indirect_dma source(%arg14 : memref<128x128xf32, #tpu.memory_space<vmem>>) target(%dma_start3A_259 : memref<10000x128xf32, #tpu.memory_space<vmem_shared>>) offsets(%arg12 : memref<128xi32, #tpu.memory_space<vmem>>) semaphore(%arg22 : memref<!tpu.dma_semaphore, #tpu.memory_space<semaphore_mem>>) {add = true}
    }
    %scan3A_43 = arith.constant 13 : i32
    %dma_wait3A_44 = arith.constant 0 : i32
    %dma_wait3A_45 = arith.constant 0 : i32
    %dma_wait3A_46 = tpu.memref_slice %arg15[%dma_wait3A_44, %dma_wait3A_45] : memref<10000x128xf32, #tpu.memory_space<vmem_shared>> -> memref<10000x128xf32, #tpu.memory_space<vmem_shared>>
    tpu.wait_indirect_dma semaphore(%arg22 : memref<!tpu.dma_semaphore, #tpu.memory_space<semaphore_mem>>) src(%arg14 : memref<128x128xf32, #tpu.memory_space<vmem>>) dst(%dma_wait3A_46 : memref<10000x128xf32, #tpu.memory_space<vmem_shared>>)
    %convert_element_type3A_47 = arith.extui %lt3A_12 : i1 to i32
    %cond3A_48 = arith.constant 0 : i32
    %cond3A_49 = arith.cmpi ne, %convert_element_type3A_47, %cond3A_48 : i32
    scf.if %cond3A_49 {
      %add3A_61 = arith.constant 1248 : i32
      %add3A_62 = arith.addi %add3A_11, %add3A_61 : i32
      %mul3A_63 = arith.constant 128 : i32
      %mul3A_64 = arith.muli %add3A_62, %mul3A_63 : i32
      "tpu.region"() ({
        %run_scoped3A = tpu.sem_alloc : memref<!tpu.dma_semaphore, #tpu.memory_space<semaphore_mem>>
        %dma_start3A_77 = tpu.memref_slice %arg3[%mul3A_64] : memref<320000xi32, #tpu.memory_space<hbm>> -> memref<128xi32, #tpu.memory_space<hbm>>
        %dma_start3A_78 = tpu.memref_slice %arg3[%mul3A_64] : memref<320000xi32, #tpu.memory_space<hbm>> -> memref<128xi32, #tpu.memory_space<hbm>>
        tpu.enqueue_dma source(%dma_start3A_78 : memref<128xi32, #tpu.memory_space<hbm>>) target(%arg7 : memref<128xi32, #tpu.memory_space<vmem>>) target_semaphore(%run_scoped3A : memref<!tpu.dma_semaphore, #tpu.memory_space<semaphore_mem>>)
        %dma_wait3A_79 = tpu.memref_slice %arg3[%mul3A_64] : memref<320000xi32, #tpu.memory_space<hbm>> -> memref<128xi32, #tpu.memory_space<hbm>>
        %dma_wait3A_80 = tpu.memref_slice %arg3[%mul3A_64] : memref<320000xi32, #tpu.memory_space<hbm>> -> memref<128xi32, #tpu.memory_space<hbm>>
        tpu.wait_dma2 semaphore(%run_scoped3A : memref<!tpu.dma_semaphore, #tpu.memory_space<semaphore_mem>>) src(%dma_wait3A_80 : memref<128xi32, #tpu.memory_space<hbm>>) dst(%arg7 : memref<128xi32, #tpu.memory_space<vmem>>)
        tpu.yield
      }) : () -> ()
      "tpu.region"() ({
        %run_scoped3A = tpu.sem_alloc : memref<!tpu.dma_semaphore, #tpu.memory_space<semaphore_mem>>
        %dma_start3A_77 = tpu.memref_slice %arg4[%mul3A_64] : memref<320000xi32, #tpu.memory_space<hbm>> -> memref<128xi32, #tpu.memory_space<hbm>>
        %dma_start3A_78 = tpu.memref_slice %arg4[%mul3A_64] : memref<320000xi32, #tpu.memory_space<hbm>> -> memref<128xi32, #tpu.memory_space<hbm>>
        tpu.enqueue_dma source(%dma_start3A_78 : memref<128xi32, #tpu.memory_space<hbm>>) target(%arg8 : memref<128xi32, #tpu.memory_space<vmem>>) target_semaphore(%run_scoped3A : memref<!tpu.dma_semaphore, #tpu.memory_space<semaphore_mem>>)
        %dma_wait3A_79 = tpu.memref_slice %arg4[%mul3A_64] : memref<320000xi32, #tpu.memory_space<hbm>> -> memref<128xi32, #tpu.memory_space<hbm>>
        %dma_wait3A_80 = tpu.memref_slice %arg4[%mul3A_64] : memref<320000xi32, #tpu.memory_space<hbm>> -> memref<128xi32, #tpu.memory_space<hbm>>
        tpu.wait_dma2 semaphore(%run_scoped3A : memref<!tpu.dma_semaphore, #tpu.memory_space<semaphore_mem>>) src(%dma_wait3A_80 : memref<128xi32, #tpu.memory_space<hbm>>) dst(%arg8 : memref<128xi32, #tpu.memory_space<vmem>>)
        tpu.yield
      }) : () -> ()
      %dma_start3A_65 = arith.constant 0 : i32
      %dma_start3A_66 = arith.constant 0 : i32
      %dma_start3A_67 = tpu.memref_slice %arg2[%dma_start3A_65, %dma_start3A_66] : memref<10000x128xf32, #tpu.memory_space<hbm>> -> memref<10000x128xf32, #tpu.memory_space<hbm>>
      tpu.enqueue_indirect_dma source(%dma_start3A_67 : memref<10000x128xf32, #tpu.memory_space<hbm>>) target(%arg13 : memref<128x128xf32, #tpu.memory_space<vmem>>) offsets(%arg7 : memref<128xi32, #tpu.memory_space<vmem>>) semaphore(%arg19 : memref<!tpu.dma_semaphore, #tpu.memory_space<semaphore_mem>>)
      %dma_wait3A_68 = arith.constant 0 : i32
      %dma_wait3A_69 = arith.constant 0 : i32
      %dma_wait3A_70 = tpu.memref_slice %arg2[%dma_wait3A_68, %dma_wait3A_69] : memref<10000x128xf32, #tpu.memory_space<hbm>> -> memref<10000x128xf32, #tpu.memory_space<hbm>>
      tpu.wait_indirect_dma semaphore(%arg19 : memref<!tpu.dma_semaphore, #tpu.memory_space<semaphore_mem>>) src(%dma_wait3A_70 : memref<10000x128xf32, #tpu.memory_space<hbm>>) dst(%arg13 : memref<128x128xf32, #tpu.memory_space<vmem>>)
      %dma_start3A_71 = arith.constant 0 : i32
      %dma_start3A_72 = arith.constant 0 : i32
      %dma_start3A_73 = tpu.memref_slice %arg15[%dma_start3A_71, %dma_start3A_72] : memref<10000x128xf32, #tpu.memory_space<vmem_shared>> -> memref<10000x128xf32, #tpu.memory_space<vmem_shared>>
      tpu.enqueue_indirect_dma source(%arg13 : memref<128x128xf32, #tpu.memory_space<vmem>>) target(%dma_start3A_73 : memref<10000x128xf32, #tpu.memory_space<vmem_shared>>) offsets(%arg8 : memref<128xi32, #tpu.memory_space<vmem>>) semaphore(%arg21 : memref<!tpu.dma_semaphore, #tpu.memory_space<semaphore_mem>>) {add = true}
      %dma_wait3A_74 = arith.constant 0 : i32
      %dma_wait3A_75 = arith.constant 0 : i32
      %dma_wait3A_76 = tpu.memref_slice %arg15[%dma_wait3A_74, %dma_wait3A_75] : memref<10000x128xf32, #tpu.memory_space<vmem_shared>> -> memref<10000x128xf32, #tpu.memory_space<vmem_shared>>
      tpu.wait_indirect_dma semaphore(%arg21 : memref<!tpu.dma_semaphore, #tpu.memory_space<semaphore_mem>>) src(%arg13 : memref<128x128xf32, #tpu.memory_space<vmem>>) dst(%dma_wait3A_76 : memref<10000x128xf32, #tpu.memory_space<vmem_shared>>)
    } else {
    }
    %barrier3A_50 = arith.constant 0 : index
    tpu.barrier barrier_id(%barrier3A_50)
    %eq3A_51 = arith.constant 0 : i32
    %eq3A_52 = arith.cmpi eq, %arg0, %eq3A_51 : i32
    %convert_element_type3A_53 = arith.extui %eq3A_52 : i1 to i32
    %cond3A_54 = arith.constant 0 : i32
    %cond3A_55 = arith.cmpi ne, %convert_element_type3A_53, %cond3A_54 : i32
    scf.if %cond3A_55 {
      %scan3A_61 = arith.constant 0 : i32
      %scan3A_62 = arith.constant 0 : i32
      %scan3A_63 = arith.constant 4 : i32
      %scan3A_64 = arith.addi %scan3A_62, %scan3A_63 : i32
      %scan3A_65 = arith.constant 1 : i32
      scf.for %scan3A_74 = %scan3A_62 to %scan3A_64 step %scan3A_65  : i32 {
        %mul3A_75 = arith.constant 128 : i32
        %mul3A_76 = arith.muli %scan3A_74, %mul3A_75 : i32
        %add3A_77 = arith.addi %mul3A_0, %mul3A_76 : i32
        "tpu.region"() ({
          %run_scoped3A = tpu.sem_alloc : memref<!tpu.dma_semaphore, #tpu.memory_space<semaphore_mem>>
          %dma_start3A_78 = arith.constant 0 : i32
          %dma_start3A_79 = tpu.memref_slice %arg15[%add3A_77, %dma_start3A_78] : memref<10000x128xf32, #tpu.memory_space<vmem_shared>> -> memref<128x128xf32, #tpu.memory_space<vmem_shared>>
          %dma_start3A_80 = arith.constant 0 : i32
          %dma_start3A_81 = tpu.memref_slice %arg15[%add3A_77, %dma_start3A_80] : memref<10000x128xf32, #tpu.memory_space<vmem_shared>> -> memref<128x128xf32, #tpu.memory_space<vmem_shared>>
          tpu.enqueue_dma source(%dma_start3A_81 : memref<128x128xf32, #tpu.memory_space<vmem_shared>>) target(%arg13 : memref<128x128xf32, #tpu.memory_space<vmem>>) target_semaphore(%run_scoped3A : memref<!tpu.dma_semaphore, #tpu.memory_space<semaphore_mem>>)
          %dma_wait3A_82 = arith.constant 0 : i32
          %dma_wait3A_83 = tpu.memref_slice %arg15[%add3A_77, %dma_wait3A_82] : memref<10000x128xf32, #tpu.memory_space<vmem_shared>> -> memref<128x128xf32, #tpu.memory_space<vmem_shared>>
          %dma_wait3A_84 = arith.constant 0 : i32
          %dma_wait3A_85 = tpu.memref_slice %arg15[%add3A_77, %dma_wait3A_84] : memref<10000x128xf32, #tpu.memory_space<vmem_shared>> -> memref<128x128xf32, #tpu.memory_space<vmem_shared>>
          tpu.wait_dma2 semaphore(%run_scoped3A : memref<!tpu.dma_semaphore, #tpu.memory_space<semaphore_mem>>) src(%dma_wait3A_85 : memref<128x128xf32, #tpu.memory_space<vmem_shared>>) dst(%arg13 : memref<128x128xf32, #tpu.memory_space<vmem>>)
          tpu.yield
        }) : () -> ()
        "tpu.region"() ({
          %run_scoped3A = tpu.sem_alloc : memref<!tpu.dma_semaphore, #tpu.memory_space<semaphore_mem>>
          %dma_start3A_78 = arith.constant 0 : i32
          %dma_start3A_79 = tpu.memref_slice %arg5[%add3A_77, %dma_start3A_78] : memref<10000x128xf32, #tpu.memory_space<hbm>> -> memref<128x128xf32, #tpu.memory_space<hbm>>
          %dma_start3A_80 = arith.constant 0 : i32
          %dma_start3A_81 = tpu.memref_slice %arg5[%add3A_77, %dma_start3A_80] : memref<10000x128xf32, #tpu.memory_space<hbm>> -> memref<128x128xf32, #tpu.memory_space<hbm>>
          tpu.enqueue_dma source(%arg13 : memref<128x128xf32, #tpu.memory_space<vmem>>) target(%dma_start3A_81 : memref<128x128xf32, #tpu.memory_space<hbm>>) target_semaphore(%run_scoped3A : memref<!tpu.dma_semaphore, #tpu.memory_space<semaphore_mem>>)
          %dma_wait3A_82 = arith.constant 0 : i32
          %dma_wait3A_83 = tpu.memref_slice %arg5[%add3A_77, %dma_wait3A_82] : memref<10000x128xf32, #tpu.memory_space<hbm>> -> memref<128x128xf32, #tpu.memory_space<hbm>>
          %dma_wait3A_84 = arith.constant 0 : i32
          %dma_wait3A_85 = tpu.memref_slice %arg5[%add3A_77, %dma_wait3A_84] : memref<10000x128xf32, #tpu.memory_space<hbm>> -> memref<128x128xf32, #tpu.memory_space<hbm>>
          tpu.wait_dma2 semaphore(%run_scoped3A : memref<!tpu.dma_semaphore, #tpu.memory_space<semaphore_mem>>) src(%arg13 : memref<128x128xf32, #tpu.memory_space<vmem>>) dst(%dma_wait3A_85 : memref<128x128xf32, #tpu.memory_space<hbm>>)
          tpu.yield
        }) : () -> ()
      }
      %scan3A_66 = arith.constant 4 : i32
      %add3A_67 = arith.constant 512 : i32
      %add3A_68 = arith.addi %mul3A_0, %add3A_67 : i32
      "tpu.region"() ({
        %run_scoped3A = tpu.sem_alloc : memref<!tpu.dma_semaphore, #tpu.memory_space<semaphore_mem>>
        %dma_start3A_74 = arith.constant 0 : i32
        %dma_start3A_75 = arith.constant 0 : i32
        %dma_start3A_76 = tpu.memref_slice %arg13[%dma_start3A_74, %dma_start3A_75] : memref<128x128xf32, #tpu.memory_space<vmem>> -> memref<112x128xf32, #tpu.memory_space<vmem>>
        %dma_start3A_77 = arith.constant 0 : i32
        %dma_start3A_78 = tpu.memref_slice %arg15[%add3A_68, %dma_start3A_77] : memref<10000x128xf32, #tpu.memory_space<vmem_shared>> -> memref<112x128xf32, #tpu.memory_space<vmem_shared>>
        %dma_start3A_79 = arith.constant 0 : i32
        %dma_start3A_80 = arith.constant 0 : i32
        %dma_start3A_81 = tpu.memref_slice %arg13[%dma_start3A_79, %dma_start3A_80] : memref<128x128xf32, #tpu.memory_space<vmem>> -> memref<112x128xf32, #tpu.memory_space<vmem>>
        %dma_start3A_82 = arith.constant 0 : i32
        %dma_start3A_83 = tpu.memref_slice %arg15[%add3A_68, %dma_start3A_82] : memref<10000x128xf32, #tpu.memory_space<vmem_shared>> -> memref<112x128xf32, #tpu.memory_space<vmem_shared>>
        tpu.enqueue_dma source(%dma_start3A_83 : memref<112x128xf32, #tpu.memory_space<vmem_shared>>) target(%dma_start3A_81 : memref<112x128xf32, #tpu.memory_space<vmem>>) target_semaphore(%run_scoped3A : memref<!tpu.dma_semaphore, #tpu.memory_space<semaphore_mem>>)
        %dma_wait3A_84 = arith.constant 0 : i32
        %dma_wait3A_85 = arith.constant 0 : i32
        %dma_wait3A_86 = tpu.memref_slice %arg13[%dma_wait3A_84, %dma_wait3A_85] : memref<128x128xf32, #tpu.memory_space<vmem>> -> memref<112x128xf32, #tpu.memory_space<vmem>>
        %dma_wait3A_87 = arith.constant 0 : i32
        %dma_wait3A_88 = tpu.memref_slice %arg15[%add3A_68, %dma_wait3A_87] : memref<10000x128xf32, #tpu.memory_space<vmem_shared>> -> memref<112x128xf32, #tpu.memory_space<vmem_shared>>
        %dma_wait3A_89 = arith.constant 0 : i32
        %dma_wait3A_90 = arith.constant 0 : i32
        %dma_wait3A_91 = tpu.memref_slice %arg13[%dma_wait3A_89, %dma_wait3A_90] : memref<128x128xf32, #tpu.memory_space<vmem>> -> memref<112x128xf32, #tpu.memory_space<vmem>>
        %dma_wait3A_92 = arith.constant 0 : i32
        %dma_wait3A_93 = tpu.memref_slice %arg15[%add3A_68, %dma_wait3A_92] : memref<10000x128xf32, #tpu.memory_space<vmem_shared>> -> memref<112x128xf32, #tpu.memory_space<vmem_shared>>
        tpu.wait_dma2 semaphore(%run_scoped3A : memref<!tpu.dma_semaphore, #tpu.memory_space<semaphore_mem>>) src(%dma_wait3A_93 : memref<112x128xf32, #tpu.memory_space<vmem_shared>>) dst(%dma_wait3A_91 : memref<112x128xf32, #tpu.memory_space<vmem>>)
        tpu.yield
      }) : () -> ()
      "tpu.region"() ({
        %run_scoped3A = tpu.sem_alloc : memref<!tpu.dma_semaphore, #tpu.memory_space<semaphore_mem>>
        %dma_start3A_74 = arith.constant 0 : i32
        %dma_start3A_75 = arith.constant 0 : i32
        %dma_start3A_76 = tpu.memref_slice %arg13[%dma_start3A_74, %dma_start3A_75] : memref<128x128xf32, #tpu.memory_space<vmem>> -> memref<112x128xf32, #tpu.memory_space<vmem>>
        %dma_start3A_77 = arith.constant 0 : i32
        %dma_start3A_78 = tpu.memref_slice %arg5[%add3A_68, %dma_start3A_77] : memref<10000x128xf32, #tpu.memory_space<hbm>> -> memref<112x128xf32, #tpu.memory_space<hbm>>
        %dma_start3A_79 = arith.constant 0 : i32
        %dma_start3A_80 = tpu.memref_slice %arg5[%add3A_68, %dma_start3A_79] : memref<10000x128xf32, #tpu.memory_space<hbm>> -> memref<112x128xf32, #tpu.memory_space<hbm>>
        %dma_start3A_81 = arith.constant 0 : i32
        %dma_start3A_82 = arith.constant 0 : i32
        %dma_start3A_83 = tpu.memref_slice %arg13[%dma_start3A_81, %dma_start3A_82] : memref<128x128xf32, #tpu.memory_space<vmem>> -> memref<112x128xf32, #tpu.memory_space<vmem>>
        tpu.enqueue_dma source(%dma_start3A_83 : memref<112x128xf32, #tpu.memory_space<vmem>>) target(%dma_start3A_80 : memref<112x128xf32, #tpu.memory_space<hbm>>) target_semaphore(%run_scoped3A : memref<!tpu.dma_semaphore, #tpu.memory_space<semaphore_mem>>)
        %dma_wait3A_84 = arith.constant 0 : i32
        %dma_wait3A_85 = arith.constant 0 : i32
        %dma_wait3A_86 = tpu.memref_slice %arg13[%dma_wait3A_84, %dma_wait3A_85] : memref<128x128xf32, #tpu.memory_space<vmem>> -> memref<112x128xf32, #tpu.memory_space<vmem>>
        %dma_wait3A_87 = arith.constant 0 : i32
        %dma_wait3A_88 = tpu.memref_slice %arg5[%add3A_68, %dma_wait3A_87] : memref<10000x128xf32, #tpu.memory_space<hbm>> -> memref<112x128xf32, #tpu.memory_space<hbm>>
        %dma_wait3A_89 = arith.constant 0 : i32
        %dma_wait3A_90 = tpu.memref_slice %arg5[%add3A_68, %dma_wait3A_89] : memref<10000x128xf32, #tpu.memory_space<hbm>> -> memref<112x128xf32, #tpu.memory_space<hbm>>
        %dma_wait3A_91 = arith.constant 0 : i32
        %dma_wait3A_92 = arith.constant 0 : i32
        %dma_wait3A_93 = tpu.memref_slice %arg13[%dma_wait3A_91, %dma_wait3A_92] : memref<128x128xf32, #tpu.memory_space<vmem>> -> memref<112x128xf32, #tpu.memory_space<vmem>>
        tpu.wait_dma2 semaphore(%run_scoped3A : memref<!tpu.dma_semaphore, #tpu.memory_space<semaphore_mem>>) src(%dma_wait3A_93 : memref<112x128xf32, #tpu.memory_space<vmem>>) dst(%dma_wait3A_90 : memref<112x128xf32, #tpu.memory_space<hbm>>)
        tpu.yield
      }) : () -> ()
      %eq3A_69 = arith.constant 15 : i32
      %eq3A_70 = arith.cmpi eq, %arg1, %eq3A_69 : i32
      %convert_element_type3A_71 = arith.extui %eq3A_70 : i1 to i32
      %cond3A_72 = arith.constant 0 : i32
      %cond3A_73 = arith.cmpi ne, %convert_element_type3A_71, %cond3A_72 : i32
      scf.if %cond3A_73 {
        "tpu.region"() ({
          %run_scoped3A = tpu.sem_alloc : memref<!tpu.dma_semaphore, #tpu.memory_space<semaphore_mem>>
          %dma_start3A_74 = arith.constant 0 : i32
          %dma_start3A_75 = arith.constant 0 : i32
          %dma_start3A_76 = tpu.memref_slice %arg13[%dma_start3A_74, %dma_start3A_75] : memref<128x128xf32, #tpu.memory_space<vmem>> -> memref<16x128xf32, #tpu.memory_space<vmem>>
          %dma_start3A_77 = arith.constant 9984 : i32
          %dma_start3A_78 = arith.constant 0 : i32
          %dma_start3A_79 = tpu.memref_slice %arg15[%dma_start3A_77, %dma_start3A_78] : memref<10000x128xf32, #tpu.memory_space<vmem_shared>> -> memref<16x128xf32, #tpu.memory_space<vmem_shared>>
          %dma_start3A_80 = arith.constant 0 : i32
          %dma_start3A_81 = arith.constant 0 : i32
          %dma_start3A_82 = tpu.memref_slice %arg13[%dma_start3A_80, %dma_start3A_81] : memref<128x128xf32, #tpu.memory_space<vmem>> -> memref<16x128xf32, #tpu.memory_space<vmem>>
          %dma_start3A_83 = arith.constant 9984 : i32
          %dma_start3A_84 = arith.constant 0 : i32
          %dma_start3A_85 = tpu.memref_slice %arg15[%dma_start3A_83, %dma_start3A_84] : memref<10000x128xf32, #tpu.memory_space<vmem_shared>> -> memref<16x128xf32, #tpu.memory_space<vmem_shared>>
          tpu.enqueue_dma source(%dma_start3A_85 : memref<16x128xf32, #tpu.memory_space<vmem_shared>>) target(%dma_start3A_82 : memref<16x128xf32, #tpu.memory_space<vmem>>) target_semaphore(%run_scoped3A : memref<!tpu.dma_semaphore, #tpu.memory_space<semaphore_mem>>)
          %dma_wait3A_86 = arith.constant 0 : i32
          %dma_wait3A_87 = arith.constant 0 : i32
          %dma_wait3A_88 = tpu.memref_slice %arg13[%dma_wait3A_86, %dma_wait3A_87] : memref<128x128xf32, #tpu.memory_space<vmem>> -> memref<16x128xf32, #tpu.memory_space<vmem>>
          %dma_wait3A_89 = arith.constant 9984 : i32
          %dma_wait3A_90 = arith.constant 0 : i32
          %dma_wait3A_91 = tpu.memref_slice %arg15[%dma_wait3A_89, %dma_wait3A_90] : memref<10000x128xf32, #tpu.memory_space<vmem_shared>> -> memref<16x128xf32, #tpu.memory_space<vmem_shared>>
          %dma_wait3A_92 = arith.constant 0 : i32
          %dma_wait3A_93 = arith.constant 0 : i32
          %dma_wait3A_94 = tpu.memref_slice %arg13[%dma_wait3A_92, %dma_wait3A_93] : memref<128x128xf32, #tpu.memory_space<vmem>> -> memref<16x128xf32, #tpu.memory_space<vmem>>
          %dma_wait3A_95 = arith.constant 9984 : i32
          %dma_wait3A_96 = arith.constant 0 : i32
          %dma_wait3A_97 = tpu.memref_slice %arg15[%dma_wait3A_95, %dma_wait3A_96] : memref<10000x128xf32, #tpu.memory_space<vmem_shared>> -> memref<16x128xf32, #tpu.memory_space<vmem_shared>>
          tpu.wait_dma2 semaphore(%run_scoped3A : memref<!tpu.dma_semaphore, #tpu.memory_space<semaphore_mem>>) src(%dma_wait3A_97 : memref<16x128xf32, #tpu.memory_space<vmem_shared>>) dst(%dma_wait3A_94 : memref<16x128xf32, #tpu.memory_space<vmem>>)
          tpu.yield
        }) : () -> ()
        "tpu.region"() ({
          %run_scoped3A = tpu.sem_alloc : memref<!tpu.dma_semaphore, #tpu.memory_space<semaphore_mem>>
          %dma_start3A_74 = arith.constant 0 : i32
          %dma_start3A_75 = arith.constant 0 : i32
          %dma_start3A_76 = tpu.memref_slice %arg13[%dma_start3A_74, %dma_start3A_75] : memref<128x128xf32, #tpu.memory_space<vmem>> -> memref<16x128xf32, #tpu.memory_space<vmem>>
          %dma_start3A_77 = arith.constant 9984 : i32
          %dma_start3A_78 = arith.constant 0 : i32
          %dma_start3A_79 = tpu.memref_slice %arg5[%dma_start3A_77, %dma_start3A_78] : memref<10000x128xf32, #tpu.memory_space<hbm>> -> memref<16x128xf32, #tpu.memory_space<hbm>>
          %dma_start3A_80 = arith.constant 9984 : i32
          %dma_start3A_81 = arith.constant 0 : i32
          %dma_start3A_82 = tpu.memref_slice %arg5[%dma_start3A_80, %dma_start3A_81] : memref<10000x128xf32, #tpu.memory_space<hbm>> -> memref<16x128xf32, #tpu.memory_space<hbm>>
          %dma_start3A_83 = arith.constant 0 : i32
          %dma_start3A_84 = arith.constant 0 : i32
          %dma_start3A_85 = tpu.memref_slice %arg13[%dma_start3A_83, %dma_start3A_84] : memref<128x128xf32, #tpu.memory_space<vmem>> -> memref<16x128xf32, #tpu.memory_space<vmem>>
          tpu.enqueue_dma source(%dma_start3A_85 : memref<16x128xf32, #tpu.memory_space<vmem>>) target(%dma_start3A_82 : memref<16x128xf32, #tpu.memory_space<hbm>>) target_semaphore(%run_scoped3A : memref<!tpu.dma_semaphore, #tpu.memory_space<semaphore_mem>>)
          %dma_wait3A_86 = arith.constant 0 : i32
          %dma_wait3A_87 = arith.constant 0 : i32
          %dma_wait3A_88 = tpu.memref_slice %arg13[%dma_wait3A_86, %dma_wait3A_87] : memref<128x128xf32, #tpu.memory_space<vmem>> -> memref<16x128xf32, #tpu.memory_space<vmem>>
          %dma_wait3A_89 = arith.constant 9984 : i32
          %dma_wait3A_90 = arith.constant 0 : i32
          %dma_wait3A_91 = tpu.memref_slice %arg5[%dma_wait3A_89, %dma_wait3A_90] : memref<10000x128xf32, #tpu.memory_space<hbm>> -> memref<16x128xf32, #tpu.memory_space<hbm>>
          %dma_wait3A_92 = arith.constant 9984 : i32
          %dma_wait3A_93 = arith.constant 0 : i32
          %dma_wait3A_94 = tpu.memref_slice %arg5[%dma_wait3A_92, %dma_wait3A_93] : memref<10000x128xf32, #tpu.memory_space<hbm>> -> memref<16x128xf32, #tpu.memory_space<hbm>>
          %dma_wait3A_95 = arith.constant 0 : i32
          %dma_wait3A_96 = arith.constant 0 : i32
          %dma_wait3A_97 = tpu.memref_slice %arg13[%dma_wait3A_95, %dma_wait3A_96] : memref<128x128xf32, #tpu.memory_space<vmem>> -> memref<16x128xf32, #tpu.memory_space<vmem>>
          tpu.wait_dma2 semaphore(%run_scoped3A : memref<!tpu.dma_semaphore, #tpu.memory_space<semaphore_mem>>) src(%dma_wait3A_97 : memref<16x128xf32, #tpu.memory_space<vmem>>) dst(%dma_wait3A_94 : memref<16x128xf32, #tpu.memory_space<hbm>>)
          tpu.yield
        }) : () -> ()
      } else {
      }
    } else {
    }
    %eq3A_56 = arith.constant 1 : i32
    %eq3A_57 = arith.cmpi eq, %arg0, %eq3A_56 : i32
    %convert_element_type3A_58 = arith.extui %eq3A_57 : i1 to i32
    %cond3A_59 = arith.constant 0 : i32
    %cond3A_60 = arith.cmpi ne, %convert_element_type3A_58, %cond3A_59 : i32
    scf.if %cond3A_60 {
      %scan3A_61 = arith.constant 0 : i32
      %scan3A_62 = arith.constant 0 : i32
      %scan3A_63 = arith.constant 4 : i32
      %scan3A_64 = arith.addi %scan3A_62, %scan3A_63 : i32
      %scan3A_65 = arith.constant 1 : i32
      scf.for %scan3A_74 = %scan3A_62 to %scan3A_64 step %scan3A_65  : i32 {
        %mul3A_75 = arith.constant 128 : i32
        %mul3A_76 = arith.muli %scan3A_74, %mul3A_75 : i32
        %add3A_77 = arith.addi %mul3A_0, %mul3A_76 : i32
        "tpu.region"() ({
          %run_scoped3A = tpu.sem_alloc : memref<!tpu.dma_semaphore, #tpu.memory_space<semaphore_mem>>
          %dma_start3A_78 = arith.constant 0 : i32
          %dma_start3A_79 = tpu.memref_slice %arg15[%add3A_77, %dma_start3A_78] : memref<10000x128xf32, #tpu.memory_space<vmem_shared>> -> memref<128x128xf32, #tpu.memory_space<vmem_shared>>
          %dma_start3A_80 = arith.constant 0 : i32
          %dma_start3A_81 = tpu.memref_slice %arg15[%add3A_77, %dma_start3A_80] : memref<10000x128xf32, #tpu.memory_space<vmem_shared>> -> memref<128x128xf32, #tpu.memory_space<vmem_shared>>
          tpu.enqueue_dma source(%dma_start3A_81 : memref<128x128xf32, #tpu.memory_space<vmem_shared>>) target(%arg13 : memref<128x128xf32, #tpu.memory_space<vmem>>) target_semaphore(%run_scoped3A : memref<!tpu.dma_semaphore, #tpu.memory_space<semaphore_mem>>)
          %dma_wait3A_82 = arith.constant 0 : i32
          %dma_wait3A_83 = tpu.memref_slice %arg15[%add3A_77, %dma_wait3A_82] : memref<10000x128xf32, #tpu.memory_space<vmem_shared>> -> memref<128x128xf32, #tpu.memory_space<vmem_shared>>
          %dma_wait3A_84 = arith.constant 0 : i32
          %dma_wait3A_85 = tpu.memref_slice %arg15[%add3A_77, %dma_wait3A_84] : memref<10000x128xf32, #tpu.memory_space<vmem_shared>> -> memref<128x128xf32, #tpu.memory_space<vmem_shared>>
          tpu.wait_dma2 semaphore(%run_scoped3A : memref<!tpu.dma_semaphore, #tpu.memory_space<semaphore_mem>>) src(%dma_wait3A_85 : memref<128x128xf32, #tpu.memory_space<vmem_shared>>) dst(%arg13 : memref<128x128xf32, #tpu.memory_space<vmem>>)
          tpu.yield
        }) : () -> ()
        "tpu.region"() ({
          %run_scoped3A = tpu.sem_alloc : memref<!tpu.dma_semaphore, #tpu.memory_space<semaphore_mem>>
          %dma_start3A_78 = arith.constant 0 : i32
          %dma_start3A_79 = tpu.memref_slice %arg6[%add3A_77, %dma_start3A_78] : memref<10000x128xf32, #tpu.memory_space<hbm>> -> memref<128x128xf32, #tpu.memory_space<hbm>>
          %dma_start3A_80 = arith.constant 0 : i32
          %dma_start3A_81 = tpu.memref_slice %arg6[%add3A_77, %dma_start3A_80] : memref<10000x128xf32, #tpu.memory_space<hbm>> -> memref<128x128xf32, #tpu.memory_space<hbm>>
          tpu.enqueue_dma source(%arg13 : memref<128x128xf32, #tpu.memory_space<vmem>>) target(%dma_start3A_81 : memref<128x128xf32, #tpu.memory_space<hbm>>) target_semaphore(%run_scoped3A : memref<!tpu.dma_semaphore, #tpu.memory_space<semaphore_mem>>)
          %dma_wait3A_82 = arith.constant 0 : i32
          %dma_wait3A_83 = tpu.memref_slice %arg6[%add3A_77, %dma_wait3A_82] : memref<10000x128xf32, #tpu.memory_space<hbm>> -> memref<128x128xf32, #tpu.memory_space<hbm>>
          %dma_wait3A_84 = arith.constant 0 : i32
          %dma_wait3A_85 = tpu.memref_slice %arg6[%add3A_77, %dma_wait3A_84] : memref<10000x128xf32, #tpu.memory_space<hbm>> -> memref<128x128xf32, #tpu.memory_space<hbm>>
          tpu.wait_dma2 semaphore(%run_scoped3A : memref<!tpu.dma_semaphore, #tpu.memory_space<semaphore_mem>>) src(%arg13 : memref<128x128xf32, #tpu.memory_space<vmem>>) dst(%dma_wait3A_85 : memref<128x128xf32, #tpu.memory_space<hbm>>)
          tpu.yield
        }) : () -> ()
      }
      %scan3A_66 = arith.constant 4 : i32
      %add3A_67 = arith.constant 512 : i32
      %add3A_68 = arith.addi %mul3A_0, %add3A_67 : i32
      "tpu.region"() ({
        %run_scoped3A = tpu.sem_alloc : memref<!tpu.dma_semaphore, #tpu.memory_space<semaphore_mem>>
        %dma_start3A_74 = arith.constant 0 : i32
        %dma_start3A_75 = arith.constant 0 : i32
        %dma_start3A_76 = tpu.memref_slice %arg13[%dma_start3A_74, %dma_start3A_75] : memref<128x128xf32, #tpu.memory_space<vmem>> -> memref<112x128xf32, #tpu.memory_space<vmem>>
        %dma_start3A_77 = arith.constant 0 : i32
        %dma_start3A_78 = tpu.memref_slice %arg15[%add3A_68, %dma_start3A_77] : memref<10000x128xf32, #tpu.memory_space<vmem_shared>> -> memref<112x128xf32, #tpu.memory_space<vmem_shared>>
        %dma_start3A_79 = arith.constant 0 : i32
        %dma_start3A_80 = arith.constant 0 : i32
        %dma_start3A_81 = tpu.memref_slice %arg13[%dma_start3A_79, %dma_start3A_80] : memref<128x128xf32, #tpu.memory_space<vmem>> -> memref<112x128xf32, #tpu.memory_space<vmem>>
        %dma_start3A_82 = arith.constant 0 : i32
        %dma_start3A_83 = tpu.memref_slice %arg15[%add3A_68, %dma_start3A_82] : memref<10000x128xf32, #tpu.memory_space<vmem_shared>> -> memref<112x128xf32, #tpu.memory_space<vmem_shared>>
        tpu.enqueue_dma source(%dma_start3A_83 : memref<112x128xf32, #tpu.memory_space<vmem_shared>>) target(%dma_start3A_81 : memref<112x128xf32, #tpu.memory_space<vmem>>) target_semaphore(%run_scoped3A : memref<!tpu.dma_semaphore, #tpu.memory_space<semaphore_mem>>)
        %dma_wait3A_84 = arith.constant 0 : i32
        %dma_wait3A_85 = arith.constant 0 : i32
        %dma_wait3A_86 = tpu.memref_slice %arg13[%dma_wait3A_84, %dma_wait3A_85] : memref<128x128xf32, #tpu.memory_space<vmem>> -> memref<112x128xf32, #tpu.memory_space<vmem>>
        %dma_wait3A_87 = arith.constant 0 : i32
        %dma_wait3A_88 = tpu.memref_slice %arg15[%add3A_68, %dma_wait3A_87] : memref<10000x128xf32, #tpu.memory_space<vmem_shared>> -> memref<112x128xf32, #tpu.memory_space<vmem_shared>>
        %dma_wait3A_89 = arith.constant 0 : i32
        %dma_wait3A_90 = arith.constant 0 : i32
        %dma_wait3A_91 = tpu.memref_slice %arg13[%dma_wait3A_89, %dma_wait3A_90] : memref<128x128xf32, #tpu.memory_space<vmem>> -> memref<112x128xf32, #tpu.memory_space<vmem>>
        %dma_wait3A_92 = arith.constant 0 : i32
        %dma_wait3A_93 = tpu.memref_slice %arg15[%add3A_68, %dma_wait3A_92] : memref<10000x128xf32, #tpu.memory_space<vmem_shared>> -> memref<112x128xf32, #tpu.memory_space<vmem_shared>>
        tpu.wait_dma2 semaphore(%run_scoped3A : memref<!tpu.dma_semaphore, #tpu.memory_space<semaphore_mem>>) src(%dma_wait3A_93 : memref<112x128xf32, #tpu.memory_space<vmem_shared>>) dst(%dma_wait3A_91 : memref<112x128xf32, #tpu.memory_space<vmem>>)
        tpu.yield
      }) : () -> ()
      "tpu.region"() ({
        %run_scoped3A = tpu.sem_alloc : memref<!tpu.dma_semaphore, #tpu.memory_space<semaphore_mem>>
        %dma_start3A_74 = arith.constant 0 : i32
        %dma_start3A_75 = arith.constant 0 : i32
        %dma_start3A_76 = tpu.memref_slice %arg13[%dma_start3A_74, %dma_start3A_75] : memref<128x128xf32, #tpu.memory_space<vmem>> -> memref<112x128xf32, #tpu.memory_space<vmem>>
        %dma_start3A_77 = arith.constant 0 : i32
        %dma_start3A_78 = tpu.memref_slice %arg6[%add3A_68, %dma_start3A_77] : memref<10000x128xf32, #tpu.memory_space<hbm>> -> memref<112x128xf32, #tpu.memory_space<hbm>>
        %dma_start3A_79 = arith.constant 0 : i32
        %dma_start3A_80 = tpu.memref_slice %arg6[%add3A_68, %dma_start3A_79] : memref<10000x128xf32, #tpu.memory_space<hbm>> -> memref<112x128xf32, #tpu.memory_space<hbm>>
        %dma_start3A_81 = arith.constant 0 : i32
        %dma_start3A_82 = arith.constant 0 : i32
        %dma_start3A_83 = tpu.memref_slice %arg13[%dma_start3A_81, %dma_start3A_82] : memref<128x128xf32, #tpu.memory_space<vmem>> -> memref<112x128xf32, #tpu.memory_space<vmem>>
        tpu.enqueue_dma source(%dma_start3A_83 : memref<112x128xf32, #tpu.memory_space<vmem>>) target(%dma_start3A_80 : memref<112x128xf32, #tpu.memory_space<hbm>>) target_semaphore(%run_scoped3A : memref<!tpu.dma_semaphore, #tpu.memory_space<semaphore_mem>>)
        %dma_wait3A_84 = arith.constant 0 : i32
        %dma_wait3A_85 = arith.constant 0 : i32
        %dma_wait3A_86 = tpu.memref_slice %arg13[%dma_wait3A_84, %dma_wait3A_85] : memref<128x128xf32, #tpu.memory_space<vmem>> -> memref<112x128xf32, #tpu.memory_space<vmem>>
        %dma_wait3A_87 = arith.constant 0 : i32
        %dma_wait3A_88 = tpu.memref_slice %arg6[%add3A_68, %dma_wait3A_87] : memref<10000x128xf32, #tpu.memory_space<hbm>> -> memref<112x128xf32, #tpu.memory_space<hbm>>
        %dma_wait3A_89 = arith.constant 0 : i32
        %dma_wait3A_90 = tpu.memref_slice %arg6[%add3A_68, %dma_wait3A_89] : memref<10000x128xf32, #tpu.memory_space<hbm>> -> memref<112x128xf32, #tpu.memory_space<hbm>>
        %dma_wait3A_91 = arith.constant 0 : i32
        %dma_wait3A_92 = arith.constant 0 : i32
        %dma_wait3A_93 = tpu.memref_slice %arg13[%dma_wait3A_91, %dma_wait3A_92] : memref<128x128xf32, #tpu.memory_space<vmem>> -> memref<112x128xf32, #tpu.memory_space<vmem>>
        tpu.wait_dma2 semaphore(%run_scoped3A : memref<!tpu.dma_semaphore, #tpu.memory_space<semaphore_mem>>) src(%dma_wait3A_93 : memref<112x128xf32, #tpu.memory_space<vmem>>) dst(%dma_wait3A_90 : memref<112x128xf32, #tpu.memory_space<hbm>>)
        tpu.yield
      }) : () -> ()
      %eq3A_69 = arith.constant 15 : i32
      %eq3A_70 = arith.cmpi eq, %arg1, %eq3A_69 : i32
      %convert_element_type3A_71 = arith.extui %eq3A_70 : i1 to i32
      %cond3A_72 = arith.constant 0 : i32
      %cond3A_73 = arith.cmpi ne, %convert_element_type3A_71, %cond3A_72 : i32
      scf.if %cond3A_73 {
        "tpu.region"() ({
          %run_scoped3A = tpu.sem_alloc : memref<!tpu.dma_semaphore, #tpu.memory_space<semaphore_mem>>
          %dma_start3A_74 = arith.constant 0 : i32
          %dma_start3A_75 = arith.constant 0 : i32
          %dma_start3A_76 = tpu.memref_slice %arg13[%dma_start3A_74, %dma_start3A_75] : memref<128x128xf32, #tpu.memory_space<vmem>> -> memref<16x128xf32, #tpu.memory_space<vmem>>
          %dma_start3A_77 = arith.constant 9984 : i32
          %dma_start3A_78 = arith.constant 0 : i32
          %dma_start3A_79 = tpu.memref_slice %arg15[%dma_start3A_77, %dma_start3A_78] : memref<10000x128xf32, #tpu.memory_space<vmem_shared>> -> memref<16x128xf32, #tpu.memory_space<vmem_shared>>
          %dma_start3A_80 = arith.constant 0 : i32
          %dma_start3A_81 = arith.constant 0 : i32
          %dma_start3A_82 = tpu.memref_slice %arg13[%dma_start3A_80, %dma_start3A_81] : memref<128x128xf32, #tpu.memory_space<vmem>> -> memref<16x128xf32, #tpu.memory_space<vmem>>
          %dma_start3A_83 = arith.constant 9984 : i32
          %dma_start3A_84 = arith.constant 0 : i32
          %dma_start3A_85 = tpu.memref_slice %arg15[%dma_start3A_83, %dma_start3A_84] : memref<10000x128xf32, #tpu.memory_space<vmem_shared>> -> memref<16x128xf32, #tpu.memory_space<vmem_shared>>
          tpu.enqueue_dma source(%dma_start3A_85 : memref<16x128xf32, #tpu.memory_space<vmem_shared>>) target(%dma_start3A_82 : memref<16x128xf32, #tpu.memory_space<vmem>>) target_semaphore(%run_scoped3A : memref<!tpu.dma_semaphore, #tpu.memory_space<semaphore_mem>>)
          %dma_wait3A_86 = arith.constant 0 : i32
          %dma_wait3A_87 = arith.constant 0 : i32
          %dma_wait3A_88 = tpu.memref_slice %arg13[%dma_wait3A_86, %dma_wait3A_87] : memref<128x128xf32, #tpu.memory_space<vmem>> -> memref<16x128xf32, #tpu.memory_space<vmem>>
          %dma_wait3A_89 = arith.constant 9984 : i32
          %dma_wait3A_90 = arith.constant 0 : i32
          %dma_wait3A_91 = tpu.memref_slice %arg15[%dma_wait3A_89, %dma_wait3A_90] : memref<10000x128xf32, #tpu.memory_space<vmem_shared>> -> memref<16x128xf32, #tpu.memory_space<vmem_shared>>
          %dma_wait3A_92 = arith.constant 0 : i32
          %dma_wait3A_93 = arith.constant 0 : i32
          %dma_wait3A_94 = tpu.memref_slice %arg13[%dma_wait3A_92, %dma_wait3A_93] : memref<128x128xf32, #tpu.memory_space<vmem>> -> memref<16x128xf32, #tpu.memory_space<vmem>>
          %dma_wait3A_95 = arith.constant 9984 : i32
          %dma_wait3A_96 = arith.constant 0 : i32
          %dma_wait3A_97 = tpu.memref_slice %arg15[%dma_wait3A_95, %dma_wait3A_96] : memref<10000x128xf32, #tpu.memory_space<vmem_shared>> -> memref<16x128xf32, #tpu.memory_space<vmem_shared>>
          tpu.wait_dma2 semaphore(%run_scoped3A : memref<!tpu.dma_semaphore, #tpu.memory_space<semaphore_mem>>) src(%dma_wait3A_97 : memref<16x128xf32, #tpu.memory_space<vmem_shared>>) dst(%dma_wait3A_94 : memref<16x128xf32, #tpu.memory_space<vmem>>)
          tpu.yield
        }) : () -> ()
        "tpu.region"() ({
          %run_scoped3A = tpu.sem_alloc : memref<!tpu.dma_semaphore, #tpu.memory_space<semaphore_mem>>
          %dma_start3A_74 = arith.constant 0 : i32
          %dma_start3A_75 = arith.constant 0 : i32
          %dma_start3A_76 = tpu.memref_slice %arg13[%dma_start3A_74, %dma_start3A_75] : memref<128x128xf32, #tpu.memory_space<vmem>> -> memref<16x128xf32, #tpu.memory_space<vmem>>
          %dma_start3A_77 = arith.constant 9984 : i32
          %dma_start3A_78 = arith.constant 0 : i32
          %dma_start3A_79 = tpu.memref_slice %arg6[%dma_start3A_77, %dma_start3A_78] : memref<10000x128xf32, #tpu.memory_space<hbm>> -> memref<16x128xf32, #tpu.memory_space<hbm>>
          %dma_start3A_80 = arith.constant 9984 : i32
          %dma_start3A_81 = arith.constant 0 : i32
          %dma_start3A_82 = tpu.memref_slice %arg6[%dma_start3A_80, %dma_start3A_81] : memref<10000x128xf32, #tpu.memory_space<hbm>> -> memref<16x128xf32, #tpu.memory_space<hbm>>
          %dma_start3A_83 = arith.constant 0 : i32
          %dma_start3A_84 = arith.constant 0 : i32
          %dma_start3A_85 = tpu.memref_slice %arg13[%dma_start3A_83, %dma_start3A_84] : memref<128x128xf32, #tpu.memory_space<vmem>> -> memref<16x128xf32, #tpu.memory_space<vmem>>
          tpu.enqueue_dma source(%dma_start3A_85 : memref<16x128xf32, #tpu.memory_space<vmem>>) target(%dma_start3A_82 : memref<16x128xf32, #tpu.memory_space<hbm>>) target_semaphore(%run_scoped3A : memref<!tpu.dma_semaphore, #tpu.memory_space<semaphore_mem>>)
          %dma_wait3A_86 = arith.constant 0 : i32
          %dma_wait3A_87 = arith.constant 0 : i32
          %dma_wait3A_88 = tpu.memref_slice %arg13[%dma_wait3A_86, %dma_wait3A_87] : memref<128x128xf32, #tpu.memory_space<vmem>> -> memref<16x128xf32, #tpu.memory_space<vmem>>
          %dma_wait3A_89 = arith.constant 9984 : i32
          %dma_wait3A_90 = arith.constant 0 : i32
          %dma_wait3A_91 = tpu.memref_slice %arg6[%dma_wait3A_89, %dma_wait3A_90] : memref<10000x128xf32, #tpu.memory_space<hbm>> -> memref<16x128xf32, #tpu.memory_space<hbm>>
          %dma_wait3A_92 = arith.constant 9984 : i32
          %dma_wait3A_93 = arith.constant 0 : i32
          %dma_wait3A_94 = tpu.memref_slice %arg6[%dma_wait3A_92, %dma_wait3A_93] : memref<10000x128xf32, #tpu.memory_space<hbm>> -> memref<16x128xf32, #tpu.memory_space<hbm>>
          %dma_wait3A_95 = arith.constant 0 : i32
          %dma_wait3A_96 = arith.constant 0 : i32
          %dma_wait3A_97 = tpu.memref_slice %arg13[%dma_wait3A_95, %dma_wait3A_96] : memref<128x128xf32, #tpu.memory_space<vmem>> -> memref<16x128xf32, #tpu.memory_space<vmem>>
          tpu.wait_dma2 semaphore(%run_scoped3A : memref<!tpu.dma_semaphore, #tpu.memory_space<semaphore_mem>>) src(%dma_wait3A_97 : memref<16x128xf32, #tpu.memory_space<vmem>>) dst(%dma_wait3A_94 : memref<16x128xf32, #tpu.memory_space<hbm>>)
          tpu.yield
        }) : () -> ()
      } else {
      }
    } else {
    }
    return
  }
}

module attributes {stable_mosaic.version = 14 : i64} {
  func.func @body(%arg0: i32, %arg1: memref<400x128xf32, #tpu.memory_space<vmem>>, %arg2: memref<128x256xf32, #tpu.memory_space<vmem>>, %arg3: memref<1x1x400xf32, #tpu.memory_space<vmem>>, %arg4: memref<1x1x400xf32, #tpu.memory_space<vmem>>, %arg5: memref<400x128xf32, #tpu.memory_space<vmem>>, %arg6: memref<400x128xf32, #tpu.memory_space<vmem>>) attributes {dimension_semantics = [#tpu.dimension_semantics<arbitrary>], iteration_bounds = array<i64: 25>, scalar_prefetch = 0 : i64, scratch_operands = 0 : i64, tpu.core_type = #tpu.core_type<tc>, window_params = [{transform_indices = @transform_0, window_bounds = array<i64: 400, 128>}, {pipeline_mode = #tpu.pipeline_mode<synchronous>, transform_indices = @transform_1, window_bounds = array<i64: 128, 256>}, {transform_indices = @transform_2, window_bounds = array<i64: 1, 1, 400>}, {transform_indices = @transform_3, window_bounds = array<i64: 1, 1, 400>}, {transform_indices = @transform_4, window_bounds = array<i64: 400, 128>}, {transform_indices = @transform_5, window_bounds = array<i64: 400, 128>}]} {
    %get3A = arith.constant 0 : index
    %get3A_0 = arith.constant 0 : index
    %get3A_1 = arith.constant 0 : index
    %get3A_2 = vector.load %arg3[%get3A, %get3A_0, %get3A_1] : memref<1x1x400xf32, #tpu.memory_space<vmem>>, vector<1x1x400xf32>
    %get3A_3 = vector.shape_cast %get3A_2 : vector<1x1x400xf32> to vector<400xf32>
    %get3A_4 = arith.constant 0 : index
    %get3A_5 = arith.constant 0 : index
    %get3A_6 = arith.constant 0 : index
    %get3A_7 = vector.load %arg4[%get3A_4, %get3A_5, %get3A_6] : memref<1x1x400xf32, #tpu.memory_space<vmem>>, vector<1x1x400xf32>
    %get3A_8 = vector.shape_cast %get3A_7 : vector<1x1x400xf32> to vector<400xf32>
    %add3A = arith.addf %get3A_3, %get3A_8 : vector<400xf32>
    %rsqrt3A = math.rsqrt %add3A : vector<400xf32>
    %get3A_9 = arith.constant 0 : index
    %get3A_10 = arith.constant 0 : index
    %get3A_11 = vector.load %arg1[%get3A_9, %get3A_10] : memref<400x128xf32, #tpu.memory_space<vmem>>, vector<400x128xf32>
    %get3A_12 = arith.constant 0 : index
    %get3A_13 = arith.constant 0 : index
    %get3A_14 = vector.load %arg2[%get3A_12, %get3A_13] : memref<128x256xf32, #tpu.memory_space<vmem>>, vector<128x256xf32>
    %dot_general3A = arith.constant dense<0.000000e+00> : vector<400x256xf32>
    %dot_general3A_15 = tpu.matmul %get3A_11, %get3A_14, %dot_general3A {dimension_numbers = #tpu.dot_dimension_numbers<[1], [0], [0], [1], [0, 0, 1, 1], [], []>, transpose_lhs_hint = false} : vector<400x128xf32>, vector<128x256xf32>, vector<400x256xf32> -> vector<400x256xf32>
    %broadcast_in_dim3A = vector.shape_cast %rsqrt3A : vector<400xf32> to vector<400x1xf32>
    %mul3A = vector.broadcast %broadcast_in_dim3A : vector<400x1xf32> to vector<400x256xf32>
    %mul3A_16 = arith.mulf %dot_general3A_15, %mul3A : vector<400x256xf32>
    %slice3A = vector.extract_strided_slice %mul3A_16 {offsets = [0, 0], sizes = [400, 128], strides = [1, 1]} : vector<400x256xf32> to vector<400x128xf32>
    %swap3A = arith.constant 0 : index
    %swap3A_17 = arith.constant 0 : index
    %swap3A_18 = vector.load %arg5[%swap3A, %swap3A_17] : memref<400x128xf32, #tpu.memory_space<vmem>>, vector<400x128xf32>
    tpu.vector_store %arg5[%swap3A, %swap3A_17], %slice3A {strides = array<i32>} : memref<400x128xf32, #tpu.memory_space<vmem>>, vector<400x128xf32>,
    %slice3A_19 = vector.extract_strided_slice %mul3A_16 {offsets = [0, 128], sizes = [400, 128], strides = [1, 1]} : vector<400x256xf32> to vector<400x128xf32>
    %swap3A_20 = arith.constant 0 : index
    %swap3A_21 = arith.constant 0 : index
    %swap3A_22 = vector.load %arg6[%swap3A_20, %swap3A_21] : memref<400x128xf32, #tpu.memory_space<vmem>>, vector<400x128xf32>
    tpu.vector_store %arg6[%swap3A_20, %swap3A_21], %slice3A_19 {strides = array<i32>} : memref<400x128xf32, #tpu.memory_space<vmem>>, vector<400x128xf32>,
    return
  }
  func.func @transform_0(%arg0: i32) -> (i32, i32) {
    %c0_i32 = arith.constant 0 : i32
    %c0_i32_0 = arith.constant 0 : i32
    return %arg0, %c0_i32 : i32, i32
  }
  func.func @transform_1(%arg0: i32) -> (i32, i32) {
    %c0_i32 = arith.constant 0 : i32
    %c0_i32_0 = arith.constant 0 : i32
    %c0_i32_1 = arith.constant 0 : i32
    return %c0_i32, %c0_i32_0 : i32, i32
  }
  func.func @transform_2(%arg0: i32) -> (i32, i32, i32) {
    %c0_i32 = arith.constant 0 : i32
    %c0_i32_0 = arith.constant 0 : i32
    %c0_i32_1 = arith.constant 0 : i32
    return %arg0, %c0_i32, %c0_i32_0 : i32, i32, i32
  }
  func.func @transform_3(%arg0: i32) -> (i32, i32, i32) {
    %c0_i32 = arith.constant 0 : i32
    %c0_i32_0 = arith.constant 0 : i32
    %c0_i32_1 = arith.constant 0 : i32
    return %arg0, %c0_i32, %c0_i32_0 : i32, i32, i32
  }
  func.func @transform_4(%arg0: i32) -> (i32, i32) {
    %c0_i32 = arith.constant 0 : i32
    %c0_i32_0 = arith.constant 0 : i32
    return %arg0, %c0_i32 : i32, i32
  }
  func.func @transform_5(%arg0: i32) -> (i32, i32) {
    %c0_i32 = arith.constant 0 : i32
    %c0_i32_0 = arith.constant 0 : i32
    return %arg0, %c0_i32 : i32, i32
  }
}

module attributes {stable_mosaic.version = 14 : i64} {
  func.func @body(%arg0: i32, %arg1: memref<400x128xf32, #tpu.memory_space<vmem>>, %arg2: memref<400x128xf32, #tpu.memory_space<vmem>>, %arg3: memref<1x1x400xf32, #tpu.memory_space<vmem>>, %arg4: memref<1x1x400xf32, #tpu.memory_space<vmem>>, %arg5: memref<1x2x128xf32, #tpu.memory_space<vmem>>, %arg6: memref<1x2x128x128xf32, #tpu.memory_space<vmem>>, %arg7: memref<400x128xf32, #tpu.memory_space<vmem>>) attributes {dimension_semantics = [#tpu.dimension_semantics<arbitrary>], iteration_bounds = array<i64: 25>, scalar_prefetch = 0 : i64, scratch_operands = 0 : i64, tpu.core_type = #tpu.core_type<tc>, window_params = [{transform_indices = @transform_0, window_bounds = array<i64: 400, 128>}, {transform_indices = @transform_1, window_bounds = array<i64: 400, 128>}, {transform_indices = @transform_2, window_bounds = array<i64: 1, 1, 400>}, {transform_indices = @transform_3, window_bounds = array<i64: 1, 1, 400>}, {pipeline_mode = #tpu.pipeline_mode<synchronous>, transform_indices = @transform_4, window_bounds = array<i64: 1, 2, 128>}, {pipeline_mode = #tpu.pipeline_mode<synchronous>, transform_indices = @transform_5, window_bounds = array<i64: 1, 2, 128, 128>}, {transform_indices = @transform_6, window_bounds = array<i64: 400, 128>}]} {
    %get3A = arith.constant 0 : index
    %get3A_0 = arith.constant 0 : index
    %get3A_1 = arith.constant 0 : index
    %get3A_2 = vector.load %arg3[%get3A, %get3A_0, %get3A_1] : memref<1x1x400xf32, #tpu.memory_space<vmem>>, vector<1x1x400xf32>
    %get3A_3 = vector.shape_cast %get3A_2 : vector<1x1x400xf32> to vector<400xf32>
    %get3A_4 = arith.constant 0 : index
    %get3A_5 = arith.constant 0 : index
    %get3A_6 = arith.constant 0 : index
    %get3A_7 = vector.load %arg4[%get3A_4, %get3A_5, %get3A_6] : memref<1x1x400xf32, #tpu.memory_space<vmem>>, vector<1x1x400xf32>
    %get3A_8 = vector.shape_cast %get3A_7 : vector<1x1x400xf32> to vector<400xf32>
    %add3A = arith.addf %get3A_3, %get3A_8 : vector<400xf32>
    %rsqrt3A = math.rsqrt %add3A : vector<400xf32>
    %get3A_9 = arith.constant 0 : index
    %get3A_10 = arith.constant 0 : index
    %get3A_11 = vector.load %arg1[%get3A_9, %get3A_10] : memref<400x128xf32, #tpu.memory_space<vmem>>, vector<400x128xf32>
    %broadcast_in_dim3A = vector.shape_cast %rsqrt3A : vector<400xf32> to vector<400x1xf32>
    %mul3A = vector.broadcast %broadcast_in_dim3A : vector<400x1xf32> to vector<400x128xf32>
    %mul3A_12 = arith.mulf %get3A_11, %mul3A : vector<400x128xf32>
    %get3A_13 = arith.constant 0 : index
    %get3A_14 = arith.constant 0 : index
    %get3A_15 = arith.constant 0 : index
    %get3A_16 = vector.load %arg5[%get3A_13, %get3A_14, %get3A_15] : memref<1x2x128xf32, #tpu.memory_space<vmem>>, vector<1x1x128xf32>
    %get3A_17 = vector.shape_cast %get3A_16 : vector<1x1x128xf32> to vector<128xf32>
    %broadcast_in_dim3A_18 = vector.shape_cast %get3A_17 : vector<128xf32> to vector<1x128xf32>
    %add3A_19 = vector.broadcast %broadcast_in_dim3A_18 : vector<1x128xf32> to vector<400x128xf32>
    %add3A_20 = arith.addf %mul3A_12, %add3A_19 : vector<400x128xf32>
    %max3A = arith.constant 0.000000e+00 : f32
    %max3A_21 = vector.broadcast %max3A : f32 to vector<400x128xf32>
    %max3A_22 = arith.maximumf %add3A_20, %max3A_21 : vector<400x128xf32>
    %get3A_23 = arith.constant 0 : index
    %get3A_24 = arith.constant 0 : index
    %get3A_25 = vector.load %arg2[%get3A_23, %get3A_24] : memref<400x128xf32, #tpu.memory_space<vmem>>, vector<400x128xf32>
    %broadcast_in_dim3A_26 = vector.shape_cast %rsqrt3A : vector<400xf32> to vector<400x1xf32>
    %mul3A_27 = vector.broadcast %broadcast_in_dim3A_26 : vector<400x1xf32> to vector<400x128xf32>
    %mul3A_28 = arith.mulf %get3A_25, %mul3A_27 : vector<400x128xf32>
    %get3A_29 = arith.constant 0 : index
    %get3A_30 = arith.constant 1 : index
    %get3A_31 = arith.constant 0 : index
    %get3A_32 = vector.load %arg5[%get3A_29, %get3A_30, %get3A_31] : memref<1x2x128xf32, #tpu.memory_space<vmem>>, vector<1x1x128xf32>
    %get3A_33 = vector.shape_cast %get3A_32 : vector<1x1x128xf32> to vector<128xf32>
    %broadcast_in_dim3A_34 = vector.shape_cast %get3A_33 : vector<128xf32> to vector<1x128xf32>
    %add3A_35 = vector.broadcast %broadcast_in_dim3A_34 : vector<1x128xf32> to vector<400x128xf32>
    %add3A_36 = arith.addf %mul3A_28, %add3A_35 : vector<400x128xf32>
    %max3A_37 = arith.constant 0.000000e+00 : f32
    %max3A_38 = vector.broadcast %max3A_37 : f32 to vector<400x128xf32>
    %max3A_39 = arith.maximumf %add3A_36, %max3A_38 : vector<400x128xf32>
    %get3A_40 = arith.constant 0 : index
    %get3A_41 = arith.constant 0 : index
    %get3A_42 = arith.constant 0 : index
    %get3A_43 = arith.constant 0 : index
    %get3A_44 = vector.load %arg6[%get3A_40, %get3A_41, %get3A_42, %get3A_43] : memref<1x2x128x128xf32, #tpu.memory_space<vmem>>, vector<1x1x128x128xf32>
    %get3A_45 = vector.shape_cast %get3A_44 : vector<1x1x128x128xf32> to vector<128x128xf32>
    %dot_general3A = arith.constant dense<0.000000e+00> : vector<400x128xf32>
    %dot_general3A_46 = tpu.matmul %max3A_22, %get3A_45, %dot_general3A {dimension_numbers = #tpu.dot_dimension_numbers<[1], [0], [0], [1], [0, 0, 1, 1], [], []>, transpose_lhs_hint = false} : vector<400x128xf32>, vector<128x128xf32>, vector<400x128xf32> -> vector<400x128xf32>
    %get3A_47 = arith.constant 0 : index
    %get3A_48 = arith.constant 1 : index
    %get3A_49 = arith.constant 0 : index
    %get3A_50 = arith.constant 0 : index
    %get3A_51 = vector.load %arg6[%get3A_47, %get3A_48, %get3A_49, %get3A_50] : memref<1x2x128x128xf32, #tpu.memory_space<vmem>>, vector<1x1x128x128xf32>
    %get3A_52 = vector.shape_cast %get3A_51 : vector<1x1x128x128xf32> to vector<128x128xf32>
    %dot_general3A_53 = arith.constant dense<0.000000e+00> : vector<400x128xf32>
    %dot_general3A_54 = tpu.matmul %max3A_39, %get3A_52, %dot_general3A_53 {dimension_numbers = #tpu.dot_dimension_numbers<[1], [0], [0], [1], [0, 0, 1, 1], [], []>, transpose_lhs_hint = false} : vector<400x128xf32>, vector<128x128xf32>, vector<400x128xf32> -> vector<400x128xf32>
    %add3A_55 = arith.addf %dot_general3A_46, %dot_general3A_54 : vector<400x128xf32>
    %broadcast_in_dim3A_56 = vector.shape_cast %rsqrt3A : vector<400xf32> to vector<400x1xf32>
    %mul3A_57 = vector.broadcast %broadcast_in_dim3A_56 : vector<400x1xf32> to vector<400x128xf32>
    %mul3A_58 = arith.mulf %add3A_55, %mul3A_57 : vector<400x128xf32>
    %swap3A = arith.constant 0 : index
    %swap3A_59 = arith.constant 0 : index
    %swap3A_60 = vector.load %arg7[%swap3A, %swap3A_59] : memref<400x128xf32, #tpu.memory_space<vmem>>, vector<400x128xf32>
    tpu.vector_store %arg7[%swap3A, %swap3A_59], %mul3A_58 {strides = array<i32>} : memref<400x128xf32, #tpu.memory_space<vmem>>, vector<400x128xf32>,
    return
  }
  func.func @transform_0(%arg0: i32) -> (i32, i32) {
    %c0_i32 = arith.constant 0 : i32
    %c0_i32_0 = arith.constant 0 : i32
    return %arg0, %c0_i32 : i32, i32
  }
  func.func @transform_1(%arg0: i32) -> (i32, i32) {
    %c0_i32 = arith.constant 0 : i32
    %c0_i32_0 = arith.constant 0 : i32
    return %arg0, %c0_i32 : i32, i32
  }
  func.func @transform_2(%arg0: i32) -> (i32, i32, i32) {
    %c0_i32 = arith.constant 0 : i32
    %c0_i32_0 = arith.constant 0 : i32
    %c0_i32_1 = arith.constant 0 : i32
    return %arg0, %c0_i32, %c0_i32_0 : i32, i32, i32
  }
  func.func @transform_3(%arg0: i32) -> (i32, i32, i32) {
    %c0_i32 = arith.constant 0 : i32
    %c0_i32_0 = arith.constant 0 : i32
    %c0_i32_1 = arith.constant 0 : i32
    return %arg0, %c0_i32, %c0_i32_0 : i32, i32, i32
  }
  func.func @transform_4(%arg0: i32) -> (i32, i32, i32) {
    %c0_i32 = arith.constant 0 : i32
    %c0_i32_0 = arith.constant 0 : i32
    %c0_i32_1 = arith.constant 0 : i32
    %c0_i32_2 = arith.constant 0 : i32
    return %c0_i32, %c0_i32_0, %c0_i32_1 : i32, i32, i32
  }
  func.func @transform_5(%arg0: i32) -> (i32, i32, i32, i32) {
    %c0_i32 = arith.constant 0 : i32
    %c0_i32_0 = arith.constant 0 : i32
    %c0_i32_1 = arith.constant 0 : i32
    %c0_i32_2 = arith.constant 0 : i32
    %c0_i32_3 = arith.constant 0 : i32
    return %c0_i32, %c0_i32_0, %c0_i32_1, %c0_i32_2 : i32, i32, i32, i32
  }
  func.func @transform_6(%arg0: i32) -> (i32, i32) {
    %c0_i32 = arith.constant 0 : i32
    %c0_i32_0 = arith.constant 0 : i32
    return %arg0, %c0_i32 : i32, i32
  }
}

module attributes {stable_mosaic.version = 14 : i64} {
  func.func @body(%arg0: i32, %arg1: memref<400x128xf32, #tpu.memory_space<vmem>>, %arg2: memref<400x128xf32, #tpu.memory_space<vmem>>, %arg3: memref<400x128xf32, #tpu.memory_space<vmem>>, %arg4: memref<1x1x400xf32, #tpu.memory_space<vmem>>, %arg5: memref<1x1x400xf32, #tpu.memory_space<vmem>>, %arg6: memref<1x1x128xf32, #tpu.memory_space<vmem>>, %arg7: memref<128x128xf32, #tpu.memory_space<vmem>>, %arg8: memref<1x1x128xf32, #tpu.memory_space<vmem>>, %arg9: memref<400x128xf32, #tpu.memory_space<vmem>>) attributes {dimension_semantics = [#tpu.dimension_semantics<arbitrary>], iteration_bounds = array<i64: 25>, scalar_prefetch = 0 : i64, scratch_operands = 0 : i64, tpu.core_type = #tpu.core_type<tc>, window_params = [{transform_indices = @transform_0, window_bounds = array<i64: 400, 128>}, {transform_indices = @transform_1, window_bounds = array<i64: 400, 128>}, {transform_indices = @transform_2, window_bounds = array<i64: 400, 128>}, {transform_indices = @transform_3, window_bounds = array<i64: 1, 1, 400>}, {transform_indices = @transform_4, window_bounds = array<i64: 1, 1, 400>}, {pipeline_mode = #tpu.pipeline_mode<synchronous>, transform_indices = @transform_5, window_bounds = array<i64: 1, 1, 128>}, {pipeline_mode = #tpu.pipeline_mode<synchronous>, transform_indices = @transform_6, window_bounds = array<i64: 128, 128>}, {pipeline_mode = #tpu.pipeline_mode<synchronous>, transform_indices = @transform_7, window_bounds = array<i64: 1, 1, 128>}, {transform_indices = @transform_8, window_bounds = array<i64: 400, 128>}]} {
    %get3A = arith.constant 0 : index
    %get3A_0 = arith.constant 0 : index
    %get3A_1 = arith.constant 0 : index
    %get3A_2 = vector.load %arg4[%get3A, %get3A_0, %get3A_1] : memref<1x1x400xf32, #tpu.memory_space<vmem>>, vector<1x1x400xf32>
    %get3A_3 = vector.shape_cast %get3A_2 : vector<1x1x400xf32> to vector<400xf32>
    %get3A_4 = arith.constant 0 : index
    %get3A_5 = arith.constant 0 : index
    %get3A_6 = arith.constant 0 : index
    %get3A_7 = vector.load %arg5[%get3A_4, %get3A_5, %get3A_6] : memref<1x1x400xf32, #tpu.memory_space<vmem>>, vector<1x1x400xf32>
    %get3A_8 = vector.shape_cast %get3A_7 : vector<1x1x400xf32> to vector<400xf32>
    %add3A = arith.addf %get3A_3, %get3A_8 : vector<400xf32>
    %rsqrt3A = math.rsqrt %add3A : vector<400xf32>
    %get3A_9 = arith.constant 0 : index
    %get3A_10 = arith.constant 0 : index
    %get3A_11 = vector.load %arg1[%get3A_9, %get3A_10] : memref<400x128xf32, #tpu.memory_space<vmem>>, vector<400x128xf32>
    %get3A_12 = arith.constant 0 : index
    %get3A_13 = arith.constant 0 : index
    %get3A_14 = vector.load %arg2[%get3A_12, %get3A_13] : memref<400x128xf32, #tpu.memory_space<vmem>>, vector<400x128xf32>
    %add3A_15 = arith.addf %get3A_11, %get3A_14 : vector<400x128xf32>
    %get3A_16 = arith.constant 0 : index
    %get3A_17 = arith.constant 0 : index
    %get3A_18 = vector.load %arg3[%get3A_16, %get3A_17] : memref<400x128xf32, #tpu.memory_space<vmem>>, vector<400x128xf32>
    %sub3A = arith.subf %add3A_15, %get3A_18 : vector<400x128xf32>
    %broadcast_in_dim3A = vector.shape_cast %rsqrt3A : vector<400xf32> to vector<400x1xf32>
    %mul3A = vector.broadcast %broadcast_in_dim3A : vector<400x1xf32> to vector<400x128xf32>
    %mul3A_19 = arith.mulf %sub3A, %mul3A : vector<400x128xf32>
    %get3A_20 = arith.constant 0 : index
    %get3A_21 = arith.constant 0 : index
    %get3A_22 = arith.constant 0 : index
    %get3A_23 = vector.load %arg6[%get3A_20, %get3A_21, %get3A_22] : memref<1x1x128xf32, #tpu.memory_space<vmem>>, vector<1x1x128xf32>
    %get3A_24 = vector.shape_cast %get3A_23 : vector<1x1x128xf32> to vector<128xf32>
    %broadcast_in_dim3A_25 = vector.shape_cast %get3A_24 : vector<128xf32> to vector<1x128xf32>
    %add3A_26 = vector.broadcast %broadcast_in_dim3A_25 : vector<1x128xf32> to vector<400x128xf32>
    %add3A_27 = arith.addf %mul3A_19, %add3A_26 : vector<400x128xf32>
    %max3A = arith.constant 0.000000e+00 : f32
    %max3A_28 = vector.broadcast %max3A : f32 to vector<400x128xf32>
    %max3A_29 = arith.maximumf %add3A_27, %max3A_28 : vector<400x128xf32>
    %get3A_30 = arith.constant 0 : index
    %get3A_31 = arith.constant 0 : index
    %get3A_32 = vector.load %arg7[%get3A_30, %get3A_31] : memref<128x128xf32, #tpu.memory_space<vmem>>, vector<128x128xf32>
    %dot_general3A = arith.constant dense<0.000000e+00> : vector<400x128xf32>
    %dot_general3A_33 = tpu.matmul %max3A_29, %get3A_32, %dot_general3A {dimension_numbers = #tpu.dot_dimension_numbers<[1], [0], [0], [1], [0, 0, 1, 1], [], []>, transpose_lhs_hint = false} : vector<400x128xf32>, vector<128x128xf32>, vector<400x128xf32> -> vector<400x128xf32>
    %get3A_34 = arith.constant 0 : index
    %get3A_35 = arith.constant 0 : index
    %get3A_36 = arith.constant 0 : index
    %get3A_37 = vector.load %arg8[%get3A_34, %get3A_35, %get3A_36] : memref<1x1x128xf32, #tpu.memory_space<vmem>>, vector<1x1x128xf32>
    %get3A_38 = vector.shape_cast %get3A_37 : vector<1x1x128xf32> to vector<128xf32>
    %broadcast_in_dim3A_39 = vector.shape_cast %get3A_38 : vector<128xf32> to vector<1x128xf32>
    %add3A_40 = vector.broadcast %broadcast_in_dim3A_39 : vector<1x128xf32> to vector<400x128xf32>
    %add3A_41 = arith.addf %dot_general3A_33, %add3A_40 : vector<400x128xf32>
    %swap3A = arith.constant 0 : index
    %swap3A_42 = arith.constant 0 : index
    %swap3A_43 = vector.load %arg9[%swap3A, %swap3A_42] : memref<400x128xf32, #tpu.memory_space<vmem>>, vector<400x128xf32>
    tpu.vector_store %arg9[%swap3A, %swap3A_42], %add3A_41 {strides = array<i32>} : memref<400x128xf32, #tpu.memory_space<vmem>>, vector<400x128xf32>,
    return
  }
  func.func @transform_0(%arg0: i32) -> (i32, i32) {
    %c0_i32 = arith.constant 0 : i32
    %c0_i32_0 = arith.constant 0 : i32
    return %arg0, %c0_i32 : i32, i32
  }
  func.func @transform_1(%arg0: i32) -> (i32, i32) {
    %c0_i32 = arith.constant 0 : i32
    %c0_i32_0 = arith.constant 0 : i32
    return %arg0, %c0_i32 : i32, i32
  }
  func.func @transform_2(%arg0: i32) -> (i32, i32) {
    %c0_i32 = arith.constant 0 : i32
    %c0_i32_0 = arith.constant 0 : i32
    return %arg0, %c0_i32 : i32, i32
  }
  func.func @transform_3(%arg0: i32) -> (i32, i32, i32) {
    %c0_i32 = arith.constant 0 : i32
    %c0_i32_0 = arith.constant 0 : i32
    %c0_i32_1 = arith.constant 0 : i32
    return %arg0, %c0_i32, %c0_i32_0 : i32, i32, i32
  }
  func.func @transform_4(%arg0: i32) -> (i32, i32, i32) {
    %c0_i32 = arith.constant 0 : i32
    %c0_i32_0 = arith.constant 0 : i32
    %c0_i32_1 = arith.constant 0 : i32
    return %arg0, %c0_i32, %c0_i32_0 : i32, i32, i32
  }
  func.func @transform_5(%arg0: i32) -> (i32, i32, i32) {
    %c0_i32 = arith.constant 0 : i32
    %c0_i32_0 = arith.constant 0 : i32
    %c0_i32_1 = arith.constant 0 : i32
    %c0_i32_2 = arith.constant 0 : i32
    return %c0_i32, %c0_i32_0, %c0_i32_1 : i32, i32, i32
  }
  func.func @transform_6(%arg0: i32) -> (i32, i32) {
    %c0_i32 = arith.constant 0 : i32
    %c0_i32_0 = arith.constant 0 : i32
    %c0_i32_1 = arith.constant 0 : i32
    return %c0_i32, %c0_i32_0 : i32, i32
  }
  func.func @transform_7(%arg0: i32) -> (i32, i32, i32) {
    %c0_i32 = arith.constant 0 : i32
    %c0_i32_0 = arith.constant 0 : i32
    %c0_i32_1 = arith.constant 0 : i32
    %c0_i32_2 = arith.constant 0 : i32
    return %c0_i32, %c0_i32_0, %c0_i32_1 : i32, i32, i32
  }
  func.func @transform_8(%arg0: i32) -> (i32, i32) {
    %c0_i32 = arith.constant 0 : i32
    %c0_i32_0 = arith.constant 0 : i32
    return %arg0, %c0_i32 : i32, i32
  }
}

</mosaic_0001>

<sc_bundles>
// kernel: kernel.11.cloned.1.call-start
scs
__scs_entry_jumppad:
0x0: {  	(pc) =	sbr.rel $0x88, $3  }
0x1: {  	(tag) =	ssettag $0x0;
	lr =	simm.s32 $0x1  }
0x2: {  	[smem:$0x3F99] =	sst lr;
	_ =	strace $0xD0000000  }
0x3: {  	_ = 	snop  }
0x4: {  	_ = 	snop  }
0x5: {  	_ = 	snop  }
0x6: {  	_ = 	snop  }
0x7: {  	_ = 	snop  }
__scs_overlays_trampoline_lowered:
0x8: {  	[smem:$0x3FA8] =	sst s0  }
0x9: {  	[smem:$0x3FA9] =	sst s1  }
0xa: {  	[smem:$0x3FAA] =	sst s2  }
0xb: {  	[smem:$0x3FAB] =	sst s3  }
0xc: {  	[smem:$0x3FAC] =	sst s4  }
0xd: {  	[smem:$0x3FAD] =	sst s5  }
0xe: {  	[smem:$0x3FAE] =	sst s6  }
0xf: {  	[smem:$0x3FAF] =	sst s7  }
0x10: {  	[smem:$0x3FB0] =	sst s8  }
0x11: {  	[smem:$0x3FB1] =	sst s9;
	s0 =	simm.s32 @!p0 $0x0  }
0x12: {  	s1 =	sld [smem:$0x3F97];
	s0 =	simm.s32 @p0 $0x1  }
0x13: {  	[smem:$0x3FB2] =	sst s0;
	s0 =	simm.s32 @!p1 $0x0  }
0x14: {  	s2 =	sld [smem:$0x3F96];
	s0 =	simm.s32 @p1 $0x1  }
0x15: {  	[smem:$0x3FB3] =	sst s0;
	s0 =	simm.s32 @!p2 $0x0  }
0x16: {  	s3 =	sld [smem:$0x3FDB];
	s0 =	simm.s32 @p2 $0x1  }
0x17: {  	s4 =	simm.s32 $0x1BF5;
	[smem:$0x3FB5] =	sst s0  }
0x18: {  	s0 =	sld [smem:$0x3F98];
	_ =	swait.ge [sflag:s4], $0x0  }
0x19: {  	s7 =	sld [smem:$0x3F99]  }
0x1a: {  	s8 =	sadd.s32 $0xFFFFE003, lr  }
0x1b: {  	s9 =	sadd.s32 $0xFFFFFEF7, lr;
	s5 =	simm.s32 $0xFFFFFFFF;
	p2 =	slt.u32 s8, $0xFFFFF086  }
0x1c: {  	p1 =	slt.u32 s9, $0xF7A;
	s5 =	simm.s32 @!p2 $0x0  }
0x1d: {  	s5 =	simm.s32 @p1 $0x1;
	p0 =	seq.s32 s7, s2  }
0x1e: {  	s7 =	smul.u32 @!p0 $0xF7A, s2;
	p2 =	seq.s32 @!p0 s5, $0x0  }
0x1f: {  	s9 =	smul.u32 $0xF7A, s1;
	s8 =	simm.s32 @!p0 $0x1BF5;
	p2 =	por !p2, p0  }
0x20: {  	[sflag:s8] =	ssyncset.s32 @!p0 $0xFFFFF086;
	s6 =	sadd.s32 @!p0 s3, s7;
	s7 =	simm.s32 @!p0 $0x108  }
0x21: {  	s3 =	sadd.s32 s3, s9;
	s6 =	sadd.s32 @!p0 $0x88, s6;
	s7 =	simm.s32 @p2 $0x1082  }
0x22: {  	[simem:s7], [sflag:s8] =	dma.local @!p0 [hbm:s6], $0xF7A  }
0x23: {  	s9 =	sor.u32 $0xD0000000, s2;
	s6 =	simm.s32 $0x108;
	_ =	swait.ge @!p0 [sflag:s8], $0x0  }
0x24: {  	s3 =	sadd.s32 $0x88, s3;
	s6 =	simm.s32 @!p1 $0x1082;
	[sflag:s4] =	ssyncset.s32 $0xFFFFF086  }
0x25: {  	[simem:s6], [sflag:s4] =	dma.local [hbm:s3], $0xF7A  }
0x26: {  	[smem:$0x3F99] =	sst s1;
	(tag) =	ssettag s2;
	_ =	strace s9  }
0x27: {  	s1 =	sld [smem:$0x3FA9]  }
0x28: {  	s2 =	sld [smem:$0x3FAA]  }
0x29: {  	s4 =	sld [smem:$0x3FAC]  }
0x2a: {  	p0 =	seq.s32 s5, $0x0;
	s5 =	sld [smem:$0x3FAD]  }
0x2b: {  	s6 =	sld [smem:$0x3FAE]  }
0x2c: {  	s7 =	sld [smem:$0x3FAF]  }
0x2d: {  	s3 =	simm.s32 $0x108;
	s8 =	sld [smem:$0x3FB0]  }
0x2e: {  	s3 =	simm.s32 @!p0 $0x1082;
	s9 =	sld [smem:$0x3FB1]  }
0x2f: {  	lr =	sadd.s32 s0, s3;
	s0 =	sld [smem:$0x3FA8]  }
0x30: {  	s3 =	sld [smem:$0x3FAB]  }
0x31: {  	[smem:$0x3FB4] =	sst s10  }
0x32: {  	s10 =	sld [smem:$0x3FB2];
	_ =	sdelay $0x3  }
0x33: {  	p0 =	seq.s32 s10, $0x1;
	s10 =	sld [smem:$0x3FB4];
	_ =	sdelay $0x3  }
0x34: {  	[smem:$0x3FB4] =	sst s10  }
0x35: {  	s10 =	sld [smem:$0x3FB3];
	_ =	sdelay $0x3  }
0x36: {  	p1 =	seq.s32 s10, $0x1;
	s10 =	sld [smem:$0x3FB4];
	_ =	sdelay $0x3  }
0x37: {  	[smem:$0x3FB4] =	sst s10  }
0x38: {  	s10 =	sld [smem:$0x3FB5]  }
0x39: {  	_ = 	snop;
	(pc) =	sbr.ind lr, $3  }
0x3a: {  	_ = 	snop  }
0x3b: {  	_ = 	snop  }
0x3c: {  	p2 =	seq.s32 s10, $0x1;
	s10 =	sld [smem:$0x3FB4]  }
0x3d: {  	_ =	shalt  }
0x3e: {  	_ =	shalt  }
0x3f: {  	_ =	shalt  }
0x40: {  	_ =	shalt  }
0x41: {  	_ =	shalt  }
0x42: {  	_ =	shalt  }
0x43: {  	_ =	shalt  }
0x44: {  	_ =	shalt  }
0x45: {  	_ =	shalt  }
0x46: {  	_ =	shalt  }
0x47: {  	_ =	shalt  }
0x48: {  	_ =	shalt  }
0x49: {  	_ =	shalt  }
0x4a: {  	_ =	shalt  }
0x4b: {  	_ =	shalt  }
0x4c: {  	_ =	shalt  }
0x4d: {  	_ =	shalt  }
0x4e: {  	_ =	shalt  }
0x4f: {  	_ =	shalt  }
0x50: {  	_ =	shalt  }
0x51: {  	_ =	shalt  }
0x52: {  	_ =	shalt  }
0x53: {  	_ =	shalt  }
0x54: {  	_ =	shalt  }
0x55: {  	_ =	shalt  }
0x56: {  	_ =	shalt  }
0x57: {  	_ =	shalt  }
0x58: {  	_ =	shalt  }
0x59: {  	_ =	shalt  }
0x5a: {  	_ =	shalt  }
0x5b: {  	_ =	shalt  }
0x5c: {  	_ =	shalt  }
0x5d: {  	_ =	shalt  }
0x5e: {  	_ =	shalt  }
0x5f: {  	_ =	shalt  }
0x60: {  	_ =	shalt  }
0x61: {  	_ =	shalt  }
0x62: {  	_ =	shalt  }
0x63: {  	_ =	shalt  }
0x64: {  	_ =	shalt  }
0x65: {  	_ =	shalt  }
0x66: {  	_ =	shalt  }
0x67: {  	_ =	shalt  }
0x68: {  	_ =	shalt  }
0x69: {  	_ =	shalt  }
0x6a: {  	_ =	shalt  }
0x6b: {  	_ =	shalt  }
0x6c: {  	_ =	shalt  }
0x6d: {  	_ =	shalt  }
0x6e: {  	_ =	shalt  }
0x6f: {  	_ =	shalt  }
0x70: {  	_ =	shalt  }
0x71: {  	_ =	shalt  }
0x72: {  	_ =	shalt  }
0x73: {  	_ =	shalt  }
0x74: {  	_ =	shalt  }
0x75: {  	_ =	shalt  }
0x76: {  	_ =	shalt  }
0x77: {  	_ =	shalt  }
0x78: {  	_ =	shalt  }
0x79: {  	_ =	shalt  }
0x7a: {  	_ =	shalt  }
0x7b: {  	_ =	shalt  }
0x7c: {  	_ =	shalt  }
0x7d: {  	_ =	shalt  }
0x7e: {  	_ =	shalt  }
0x7f: {  	_ =	shalt  }
0x80: {  	_ =	shalt  }
0x81: {  	_ =	shalt  }
0x82: {  	_ =	shalt  }
0x83: {  	_ =	shalt  }
0x84: {  	_ =	shalt  }
0x85: {  	_ =	shalt  }
0x86: {  	_ =	shalt  }
0x87: {  	_ =	shalt  }
.Lfunc_end0:
.L_simem_size_0:
called_computation.1_lowered:
.L_overlay_start_0:
0x88: {  	s2 =	sld [smem:$0x3FD9]  }
0x89: {  	s3 =	sld [smem:$0x3FFE];
	_ =	sdelay $0x1  }
0x8a: {  	s1 =	srdreg.scid  }
0x8b: {  	s0 =	sand.u32 $0x1, s1  }
0x8c: {  	s17 =	sshll.u32 s0, $0xA;
	s2 =	sadd.s32 s3, s2  }
0x8d: {  	s2 =	sadd.s32 s2, s17  }
0x8e: {  	[smem:$0x3FC0] =	sst s2  }
0x8f: {  	_ = 	snop  }
0x90: {  	s2 =	sld [smem:$0x3FD0];
	(tm) =	ssettm $0x1  }
0x91: {  	s18 =	sld [smem:$0x3FFB];
	_ =	sdelay $0x3  }
0x92: {  	_ =	strace s18  }
0x93: {  	s3 =	sld [smem:$0x3FFC];
	_ =	sdelay $0x3  }
0x94: {  	_ =	strace s3  }
0x95: {  	s3 =	sld [smem:$0x3FFD];
	_ =	sdelay $0x3  }
0x96: {  	_ =	strace s3  }
0x97: {  	_ =	strace $0x8FFFFFFF  }
0x98: {  	s19 =	sld [smem:$0x3FDB];
	_ =	sdelay $0x1  }
0x99: {  	s4 =	simm.s32 $_scs_section_size  }
0x9a: {  	s5 =	simm.s32 $_size__tile_overlayer_lowered;
	s6 =	simm.s32 $_tile_overlayer_lowered  }
0x9b: {  	s22 =	simm.s32 $0x1BFF;
	s21 =	sshll.u32 s6, $0x1;
	s3 =	sadd.s32 s4, s19  }
0x9c: {  	s7 =	simm.s32 $0x0;
	s20 =	sshll.u32 s5, $0x1;
	s5 =	sadd.s32 s21, s3  }
0x9d: {  	[timem:s7], [sflag:s22] =	dma.local [hbm:s5], s20  }
0x9e: {  	_ =	swait.ge [sflag:s22], s20  }
0x9f: {  	s4 =	ssub.s32 $0x0, s20;
	[sflag:s22] =	ssyncset.done $0x0  }
0xa0: {  	[sflag:s22] =	ssyncadd.s32 s4;
	_ =	sdelay $0x1  }
0xa1: {  	s23 =	simm.s32 $0x1B8B  }
0xa2: {  	_ =	swait.ge [sflag:s23], $0x1  }
0xa3: {  	[sflag:s23] =	ssyncset.done $0x0  }
0xa4: {  	s25 =	simm.s32 $0x1B8E;
	s24 =	sld [smem:$0x3FFE];
	[sflag:s23] =	ssyncadd.s32 $0xFFFFFFFF  }
0xa5: {  	s26 =	simm.s32 $execute0_lowered;
	[smem:$0x3FD2] =	sst s25  }
0xa6: {  	s5 =	sshll.u32 s26, $0x1;
	_ =	strace $0x80000049;
	[dreg:$0x1] =	wrdreg $0xFFFFFFFF  }
0xa7: {  	s28 =	simm.s32 $_size_execute0_lowered;
	s3 =	sadd.s32 s3, s5;
	[dreg:$0x0] =	wrdreg $0x0  }
0xa8: {  	s5 =	sshll.u32 s28, $0x1;
	[dreg:$0x2] =	wrdreg s3  }
0xa9: {  	[dreg:$0x3] =	wrdreg s5  }
0xaa: {  	[dreg:$0x4] =	wrdreg $0xC0  }
0xab: {  	_ =	task [dreg:s7], $0x5FFFF  }
0xac: {  	[dreg:$0x1] =	wrdreg $0xFFFFFFFF  }
0xad: {  	[dreg:$0x0] =	wrdreg $0x60  }
0xae: {  	[dreg:$0x2] =	wrdreg s2  }
0xaf: {  	[dreg:$0x3] =	wrdreg s24  }
0xb0: {  	[dreg:$0x4] =	wrdreg $0x83000  }
0xb1: {  	[dreg:$0x5] =	wrdreg $0x9  }
0xb2: {  	_ =	task.clear_ibuf [dreg:s7], $0x6FFFF;
	_ =	strace $0x90000049  }
0xb3: {  	s29 =	simm.s32 $0x9;
	_ =	strace $0x8000004B  }
0xb4: {  	_ =	swait.ge [sflag:s29], $0x1  }
0xb5: {  	[sflag:s29] =	ssyncadd.s32 $0xFFFFFFFF  }
0xb6: {  	_ =	strace $0x9000004B  }
0xb7: {  	_ =	sfence  }
0xb8: {  	s30 =	sld [smem:$0x0];
	_ =	sdelay $0x2  }
0xb9: {  	s31 =	sshll.u32 s1, $0xD;
	s1 =	sshrl.u32 s1, $0x2  }
0xba: {  	s3 =	sand.u32 $0x4000, s31;
	s1 =	sadd.s32 s1, s30  }
0xbb: {  	s0 =	sor.u32 s3, s0;
	s1 =	sshll.u32 s1, $0x11  }
0xbc: {  	s0 =	sor.u32 s1, s0  }
0xbd: {  	s0 =	sadd.s32 $0x8F2B, s0  }
0xbe: {  	[sflag:s0] =	ssyncadd.remote.s32 $0x1  }
0xbf: {  	_ =	sfence.sel $0xFFFF  }
0xc0: {  	[dreg:$0x0] =	wrdreg $0xFFFFFFFF;
	(pc) =	sbr.abs _section_cstart, $3  }
0xc1: {  	[dreg:$0x1] =	wrdreg $0xFFFFFFFF  }
0xc2: {  	_ =	task.clear_ibuf [dreg:s7], $0x2FFFF;
	_ =	strace $0x9FFFFFFF  }
0xc3: {  	(tm) =	ssettm $0x7FFFFFFF  }
tec
execute0_lowered:
.L_overlay_start_1:
0x0: {  	(tag) =	ssettag $0x1  }
0x1: {  	s1 =	rddreg [dreg:$0x0]  }
0x2: {  	s0 =	rddreg [dreg:$0x1]  }
0x3: {  	s2 =	rddreg [dreg:$0x2];
	s4 =	simm.s32 $0x0  }
0x4: {  	s15 =	stileid.u32;
	s3 =	srdreg.scid;
	s31 =	simm.s32 $0x300  }
0x5: {  	s28 =	simm.s32 $0x4;
	s30 =	simm.s32 $0x3;
	[smem:$0x7FF] =	sst s4  }
0x6: {  	s5 =	sadd.s32 $0x16C00, s0;
	s6 =	smul.u32 $0x270, s15;
	s7 =	sadd.s32 $0x3000, s0  }
0x7: {  	s8 =	sadd.s32 $0xCE00, s0;
	s3 =	sand.u32 $0x1, s3;
	s16 =	sadd.s32 $0x3DE00, s0  }
0x8: {  	s17 =	sadd.s32 $0x65000, s0;
	s0 =	sadd.s32 $0x3DC00, s0;
	s22 =	smul.u32 $0x4E000, s15  }
0x9: {  	_ =	strace $0x8000004A;
	[dreg:$0x8] =	wrdreg s0;
	s10 =	sadd.s32 $0x200, s6  }
0xa: {  	s9 =	ssub.s32 $0x2, s3;
	[dreg:$0x4] =	wrdreg s16;
	s14 =	sshll.u32 s10, $0x4  }
0xb: {  	p0 =	seq.s32 s3, $0x0;
	[dreg:$0x5] =	wrdreg s17;
	s26 =	sadd.s32 s5, s14  }
0xc: {  	s11 =	sshrl.u32 s9, $0x1;
	s13 =	sadd.s32 s1, s14;
	[dreg:$0x6] =	wrdreg s26  }
0xd: {  	s11 =	ssub.s32 s9, s11;
	s23 =	sadd.s32 s16, s14;
	[dreg:$0x9] =	wrdreg s13  }
0xe: {  	s29 =	sshll.u32 s10, $0x7;
	s24 =	sadd.s32 s17, s14;
	[dreg:$0xe] =	wrdreg s23  }
0xf: {  	s10 =	sshll.u32 s15, $0x4;
	s25 =	smax.u32 s11, $0x1;
	[dreg:$0xf] =	wrdreg s24  }
0x10: {  	s20 =	sadd.s32 s29, s2;
	s18 =	sor.u32 $0x100, s10;
	[dreg:$0x10] =	wrdreg s25  }
0x11: {  	s9 =	smul.u32 $0x2700, s15;
	s19 =	sadd.s32 s7, s18;
	[dreg:$0x7] =	wrdreg s20  }
0x12: {  	s0 =	sor.u32 $0x9C00, s10;
	s21 =	sadd.s32 s8, s18;
	[dreg:$0xa] =	wrdreg s19  }
0x13: {  	s12 =	sadd.s32 s7, s10;
	s7 =	sadd.s32 s7, s0;
	[dreg:$0xb] =	wrdreg s21  }
0x14: {  	s29 =	sadd.s32 $0x80, s6;
	s0 =	sadd.s32 s8, s0;
	[dreg:$0xc] =	wrdreg s7  }
0x15: {  	s13 =	sadd.s32 s8, s10;
	s14 =	sadd.s32 s5, s9;
	[dreg:$0xd] =	wrdreg s0  }
0x16: {  	s26 =	sshrl.u32 s22, $0x2;
	s18 =	sadd.s32 s1, s9;
	[dreg:$0x15] =	wrdreg s14  }
0x17: {  	s21 =	sadd.s32 s26, s2;
	[dreg:$0x16] =	wrdreg s18;
	s19 =	sadd.s32 s16, s9  }
0x18: {  	s0 =	sshll.u32 s29, $0x4;
	s7 =	sshll.u32 s29, $0x7;
	[dreg:$0x17] =	wrdreg s19  }
0x19: {  	s22 =	sadd.s32 s7, s2;
	s7 =	sadd.s32 s17, s9;
	[dreg:$0x11] =	wrdreg s21  }
0x1a: {  	s8 =	sadd.s32 $0x100, s6;
	s25 =	sadd.s32 s5, s0;
	[dreg:$0x18] =	wrdreg s7  }
0x1b: {  	s6 =	sadd.s32 $0x180, s6;
	s26 =	sadd.s32 s1, s0;
	[dreg:$0x19] =	wrdreg s25  }
0x1c: {  	s10 =	sshll.u32 s8, $0x7;
	s29 =	sadd.s32 s16, s0;
	[dreg:$0x1a] =	wrdreg s26  }
0x1d: {  	s3 =	sshll.u32 s8, $0x4;
	s0 =	sadd.s32 s17, s0;
	[dreg:$0x1b] =	wrdreg s29  }
0x1e: {  	s11 =	sshll.u32 s6, $0x7;
	s8 =	sadd.s32 s5, s3;
	[dreg:$0x1c] =	wrdreg s0  }
0x1f: {  	s6 =	sshll.u32 s6, $0x4;
	s9 =	sadd.s32 s1, s3;
	[dreg:$0x1d] =	wrdreg s8  }
0x20: {  	s23 =	sadd.s32 s10, s2;
	s10 =	sadd.s32 s16, s3;
	[dreg:$0x1e] =	wrdreg s9  }
0x21: {  	s24 =	sadd.s32 s11, s2;
	s11 =	sadd.s32 s17, s3;
	[dreg:$0x1f] =	wrdreg s10  }
0x22: {  	p1 =	sne.s32 s15, $0xF;
	s14 =	sadd.s32 s5, s6;
	[smem:$0x7F7] =	sst s11  }
0x23: {  	p2 =	sgt.u32 s15, $0x3;
	s18 =	sadd.s32 s1, s6;
	[smem:$0x7F8] =	sst s14  }
0x24: {  	p3 =	seq.s32 s15, $0xF;
	s19 =	sadd.s32 s16, s6;
	[smem:$0x7F9] =	sst s18  }
0x25: {  	s15 =	simm.s32 $0x0;
	s3 =	simm.s32 $0x80;
	[smem:$0x7FA] =	sst s19  }
0x26: {  	s25 =	sadd.s32 s17, s6;
	s26 =	sadd.s32 $0x138000, s2;
	s29 =	sadd.s32 $0x27000, s1  }
0x27: {  	s0 =	simm.s32 $0x8;
	s8 =	simm.s32 $0x100;
	[dreg:$0x12] =	wrdreg s22  }
.Ltmp0:
0x28: {  	s10 =	simm.s32 $0x180;
	[dreg:$0x13] =	wrdreg s23;
	(pc) =	sbr.rel .LBB2_1-.Ltmp0, $4  }
0x29: {  	s11 =	simm.s32 $0x1;
	s18 =	simm.s32 $0x2;
	[dreg:$0x14] =	wrdreg s24  }
0x2a: {  	s19 =	simm.s32 $0x200;
	s6 =	simm.s32 $0x6;
	[smem:$0x7FB] =	sst s25  }
0x2b: {  	s7 =	simm.s32 $0x5;
	s14 =	simm.s32 $0x7;
	[smem:$0x7FC] =	sst s26  }
0x2c: {  	[smem:$0x7FD] =	sst s29;
	s25 =	simm.s32 $0x280;
	s26 =	simm.s32 $0x4300  }
.LBB2_8:
0x2d: {  	s9 =	sld [smem:$0x7FC];
	_ =	sdelay $0x2  }
0x2e: {  	[tilespmem:s31], [sflag:$0x8] =	stream.linear.gather [spmem:s9], $0x800, $0x38;
	[tilespmem:$0x1BB80] =	vst v63  }
0x2f: {  	_ =	swait.ge [sflag:s0], $0x800  }
0x30: {  	[sflag:s0] =	ssyncset.done $0x0  }
0x31: {  	s29 =	sadd.s32 $0x27000, s16;
	[sflag:s0] =	ssyncadd.s32 $0xFFFFF800  }
0x32: {  	[hbm4b:s29+s4] =	stream.linear.scatter [tilespmem:s31], [sflag:$0x8], $0x800, $0x38;
	[tilespmem:$0x1BB80] =	vst v63  }
0x33: {  	_ =	swait.ge [sflag:s0], $0x800  }
0x34: {  	[sflag:s0] =	ssyncset.done $0x0  }
0x35: {  	[sflag:s0] =	ssyncadd.s32 $0xFFFFF800  }
.LBB2_9:
0x36: {  	s15 =	sadd.s32 $0x1, s15;
	s9 =	rddreg [dreg:$0x10]  }
0x37: {  	p4 =	sne.s32 s15, s9  }
.Ltmp1:
0x38: {  	_ = 	snop;
	(pc) =	sbr.rel @!p4 .LBB2_10-.Ltmp1, $1  }
0x39: {  	_ =	sdelay $0x3  }
.LBB2_1:
.Ltmp2:
0x3a: {  	(pc) =	sbr.rel @!p0 .LBB2_2-.Ltmp2, $1  }
0x3b: {  	_ =	sdelay $0x3  }
0x3c: {  	s9 =	rddreg [dreg:$0x16]  }
0x3d: {  	[tilespmem:s31], [sflag:$0x8] =	stream.linear.gather [hbm4b:s9+s4], $0x4000, $0x38;
	[tilespmem:$0x1BB80] =	vst v63  }
0x3e: {  	_ =	swait.ge [sflag:s0], $0x4000  }
0x3f: {  	[sflag:s0] =	ssyncset.done $0x0  }
0x40: {  	[sflag:s0] =	ssyncadd.s32 $0xFFFFC000  }
0x41: {  	[spmem:s21] =	stream.linear.scatter [tilespmem:s31], [sflag:$0x8], $0x4000, $0x38;
	[tilespmem:$0x1BB80] =	vst v63  }
0x42: {  	_ =	swait.ge [sflag:s0], $0x4000  }
0x43: {  	[sflag:s0] =	ssyncset.done $0x0  }
0x44: {  	s21 =	rddreg [dreg:$0x1a];
	[sflag:s0] =	ssyncadd.s32 $0xFFFFC000  }
0x45: {  	[tilespmem:s31], [sflag:$0x8] =	stream.linear.gather [hbm4b:s21+s4], $0x4000, $0x38;
	[tilespmem:$0x1BB80] =	vst v63  }
0x46: {  	_ =	swait.ge [sflag:s0], $0x4000  }
0x47: {  	[sflag:s0] =	ssyncset.done $0x0  }
0x48: {  	[sflag:s0] =	ssyncadd.s32 $0xFFFFC000  }
0x49: {  	[spmem:s22] =	stream.linear.scatter [tilespmem:s31], [sflag:$0x8], $0x4000, $0x38;
	[tilespmem:$0x1BB80] =	vst v63  }
0x4a: {  	_ =	swait.ge [sflag:s0], $0x4000  }
0x4b: {  	[sflag:s0] =	ssyncset.done $0x0  }
0x4c: {  	s29 =	rddreg [dreg:$0x1e];
	[sflag:s0] =	ssyncadd.s32 $0xFFFFC000  }
0x4d: {  	[tilespmem:s31], [sflag:$0x8] =	stream.linear.gather [hbm4b:s29+s4], $0x4000, $0x38;
	[tilespmem:$0x1BB80] =	vst v63  }
0x4e: {  	_ =	swait.ge [sflag:s0], $0x4000  }
0x4f: {  	[sflag:s0] =	ssyncset.done $0x0  }
0x50: {  	[sflag:s0] =	ssyncadd.s32 $0xFFFFC000  }
0x51: {  	[spmem:s23] =	stream.linear.scatter [tilespmem:s31], [sflag:$0x8], $0x4000, $0x38;
	[tilespmem:$0x1BB80] =	vst v63  }
0x52: {  	_ =	swait.ge [sflag:s0], $0x4000  }
0x53: {  	s16 =	sld [smem:$0x7F9]  }
0x54: {  	[sflag:s0] =	ssyncset.done $0x0  }
0x55: {  	[sflag:s0] =	ssyncadd.s32 $0xFFFFC000  }
0x56: {  	[tilespmem:s31], [sflag:$0x8] =	stream.linear.gather [hbm4b:s16+s4], $0x4000, $0x38;
	[tilespmem:$0x1BB80] =	vst v63  }
0x57: {  	_ =	swait.ge [sflag:s0], $0x4000  }
0x58: {  	[sflag:s0] =	ssyncset.done $0x0  }
0x59: {  	[sflag:s0] =	ssyncadd.s32 $0xFFFFC000  }
0x5a: {  	[spmem:s24] =	stream.linear.scatter [tilespmem:s31], [sflag:$0x8], $0x4000, $0x38;
	[tilespmem:$0x1BB80] =	vst v63  }
0x5b: {  	_ =	swait.ge [sflag:s0], $0x4000  }
0x5c: {  	[sflag:s0] =	ssyncset.done $0x0  }
0x5d: {  	s17 =	rddreg [dreg:$0x9];
	[sflag:s0] =	ssyncadd.s32 $0xFFFFC000  }
0x5e: {  	[tilespmem:s31], [sflag:$0x8] =	stream.linear.gather [hbm4b:s17+s4], $0x3800, $0x38;
	[tilespmem:$0x1BB80] =	vst v63  }
0x5f: {  	_ =	swait.ge [sflag:s0], $0x3800  }
0x60: {  	[sflag:s0] =	ssyncset.done $0x0  }
0x61: {  	[sflag:s0] =	ssyncadd.s32 $0xFFFFC800  }
0x62: {  	[spmem:s20] =	stream.linear.scatter [tilespmem:s31], [sflag:$0x8], $0x3800, $0x38;
	[tilespmem:$0x1BB80] =	vst v63  }
0x63: {  	_ =	swait.ge [sflag:s0], $0x3800  }
0x64: {  	s9 =	sld [smem:$0x7FD]  }
0x65: {  	[sflag:s0] =	ssyncset.done $0x0  }
0x66: {  	s16 =	simm.s32 @!p1 $0x0;
	s17 =	simm.s32 @!p1 $0x300;
	[sflag:s0] =	ssyncadd.s32 $0xFFFFC800  }
0x67: {  	[tilespmem:s17], [sflag:$0x8] =	stream.linear.gather @!p1 [hbm4b:s9+s16], $0x800, $0x38;
	[tilespmem:$0x1BB80] =	vst v63  }
0x68: {  	s16 =	simm.s32 @!p1 $0x8  }
0x69: {  	_ =	swait.ge @!p1 [sflag:s16], $0x800  }
0x6a: {  	s9 =	sld [smem:$0x7FC]  }
0x6b: {  	[sflag:s16] =	ssyncset.done @!p1 $0x0  }
0x6c: {  	[sflag:s16] =	ssyncadd.s32 @!p1 $0xFFFFF800  }
0x6d: {  	[spmem:s9] =	stream.linear.scatter @!p1 [tilespmem:s17], [sflag:$0x8], $0x800, $0x38;
	[tilespmem:$0x1BB80] =	vst v63  }
0x6e: {  	_ =	swait.ge @!p1 [sflag:s16], $0x800  }
0x6f: {  	[sflag:s16] =	ssyncset.done @!p1 $0x0  }
0x70: {  	[sflag:s16] =	ssyncadd.s32 @!p1 $0xFFFFF800  }
0x71: {  	s21 =	simm.s32 $0x0;
	[bflag:$0x0] =	sbarrier.arrive $0xFFFF  }
0x72: {  	[tilespmem:s21], [sflag:$0x1] =	stream.linear.gather [hbm4b:s12+s21], $0x80, $0x38;
	[tilespmem:$0x1BB80] =	vst v63  }
0x73: {  	_ = 	snop  }
0x74: {  	[tilespmem:s3], [sflag:$0x1] =	stream.linear.gather [hbm4b:s13+s21], $0x80, $0x38;
	[tilespmem:$0x1BB80] =	vst v63  }
0x75: {  	s22 =	rddreg [dreg:$0xa]  }
0x76: {  	[tilespmem:s8], [sflag:$0x2] =	stream.linear.gather [hbm4b:s22+s21], $0x80, $0x38;
	[tilespmem:$0x1BB80] =	vst v63  }
0x77: {  	s23 =	rddreg [dreg:$0xb]  }
0x78: {  	[tilespmem:s10], [sflag:$0x2] =	stream.linear.gather [hbm4b:s23+s21], $0x80, $0x38;
	[tilespmem:$0x1BB80] =	vst v63  }
0x79: {  	_ =	swait.ge [sflag:s11], $0x80  }
0x7a: {  	[sflag:s11] =	ssyncset.done $0x0  }
0x7b: {  	[sflag:s11] =	ssyncadd.s32 $0xFFFFFF80  }
0x7c: {  	_ =	swait.ge [sflag:s11], $0x80  }
0x7d: {  	[sflag:s11] =	ssyncset.done $0x0  }
0x7e: {  	[sflag:s11] =	ssyncadd.s32 $0xFFFFFF80  }
0x7f: {  	[tilespmem:s31], [sflag:$0x4] =	stream.indirect.gather [hbm4b:s1+s3], $0x80, s21, s3, $0xb8;
	[tilespmem:$0x1BB80] =	vst v63  }
0x80: {  	_ =	swait.ge [sflag:s18], $0x80  }
0x81: {  	[sflag:s18] =	ssyncset.done $0x0  }
0x82: {  	[sflag:s18] =	ssyncadd.s32 $0xFFFFFF80  }
0x83: {  	_ =	swait.ge [sflag:s18], $0x80  }
0x84: {  	p4 =	por $0x1, $0x1;
	[sflag:s18] =	ssyncset.done $0x0  }
0x85: {  	s16 =	simm.s32 @!p4 $0x7;
	[sflag:s18] =	ssyncadd.s32 $0xFFFFFF80  }
0x86: {  	_ =	swait.ge @!p4 [sflag:s16], $0x4000  }
0x87: {  	s17 =	sadd.s32 $0x0, s12;
	[sflag:s16] =	ssyncset.done @!p4 $0x0  }
0x88: {  	s20 =	sadd.s32 $0x0, s13;
	s24 =	sadd.s32 $0x200, s17;
	[sflag:s16] =	ssyncadd.s32 @!p4 $0xFFFFC000  }
0x89: {  	[tilespmem:s19], [sflag:$0x3] =	stream.linear.gather [hbm4b:s24+s4], $0x80, $0x38;
	[tilespmem:$0x1BB80] =	vst v63  }
0x8a: {  	s29 =	sadd.s32 $0x200, s20  }
0x8b: {  	[tilespmem:s25], [sflag:$0x3] =	stream.linear.gather [hbm4b:s29+s4], $0x80, $0x38;
	[tilespmem:$0x1BB80] =	vst v63  }
0x8c: {  	_ = 	snop  }
0x8d: {  	[tilespmem:s26], [sflag:$0x5] =	stream.indirect.gather [hbm4b:s1+s3], $0x80, s8, s3, $0xb8;
	[tilespmem:$0x1BB80] =	vst v63  }
0x8e: {  	_ =	swait.ge [sflag:s28], $0x4000  }
0x8f: {  	[sflag:s28] =	ssyncset.done $0x0  }
0x90: {  	[sflag:s28] =	ssyncadd.s32 $0xFFFFC000  }
0x91: {  	[spmem:s2] =	stream.indirect.scatter.add.f32 [tilespmem:s31], [sflag:$0x6], $0x80, s3, s3, $0xb8;
	[tilespmem:$0x1BB80] =	vst v63  }
0x92: {  	_ =	swait.ge [sflag:s30], $0x80  }
0x93: {  	[sflag:s30] =	ssyncset.done $0x0  }
0x94: {  	[sflag:s30] =	ssyncadd.s32 $0xFFFFFF80  }
0x95: {  	_ =	swait.ge [sflag:s30], $0x80  }
0x96: {  	[sflag:s30] =	ssyncset.done $0x0  }
0x97: {  	[sflag:s30] =	ssyncadd.s32 $0xFFFFFF80  }
0x98: {  	_ =	swait.ge [sflag:s6], $0x4000  }
0x99: {  	[sflag:s6] =	ssyncset.done $0x0  }
0x9a: {  	s9 =	sadd.s32 $0x300, s17;
	[sflag:s6] =	ssyncadd.s32 $0xFFFFC000  }
0x9b: {  	[tilespmem:s4], [sflag:$0x1] =	stream.linear.gather [hbm4b:s9+s4], $0x80, $0x38;
	[tilespmem:$0x1BB80] =	vst v63  }
0x9c: {  	s21 =	sadd.s32 $0x300, s20  }
0x9d: {  	[tilespmem:s3], [sflag:$0x1] =	stream.linear.gather [hbm4b:s21+s4], $0x80, $0x38;
	[tilespmem:$0x1BB80] =	vst v63  }
0x9e: {  	_ = 	snop  }
0x9f: {  	[tilespmem:s31], [sflag:$0x4] =	stream.indirect.gather [hbm4b:s1+s3], $0x80, s19, s3, $0xb8;
	[tilespmem:$0x1BB80] =	vst v63  }
0xa0: {  	_ =	swait.ge [sflag:s7], $0x4000  }
0xa1: {  	[sflag:s7] =	ssyncset.done $0x0  }
0xa2: {  	[sflag:s7] =	ssyncadd.s32 $0xFFFFC000  }
0xa3: {  	[spmem:s2] =	stream.indirect.scatter.add.f32 [tilespmem:s26], [sflag:$0x7], $0x80, s10, s3, $0xb8;
	[tilespmem:$0x1BB80] =	vst v63  }
0xa4: {  	_ =	swait.ge [sflag:s11], $0x80  }
0xa5: {  	[sflag:s11] =	ssyncset.done $0x0  }
0xa6: {  	[sflag:s11] =	ssyncadd.s32 $0xFFFFFF80  }
0xa7: {  	_ =	swait.ge [sflag:s11], $0x80  }
0xa8: {  	[sflag:s11] =	ssyncset.done $0x0  }
0xa9: {  	[sflag:s11] =	ssyncadd.s32 $0xFFFFFF80  }
0xaa: {  	_ =	swait.ge [sflag:s14], $0x4000  }
0xab: {  	[sflag:s14] =	ssyncset.done $0x0  }
0xac: {  	s22 =	sadd.s32 $0x400, s17;
	[sflag:s14] =	ssyncadd.s32 $0xFFFFC000  }
0xad: {  	[tilespmem:s8], [sflag:$0x2] =	stream.linear.gather [hbm4b:s22+s4], $0x80, $0x38;
	[tilespmem:$0x1BB80] =	vst v63  }
0xae: {  	s23 =	sadd.s32 $0x400, s20  }
0xaf: {  	[tilespmem:s10], [sflag:$0x2] =	stream.linear.gather [hbm4b:s23+s4], $0x80, $0x38;
	[tilespmem:$0x1BB80] =	vst v63  }
0xb0: {  	_ = 	snop  }
0xb1: {  	[tilespmem:s26], [sflag:$0x5] =	stream.indirect.gather [hbm4b:s1+s3], $0x80, s4, s3, $0xb8;
	[tilespmem:$0x1BB80] =	vst v63  }
0xb2: {  	_ =	swait.ge [sflag:s28], $0x4000  }
0xb3: {  	[sflag:s28] =	ssyncset.done $0x0  }
0xb4: {  	[sflag:s28] =	ssyncadd.s32 $0xFFFFC000  }
0xb5: {  	[spmem:s2] =	stream.indirect.scatter.add.f32 [tilespmem:s31], [sflag:$0x6], $0x80, s25, s3, $0xb8;
	[tilespmem:$0x1BB80] =	vst v63  }
0xb6: {  	_ =	swait.ge [sflag:s18], $0x80  }
0xb7: {  	[sflag:s18] =	ssyncset.done $0x0  }
0xb8: {  	[sflag:s18] =	ssyncadd.s32 $0xFFFFFF80  }
0xb9: {  	_ =	swait.ge [sflag:s18], $0x80  }
0xba: {  	[sflag:s18] =	ssyncset.done $0x0  }
0xbb: {  	[sflag:s18] =	ssyncadd.s32 $0xFFFFFF80  }
0xbc: {  	_ =	swait.ge [sflag:s6], $0x4000  }
0xbd: {  	[sflag:s6] =	ssyncset.done $0x0  }
0xbe: {  	s24 =	sadd.s32 $0x500, s17;
	[sflag:s6] =	ssyncadd.s32 $0xFFFFC000  }
0xbf: {  	[tilespmem:s19], [sflag:$0x3] =	stream.linear.gather [hbm4b:s24+s4], $0x80, $0x38;
	[tilespmem:$0x1BB80] =	vst v63  }
0xc0: {  	s29 =	sadd.s32 $0x500, s20  }
0xc1: {  	[tilespmem:s25], [sflag:$0x3] =	stream.linear.gather [hbm4b:s29+s4], $0x80, $0x38;
	[tilespmem:$0x1BB80] =	vst v63  }
0xc2: {  	_ = 	snop  }
0xc3: {  	[tilespmem:s31], [sflag:$0x4] =	stream.indirect.gather [hbm4b:s1+s3], $0x80, s8, s3, $0xb8;
	[tilespmem:$0x1BB80] =	vst v63  }
0xc4: {  	_ =	swait.ge [sflag:s7], $0x4000  }
0xc5: {  	[sflag:s7] =	ssyncset.done $0x0  }
0xc6: {  	[sflag:s7] =	ssyncadd.s32 $0xFFFFC000  }
0xc7: {  	[spmem:s2] =	stream.indirect.scatter.add.f32 [tilespmem:s26], [sflag:$0x7], $0x80, s3, s3, $0xb8;
	[tilespmem:$0x1BB80] =	vst v63  }
0xc8: {  	_ =	swait.ge [sflag:s30], $0x80  }
0xc9: {  	[sflag:s30] =	ssyncset.done $0x0  }
0xca: {  	[sflag:s30] =	ssyncadd.s32 $0xFFFFFF80  }
0xcb: {  	_ =	swait.ge [sflag:s30], $0x80  }
0xcc: {  	[sflag:s30] =	ssyncset.done $0x0  }
0xcd: {  	[sflag:s30] =	ssyncadd.s32 $0xFFFFFF80  }
0xce: {  	p4 =	por $0x0, $0x0;
	_ =	swait.ge [sflag:s14], $0x4000  }
0xcf: {  	s16 =	simm.s32 @p4 $0x80;
	s17 =	simm.s32 @p4 $0x200;
	[sflag:s14] =	ssyncset.done $0x0  }
0xd0: {  	s20 =	simm.s32 @p4 $0x4300;
	s29 =	simm.s32 @p4 $0x4;
	[sflag:s14] =	ssyncadd.s32 $0xFFFFC000  }
0xd1: {  	[tilespmem:s20], [sflag:$0x5] =	stream.indirect.gather @p4 [hbm4b:s1+s16], $0x80, s17, s16, $0xb8;
	[tilespmem:$0x1BB80] =	vst v63  }
0xd2: {  	_ =	swait.ge @p4 [sflag:s29], $0x4000  }
0xd3: {  	s17 =	simm.s32 @p4 $0x180;
	[sflag:s29] =	ssyncset.done @p4 $0x0  }
0xd4: {  	s20 =	simm.s32 @p4 $0x300;
	[sflag:s29] =	ssyncadd.s32 @p4 $0xFFFFC000;
	s29 =	simm.s32 @p4 $0x6  }
0xd5: {  	[spmem:s2] =	stream.indirect.scatter.add.f32 @p4 [tilespmem:s20], [sflag:$0x6], $0x80, s17, s16, $0xb8;
	[tilespmem:$0x1BB80] =	vst v63  }
0xd6: {  	_ =	swait.ge @p4 [sflag:s29], $0x4000  }
0xd7: {  	s9 =	simm.s32 @!p4 $0x0;
	s16 =	sadd.s32 @!p4 $0x0, s12;
	[sflag:s29] =	ssyncset.done @p4 $0x0  }
0xd8: {  	s20 =	sadd.s32 @!p4 $0x0, s13;
	s17 =	sadd.s32 @!p4 $0x600, s16;
	[sflag:s29] =	ssyncadd.s32 @p4 $0xFFFFC000  }
0xd9: {  	[tilespmem:s9], [sflag:$0x1] =	stream.linear.gather @!p4 [hbm4b:s17+s9], $0x80, $0x38;
	[tilespmem:$0x1BB80] =	vst v63  }
0xda: {  	s29 =	simm.s32 @!p4 $0x80;
	s17 =	sadd.s32 @!p4 $0x600, s20  }
0xdb: {  	[tilespmem:s29], [sflag:$0x1] =	stream.linear.gather @!p4 [hbm4b:s17+s9], $0x80, $0x38;
	[tilespmem:$0x1BB80] =	vst v63  }
0xdc: {  	s21 =	simm.s32 @!p4 $0x4300;
	s22 =	simm.s32 @!p4 $0x4;
	s17 =	simm.s32 @!p4 $0x200  }
0xdd: {  	[tilespmem:s21], [sflag:$0x5] =	stream.indirect.gather @!p4 [hbm4b:s1+s29], $0x80, s17, s29, $0xb8;
	[tilespmem:$0x1BB80] =	vst v63  }
0xde: {  	_ =	swait.ge @!p4 [sflag:s22], $0x4000  }
0xdf: {  	s17 =	simm.s32 @!p4 $0x180;
	[sflag:s22] =	ssyncset.done @!p4 $0x0  }
0xe0: {  	s21 =	simm.s32 @!p4 $0x300;
	[sflag:s22] =	ssyncadd.s32 @!p4 $0xFFFFC000;
	s22 =	simm.s32 @!p4 $0x1  }
0xe1: {  	[spmem:s2] =	stream.indirect.scatter.add.f32 @!p4 [tilespmem:s21], [sflag:$0x6], $0x80, s17, s29, $0xb8;
	[tilespmem:$0x1BB80] =	vst v63  }
0xe2: {  	_ =	swait.ge @!p4 [sflag:s22], $0x80  }
0xe3: {  	[sflag:s22] =	ssyncset.done @!p4 $0x0  }
0xe4: {  	[sflag:s22] =	ssyncadd.s32 @!p4 $0xFFFFFF80  }
0xe5: {  	_ =	swait.ge @!p4 [sflag:s22], $0x80  }
0xe6: {  	[sflag:s22] =	ssyncset.done @!p4 $0x0  }
0xe7: {  	[sflag:s22] =	ssyncadd.s32 @!p4 $0xFFFFFF80;
	s22 =	simm.s32 @!p4 $0x6  }
0xe8: {  	_ =	swait.ge @!p4 [sflag:s22], $0x4000  }
0xe9: {  	[sflag:s22] =	ssyncset.done @!p4 $0x0  }
0xea: {  	s16 =	sadd.s32 @!p4 $0x700, s16;
	[sflag:s22] =	ssyncadd.s32 @!p4 $0xFFFFC000;
	s22 =	simm.s32 @!p4 $0x100  }
0xeb: {  	[tilespmem:s22], [sflag:$0x2] =	stream.linear.gather @!p4 [hbm4b:s16+s9], $0x80, $0x38;
	[tilespmem:$0x1BB80] =	vst v63  }
0xec: {  	s16 =	sadd.s32 @!p4 $0x700, s20  }
0xed: {  	[tilespmem:s17], [sflag:$0x2] =	stream.linear.gather @!p4 [hbm4b:s16+s9], $0x80, $0x38;
	[tilespmem:$0x1BB80] =	vst v63  }
0xee: {  	_ = 	snop  }
0xef: {  	[tilespmem:s21], [sflag:$0x4] =	stream.indirect.gather @!p4 [hbm4b:s1+s29], $0x80, s9, s29, $0xb8;
	[tilespmem:$0x1BB80] =	vst v63  }
0xf0: {  	_ =	swait.ge [sflag:s7], $0x4000  }
0xf1: {  	s16 =	simm.s32 $0x600;
	[sflag:s7] =	ssyncset.done $0x0  }
.LBB2_6:
0xf2: {  	[sflag:s7] =	ssyncadd.s32 $0xFFFFC000;
	s17 =	smov.u32 s16;
	s16 =	sadd.s32 $0x600, s16  }
0xf3: {  	[spmem:s2] =	stream.indirect.scatter.add.f32 [tilespmem:s26], [sflag:$0x7], $0x80, s25, s3, $0xb8;
	[tilespmem:$0x1BB80] =	vst v63  }
0xf4: {  	p4 =	sne.s32 s16, $0x9C00;
	_ =	swait.ge [sflag:s18], $0x80  }
0xf5: {  	[sflag:s18] =	ssyncset.done $0x0  }
0xf6: {  	[sflag:s18] =	ssyncadd.s32 $0xFFFFFF80  }
0xf7: {  	_ =	swait.ge [sflag:s18], $0x80  }
0xf8: {  	p5 =	seq.s32 s17, $0x0;
	[sflag:s18] =	ssyncset.done $0x0  }
0xf9: {  	s9 =	simm.s32 @!p5 $0x7;
	[sflag:s18] =	ssyncadd.s32 $0xFFFFFF80  }
0xfa: {  	_ =	swait.ge @!p5 [sflag:s9], $0x4000  }
0xfb: {  	s20 =	sadd.s32 s17, s12;
	[sflag:s9] =	ssyncset.done @!p5 $0x0  }
0xfc: {  	s29 =	sadd.s32 s17, s13;
	[sflag:s9] =	ssyncadd.s32 @!p5 $0xFFFFC000;
	s9 =	sadd.s32 $0x200, s20  }
0xfd: {  	[tilespmem:s19], [sflag:$0x3] =	stream.linear.gather [hbm4b:s9+s4], $0x80, $0x38;
	[tilespmem:$0x1BB80] =	vst v63  }
0xfe: {  	s9 =	sadd.s32 $0x200, s29  }
0xff: {  	[tilespmem:s25], [sflag:$0x3] =	stream.linear.gather [hbm4b:s9+s4], $0x80, $0x38;
	[tilespmem:$0x1BB80] =	vst v63  }
0x100: {  	_ = 	snop  }
0x101: {  	[tilespmem:s26], [sflag:$0x5] =	stream.indirect.gather [hbm4b:s1+s3], $0x80, s8, s3, $0xb8;
	[tilespmem:$0x1BB80] =	vst v63  }
0x102: {  	_ =	swait.ge [sflag:s28], $0x4000  }
0x103: {  	[sflag:s28] =	ssyncset.done $0x0  }
0x104: {  	[sflag:s28] =	ssyncadd.s32 $0xFFFFC000  }
0x105: {  	[spmem:s2] =	stream.indirect.scatter.add.f32 [tilespmem:s31], [sflag:$0x6], $0x80, s3, s3, $0xb8;
	[tilespmem:$0x1BB80] =	vst v63  }
0x106: {  	_ =	swait.ge [sflag:s30], $0x80  }
0x107: {  	[sflag:s30] =	ssyncset.done $0x0  }
0x108: {  	[sflag:s30] =	ssyncadd.s32 $0xFFFFFF80  }
0x109: {  	_ =	swait.ge [sflag:s30], $0x80  }
0x10a: {  	[sflag:s30] =	ssyncset.done $0x0  }
0x10b: {  	[sflag:s30] =	ssyncadd.s32 $0xFFFFFF80  }
0x10c: {  	_ =	swait.ge [sflag:s6], $0x4000  }
0x10d: {  	[sflag:s6] =	ssyncset.done $0x0  }
0x10e: {  	s9 =	sadd.s32 $0x300, s20;
	[sflag:s6] =	ssyncadd.s32 $0xFFFFC000  }
0x10f: {  	[tilespmem:s4], [sflag:$0x1] =	stream.linear.gather [hbm4b:s9+s4], $0x80, $0x38;
	[tilespmem:$0x1BB80] =	vst v63  }
0x110: {  	s9 =	sadd.s32 $0x300, s29  }
0x111: {  	[tilespmem:s3], [sflag:$0x1] =	stream.linear.gather [hbm4b:s9+s4], $0x80, $0x38;
	[tilespmem:$0x1BB80] =	vst v63  }
0x112: {  	_ = 	snop  }
0x113: {  	[tilespmem:s31], [sflag:$0x4] =	stream.indirect.gather [hbm4b:s1+s3], $0x80, s19, s3, $0xb8;
	[tilespmem:$0x1BB80] =	vst v63  }
0x114: {  	_ =	swait.ge [sflag:s7], $0x4000  }
0x115: {  	[sflag:s7] =	ssyncset.done $0x0  }
0x116: {  	[sflag:s7] =	ssyncadd.s32 $0xFFFFC000  }
0x117: {  	[spmem:s2] =	stream.indirect.scatter.add.f32 [tilespmem:s26], [sflag:$0x7], $0x80, s10, s3, $0xb8;
	[tilespmem:$0x1BB80] =	vst v63  }
0x118: {  	_ =	swait.ge [sflag:s11], $0x80  }
0x119: {  	[sflag:s11] =	ssyncset.done $0x0  }
0x11a: {  	[sflag:s11] =	ssyncadd.s32 $0xFFFFFF80  }
0x11b: {  	_ =	swait.ge [sflag:s11], $0x80  }
0x11c: {  	[sflag:s11] =	ssyncset.done $0x0  }
0x11d: {  	[sflag:s11] =	ssyncadd.s32 $0xFFFFFF80  }
0x11e: {  	_ =	swait.ge [sflag:s14], $0x4000  }
0x11f: {  	[sflag:s14] =	ssyncset.done $0x0  }
0x120: {  	s9 =	sadd.s32 $0x400, s20;
	[sflag:s14] =	ssyncadd.s32 $0xFFFFC000  }
0x121: {  	[tilespmem:s8], [sflag:$0x2] =	stream.linear.gather [hbm4b:s9+s4], $0x80, $0x38;
	[tilespmem:$0x1BB80] =	vst v63  }
0x122: {  	s9 =	sadd.s32 $0x400, s29  }
0x123: {  	[tilespmem:s10], [sflag:$0x2] =	stream.linear.gather [hbm4b:s9+s4], $0x80, $0x38;
	[tilespmem:$0x1BB80] =	vst v63  }
0x124: {  	_ = 	snop  }
0x125: {  	[tilespmem:s26], [sflag:$0x5] =	stream.indirect.gather [hbm4b:s1+s3], $0x80, s4, s3, $0xb8;
	[tilespmem:$0x1BB80] =	vst v63  }
0x126: {  	_ =	swait.ge [sflag:s28], $0x4000  }
0x127: {  	[sflag:s28] =	ssyncset.done $0x0  }
0x128: {  	[sflag:s28] =	ssyncadd.s32 $0xFFFFC000  }
0x129: {  	[spmem:s2] =	stream.indirect.scatter.add.f32 [tilespmem:s31], [sflag:$0x6], $0x80, s25, s3, $0xb8;
	[tilespmem:$0x1BB80] =	vst v63  }
0x12a: {  	_ =	swait.ge [sflag:s18], $0x80  }
0x12b: {  	[sflag:s18] =	ssyncset.done $0x0  }
0x12c: {  	[sflag:s18] =	ssyncadd.s32 $0xFFFFFF80  }
0x12d: {  	_ =	swait.ge [sflag:s18], $0x80  }
0x12e: {  	[sflag:s18] =	ssyncset.done $0x0  }
0x12f: {  	[sflag:s18] =	ssyncadd.s32 $0xFFFFFF80  }
0x130: {  	_ =	swait.ge [sflag:s6], $0x4000  }
0x131: {  	[sflag:s6] =	ssyncset.done $0x0  }
0x132: {  	s9 =	sadd.s32 $0x500, s20;
	[sflag:s6] =	ssyncadd.s32 $0xFFFFC000  }
0x133: {  	[tilespmem:s19], [sflag:$0x3] =	stream.linear.gather [hbm4b:s9+s4], $0x80, $0x38;
	[tilespmem:$0x1BB80] =	vst v63  }
0x134: {  	s9 =	sadd.s32 $0x500, s29  }
0x135: {  	[tilespmem:s25], [sflag:$0x3] =	stream.linear.gather [hbm4b:s9+s4], $0x80, $0x38;
	[tilespmem:$0x1BB80] =	vst v63  }
0x136: {  	_ = 	snop  }
0x137: {  	[tilespmem:s31], [sflag:$0x4] =	stream.indirect.gather [hbm4b:s1+s3], $0x80, s8, s3, $0xb8;
	[tilespmem:$0x1BB80] =	vst v63  }
0x138: {  	_ =	swait.ge [sflag:s7], $0x4000  }
0x139: {  	[sflag:s7] =	ssyncset.done $0x0  }
0x13a: {  	[sflag:s7] =	ssyncadd.s32 $0xFFFFC000  }
0x13b: {  	[spmem:s2] =	stream.indirect.scatter.add.f32 [tilespmem:s26], [sflag:$0x7], $0x80, s3, s3, $0xb8;
	[tilespmem:$0x1BB80] =	vst v63  }
0x13c: {  	_ =	swait.ge [sflag:s30], $0x80  }
0x13d: {  	[sflag:s30] =	ssyncset.done $0x0  }
0x13e: {  	[sflag:s30] =	ssyncadd.s32 $0xFFFFFF80  }
0x13f: {  	_ =	swait.ge [sflag:s30], $0x80  }
0x140: {  	[sflag:s30] =	ssyncset.done $0x0  }
0x141: {  	[sflag:s30] =	ssyncadd.s32 $0xFFFFFF80  }
0x142: {  	_ =	swait.ge [sflag:s14], $0x4000  }
0x143: {  	p5 =	seq.s32 s17, $0x9600;
	[sflag:s14] =	ssyncset.done $0x0  }
0x144: {  	s20 =	simm.s32 @p5 $0x200;
	s9 =	simm.s32 @p5 $0x80;
	[sflag:s14] =	ssyncadd.s32 $0xFFFFC000  }
0x145: {  	s21 =	simm.s32 @p5 $0x4300;
	s22 =	simm.s32 @p5 $0x4;
	s29 =	sadd.s32 @!p5 s17, s12  }
0x146: {  	[tilespmem:s21], [sflag:$0x5] =	stream.indirect.gather @p5 [hbm4b:s1+s9], $0x80, s20, s9, $0xb8;
	[tilespmem:$0x1BB80] =	vst v63  }
0x147: {  	s17 =	sadd.s32 @!p5 s17, s13;
	s20 =	sadd.s32 @!p5 $0x600, s29;
	_ =	swait.ge @p5 [sflag:s22], $0x4000  }
0x148: {  	s23 =	simm.s32 @p5 $0x300;
	s21 =	simm.s32 @p5 $0x180;
	[sflag:s22] =	ssyncset.done @p5 $0x0  }
0x149: {  	s24 =	sadd.s32 @!p5 $0x600, s17;
	[sflag:s22] =	ssyncadd.s32 @p5 $0xFFFFC000;
	s22 =	simm.s32 @p5 $0x6  }
0x14a: {  	[spmem:s2] =	stream.indirect.scatter.add.f32 @p5 [tilespmem:s23], [sflag:$0x6], $0x80, s21, s9, $0xb8;
	[tilespmem:$0x1BB80] =	vst v63  }
0x14b: {  	s17 =	sadd.s32 @!p5 $0x700, s17;
	s9 =	sadd.s32 @!p5 $0x700, s29;
	_ =	swait.ge @p5 [sflag:s22], $0x4000  }
0x14c: {  	s21 =	simm.s32 @!p5 $0x0;
	[sflag:s22] =	ssyncset.done @p5 $0x0  }
0x14d: {  	[sflag:s22] =	ssyncadd.s32 @p5 $0xFFFFC000;
	s22 =	simm.s32 @!p5 $0x80  }
0x14e: {  	[tilespmem:s21], [sflag:$0x1] =	stream.linear.gather @!p5 [hbm4b:s20+s21], $0x80, $0x38;
	[tilespmem:$0x1BB80] =	vst v63  }
0x14f: {  	s23 =	simm.s32 @!p5 $0x4300;
	s20 =	simm.s32 @!p5 $0x200  }
0x150: {  	[tilespmem:s22], [sflag:$0x1] =	stream.linear.gather @!p5 [hbm4b:s24+s21], $0x80, $0x38;
	[tilespmem:$0x1BB80] =	vst v63  }
0x151: {  	s24 =	simm.s32 @!p5 $0x4  }
0x152: {  	[tilespmem:s23], [sflag:$0x5] =	stream.indirect.gather @!p5 [hbm4b:s1+s22], $0x80, s20, s22, $0xb8;
	[tilespmem:$0x1BB80] =	vst v63  }
0x153: {  	_ =	swait.ge @!p5 [sflag:s24], $0x4000  }
0x154: {  	s20 =	simm.s32 @!p5 $0x180;
	s23 =	simm.s32 @!p5 $0x300;
	[sflag:s24] =	ssyncset.done @!p5 $0x0  }
0x155: {  	[sflag:s24] =	ssyncadd.s32 @!p5 $0xFFFFC000;
	s24 =	simm.s32 @!p5 $0x1  }
0x156: {  	[spmem:s2] =	stream.indirect.scatter.add.f32 @!p5 [tilespmem:s23], [sflag:$0x6], $0x80, s20, s22, $0xb8;
	[tilespmem:$0x1BB80] =	vst v63  }
0x157: {  	_ =	swait.ge @!p5 [sflag:s24], $0x80  }
0x158: {  	[sflag:s24] =	ssyncset.done @!p5 $0x0  }
0x159: {  	[sflag:s24] =	ssyncadd.s32 @!p5 $0xFFFFFF80  }
0x15a: {  	_ =	swait.ge @!p5 [sflag:s24], $0x80  }
0x15b: {  	s29 =	simm.s32 @!p5 $0x6;
	[sflag:s24] =	ssyncset.done @!p5 $0x0  }
0x15c: {  	[sflag:s24] =	ssyncadd.s32 @!p5 $0xFFFFFF80  }
0x15d: {  	_ =	swait.ge @!p5 [sflag:s29], $0x4000  }
0x15e: {  	s24 =	simm.s32 @!p5 $0x100;
	[sflag:s29] =	ssyncset.done @!p5 $0x0  }
0x15f: {  	[sflag:s29] =	ssyncadd.s32 @!p5 $0xFFFFC000  }
0x160: {  	[tilespmem:s24], [sflag:$0x2] =	stream.linear.gather @!p5 [hbm4b:s9+s21], $0x80, $0x38;
	[tilespmem:$0x1BB80] =	vst v63  }
0x161: {  	_ = 	snop  }
0x162: {  	[tilespmem:s20], [sflag:$0x2] =	stream.linear.gather @!p5 [hbm4b:s17+s21], $0x80, $0x38;
	[tilespmem:$0x1BB80] =	vst v63  }
.Ltmp3:
0x163: {  	_ = 	snop;
	(pc) =	sbr.rel @p4 .LBB2_6-.Ltmp3, $4  }
0x164: {  	_ = 	snop  }
0x165: {  	[tilespmem:s23], [sflag:$0x4] =	stream.indirect.gather @!p5 [hbm4b:s1+s22], $0x80, s21, s22, $0xb8;
	[tilespmem:$0x1BB80] =	vst v63  }
0x166: {  	_ =	swait.ge [sflag:s7], $0x4000  }
0x167: {  	[sflag:s7] =	ssyncset.done $0x0  }
0x168: {  	[sflag:s7] =	ssyncadd.s32 $0xFFFFC000  }
0x169: {  	[spmem:s2] =	stream.indirect.scatter.add.f32 [tilespmem:s26], [sflag:$0x7], $0x80, s25, s3, $0xb8;
	[tilespmem:$0x1BB80] =	vst v63  }
0x16a: {  	_ =	swait.ge [sflag:s14], $0x4000  }
0x16b: {  	[sflag:s14] =	ssyncset.done $0x0  }
0x16c: {  	s9 =	simm.s32 @!p2 $0x0;
	s16 =	rddreg [dreg:$0xc];
	[sflag:s14] =	ssyncadd.s32 $0xFFFFC000  }
0x16d: {  	[tilespmem:s9], [sflag:$0x8] =	stream.linear.gather @!p2 [hbm4b:s16+s9], $0x80, $0x38;
	[tilespmem:$0x1BB80] =	vst v63  }
0x16e: {  	s16 =	simm.s32 @!p2 $0x8  }
0x16f: {  	_ =	swait.ge @!p2 [sflag:s16], $0x80  }
0x170: {  	[sflag:s16] =	ssyncset.done @!p2 $0x0  }
0x171: {  	s17 =	simm.s32 @!p2 $0x80;
	s20 =	rddreg [dreg:$0xd];
	[sflag:s16] =	ssyncadd.s32 @!p2 $0xFFFFFF80  }
0x172: {  	[tilespmem:s17], [sflag:$0x8] =	stream.linear.gather @!p2 [hbm4b:s20+s9], $0x80, $0x38;
	[tilespmem:$0x1BB80] =	vst v63  }
0x173: {  	_ =	swait.ge @!p2 [sflag:s16], $0x80  }
0x174: {  	[sflag:s16] =	ssyncset.done @!p2 $0x0  }
0x175: {  	[sflag:s16] =	ssyncadd.s32 @!p2 $0xFFFFFF80;
	s16 =	simm.s32 @!p2 $0x300  }
0x176: {  	[tilespmem:s16], [sflag:$0x4] =	stream.indirect.gather @!p2 [hbm4b:s1+s17], $0x80, s9, s17, $0xb8;
	[tilespmem:$0x1BB80] =	vst v63  }
0x177: {  	s9 =	simm.s32 @!p2 $0x4  }
0x178: {  	_ =	swait.ge @!p2 [sflag:s9], $0x4000  }
0x179: {  	[sflag:s9] =	ssyncset.done @!p2 $0x0  }
0x17a: {  	[sflag:s9] =	ssyncadd.s32 @!p2 $0xFFFFC000;
	s9 =	simm.s32 @!p2 $0x6  }
0x17b: {  	[spmem:s2] =	stream.indirect.scatter.add.f32 @!p2 [tilespmem:s16], [sflag:$0x6], $0x80, s17, s17, $0xb8;
	[tilespmem:$0x1BB80] =	vst v63  }
0x17c: {  	_ =	swait.ge @!p2 [sflag:s9], $0x4000  }
0x17d: {  	[sflag:s9] =	ssyncset.done @!p2 $0x0  }
0x17e: {  	[sflag:s9] =	ssyncadd.s32 @!p2 $0xFFFFC000  }
0x17f: {  	[bflag:$0x0] =	sbarrier.arrive $0xFFFF  }
0x180: {  	s21 =	rddreg [dreg:$0x11]  }
0x181: {  	[tilespmem:s31], [sflag:$0x8] =	stream.linear.gather [spmem:s21], $0x4000, $0x38;
	[tilespmem:$0x1BB80] =	vst v63  }
0x182: {  	_ =	swait.ge [sflag:s0], $0x4000  }
0x183: {  	[sflag:s0] =	ssyncset.done $0x0  }
0x184: {  	s29 =	rddreg [dreg:$0x17];
	[sflag:s0] =	ssyncadd.s32 $0xFFFFC000  }
0x185: {  	[hbm4b:s29+s4] =	stream.linear.scatter [tilespmem:s31], [sflag:$0x8], $0x4000, $0x38;
	[tilespmem:$0x1BB80] =	vst v63  }
0x186: {  	_ =	swait.ge [sflag:s0], $0x4000  }
0x187: {  	[sflag:s0] =	ssyncset.done $0x0  }
0x188: {  	s22 =	rddreg [dreg:$0x12];
	[sflag:s0] =	ssyncadd.s32 $0xFFFFC000  }
0x189: {  	[tilespmem:s31], [sflag:$0x8] =	stream.linear.gather [spmem:s22], $0x4000, $0x38;
	[tilespmem:$0x1BB80] =	vst v63  }
0x18a: {  	_ =	swait.ge [sflag:s0], $0x4000  }
0x18b: {  	[sflag:s0] =	ssyncset.done $0x0  }
0x18c: {  	s16 =	rddreg [dreg:$0x1b];
	[sflag:s0] =	ssyncadd.s32 $0xFFFFC000  }
0x18d: {  	[hbm4b:s16+s4] =	stream.linear.scatter [tilespmem:s31], [sflag:$0x8], $0x4000, $0x38;
	[tilespmem:$0x1BB80] =	vst v63  }
0x18e: {  	_ =	swait.ge [sflag:s0], $0x4000  }
0x18f: {  	[sflag:s0] =	ssyncset.done $0x0  }
0x190: {  	s23 =	rddreg [dreg:$0x13];
	[sflag:s0] =	ssyncadd.s32 $0xFFFFC000  }
0x191: {  	[tilespmem:s31], [sflag:$0x8] =	stream.linear.gather [spmem:s23], $0x4000, $0x38;
	[tilespmem:$0x1BB80] =	vst v63  }
0x192: {  	_ =	swait.ge [sflag:s0], $0x4000  }
0x193: {  	[sflag:s0] =	ssyncset.done $0x0  }
0x194: {  	s17 =	rddreg [dreg:$0x1f];
	[sflag:s0] =	ssyncadd.s32 $0xFFFFC000  }
0x195: {  	[hbm4b:s17+s4] =	stream.linear.scatter [tilespmem:s31], [sflag:$0x8], $0x4000, $0x38;
	[tilespmem:$0x1BB80] =	vst v63  }
0x196: {  	_ =	swait.ge [sflag:s0], $0x4000  }
0x197: {  	[sflag:s0] =	ssyncset.done $0x0  }
0x198: {  	s24 =	rddreg [dreg:$0x14];
	[sflag:s0] =	ssyncadd.s32 $0xFFFFC000  }
0x199: {  	[tilespmem:s31], [sflag:$0x8] =	stream.linear.gather [spmem:s24], $0x4000, $0x38;
	[tilespmem:$0x1BB80] =	vst v63  }
0x19a: {  	_ =	swait.ge [sflag:s0], $0x4000  }
0x19b: {  	s20 =	sld [smem:$0x7FA]  }
0x19c: {  	[sflag:s0] =	ssyncset.done $0x0  }
0x19d: {  	[sflag:s0] =	ssyncadd.s32 $0xFFFFC000  }
0x19e: {  	[hbm4b:s20+s4] =	stream.linear.scatter [tilespmem:s31], [sflag:$0x8], $0x4000, $0x38;
	[tilespmem:$0x1BB80] =	vst v63  }
0x19f: {  	_ =	swait.ge [sflag:s0], $0x4000  }
0x1a0: {  	[sflag:s0] =	ssyncset.done $0x0  }
0x1a1: {  	s20 =	rddreg [dreg:$0x7];
	[sflag:s0] =	ssyncadd.s32 $0xFFFFC000  }
0x1a2: {  	[tilespmem:s31], [sflag:$0x8] =	stream.linear.gather [spmem:s20], $0x3800, $0x38;
	[tilespmem:$0x1BB80] =	vst v63  }
0x1a3: {  	_ =	swait.ge [sflag:s0], $0x3800  }
0x1a4: {  	[sflag:s0] =	ssyncset.done $0x0  }
0x1a5: {  	s29 =	rddreg [dreg:$0xe];
	[sflag:s0] =	ssyncadd.s32 $0xFFFFC800  }
0x1a6: {  	[hbm4b:s29+s4] =	stream.linear.scatter [tilespmem:s31], [sflag:$0x8], $0x3800, $0x38;
	[tilespmem:$0x1BB80] =	vst v63  }
.Ltmp4:
0x1a7: {  	_ = 	snop;
	(pc) =	sbr.rel @p1 .LBB2_9-.Ltmp4, $4  }
.Ltmp5:
0x1a8: {  	_ = 	snop;
	(pc) =	sbr.rel @!p1 .LBB2_8-.Ltmp5, $4  }
0x1a9: {  	_ =	swait.ge [sflag:s0], $0x3800  }
0x1aa: {  	[sflag:s0] =	ssyncset.done $0x0  }
0x1ab: {  	s16 =	rddreg [dreg:$0x4];
	[sflag:s0] =	ssyncadd.s32 $0xFFFFC800  }
0x1ac: {  	_ = 	snop  }
.LBB2_2:
0x1ad: {  	s9 =	rddreg [dreg:$0x15]  }
0x1ae: {  	[tilespmem:s31], [sflag:$0x8] =	stream.linear.gather [hbm4b:s9+s4], $0x4000, $0x38;
	[tilespmem:$0x1BB80] =	vst v63  }
0x1af: {  	_ =	swait.ge [sflag:s0], $0x4000  }
0x1b0: {  	[sflag:s0] =	ssyncset.done $0x0  }
0x1b1: {  	[sflag:s0] =	ssyncadd.s32 $0xFFFFC000  }
0x1b2: {  	[spmem:s21] =	stream.linear.scatter [tilespmem:s31], [sflag:$0x8], $0x4000, $0x38;
	[tilespmem:$0x1BB80] =	vst v63  }
0x1b3: {  	_ =	swait.ge [sflag:s0], $0x4000  }
0x1b4: {  	[sflag:s0] =	ssyncset.done $0x0  }
0x1b5: {  	s21 =	rddreg [dreg:$0x19];
	[sflag:s0] =	ssyncadd.s32 $0xFFFFC000  }
0x1b6: {  	[tilespmem:s31], [sflag:$0x8] =	stream.linear.gather [hbm4b:s21+s4], $0x4000, $0x38;
	[tilespmem:$0x1BB80] =	vst v63  }
0x1b7: {  	_ =	swait.ge [sflag:s0], $0x4000  }
0x1b8: {  	[sflag:s0] =	ssyncset.done $0x0  }
0x1b9: {  	[sflag:s0] =	ssyncadd.s32 $0xFFFFC000  }
0x1ba: {  	[spmem:s22] =	stream.linear.scatter [tilespmem:s31], [sflag:$0x8], $0x4000, $0x38;
	[tilespmem:$0x1BB80] =	vst v63  }
0x1bb: {  	_ =	swait.ge [sflag:s0], $0x4000  }
0x1bc: {  	[sflag:s0] =	ssyncset.done $0x0  }
0x1bd: {  	s29 =	rddreg [dreg:$0x1d];
	[sflag:s0] =	ssyncadd.s32 $0xFFFFC000  }
0x1be: {  	[tilespmem:s31], [sflag:$0x8] =	stream.linear.gather [hbm4b:s29+s4], $0x4000, $0x38;
	[tilespmem:$0x1BB80] =	vst v63  }
0x1bf: {  	_ =	swait.ge [sflag:s0], $0x4000  }
0x1c0: {  	[sflag:s0] =	ssyncset.done $0x0  }
0x1c1: {  	[sflag:s0] =	ssyncadd.s32 $0xFFFFC000  }
0x1c2: {  	[spmem:s23] =	stream.linear.scatter [tilespmem:s31], [sflag:$0x8], $0x4000, $0x38;
	[tilespmem:$0x1BB80] =	vst v63  }
0x1c3: {  	_ =	swait.ge [sflag:s0], $0x4000  }
0x1c4: {  	s16 =	sld [smem:$0x7F8]  }
0x1c5: {  	[sflag:s0] =	ssyncset.done $0x0  }
0x1c6: {  	[sflag:s0] =	ssyncadd.s32 $0xFFFFC000  }
0x1c7: {  	[tilespmem:s31], [sflag:$0x8] =	stream.linear.gather [hbm4b:s16+s4], $0x4000, $0x38;
	[tilespmem:$0x1BB80] =	vst v63  }
0x1c8: {  	_ =	swait.ge [sflag:s0], $0x4000  }
0x1c9: {  	[sflag:s0] =	ssyncset.done $0x0  }
0x1ca: {  	[sflag:s0] =	ssyncadd.s32 $0xFFFFC000  }
0x1cb: {  	[spmem:s24] =	stream.linear.scatter [tilespmem:s31], [sflag:$0x8], $0x4000, $0x38;
	[tilespmem:$0x1BB80] =	vst v63  }
0x1cc: {  	_ =	swait.ge [sflag:s0], $0x4000  }
0x1cd: {  	[sflag:s0] =	ssyncset.done $0x0  }
0x1ce: {  	s17 =	rddreg [dreg:$0x6];
	[sflag:s0] =	ssyncadd.s32 $0xFFFFC000  }
0x1cf: {  	[tilespmem:s31], [sflag:$0x8] =	stream.linear.gather [hbm4b:s17+s4], $0x3800, $0x38;
	[tilespmem:$0x1BB80] =	vst v63  }
0x1d0: {  	_ =	swait.ge [sflag:s0], $0x3800  }
0x1d1: {  	[sflag:s0] =	ssyncset.done $0x0  }
0x1d2: {  	[sflag:s0] =	ssyncadd.s32 $0xFFFFC800  }
0x1d3: {  	[spmem:s20] =	stream.linear.scatter [tilespmem:s31], [sflag:$0x8], $0x3800, $0x38;
	[tilespmem:$0x1BB80] =	vst v63  }
0x1d4: {  	_ =	swait.ge [sflag:s0], $0x3800  }
0x1d5: {  	s16 =	simm.s32 @p3 $0x0;
	[sflag:s0] =	ssyncset.done $0x0  }
0x1d6: {  	s17 =	simm.s32 @p3 $0x300;
	s9 =	rddreg [dreg:$0x8];
	[sflag:s0] =	ssyncadd.s32 $0xFFFFC800  }
0x1d7: {  	[tilespmem:s17], [sflag:$0x8] =	stream.linear.gather @p3 [hbm4b:s9+s16], $0x800, $0x38;
	[tilespmem:$0x1BB80] =	vst v63  }
0x1d8: {  	s16 =	simm.s32 @p3 $0x8  }
0x1d9: {  	_ =	swait.ge @p3 [sflag:s16], $0x800  }
0x1da: {  	s9 =	sld [smem:$0x7FC]  }
0x1db: {  	[sflag:s16] =	ssyncset.done @p3 $0x0  }
0x1dc: {  	[sflag:s16] =	ssyncadd.s32 @p3 $0xFFFFF800  }
0x1dd: {  	[spmem:s9] =	stream.linear.scatter @p3 [tilespmem:s17], [sflag:$0x8], $0x800, $0x38;
	[tilespmem:$0x1BB80] =	vst v63  }
0x1de: {  	_ =	swait.ge @p3 [sflag:s16], $0x800  }
0x1df: {  	[sflag:s16] =	ssyncset.done @p3 $0x0  }
0x1e0: {  	[sflag:s16] =	ssyncadd.s32 @p3 $0xFFFFF800  }
0x1e1: {  	s21 =	simm.s32 $0x0;
	[bflag:$0x0] =	sbarrier.arrive $0xFFFF  }
0x1e2: {  	[tilespmem:s21], [sflag:$0x1] =	stream.linear.gather [hbm4b:s12+s21], $0x80, $0x38;
	[tilespmem:$0x1BB80] =	vst v63  }
0x1e3: {  	_ = 	snop  }
0x1e4: {  	[tilespmem:s3], [sflag:$0x1] =	stream.linear.gather [hbm4b:s13+s21], $0x80, $0x38;
	[tilespmem:$0x1BB80] =	vst v63  }
0x1e5: {  	s22 =	rddreg [dreg:$0xa]  }
0x1e6: {  	[tilespmem:s8], [sflag:$0x2] =	stream.linear.gather [hbm4b:s22+s21], $0x80, $0x38;
	[tilespmem:$0x1BB80] =	vst v63  }
0x1e7: {  	s23 =	rddreg [dreg:$0xb]  }
0x1e8: {  	[tilespmem:s10], [sflag:$0x2] =	stream.linear.gather [hbm4b:s23+s21], $0x80, $0x38;
	[tilespmem:$0x1BB80] =	vst v63  }
0x1e9: {  	_ =	swait.ge [sflag:s11], $0x80  }
0x1ea: {  	[sflag:s11] =	ssyncset.done $0x0  }
0x1eb: {  	[sflag:s11] =	ssyncadd.s32 $0xFFFFFF80  }
0x1ec: {  	_ =	swait.ge [sflag:s11], $0x80  }
0x1ed: {  	[sflag:s11] =	ssyncset.done $0x0  }
0x1ee: {  	[sflag:s11] =	ssyncadd.s32 $0xFFFFFF80  }
0x1ef: {  	[tilespmem:s31], [sflag:$0x4] =	stream.indirect.gather [hbm4b:s5+s3], $0x80, s21, s3, $0xb8;
	[tilespmem:$0x1BB80] =	vst v63  }
0x1f0: {  	_ =	swait.ge [sflag:s18], $0x80  }
0x1f1: {  	[sflag:s18] =	ssyncset.done $0x0  }
0x1f2: {  	[sflag:s18] =	ssyncadd.s32 $0xFFFFFF80  }
0x1f3: {  	_ =	swait.ge [sflag:s18], $0x80  }
0x1f4: {  	p4 =	por $0x1, $0x1;
	[sflag:s18] =	ssyncset.done $0x0  }
0x1f5: {  	s9 =	simm.s32 @!p4 $0x7;
	[sflag:s18] =	ssyncadd.s32 $0xFFFFFF80  }
0x1f6: {  	_ =	swait.ge @!p4 [sflag:s9], $0x4000  }
0x1f7: {  	s16 =	sadd.s32 $0x0, s12;
	[sflag:s9] =	ssyncset.done @!p4 $0x0  }
0x1f8: {  	s17 =	sadd.s32 $0x0, s13;
	s24 =	sadd.s32 $0x200, s16;
	[sflag:s9] =	ssyncadd.s32 @!p4 $0xFFFFC000  }
0x1f9: {  	[tilespmem:s19], [sflag:$0x3] =	stream.linear.gather [hbm4b:s24+s4], $0x80, $0x38;
	[tilespmem:$0x1BB80] =	vst v63  }
0x1fa: {  	s29 =	sadd.s32 $0x200, s17  }
0x1fb: {  	[tilespmem:s25], [sflag:$0x3] =	stream.linear.gather [hbm4b:s29+s4], $0x80, $0x38;
	[tilespmem:$0x1BB80] =	vst v63  }
0x1fc: {  	_ = 	snop  }
0x1fd: {  	[tilespmem:s26], [sflag:$0x5] =	stream.indirect.gather [hbm4b:s5+s3], $0x80, s8, s3, $0xb8;
	[tilespmem:$0x1BB80] =	vst v63  }
0x1fe: {  	_ =	swait.ge [sflag:s28], $0x4000  }
0x1ff: {  	[sflag:s28] =	ssyncset.done $0x0  }
0x200: {  	[sflag:s28] =	ssyncadd.s32 $0xFFFFC000  }
0x201: {  	[spmem:s2] =	stream.indirect.scatter.add.f32 [tilespmem:s31], [sflag:$0x6], $0x80, s3, s3, $0xb8;
	[tilespmem:$0x1BB80] =	vst v63  }
0x202: {  	_ =	swait.ge [sflag:s30], $0x80  }
0x203: {  	[sflag:s30] =	ssyncset.done $0x0  }
0x204: {  	[sflag:s30] =	ssyncadd.s32 $0xFFFFFF80  }
0x205: {  	_ =	swait.ge [sflag:s30], $0x80  }
0x206: {  	[sflag:s30] =	ssyncset.done $0x0  }
0x207: {  	[sflag:s30] =	ssyncadd.s32 $0xFFFFFF80  }
0x208: {  	_ =	swait.ge [sflag:s6], $0x4000  }
0x209: {  	[sflag:s6] =	ssyncset.done $0x0  }
0x20a: {  	s20 =	sadd.s32 $0x300, s16;
	[sflag:s6] =	ssyncadd.s32 $0xFFFFC000  }
0x20b: {  	[tilespmem:s4], [sflag:$0x1] =	stream.linear.gather [hbm4b:s20+s4], $0x80, $0x38;
	[tilespmem:$0x1BB80] =	vst v63  }
0x20c: {  	s21 =	sadd.s32 $0x300, s17  }
0x20d: {  	[tilespmem:s3], [sflag:$0x1] =	stream.linear.gather [hbm4b:s21+s4], $0x80, $0x38;
	[tilespmem:$0x1BB80] =	vst v63  }
0x20e: {  	_ = 	snop  }
0x20f: {  	[tilespmem:s31], [sflag:$0x4] =	stream.indirect.gather [hbm4b:s5+s3], $0x80, s19, s3, $0xb8;
	[tilespmem:$0x1BB80] =	vst v63  }
0x210: {  	_ =	swait.ge [sflag:s7], $0x4000  }
0x211: {  	[sflag:s7] =	ssyncset.done $0x0  }
0x212: {  	[sflag:s7] =	ssyncadd.s32 $0xFFFFC000  }
0x213: {  	[spmem:s2] =	stream.indirect.scatter.add.f32 [tilespmem:s26], [sflag:$0x7], $0x80, s10, s3, $0xb8;
	[tilespmem:$0x1BB80] =	vst v63  }
0x214: {  	_ =	swait.ge [sflag:s11], $0x80  }
0x215: {  	[sflag:s11] =	ssyncset.done $0x0  }
0x216: {  	[sflag:s11] =	ssyncadd.s32 $0xFFFFFF80  }
0x217: {  	_ =	swait.ge [sflag:s11], $0x80  }
0x218: {  	[sflag:s11] =	ssyncset.done $0x0  }
0x219: {  	[sflag:s11] =	ssyncadd.s32 $0xFFFFFF80  }
0x21a: {  	_ =	swait.ge [sflag:s14], $0x4000  }
0x21b: {  	[sflag:s14] =	ssyncset.done $0x0  }
0x21c: {  	s22 =	sadd.s32 $0x400, s16;
	[sflag:s14] =	ssyncadd.s32 $0xFFFFC000  }
0x21d: {  	[tilespmem:s8], [sflag:$0x2] =	stream.linear.gather [hbm4b:s22+s4], $0x80, $0x38;
	[tilespmem:$0x1BB80] =	vst v63  }
0x21e: {  	s23 =	sadd.s32 $0x400, s17  }
0x21f: {  	[tilespmem:s10], [sflag:$0x2] =	stream.linear.gather [hbm4b:s23+s4], $0x80, $0x38;
	[tilespmem:$0x1BB80] =	vst v63  }
0x220: {  	_ = 	snop  }
0x221: {  	[tilespmem:s26], [sflag:$0x5] =	stream.indirect.gather [hbm4b:s5+s3], $0x80, s4, s3, $0xb8;
	[tilespmem:$0x1BB80] =	vst v63  }
0x222: {  	_ =	swait.ge [sflag:s28], $0x4000  }
0x223: {  	[sflag:s28] =	ssyncset.done $0x0  }
0x224: {  	[sflag:s28] =	ssyncadd.s32 $0xFFFFC000  }
0x225: {  	[spmem:s2] =	stream.indirect.scatter.add.f32 [tilespmem:s31], [sflag:$0x6], $0x80, s25, s3, $0xb8;
	[tilespmem:$0x1BB80] =	vst v63  }
0x226: {  	_ =	swait.ge [sflag:s18], $0x80  }
0x227: {  	[sflag:s18] =	ssyncset.done $0x0  }
0x228: {  	[sflag:s18] =	ssyncadd.s32 $0xFFFFFF80  }
0x229: {  	_ =	swait.ge [sflag:s18], $0x80  }
0x22a: {  	[sflag:s18] =	ssyncset.done $0x0  }
0x22b: {  	[sflag:s18] =	ssyncadd.s32 $0xFFFFFF80  }
0x22c: {  	_ =	swait.ge [sflag:s6], $0x4000  }
0x22d: {  	[sflag:s6] =	ssyncset.done $0x0  }
0x22e: {  	s24 =	sadd.s32 $0x500, s16;
	[sflag:s6] =	ssyncadd.s32 $0xFFFFC000  }
0x22f: {  	[tilespmem:s19], [sflag:$0x3] =	stream.linear.gather [hbm4b:s24+s4], $0x80, $0x38;
	[tilespmem:$0x1BB80] =	vst v63  }
0x230: {  	s29 =	sadd.s32 $0x500, s17  }
0x231: {  	[tilespmem:s25], [sflag:$0x3] =	stream.linear.gather [hbm4b:s29+s4], $0x80, $0x38;
	[tilespmem:$0x1BB80] =	vst v63  }
0x232: {  	_ = 	snop  }
0x233: {  	[tilespmem:s31], [sflag:$0x4] =	stream.indirect.gather [hbm4b:s5+s3], $0x80, s8, s3, $0xb8;
	[tilespmem:$0x1BB80] =	vst v63  }
0x234: {  	_ =	swait.ge [sflag:s7], $0x4000  }
0x235: {  	[sflag:s7] =	ssyncset.done $0x0  }
0x236: {  	[sflag:s7] =	ssyncadd.s32 $0xFFFFC000  }
0x237: {  	[spmem:s2] =	stream.indirect.scatter.add.f32 [tilespmem:s26], [sflag:$0x7], $0x80, s3, s3, $0xb8;
	[tilespmem:$0x1BB80] =	vst v63  }
0x238: {  	_ =	swait.ge [sflag:s30], $0x80  }
0x239: {  	[sflag:s30] =	ssyncset.done $0x0  }
0x23a: {  	[sflag:s30] =	ssyncadd.s32 $0xFFFFFF80  }
0x23b: {  	_ =	swait.ge [sflag:s30], $0x80  }
0x23c: {  	[sflag:s30] =	ssyncset.done $0x0  }
0x23d: {  	[sflag:s30] =	ssyncadd.s32 $0xFFFFFF80  }
0x23e: {  	p4 =	por $0x0, $0x0;
	_ =	swait.ge [sflag:s14], $0x4000  }
0x23f: {  	s9 =	simm.s32 @p4 $0x80;
	s16 =	simm.s32 @p4 $0x200;
	[sflag:s14] =	ssyncset.done $0x0  }
0x240: {  	s17 =	simm.s32 @p4 $0x4300;
	s20 =	simm.s32 @p4 $0x4;
	[sflag:s14] =	ssyncadd.s32 $0xFFFFC000  }
0x241: {  	[tilespmem:s17], [sflag:$0x5] =	stream.indirect.gather @p4 [hbm4b:s5+s9], $0x80, s16, s9, $0xb8;
	[tilespmem:$0x1BB80] =	vst v63  }
0x242: {  	_ =	swait.ge @p4 [sflag:s20], $0x4000  }
0x243: {  	s16 =	simm.s32 @p4 $0x180;
	[sflag:s20] =	ssyncset.done @p4 $0x0  }
0x244: {  	s17 =	simm.s32 @p4 $0x300;
	[sflag:s20] =	ssyncadd.s32 @p4 $0xFFFFC000;
	s20 =	simm.s32 @p4 $0x6  }
0x245: {  	[spmem:s2] =	stream.indirect.scatter.add.f32 @p4 [tilespmem:s17], [sflag:$0x6], $0x80, s16, s9, $0xb8;
	[tilespmem:$0x1BB80] =	vst v63  }
0x246: {  	_ =	swait.ge @p4 [sflag:s20], $0x4000  }
0x247: {  	s21 =	simm.s32 @!p4 $0x0;
	s9 =	sadd.s32 @!p4 $0x0, s12;
	[sflag:s20] =	ssyncset.done @p4 $0x0  }
0x248: {  	s17 =	sadd.s32 @!p4 $0x0, s13;
	s16 =	sadd.s32 @!p4 $0x600, s9;
	[sflag:s20] =	ssyncadd.s32 @p4 $0xFFFFC000  }
0x249: {  	[tilespmem:s21], [sflag:$0x1] =	stream.linear.gather @!p4 [hbm4b:s16+s21], $0x80, $0x38;
	[tilespmem:$0x1BB80] =	vst v63  }
0x24a: {  	s20 =	simm.s32 @!p4 $0x80;
	s16 =	sadd.s32 @!p4 $0x600, s17  }
0x24b: {  	[tilespmem:s20], [sflag:$0x1] =	stream.linear.gather @!p4 [hbm4b:s16+s21], $0x80, $0x38;
	[tilespmem:$0x1BB80] =	vst v63  }
0x24c: {  	s22 =	simm.s32 @!p4 $0x4300;
	s23 =	simm.s32 @!p4 $0x4;
	s16 =	simm.s32 @!p4 $0x200  }
0x24d: {  	[tilespmem:s22], [sflag:$0x5] =	stream.indirect.gather @!p4 [hbm4b:s5+s20], $0x80, s16, s20, $0xb8;
	[tilespmem:$0x1BB80] =	vst v63  }
0x24e: {  	_ =	swait.ge @!p4 [sflag:s23], $0x4000  }
0x24f: {  	s16 =	simm.s32 @!p4 $0x180;
	[sflag:s23] =	ssyncset.done @!p4 $0x0  }
0x250: {  	s22 =	simm.s32 @!p4 $0x300;
	[sflag:s23] =	ssyncadd.s32 @!p4 $0xFFFFC000;
	s23 =	simm.s32 @!p4 $0x1  }
0x251: {  	[spmem:s2] =	stream.indirect.scatter.add.f32 @!p4 [tilespmem:s22], [sflag:$0x6], $0x80, s16, s20, $0xb8;
	[tilespmem:$0x1BB80] =	vst v63  }
0x252: {  	_ =	swait.ge @!p4 [sflag:s23], $0x80  }
0x253: {  	[sflag:s23] =	ssyncset.done @!p4 $0x0  }
0x254: {  	[sflag:s23] =	ssyncadd.s32 @!p4 $0xFFFFFF80  }
0x255: {  	_ =	swait.ge @!p4 [sflag:s23], $0x80  }
0x256: {  	[sflag:s23] =	ssyncset.done @!p4 $0x0  }
0x257: {  	[sflag:s23] =	ssyncadd.s32 @!p4 $0xFFFFFF80;
	s23 =	simm.s32 @!p4 $0x6  }
0x258: {  	_ =	swait.ge @!p4 [sflag:s23], $0x4000  }
0x259: {  	[sflag:s23] =	ssyncset.done @!p4 $0x0  }
0x25a: {  	s9 =	sadd.s32 @!p4 $0x700, s9;
	[sflag:s23] =	ssyncadd.s32 @!p4 $0xFFFFC000;
	s23 =	simm.s32 @!p4 $0x100  }
0x25b: {  	[tilespmem:s23], [sflag:$0x2] =	stream.linear.gather @!p4 [hbm4b:s9+s21], $0x80, $0x38;
	[tilespmem:$0x1BB80] =	vst v63  }
0x25c: {  	s9 =	sadd.s32 @!p4 $0x700, s17  }
0x25d: {  	[tilespmem:s16], [sflag:$0x2] =	stream.linear.gather @!p4 [hbm4b:s9+s21], $0x80, $0x38;
	[tilespmem:$0x1BB80] =	vst v63  }
0x25e: {  	_ = 	snop  }
0x25f: {  	[tilespmem:s22], [sflag:$0x4] =	stream.indirect.gather @!p4 [hbm4b:s5+s20], $0x80, s21, s20, $0xb8;
	[tilespmem:$0x1BB80] =	vst v63  }
0x260: {  	_ =	swait.ge [sflag:s7], $0x4000  }
0x261: {  	s16 =	simm.s32 $0x600;
	[sflag:s7] =	ssyncset.done $0x0  }
.LBB2_3:
0x262: {  	[sflag:s7] =	ssyncadd.s32 $0xFFFFC000;
	s17 =	smov.u32 s16;
	s16 =	sadd.s32 $0x600, s16  }
0x263: {  	[spmem:s2] =	stream.indirect.scatter.add.f32 [tilespmem:s26], [sflag:$0x7], $0x80, s25, s3, $0xb8;
	[tilespmem:$0x1BB80] =	vst v63  }
0x264: {  	p4 =	sne.s32 s16, $0x9C00;
	_ =	swait.ge [sflag:s18], $0x80  }
0x265: {  	[sflag:s18] =	ssyncset.done $0x0  }
0x266: {  	[sflag:s18] =	ssyncadd.s32 $0xFFFFFF80  }
0x267: {  	_ =	swait.ge [sflag:s18], $0x80  }
0x268: {  	p5 =	seq.s32 s17, $0x0;
	[sflag:s18] =	ssyncset.done $0x0  }
0x269: {  	s9 =	simm.s32 @!p5 $0x7;
	[sflag:s18] =	ssyncadd.s32 $0xFFFFFF80  }
0x26a: {  	_ =	swait.ge @!p5 [sflag:s9], $0x4000  }
0x26b: {  	s20 =	sadd.s32 s17, s12;
	[sflag:s9] =	ssyncset.done @!p5 $0x0  }
0x26c: {  	s29 =	sadd.s32 s17, s13;
	[sflag:s9] =	ssyncadd.s32 @!p5 $0xFFFFC000;
	s9 =	sadd.s32 $0x200, s20  }
0x26d: {  	[tilespmem:s19], [sflag:$0x3] =	stream.linear.gather [hbm4b:s9+s4], $0x80, $0x38;
	[tilespmem:$0x1BB80] =	vst v63  }
0x26e: {  	s9 =	sadd.s32 $0x200, s29  }
0x26f: {  	[tilespmem:s25], [sflag:$0x3] =	stream.linear.gather [hbm4b:s9+s4], $0x80, $0x38;
	[tilespmem:$0x1BB80] =	vst v63  }
0x270: {  	_ = 	snop  }
0x271: {  	[tilespmem:s26], [sflag:$0x5] =	stream.indirect.gather [hbm4b:s5+s3], $0x80, s8, s3, $0xb8;
	[tilespmem:$0x1BB80] =	vst v63  }
0x272: {  	_ =	swait.ge [sflag:s28], $0x4000  }
0x273: {  	[sflag:s28] =	ssyncset.done $0x0  }
0x274: {  	[sflag:s28] =	ssyncadd.s32 $0xFFFFC000  }
0x275: {  	[spmem:s2] =	stream.indirect.scatter.add.f32 [tilespmem:s31], [sflag:$0x6], $0x80, s3, s3, $0xb8;
	[tilespmem:$0x1BB80] =	vst v63  }
0x276: {  	_ =	swait.ge [sflag:s30], $0x80  }
0x277: {  	[sflag:s30] =	ssyncset.done $0x0  }
0x278: {  	[sflag:s30] =	ssyncadd.s32 $0xFFFFFF80  }
0x279: {  	_ =	swait.ge [sflag:s30], $0x80  }
0x27a: {  	[sflag:s30] =	ssyncset.done $0x0  }
0x27b: {  	[sflag:s30] =	ssyncadd.s32 $0xFFFFFF80  }
0x27c: {  	_ =	swait.ge [sflag:s6], $0x4000  }
0x27d: {  	[sflag:s6] =	ssyncset.done $0x0  }
0x27e: {  	s9 =	sadd.s32 $0x300, s20;
	[sflag:s6] =	ssyncadd.s32 $0xFFFFC000  }
0x27f: {  	[tilespmem:s4], [sflag:$0x1] =	stream.linear.gather [hbm4b:s9+s4], $0x80, $0x38;
	[tilespmem:$0x1BB80] =	vst v63  }
0x280: {  	s9 =	sadd.s32 $0x300, s29  }
0x281: {  	[tilespmem:s3], [sflag:$0x1] =	stream.linear.gather [hbm4b:s9+s4], $0x80, $0x38;
	[tilespmem:$0x1BB80] =	vst v63  }
0x282: {  	_ = 	snop  }
0x283: {  	[tilespmem:s31], [sflag:$0x4] =	stream.indirect.gather [hbm4b:s5+s3], $0x80, s19, s3, $0xb8;
	[tilespmem:$0x1BB80] =	vst v63  }
0x284: {  	_ =	swait.ge [sflag:s7], $0x4000  }
0x285: {  	[sflag:s7] =	ssyncset.done $0x0  }
0x286: {  	[sflag:s7] =	ssyncadd.s32 $0xFFFFC000  }
0x287: {  	[spmem:s2] =	stream.indirect.scatter.add.f32 [tilespmem:s26], [sflag:$0x7], $0x80, s10, s3, $0xb8;
	[tilespmem:$0x1BB80] =	vst v63  }
0x288: {  	_ =	swait.ge [sflag:s11], $0x80  }
0x289: {  	[sflag:s11] =	ssyncset.done $0x0  }
0x28a: {  	[sflag:s11] =	ssyncadd.s32 $0xFFFFFF80  }
0x28b: {  	_ =	swait.ge [sflag:s11], $0x80  }
0x28c: {  	[sflag:s11] =	ssyncset.done $0x0  }
0x28d: {  	[sflag:s11] =	ssyncadd.s32 $0xFFFFFF80  }
0x28e: {  	_ =	swait.ge [sflag:s14], $0x4000  }
0x28f: {  	[sflag:s14] =	ssyncset.done $0x0  }
0x290: {  	s9 =	sadd.s32 $0x400, s20;
	[sflag:s14] =	ssyncadd.s32 $0xFFFFC000  }
0x291: {  	[tilespmem:s8], [sflag:$0x2] =	stream.linear.gather [hbm4b:s9+s4], $0x80, $0x38;
	[tilespmem:$0x1BB80] =	vst v63  }
0x292: {  	s9 =	sadd.s32 $0x400, s29  }
0x293: {  	[tilespmem:s10], [sflag:$0x2] =	stream.linear.gather [hbm4b:s9+s4], $0x80, $0x38;
	[tilespmem:$0x1BB80] =	vst v63  }
0x294: {  	_ = 	snop  }
0x295: {  	[tilespmem:s26], [sflag:$0x5] =	stream.indirect.gather [hbm4b:s5+s3], $0x80, s4, s3, $0xb8;
	[tilespmem:$0x1BB80] =	vst v63  }
0x296: {  	_ =	swait.ge [sflag:s28], $0x4000  }
0x297: {  	[sflag:s28] =	ssyncset.done $0x0  }
0x298: {  	[sflag:s28] =	ssyncadd.s32 $0xFFFFC000  }
0x299: {  	[spmem:s2] =	stream.indirect.scatter.add.f32 [tilespmem:s31], [sflag:$0x6], $0x80, s25, s3, $0xb8;
	[tilespmem:$0x1BB80] =	vst v63  }
0x29a: {  	_ =	swait.ge [sflag:s18], $0x80  }
0x29b: {  	[sflag:s18] =	ssyncset.done $0x0  }
0x29c: {  	[sflag:s18] =	ssyncadd.s32 $0xFFFFFF80  }
0x29d: {  	_ =	swait.ge [sflag:s18], $0x80  }
0x29e: {  	[sflag:s18] =	ssyncset.done $0x0  }
0x29f: {  	[sflag:s18] =	ssyncadd.s32 $0xFFFFFF80  }
0x2a0: {  	_ =	swait.ge [sflag:s6], $0x4000  }
0x2a1: {  	[sflag:s6] =	ssyncset.done $0x0  }
0x2a2: {  	s9 =	sadd.s32 $0x500, s20;
	[sflag:s6] =	ssyncadd.s32 $0xFFFFC000  }
0x2a3: {  	[tilespmem:s19], [sflag:$0x3] =	stream.linear.gather [hbm4b:s9+s4], $0x80, $0x38;
	[tilespmem:$0x1BB80] =	vst v63  }
0x2a4: {  	s9 =	sadd.s32 $0x500, s29  }
0x2a5: {  	[tilespmem:s25], [sflag:$0x3] =	stream.linear.gather [hbm4b:s9+s4], $0x80, $0x38;
	[tilespmem:$0x1BB80] =	vst v63  }
0x2a6: {  	_ = 	snop  }
0x2a7: {  	[tilespmem:s31], [sflag:$0x4] =	stream.indirect.gather [hbm4b:s5+s3], $0x80, s8, s3, $0xb8;
	[tilespmem:$0x1BB80] =	vst v63  }
0x2a8: {  	_ =	swait.ge [sflag:s7], $0x4000  }
0x2a9: {  	[sflag:s7] =	ssyncset.done $0x0  }
0x2aa: {  	[sflag:s7] =	ssyncadd.s32 $0xFFFFC000  }
0x2ab: {  	[spmem:s2] =	stream.indirect.scatter.add.f32 [tilespmem:s26], [sflag:$0x7], $0x80, s3, s3, $0xb8;
	[tilespmem:$0x1BB80] =	vst v63  }
0x2ac: {  	_ =	swait.ge [sflag:s30], $0x80  }
0x2ad: {  	[sflag:s30] =	ssyncset.done $0x0  }
0x2ae: {  	[sflag:s30] =	ssyncadd.s32 $0xFFFFFF80  }
0x2af: {  	_ =	swait.ge [sflag:s30], $0x80  }
0x2b0: {  	[sflag:s30] =	ssyncset.done $0x0  }
0x2b1: {  	[sflag:s30] =	ssyncadd.s32 $0xFFFFFF80  }
0x2b2: {  	_ =	swait.ge [sflag:s14], $0x4000  }
0x2b3: {  	p5 =	seq.s32 s17, $0x9600;
	[sflag:s14] =	ssyncset.done $0x0  }
0x2b4: {  	s20 =	simm.s32 @p5 $0x200;
	s9 =	simm.s32 @p5 $0x80;
	[sflag:s14] =	ssyncadd.s32 $0xFFFFC000  }
0x2b5: {  	s21 =	simm.s32 @p5 $0x4300;
	s22 =	simm.s32 @p5 $0x4;
	s23 =	sadd.s32 @!p5 s17, s12  }
0x2b6: {  	[tilespmem:s21], [sflag:$0x5] =	stream.indirect.gather @p5 [hbm4b:s5+s9], $0x80, s20, s9, $0xb8;
	[tilespmem:$0x1BB80] =	vst v63  }
0x2b7: {  	s17 =	sadd.s32 @!p5 s17, s13;
	s20 =	sadd.s32 @!p5 $0x600, s23;
	_ =	swait.ge @p5 [sflag:s22], $0x4000  }
0x2b8: {  	s24 =	simm.s32 @p5 $0x300;
	s21 =	simm.s32 @p5 $0x180;
	[sflag:s22] =	ssyncset.done @p5 $0x0  }
0x2b9: {  	s29 =	sadd.s32 @!p5 $0x600, s17;
	[sflag:s22] =	ssyncadd.s32 @p5 $0xFFFFC000;
	s22 =	simm.s32 @p5 $0x6  }
0x2ba: {  	[spmem:s2] =	stream.indirect.scatter.add.f32 @p5 [tilespmem:s24], [sflag:$0x6], $0x80, s21, s9, $0xb8;
	[tilespmem:$0x1BB80] =	vst v63  }
0x2bb: {  	s17 =	sadd.s32 @!p5 $0x700, s17;
	s9 =	sadd.s32 @!p5 $0x700, s23;
	_ =	swait.ge @p5 [sflag:s22], $0x4000  }
0x2bc: {  	s21 =	simm.s32 @!p5 $0x0;
	[sflag:s22] =	ssyncset.done @p5 $0x0  }
0x2bd: {  	[sflag:s22] =	ssyncadd.s32 @p5 $0xFFFFC000;
	s22 =	simm.s32 @!p5 $0x80  }
0x2be: {  	[tilespmem:s21], [sflag:$0x1] =	stream.linear.gather @!p5 [hbm4b:s20+s21], $0x80, $0x38;
	[tilespmem:$0x1BB80] =	vst v63  }
0x2bf: {  	s23 =	simm.s32 @!p5 $0x4300;
	s20 =	simm.s32 @!p5 $0x200  }
0x2c0: {  	[tilespmem:s22], [sflag:$0x1] =	stream.linear.gather @!p5 [hbm4b:s29+s21], $0x80, $0x38;
	[tilespmem:$0x1BB80] =	vst v63  }
0x2c1: {  	s24 =	simm.s32 @!p5 $0x4  }
0x2c2: {  	[tilespmem:s23], [sflag:$0x5] =	stream.indirect.gather @!p5 [hbm4b:s5+s22], $0x80, s20, s22, $0xb8;
	[tilespmem:$0x1BB80] =	vst v63  }
0x2c3: {  	_ =	swait.ge @!p5 [sflag:s24], $0x4000  }
0x2c4: {  	s20 =	simm.s32 @!p5 $0x180;
	s23 =	simm.s32 @!p5 $0x300;
	[sflag:s24] =	ssyncset.done @!p5 $0x0  }
0x2c5: {  	[sflag:s24] =	ssyncadd.s32 @!p5 $0xFFFFC000;
	s24 =	simm.s32 @!p5 $0x1  }
0x2c6: {  	[spmem:s2] =	stream.indirect.scatter.add.f32 @!p5 [tilespmem:s23], [sflag:$0x6], $0x80, s20, s22, $0xb8;
	[tilespmem:$0x1BB80] =	vst v63  }
0x2c7: {  	_ =	swait.ge @!p5 [sflag:s24], $0x80  }
0x2c8: {  	[sflag:s24] =	ssyncset.done @!p5 $0x0  }
0x2c9: {  	[sflag:s24] =	ssyncadd.s32 @!p5 $0xFFFFFF80  }
0x2ca: {  	_ =	swait.ge @!p5 [sflag:s24], $0x80  }
0x2cb: {  	s29 =	simm.s32 @!p5 $0x6;
	[sflag:s24] =	ssyncset.done @!p5 $0x0  }
0x2cc: {  	[sflag:s24] =	ssyncadd.s32 @!p5 $0xFFFFFF80  }
0x2cd: {  	_ =	swait.ge @!p5 [sflag:s29], $0x4000  }
0x2ce: {  	s24 =	simm.s32 @!p5 $0x100;
	[sflag:s29] =	ssyncset.done @!p5 $0x0  }
0x2cf: {  	[sflag:s29] =	ssyncadd.s32 @!p5 $0xFFFFC000  }
0x2d0: {  	[tilespmem:s24], [sflag:$0x2] =	stream.linear.gather @!p5 [hbm4b:s9+s21], $0x80, $0x38;
	[tilespmem:$0x1BB80] =	vst v63  }
0x2d1: {  	_ = 	snop  }
0x2d2: {  	[tilespmem:s20], [sflag:$0x2] =	stream.linear.gather @!p5 [hbm4b:s17+s21], $0x80, $0x38;
	[tilespmem:$0x1BB80] =	vst v63  }
.Ltmp6:
0x2d3: {  	_ = 	snop;
	(pc) =	sbr.rel @p4 .LBB2_3-.Ltmp6, $4  }
0x2d4: {  	_ = 	snop  }
0x2d5: {  	[tilespmem:s23], [sflag:$0x4] =	stream.indirect.gather @!p5 [hbm4b:s5+s22], $0x80, s21, s22, $0xb8;
	[tilespmem:$0x1BB80] =	vst v63  }
0x2d6: {  	_ =	swait.ge [sflag:s7], $0x4000  }
0x2d7: {  	[sflag:s7] =	ssyncset.done $0x0  }
0x2d8: {  	[sflag:s7] =	ssyncadd.s32 $0xFFFFC000  }
0x2d9: {  	[spmem:s2] =	stream.indirect.scatter.add.f32 [tilespmem:s26], [sflag:$0x7], $0x80, s25, s3, $0xb8;
	[tilespmem:$0x1BB80] =	vst v63  }
0x2da: {  	_ =	swait.ge [sflag:s14], $0x4000  }
0x2db: {  	[sflag:s14] =	ssyncset.done $0x0  }
0x2dc: {  	s9 =	simm.s32 @!p2 $0x0;
	s16 =	rddreg [dreg:$0xc];
	[sflag:s14] =	ssyncadd.s32 $0xFFFFC000  }
0x2dd: {  	[tilespmem:s9], [sflag:$0x8] =	stream.linear.gather @!p2 [hbm4b:s16+s9], $0x80, $0x38;
	[tilespmem:$0x1BB80] =	vst v63  }
0x2de: {  	s16 =	simm.s32 @!p2 $0x8  }
0x2df: {  	_ =	swait.ge @!p2 [sflag:s16], $0x80  }
0x2e0: {  	[sflag:s16] =	ssyncset.done @!p2 $0x0  }
0x2e1: {  	s17 =	simm.s32 @!p2 $0x80;
	s20 =	rddreg [dreg:$0xd];
	[sflag:s16] =	ssyncadd.s32 @!p2 $0xFFFFFF80  }
0x2e2: {  	[tilespmem:s17], [sflag:$0x8] =	stream.linear.gather @!p2 [hbm4b:s20+s9], $0x80, $0x38;
	[tilespmem:$0x1BB80] =	vst v63  }
0x2e3: {  	_ =	swait.ge @!p2 [sflag:s16], $0x80  }
0x2e4: {  	[sflag:s16] =	ssyncset.done @!p2 $0x0  }
0x2e5: {  	[sflag:s16] =	ssyncadd.s32 @!p2 $0xFFFFFF80;
	s16 =	simm.s32 @!p2 $0x300  }
0x2e6: {  	[tilespmem:s16], [sflag:$0x4] =	stream.indirect.gather @!p2 [hbm4b:s5+s17], $0x80, s9, s17, $0xb8;
	[tilespmem:$0x1BB80] =	vst v63  }
0x2e7: {  	s9 =	simm.s32 @!p2 $0x4  }
0x2e8: {  	_ =	swait.ge @!p2 [sflag:s9], $0x4000  }
0x2e9: {  	[sflag:s9] =	ssyncset.done @!p2 $0x0  }
0x2ea: {  	[sflag:s9] =	ssyncadd.s32 @!p2 $0xFFFFC000;
	s9 =	simm.s32 @!p2 $0x6  }
0x2eb: {  	[spmem:s2] =	stream.indirect.scatter.add.f32 @!p2 [tilespmem:s16], [sflag:$0x6], $0x80, s17, s17, $0xb8;
	[tilespmem:$0x1BB80] =	vst v63  }
0x2ec: {  	_ =	swait.ge @!p2 [sflag:s9], $0x4000  }
0x2ed: {  	[sflag:s9] =	ssyncset.done @!p2 $0x0  }
0x2ee: {  	[sflag:s9] =	ssyncadd.s32 @!p2 $0xFFFFC000  }
0x2ef: {  	[bflag:$0x0] =	sbarrier.arrive $0xFFFF  }
0x2f0: {  	s21 =	rddreg [dreg:$0x11]  }
0x2f1: {  	[tilespmem:s31], [sflag:$0x8] =	stream.linear.gather [spmem:s21], $0x4000, $0x38;
	[tilespmem:$0x1BB80] =	vst v63  }
0x2f2: {  	_ =	swait.ge [sflag:s0], $0x4000  }
0x2f3: {  	[sflag:s0] =	ssyncset.done $0x0  }
0x2f4: {  	s29 =	rddreg [dreg:$0x18];
	[sflag:s0] =	ssyncadd.s32 $0xFFFFC000  }
0x2f5: {  	[hbm4b:s29+s4] =	stream.linear.scatter [tilespmem:s31], [sflag:$0x8], $0x4000, $0x38;
	[tilespmem:$0x1BB80] =	vst v63  }
0x2f6: {  	_ =	swait.ge [sflag:s0], $0x4000  }
0x2f7: {  	[sflag:s0] =	ssyncset.done $0x0  }
0x2f8: {  	s22 =	rddreg [dreg:$0x12];
	[sflag:s0] =	ssyncadd.s32 $0xFFFFC000  }
0x2f9: {  	[tilespmem:s31], [sflag:$0x8] =	stream.linear.gather [spmem:s22], $0x4000, $0x38;
	[tilespmem:$0x1BB80] =	vst v63  }
0x2fa: {  	_ =	swait.ge [sflag:s0], $0x4000  }
0x2fb: {  	[sflag:s0] =	ssyncset.done $0x0  }
0x2fc: {  	s16 =	rddreg [dreg:$0x1c];
	[sflag:s0] =	ssyncadd.s32 $0xFFFFC000  }
0x2fd: {  	[hbm4b:s16+s4] =	stream.linear.scatter [tilespmem:s31], [sflag:$0x8], $0x4000, $0x38;
	[tilespmem:$0x1BB80] =	vst v63  }
0x2fe: {  	_ =	swait.ge [sflag:s0], $0x4000  }
0x2ff: {  	[sflag:s0] =	ssyncset.done $0x0  }
0x300: {  	s23 =	rddreg [dreg:$0x13];
	[sflag:s0] =	ssyncadd.s32 $0xFFFFC000  }
0x301: {  	[tilespmem:s31], [sflag:$0x8] =	stream.linear.gather [spmem:s23], $0x4000, $0x38;
	[tilespmem:$0x1BB80] =	vst v63  }
0x302: {  	_ =	swait.ge [sflag:s0], $0x4000  }
0x303: {  	s17 =	sld [smem:$0x7F7]  }
0x304: {  	[sflag:s0] =	ssyncset.done $0x0  }
0x305: {  	[sflag:s0] =	ssyncadd.s32 $0xFFFFC000  }
0x306: {  	[hbm4b:s17+s4] =	stream.linear.scatter [tilespmem:s31], [sflag:$0x8], $0x4000, $0x38;
	[tilespmem:$0x1BB80] =	vst v63  }
0x307: {  	_ =	swait.ge [sflag:s0], $0x4000  }
0x308: {  	[sflag:s0] =	ssyncset.done $0x0  }
0x309: {  	s24 =	rddreg [dreg:$0x14];
	[sflag:s0] =	ssyncadd.s32 $0xFFFFC000  }
0x30a: {  	[tilespmem:s31], [sflag:$0x8] =	stream.linear.gather [spmem:s24], $0x4000, $0x38;
	[tilespmem:$0x1BB80] =	vst v63  }
0x30b: {  	_ =	swait.ge [sflag:s0], $0x4000  }
0x30c: {  	s20 =	sld [smem:$0x7FB]  }
0x30d: {  	[sflag:s0] =	ssyncset.done $0x0  }
0x30e: {  	[sflag:s0] =	ssyncadd.s32 $0xFFFFC000  }
0x30f: {  	[hbm4b:s20+s4] =	stream.linear.scatter [tilespmem:s31], [sflag:$0x8], $0x4000, $0x38;
	[tilespmem:$0x1BB80] =	vst v63  }
0x310: {  	_ =	swait.ge [sflag:s0], $0x4000  }
0x311: {  	[sflag:s0] =	ssyncset.done $0x0  }
0x312: {  	s20 =	rddreg [dreg:$0x7];
	[sflag:s0] =	ssyncadd.s32 $0xFFFFC000  }
0x313: {  	[tilespmem:s31], [sflag:$0x8] =	stream.linear.gather [spmem:s20], $0x3800, $0x38;
	[tilespmem:$0x1BB80] =	vst v63  }
0x314: {  	_ =	swait.ge [sflag:s0], $0x3800  }
0x315: {  	[sflag:s0] =	ssyncset.done $0x0  }
0x316: {  	s29 =	rddreg [dreg:$0xf];
	[sflag:s0] =	ssyncadd.s32 $0xFFFFC800  }
0x317: {  	[hbm4b:s29+s4] =	stream.linear.scatter [tilespmem:s31], [sflag:$0x8], $0x3800, $0x38;
	[tilespmem:$0x1BB80] =	vst v63  }
.Ltmp7:
0x318: {  	_ = 	snop;
	(pc) =	sbr.rel @p3 .LBB2_8-.Ltmp7, $4  }
.Ltmp8:
0x319: {  	_ = 	snop;
	(pc) =	sbr.rel @!p3 .LBB2_9-.Ltmp8, $4  }
0x31a: {  	_ =	swait.ge [sflag:s0], $0x3800  }
0x31b: {  	[sflag:s0] =	ssyncset.done $0x0  }
0x31c: {  	s16 =	rddreg [dreg:$0x5];
	[sflag:s0] =	ssyncadd.s32 $0xFFFFC800  }
0x31d: {  	_ = 	snop  }
.LBB2_10:
0x31e: {  	_ =	sfence.sel $0x180000  }
0x31f: {  	[bflag:$0x0] =	sbarrier.arrive $0xFFFF  }
0x320: {  	_ =	strace $0x9000004A  }
0x321: {  	s0 =	stileid.u32;
	[bflag:$0x2] =	sbarrier.arrive $0xFFFF  }
0x322: {  	p0 =	sne.s32 s0, $0x0;
	s0 =	rddreg [dreg:$0x3]  }
0x323: {  	s0 =	sadd.s32 @!p0 $0x100000, s0  }
0x324: {  	[sflag:s0] =	ssyncadd.tile.s32 @!p0 $0x1;
	_ =	shalt  }
.Lfunc_end2:
_tile_overlayer_lowered:
.L_overlay_start_2:
0x325: {  	(tag) =	ssettag $0x2  }
0x326: {  	s0 =	rddreg [dreg:$0x0];
	s2 =	stileid.u32  }
0x327: {  	s1 =	rddreg [dreg:$0x1];
	p0 =	sne.s32 s2, $0x0  }
0x328: {  	s3 =	rddreg [dreg:$0x2];
	[bflag:$0x3] =	sbarrier.arrive $0xFFFF;
	s2 =	simm.s32 @!p0 $0x1C08  }
0x329: {  	[timem:s3], [sflag:s2] =	dma.local @!p0 [hbm:s0], s1  }
0x32a: {  	s0 =	simm.s32 @!p0 $0x8  }
0x32b: {  	_ =	swait.ge @!p0 [sflag:s0], s1  }
0x32c: {  	s1 =	ssub.s32 @!p0 $0x0, s1;
	[sflag:s0] =	ssyncset.done @!p0 $0x0  }
0x32d: {  	[sflag:s0] =	ssyncadd.s32 @!p0 s1  }
0x32e: {  	[bflag:$0x3] =	sbarrier.arrive $0xFFFF  }
0x32f: {  	_ =	shalt  }

// kernel: kernel.14.cloned.1.call-start
scs
__scs_entry_jumppad:
0x0: {  	(pc) =	sbr.rel $0x88, $3  }
0x1: {  	(tag) =	ssettag $0x0;
	lr =	simm.s32 $0x1  }
0x2: {  	[smem:$0x3F99] =	sst lr;
	_ =	strace $0xD0000000  }
0x3: {  	_ = 	snop  }
0x4: {  	_ = 	snop  }
0x5: {  	_ = 	snop  }
0x6: {  	_ = 	snop  }
0x7: {  	_ = 	snop  }
__scs_overlays_trampoline_lowered:
0x8: {  	[smem:$0x3FA8] =	sst s0  }
0x9: {  	[smem:$0x3FA9] =	sst s1  }
0xa: {  	[smem:$0x3FAA] =	sst s2  }
0xb: {  	[smem:$0x3FAB] =	sst s3  }
0xc: {  	[smem:$0x3FAC] =	sst s4  }
0xd: {  	[smem:$0x3FAD] =	sst s5  }
0xe: {  	[smem:$0x3FAE] =	sst s6  }
0xf: {  	[smem:$0x3FAF] =	sst s7  }
0x10: {  	[smem:$0x3FB0] =	sst s8  }
0x11: {  	[smem:$0x3FB1] =	sst s9;
	s0 =	simm.s32 @!p0 $0x0  }
0x12: {  	s1 =	sld [smem:$0x3F97];
	s0 =	simm.s32 @p0 $0x1  }
0x13: {  	[smem:$0x3FB2] =	sst s0;
	s0 =	simm.s32 @!p1 $0x0  }
0x14: {  	s2 =	sld [smem:$0x3F96];
	s0 =	simm.s32 @p1 $0x1  }
0x15: {  	[smem:$0x3FB3] =	sst s0;
	s0 =	simm.s32 @!p2 $0x0  }
0x16: {  	s3 =	sld [smem:$0x3FDB];
	s0 =	simm.s32 @p2 $0x1  }
0x17: {  	s4 =	simm.s32 $0x1BF5;
	[smem:$0x3FB5] =	sst s0  }
0x18: {  	s0 =	sld [smem:$0x3F98];
	_ =	swait.ge [sflag:s4], $0x0  }
0x19: {  	s7 =	sld [smem:$0x3F99]  }
0x1a: {  	s8 =	sadd.s32 $0xFFFFE003, lr  }
0x1b: {  	s9 =	sadd.s32 $0xFFFFFEF7, lr;
	s5 =	simm.s32 $0xFFFFFFFF;
	p2 =	slt.u32 s8, $0xFFFFF086  }
0x1c: {  	p1 =	slt.u32 s9, $0xF7A;
	s5 =	simm.s32 @!p2 $0x0  }
0x1d: {  	s5 =	simm.s32 @p1 $0x1;
	p0 =	seq.s32 s7, s2  }
0x1e: {  	s7 =	smul.u32 @!p0 $0xF7A, s2;
	p2 =	seq.s32 @!p0 s5, $0x0  }
0x1f: {  	s9 =	smul.u32 $0xF7A, s1;
	s8 =	simm.s32 @!p0 $0x1BF5;
	p2 =	por !p2, p0  }
0x20: {  	[sflag:s8] =	ssyncset.s32 @!p0 $0xFFFFF086;
	s6 =	sadd.s32 @!p0 s3, s7;
	s7 =	simm.s32 @!p0 $0x108  }
0x21: {  	s3 =	sadd.s32 s3, s9;
	s6 =	sadd.s32 @!p0 $0x88, s6;
	s7 =	simm.s32 @p2 $0x1082  }
0x22: {  	[simem:s7], [sflag:s8] =	dma.local @!p0 [hbm:s6], $0xF7A  }
0x23: {  	s9 =	sor.u32 $0xD0000000, s2;
	s6 =	simm.s32 $0x108;
	_ =	swait.ge @!p0 [sflag:s8], $0x0  }
0x24: {  	s3 =	sadd.s32 $0x88, s3;
	s6 =	simm.s32 @!p1 $0x1082;
	[sflag:s4] =	ssyncset.s32 $0xFFFFF086  }
0x25: {  	[simem:s6], [sflag:s4] =	dma.local [hbm:s3], $0xF7A  }
0x26: {  	[smem:$0x3F99] =	sst s1;
	(tag) =	ssettag s2;
	_ =	strace s9  }
0x27: {  	s1 =	sld [smem:$0x3FA9]  }
0x28: {  	s2 =	sld [smem:$0x3FAA]  }
0x29: {  	s4 =	sld [smem:$0x3FAC]  }
0x2a: {  	p0 =	seq.s32 s5, $0x0;
	s5 =	sld [smem:$0x3FAD]  }
0x2b: {  	s6 =	sld [smem:$0x3FAE]  }
0x2c: {  	s7 =	sld [smem:$0x3FAF]  }
0x2d: {  	s3 =	simm.s32 $0x108;
	s8 =	sld [smem:$0x3FB0]  }
0x2e: {  	s3 =	simm.s32 @!p0 $0x1082;
	s9 =	sld [smem:$0x3FB1]  }
0x2f: {  	lr =	sadd.s32 s0, s3;
	s0 =	sld [smem:$0x3FA8]  }
0x30: {  	s3 =	sld [smem:$0x3FAB]  }
0x31: {  	[smem:$0x3FB4] =	sst s10  }
0x32: {  	s10 =	sld [smem:$0x3FB2];
	_ =	sdelay $0x3  }
0x33: {  	p0 =	seq.s32 s10, $0x1;
	s10 =	sld [smem:$0x3FB4];
	_ =	sdelay $0x3  }
0x34: {  	[smem:$0x3FB4] =	sst s10  }
0x35: {  	s10 =	sld [smem:$0x3FB3];
	_ =	sdelay $0x3  }
0x36: {  	p1 =	seq.s32 s10, $0x1;
	s10 =	sld [smem:$0x3FB4];
	_ =	sdelay $0x3  }
0x37: {  	[smem:$0x3FB4] =	sst s10  }
0x38: {  	s10 =	sld [smem:$0x3FB5]  }
0x39: {  	_ = 	snop;
	(pc) =	sbr.ind lr, $3  }
0x3a: {  	_ = 	snop  }
0x3b: {  	_ = 	snop  }
0x3c: {  	p2 =	seq.s32 s10, $0x1;
	s10 =	sld [smem:$0x3FB4]  }
0x3d: {  	_ =	shalt  }
0x3e: {  	_ =	shalt  }
0x3f: {  	_ =	shalt  }
0x40: {  	_ =	shalt  }
0x41: {  	_ =	shalt  }
0x42: {  	_ =	shalt  }
0x43: {  	_ =	shalt  }
0x44: {  	_ =	shalt  }
0x45: {  	_ =	shalt  }
0x46: {  	_ =	shalt  }
0x47: {  	_ =	shalt  }
0x48: {  	_ =	shalt  }
0x49: {  	_ =	shalt  }
0x4a: {  	_ =	shalt  }
0x4b: {  	_ =	shalt  }
0x4c: {  	_ =	shalt  }
0x4d: {  	_ =	shalt  }
0x4e: {  	_ =	shalt  }
0x4f: {  	_ =	shalt  }
0x50: {  	_ =	shalt  }
0x51: {  	_ =	shalt  }
0x52: {  	_ =	shalt  }
0x53: {  	_ =	shalt  }
0x54: {  	_ =	shalt  }
0x55: {  	_ =	shalt  }
0x56: {  	_ =	shalt  }
0x57: {  	_ =	shalt  }
0x58: {  	_ =	shalt  }
0x59: {  	_ =	shalt  }
0x5a: {  	_ =	shalt  }
0x5b: {  	_ =	shalt  }
0x5c: {  	_ =	shalt  }
0x5d: {  	_ =	shalt  }
0x5e: {  	_ =	shalt  }
0x5f: {  	_ =	shalt  }
0x60: {  	_ =	shalt  }
0x61: {  	_ =	shalt  }
0x62: {  	_ =	shalt  }
0x63: {  	_ =	shalt  }
0x64: {  	_ =	shalt  }
0x65: {  	_ =	shalt  }
0x66: {  	_ =	shalt  }
0x67: {  	_ =	shalt  }
0x68: {  	_ =	shalt  }
0x69: {  	_ =	shalt  }
0x6a: {  	_ =	shalt  }
0x6b: {  	_ =	shalt  }
0x6c: {  	_ =	shalt  }
0x6d: {  	_ =	shalt  }
0x6e: {  	_ =	shalt  }
0x6f: {  	_ =	shalt  }
0x70: {  	_ =	shalt  }
0x71: {  	_ =	shalt  }
0x72: {  	_ =	shalt  }
0x73: {  	_ =	shalt  }
0x74: {  	_ =	shalt  }
0x75: {  	_ =	shalt  }
0x76: {  	_ =	shalt  }
0x77: {  	_ =	shalt  }
0x78: {  	_ =	shalt  }
0x79: {  	_ =	shalt  }
0x7a: {  	_ =	shalt  }
0x7b: {  	_ =	shalt  }
0x7c: {  	_ =	shalt  }
0x7d: {  	_ =	shalt  }
0x7e: {  	_ =	shalt  }
0x7f: {  	_ =	shalt  }
0x80: {  	_ =	shalt  }
0x81: {  	_ =	shalt  }
0x82: {  	_ =	shalt  }
0x83: {  	_ =	shalt  }
0x84: {  	_ =	shalt  }
0x85: {  	_ =	shalt  }
0x86: {  	_ =	shalt  }
0x87: {  	_ =	shalt  }
.Lfunc_end0:
.L_simem_size_0:
called_computation.2_lowered:
.L_overlay_start_0:
0x88: {  	s2 =	sld [smem:$0x3FD9]  }
0x89: {  	s3 =	sld [smem:$0x3FFE];
	_ =	sdelay $0x1  }
0x8a: {  	s1 =	srdreg.scid  }
0x8b: {  	s0 =	sand.u32 $0x1, s1  }
0x8c: {  	s17 =	sshll.u32 s0, $0xA;
	s2 =	sadd.s32 s3, s2  }
0x8d: {  	s2 =	sadd.s32 s2, s17  }
0x8e: {  	[smem:$0x3FC0] =	sst s2  }
0x8f: {  	_ = 	snop  }
0x90: {  	s2 =	sld [smem:$0x3FD0];
	(tm) =	ssettm $0x1  }
0x91: {  	s18 =	sld [smem:$0x3FFB];
	_ =	sdelay $0x3  }
0x92: {  	_ =	strace s18  }
0x93: {  	s3 =	sld [smem:$0x3FFC];
	_ =	sdelay $0x3  }
0x94: {  	_ =	strace s3  }
0x95: {  	s3 =	sld [smem:$0x3FFD];
	_ =	sdelay $0x3  }
0x96: {  	_ =	strace s3  }
0x97: {  	_ =	strace $0x8FFFFFFF  }
0x98: {  	s19 =	sld [smem:$0x3FDB];
	_ =	sdelay $0x1  }
0x99: {  	s4 =	simm.s32 $_scs_section_size  }
0x9a: {  	s5 =	simm.s32 $_size__tile_overlayer_lowered;
	s6 =	simm.s32 $_tile_overlayer_lowered  }
0x9b: {  	s22 =	simm.s32 $0x1BFF;
	s21 =	sshll.u32 s6, $0x1;
	s3 =	sadd.s32 s4, s19  }
0x9c: {  	s7 =	simm.s32 $0x0;
	s20 =	sshll.u32 s5, $0x1;
	s5 =	sadd.s32 s21, s3  }
0x9d: {  	[timem:s7], [sflag:s22] =	dma.local [hbm:s5], s20  }
0x9e: {  	_ =	swait.ge [sflag:s22], s20  }
0x9f: {  	s4 =	ssub.s32 $0x0, s20;
	[sflag:s22] =	ssyncset.done $0x0  }
0xa0: {  	[sflag:s22] =	ssyncadd.s32 s4;
	_ =	sdelay $0x1  }
0xa1: {  	s23 =	simm.s32 $0x1B8B  }
0xa2: {  	_ =	swait.ge [sflag:s23], $0x1  }
0xa3: {  	[sflag:s23] =	ssyncset.done $0x0  }
0xa4: {  	s25 =	simm.s32 $0x1B8E;
	s24 =	sld [smem:$0x3FFE];
	[sflag:s23] =	ssyncadd.s32 $0xFFFFFFFF  }
0xa5: {  	s26 =	simm.s32 $execute0_lowered;
	[smem:$0x3FD2] =	sst s25  }
0xa6: {  	s5 =	sshll.u32 s26, $0x1;
	_ =	strace $0x8000004C;
	[dreg:$0x1] =	wrdreg $0xFFFFFFFF  }
0xa7: {  	s28 =	simm.s32 $_size_execute0_lowered;
	s3 =	sadd.s32 s3, s5;
	[dreg:$0x0] =	wrdreg $0x0  }
0xa8: {  	s5 =	sshll.u32 s28, $0x1;
	[dreg:$0x2] =	wrdreg s3  }
0xa9: {  	[dreg:$0x3] =	wrdreg s5  }
0xaa: {  	[dreg:$0x4] =	wrdreg $0xC0  }
0xab: {  	_ =	task [dreg:s7], $0x5FFFF  }
0xac: {  	[dreg:$0x1] =	wrdreg $0xFFFFFFFF  }
0xad: {  	[dreg:$0x0] =	wrdreg $0x60  }
0xae: {  	[dreg:$0x2] =	wrdreg s2  }
0xaf: {  	[dreg:$0x3] =	wrdreg s24  }
0xb0: {  	[dreg:$0x4] =	wrdreg $0x83000  }
0xb1: {  	[dreg:$0x5] =	wrdreg $0x9  }
0xb2: {  	_ =	task.clear_ibuf [dreg:s7], $0x6FFFF;
	_ =	strace $0x9000004C  }
0xb3: {  	s29 =	simm.s32 $0x9;
	_ =	strace $0x8000004E  }
0xb4: {  	_ =	swait.ge [sflag:s29], $0x1  }
0xb5: {  	[sflag:s29] =	ssyncadd.s32 $0xFFFFFFFF  }
0xb6: {  	_ =	strace $0x9000004E  }
0xb7: {  	_ =	sfence  }
0xb8: {  	s30 =	sld [smem:$0x0];
	_ =	sdelay $0x2  }
0xb9: {  	s31 =	sshll.u32 s1, $0xD;
	s1 =	sshrl.u32 s1, $0x2  }
0xba: {  	s3 =	sand.u32 $0x4000, s31;
	s1 =	sadd.s32 s1, s30  }
0xbb: {  	s0 =	sor.u32 s3, s0;
	s1 =	sshll.u32 s1, $0x11  }
0xbc: {  	s0 =	sor.u32 s1, s0  }
0xbd: {  	s0 =	sadd.s32 $0x8F2B, s0  }
0xbe: {  	[sflag:s0] =	ssyncadd.remote.s32 $0x1  }
0xbf: {  	_ =	sfence.sel $0xFFFF  }
0xc0: {  	[dreg:$0x0] =	wrdreg $0xFFFFFFFF;
	(pc) =	sbr.abs _section_cstart, $3  }
0xc1: {  	[dreg:$0x1] =	wrdreg $0xFFFFFFFF  }
0xc2: {  	_ =	task.clear_ibuf [dreg:s7], $0x2FFFF;
	_ =	strace $0x9FFFFFFF  }
0xc3: {  	(tm) =	ssettm $0x7FFFFFFF  }
tec
execute0_lowered:
.L_overlay_start_1:
0x0: {  	(tag) =	ssettag $0x1  }
0x1: {  	s1 =	rddreg [dreg:$0x0]  }
0x2: {  	s0 =	rddreg [dreg:$0x1]  }
0x3: {  	s2 =	rddreg [dreg:$0x2]  }
0x4: {  	s4 =	simm.s32 $0x0;
	s3 =	srdreg.scid;
	s12 =	stileid.u32  }
0x5: {  	s30 =	simm.s32 $0x300;
	[smem:$0x7FF] =	sst s4;
	s5 =	sadd.s32 $0x3000, s0  }
0x6: {  	s3 =	sand.u32 $0x1, s3;
	s6 =	smul.u32 $0x270, s12;
	s7 =	sadd.s32 $0xCE00, s0  }
0x7: {  	s13 =	sadd.s32 $0x16C00, s0;
	s14 =	sadd.s32 $0x3DE00, s0;
	s26 =	smul.u32 $0x4E000, s12  }
0x8: {  	s16 =	sshll.u32 s12, $0x4;
	p1 =	sne.s32 s12, $0xF;
	p2 =	sgt.u32 s12, $0x1  }
0x9: {  	p3 =	seq.s32 s12, $0xF;
	_ =	strace $0x8000004D;
	s9 =	smul.u32 $0x4E2, s3  }
0xa: {  	s8 =	ssub.s32 $0x2, s3;
	p0 =	seq.s32 s3, $0x1;
	s3 =	smul.u32 $0x4E20, s3  }
0xb: {  	[dreg:$0x4] =	wrdreg s13;
	s17 =	sshrl.u32 s8, $0x1;
	s18 =	sadd.s32 $0x200, s6  }
0xc: {  	[dreg:$0x5] =	wrdreg s14;
	s0 =	ssub.s32 s8, s17;
	s10 =	sshll.u32 s18, $0x4  }
0xd: {  	s9 =	sadd.s32 s12, s9;
	s8 =	sshll.u32 s18, $0x7;
	s11 =	sadd.s32 s1, s10  }
0xe: {  	s17 =	sadd.s32 $0x100, s6;
	s29 =	sadd.s32 s13, s10;
	[dreg:$0x6] =	wrdreg s11  }
0xf: {  	s9 =	sshll.u32 s9, $0x4;
	s31 =	sadd.s32 s14, s10;
	[dreg:$0xd] =	wrdreg s29  }
0x10: {  	s18 =	sadd.s32 s8, s2;
	s0 =	smax.u32 s0, $0x1;
	[dreg:$0xe] =	wrdreg s31  }
0x11: {  	s10 =	sshrl.u32 s26, $0x2;
	s19 =	sadd.s32 s5, s9;
	[dreg:$0xf] =	wrdreg s0  }
0x12: {  	s20 =	sadd.s32 s7, s9;
	s21 =	sadd.s32 $0x100, s9;
	[dreg:$0x10] =	wrdreg s18  }
0x13: {  	s9 =	sadd.s32 $0x4E00, s9;
	s11 =	sadd.s32 $0x80, s6;
	[dreg:$0x7] =	wrdreg s19  }
0x14: {  	s6 =	sadd.s32 $0x180, s6;
	[dreg:$0x8] =	wrdreg s20;
	s22 =	sadd.s32 s5, s21  }
0x15: {  	s23 =	sadd.s32 s7, s21;
	s24 =	sadd.s32 s5, s9;
	s25 =	sadd.s32 s7, s9  }
0x16: {  	s19 =	sadd.s32 s10, s2;
	s15 =	sshll.u32 s11, $0x4;
	[dreg:$0x9] =	wrdreg s22  }
0x17: {  	s9 =	sshll.u32 s11, $0x7;
	s7 =	sadd.s32 s3, s7;
	[dreg:$0xa] =	wrdreg s23  }
0x18: {  	s3 =	sadd.s32 s3, s5;
	s5 =	sshll.u32 s17, $0x7;
	[dreg:$0xb] =	wrdreg s24  }
0x19: {  	s29 =	sshll.u32 s6, $0x4;
	[dreg:$0xc] =	wrdreg s25;
	s22 =	sadd.s32 s9, s2  }
0x1a: {  	s20 =	sadd.s32 s16, s7;
	s21 =	sadd.s32 s16, s3;
	s10 =	sadd.s32 s1, s15  }
0x1b: {  	s23 =	sshll.u32 s17, $0x4;
	s11 =	sadd.s32 s13, s15;
	[dreg:$0x17] =	wrdreg s10  }
0x1c: {  	s24 =	smul.u32 $0x2700, s12;
	s0 =	sadd.s32 s14, s15;
	[dreg:$0x18] =	wrdreg s11  }
0x1d: {  	s25 =	sshll.u32 s6, $0x7;
	s26 =	sadd.s32 s5, s2;
	[dreg:$0x19] =	wrdreg s0  }
0x1e: {  	s3 =	simm.s32 $0x80;
	s5 =	simm.s32 $0x1;
	[dreg:$0x11] =	wrdreg s22  }
0x1f: {  	s6 =	simm.s32 $0x2;
	s15 =	sadd.s32 s1, s23;
	[dreg:$0x12] =	wrdreg s26  }
0x20: {  	s7 =	simm.s32 $0x200;
	s16 =	sadd.s32 s13, s23;
	[dreg:$0x1a] =	wrdreg s15  }
0x21: {  	s12 =	simm.s32 $0x3;
	s17 =	sadd.s32 s14, s23;
	[dreg:$0x1b] =	wrdreg s16  }
0x22: {  	s28 =	sadd.s32 s25, s2;
	s23 =	sadd.s32 s1, s29;
	[dreg:$0x1c] =	wrdreg s17  }
0x23: {  	s25 =	sadd.s32 s14, s29;
	s0 =	simm.s32 $0x8;
	[dreg:$0x1d] =	wrdreg s23  }
0x24: {  	s10 =	simm.s32 $0x4300;
	s11 =	simm.s32 $0x4;
	[dreg:$0x1f] =	wrdreg s25  }
0x25: {  	s31 =	sadd.s32 s1, s24;
	s8 =	sadd.s32 s13, s24;
	[dreg:$0x13] =	wrdreg s28  }
0x26: {  	s9 =	sadd.s32 s14, s24;
	s24 =	sadd.s32 s13, s29;
	[dreg:$0x14] =	wrdreg s31  }
.Ltmp0:
0x27: {  	s29 =	sadd.s32 $0x27000, s1;
	[dreg:$0x15] =	wrdreg s8;
	(pc) =	sbr.rel .LBB2_1-.Ltmp0, $4  }
0x28: {  	s16 =	simm.s32 $0x100;
	s25 =	simm.s32 $0x180;
	[dreg:$0x16] =	wrdreg s9  }
0x29: {  	s13 =	simm.s32 $0x6;
	s14 =	simm.s32 $0x5;
	[dreg:$0x1e] =	wrdreg s24  }
0x2a: {  	s17 =	simm.s32 $0x7;
	[smem:$0x7FC] =	sst s29;
	s31 =	sadd.s32 $0x138000, s2  }
0x2b: {  	s9 =	simm.s32 $0x280;
	s24 =	simm.s32 $0x0;
	[smem:$0x7FD] =	sst s31  }
.LBB2_6:
0x2c: {  	s8 =	sld [smem:$0x7FD];
	_ =	sdelay $0x2  }
0x2d: {  	[tilespmem:s30], [sflag:$0x8] =	stream.linear.gather [spmem:s8], $0x800, $0x38;
	[tilespmem:$0x1BB80] =	vst v63  }
0x2e: {  	_ =	swait.ge [sflag:s0], $0x800  }
0x2f: {  	[sflag:s0] =	ssyncset.done $0x0  }
0x30: {  	s31 =	sadd.s32 $0x27000, s15;
	[sflag:s0] =	ssyncadd.s32 $0xFFFFF800  }
0x31: {  	[hbm4b:s31+s4] =	stream.linear.scatter [tilespmem:s30], [sflag:$0x8], $0x800, $0x38;
	[tilespmem:$0x1BB80] =	vst v63  }
0x32: {  	_ =	swait.ge [sflag:s0], $0x800  }
0x33: {  	[sflag:s0] =	ssyncset.done $0x0  }
0x34: {  	[sflag:s0] =	ssyncadd.s32 $0xFFFFF800  }
.LBB2_7:
0x35: {  	s24 =	sadd.s32 $0x1, s24;
	s8 =	rddreg [dreg:$0xf]  }
0x36: {  	p4 =	sne.s32 s24, s8  }
.Ltmp1:
0x37: {  	_ = 	snop;
	(pc) =	sbr.rel @!p4 .LBB2_8-.Ltmp1, $1  }
0x38: {  	_ =	sdelay $0x3  }
.LBB2_1:
0x39: {  	s8 =	rddreg [dreg:$0x14]  }
0x3a: {  	[tilespmem:s30], [sflag:$0x8] =	stream.linear.gather [hbm4b:s8+s4], $0x4000, $0x38;
	[tilespmem:$0x1BB80] =	vst v63  }
0x3b: {  	_ =	swait.ge [sflag:s0], $0x4000  }
0x3c: {  	[sflag:s0] =	ssyncset.done $0x0  }
0x3d: {  	[sflag:s0] =	ssyncadd.s32 $0xFFFFC000  }
0x3e: {  	[spmem:s19] =	stream.linear.scatter [tilespmem:s30], [sflag:$0x8], $0x4000, $0x38;
	[tilespmem:$0x1BB80] =	vst v63  }
0x3f: {  	_ =	swait.ge [sflag:s0], $0x4000  }
0x40: {  	[sflag:s0] =	ssyncset.done $0x0  }
0x41: {  	s23 =	smov.u32 s19;
	s19 =	rddreg [dreg:$0x17];
	[sflag:s0] =	ssyncadd.s32 $0xFFFFC000  }
0x42: {  	[tilespmem:s30], [sflag:$0x8] =	stream.linear.gather [hbm4b:s19+s4], $0x4000, $0x38;
	[tilespmem:$0x1BB80] =	vst v63  }
0x43: {  	_ =	swait.ge [sflag:s0], $0x4000  }
0x44: {  	[sflag:s0] =	ssyncset.done $0x0  }
0x45: {  	[sflag:s0] =	ssyncadd.s32 $0xFFFFC000  }
0x46: {  	[spmem:s22] =	stream.linear.scatter [tilespmem:s30], [sflag:$0x8], $0x4000, $0x38;
	[tilespmem:$0x1BB80] =	vst v63  }
0x47: {  	_ =	swait.ge [sflag:s0], $0x4000  }
0x48: {  	[sflag:s0] =	ssyncset.done $0x0  }
0x49: {  	s29 =	rddreg [dreg:$0x1a];
	[sflag:s0] =	ssyncadd.s32 $0xFFFFC000  }
0x4a: {  	[tilespmem:s30], [sflag:$0x8] =	stream.linear.gather [hbm4b:s29+s4], $0x4000, $0x38;
	[tilespmem:$0x1BB80] =	vst v63  }
0x4b: {  	_ =	swait.ge [sflag:s0], $0x4000  }
0x4c: {  	[sflag:s0] =	ssyncset.done $0x0  }
0x4d: {  	[sflag:s0] =	ssyncadd.s32 $0xFFFFC000  }
0x4e: {  	[spmem:s26] =	stream.linear.scatter [tilespmem:s30], [sflag:$0x8], $0x4000, $0x38;
	[tilespmem:$0x1BB80] =	vst v63  }
0x4f: {  	_ =	swait.ge [sflag:s0], $0x4000  }
0x50: {  	[sflag:s0] =	ssyncset.done $0x0  }
0x51: {  	s31 =	rddreg [dreg:$0x1d];
	[sflag:s0] =	ssyncadd.s32 $0xFFFFC000  }
0x52: {  	[tilespmem:s30], [sflag:$0x8] =	stream.linear.gather [hbm4b:s31+s4], $0x4000, $0x38;
	[tilespmem:$0x1BB80] =	vst v63  }
0x53: {  	_ =	swait.ge [sflag:s0], $0x4000  }
0x54: {  	[sflag:s0] =	ssyncset.done $0x0  }
0x55: {  	[sflag:s0] =	ssyncadd.s32 $0xFFFFC000  }
0x56: {  	[spmem:s28] =	stream.linear.scatter [tilespmem:s30], [sflag:$0x8], $0x4000, $0x38;
	[tilespmem:$0x1BB80] =	vst v63  }
0x57: {  	_ =	swait.ge [sflag:s0], $0x4000  }
0x58: {  	[sflag:s0] =	ssyncset.done $0x0  }
0x59: {  	s15 =	rddreg [dreg:$0x6];
	[sflag:s0] =	ssyncadd.s32 $0xFFFFC000  }
0x5a: {  	[tilespmem:s30], [sflag:$0x8] =	stream.linear.gather [hbm4b:s15+s4], $0x3800, $0x38;
	[tilespmem:$0x1BB80] =	vst v63  }
0x5b: {  	_ =	swait.ge [sflag:s0], $0x3800  }
0x5c: {  	[sflag:s0] =	ssyncset.done $0x0  }
0x5d: {  	[sflag:s0] =	ssyncadd.s32 $0xFFFFC800  }
0x5e: {  	[spmem:s18] =	stream.linear.scatter [tilespmem:s30], [sflag:$0x8], $0x3800, $0x38;
	[tilespmem:$0x1BB80] =	vst v63  }
0x5f: {  	_ =	swait.ge [sflag:s0], $0x3800  }
0x60: {  	s8 =	sld [smem:$0x7FC]  }
0x61: {  	[sflag:s0] =	ssyncset.done $0x0  }
0x62: {  	s26 =	simm.s32 @!p1 $0x300;
	s15 =	simm.s32 @!p1 $0x0;
	[sflag:s0] =	ssyncadd.s32 $0xFFFFC800  }
0x63: {  	[tilespmem:s26], [sflag:$0x8] =	stream.linear.gather @!p1 [hbm4b:s8+s15], $0x800, $0x38;
	[tilespmem:$0x1BB80] =	vst v63  }
0x64: {  	s15 =	simm.s32 @!p1 $0x8  }
0x65: {  	_ =	swait.ge @!p1 [sflag:s15], $0x800  }
0x66: {  	s8 =	sld [smem:$0x7FD]  }
0x67: {  	[sflag:s15] =	ssyncset.done @!p1 $0x0  }
0x68: {  	[sflag:s15] =	ssyncadd.s32 @!p1 $0xFFFFF800  }
0x69: {  	[spmem:s8] =	stream.linear.scatter @!p1 [tilespmem:s26], [sflag:$0x8], $0x800, $0x38;
	[tilespmem:$0x1BB80] =	vst v63  }
0x6a: {  	_ =	swait.ge @!p1 [sflag:s15], $0x800  }
0x6b: {  	[sflag:s15] =	ssyncset.done @!p1 $0x0  }
0x6c: {  	[sflag:s15] =	ssyncadd.s32 @!p1 $0xFFFFF800  }
0x6d: {  	[bflag:$0x0] =	sbarrier.arrive $0xFFFF  }
0x6e: {  	s18 =	rddreg [dreg:$0x7]  }
0x6f: {  	[tilespmem:s4], [sflag:$0x1] =	stream.linear.gather [hbm4b:s18+s4], $0x80, $0x38;
	[tilespmem:$0x1BB80] =	vst v63  }
0x70: {  	s19 =	rddreg [dreg:$0x8]  }
0x71: {  	[tilespmem:s3], [sflag:$0x1] =	stream.linear.gather [hbm4b:s19+s4], $0x80, $0x38;
	[tilespmem:$0x1BB80] =	vst v63  }
0x72: {  	s22 =	rddreg [dreg:$0x9]  }
0x73: {  	[tilespmem:s16], [sflag:$0x2] =	stream.linear.gather [hbm4b:s22+s4], $0x80, $0x38;
	[tilespmem:$0x1BB80] =	vst v63  }
0x74: {  	s26 =	rddreg [dreg:$0xa]  }
0x75: {  	[tilespmem:s25], [sflag:$0x2] =	stream.linear.gather [hbm4b:s26+s4], $0x80, $0x38;
	[tilespmem:$0x1BB80] =	vst v63  }
0x76: {  	_ =	swait.ge [sflag:s5], $0x80  }
0x77: {  	[sflag:s5] =	ssyncset.done $0x0  }
0x78: {  	[sflag:s5] =	ssyncadd.s32 $0xFFFFFF80  }
0x79: {  	_ =	swait.ge [sflag:s5], $0x80  }
0x7a: {  	[sflag:s5] =	ssyncset.done $0x0  }
0x7b: {  	[sflag:s5] =	ssyncadd.s32 $0xFFFFFF80  }
0x7c: {  	[tilespmem:s30], [sflag:$0x4] =	stream.indirect.gather [hbm4b:s1+s3], $0x80, s4, s3, $0xb8;
	[tilespmem:$0x1BB80] =	vst v63  }
0x7d: {  	_ =	swait.ge [sflag:s6], $0x80  }
0x7e: {  	[sflag:s6] =	ssyncset.done $0x0  }
0x7f: {  	[sflag:s6] =	ssyncadd.s32 $0xFFFFFF80  }
0x80: {  	_ =	swait.ge [sflag:s6], $0x80  }
0x81: {  	p4 =	por $0x1, $0x1;
	[sflag:s6] =	ssyncset.done $0x0  }
0x82: {  	s15 =	simm.s32 @!p4 $0x7;
	[sflag:s6] =	ssyncadd.s32 $0xFFFFFF80  }
0x83: {  	_ =	swait.ge @!p4 [sflag:s15], $0x4000  }
0x84: {  	s26 =	sadd.s32 $0x0, s21;
	[sflag:s15] =	ssyncset.done @!p4 $0x0  }
0x85: {  	s28 =	sadd.s32 $0x0, s20;
	s29 =	sadd.s32 $0x200, s26;
	[sflag:s15] =	ssyncadd.s32 @!p4 $0xFFFFC000  }
0x86: {  	[tilespmem:s7], [sflag:$0x3] =	stream.linear.gather [hbm4b:s29+s4], $0x80, $0x38;
	[tilespmem:$0x1BB80] =	vst v63  }
0x87: {  	s31 =	sadd.s32 $0x200, s28  }
0x88: {  	[tilespmem:s9], [sflag:$0x3] =	stream.linear.gather [hbm4b:s31+s4], $0x80, $0x38;
	[tilespmem:$0x1BB80] =	vst v63  }
0x89: {  	_ = 	snop  }
0x8a: {  	[tilespmem:s10], [sflag:$0x5] =	stream.indirect.gather [hbm4b:s1+s3], $0x80, s16, s3, $0xb8;
	[tilespmem:$0x1BB80] =	vst v63  }
0x8b: {  	_ =	swait.ge [sflag:s11], $0x4000  }
0x8c: {  	[sflag:s11] =	ssyncset.done $0x0  }
0x8d: {  	[sflag:s11] =	ssyncadd.s32 $0xFFFFC000  }
0x8e: {  	[spmem:s2] =	stream.indirect.scatter.add.f32 [tilespmem:s30], [sflag:$0x6], $0x80, s3, s3, $0xb8;
	[tilespmem:$0x1BB80] =	vst v63  }
0x8f: {  	_ =	swait.ge [sflag:s12], $0x80  }
0x90: {  	[sflag:s12] =	ssyncset.done $0x0  }
0x91: {  	[sflag:s12] =	ssyncadd.s32 $0xFFFFFF80  }
0x92: {  	_ =	swait.ge [sflag:s12], $0x80  }
0x93: {  	[sflag:s12] =	ssyncset.done $0x0  }
0x94: {  	[sflag:s12] =	ssyncadd.s32 $0xFFFFFF80  }
0x95: {  	_ =	swait.ge [sflag:s13], $0x4000  }
0x96: {  	[sflag:s13] =	ssyncset.done $0x0  }
0x97: {  	s8 =	sadd.s32 $0x300, s26;
	[sflag:s13] =	ssyncadd.s32 $0xFFFFC000  }
0x98: {  	[tilespmem:s4], [sflag:$0x1] =	stream.linear.gather [hbm4b:s8+s4], $0x80, $0x38;
	[tilespmem:$0x1BB80] =	vst v63  }
0x99: {  	s18 =	sadd.s32 $0x300, s28  }
0x9a: {  	[tilespmem:s3], [sflag:$0x1] =	stream.linear.gather [hbm4b:s18+s4], $0x80, $0x38;
	[tilespmem:$0x1BB80] =	vst v63  }
0x9b: {  	_ = 	snop  }
0x9c: {  	[tilespmem:s30], [sflag:$0x4] =	stream.indirect.gather [hbm4b:s1+s3], $0x80, s7, s3, $0xb8;
	[tilespmem:$0x1BB80] =	vst v63  }
0x9d: {  	_ =	swait.ge [sflag:s14], $0x4000  }
0x9e: {  	[sflag:s14] =	ssyncset.done $0x0  }
0x9f: {  	[sflag:s14] =	ssyncadd.s32 $0xFFFFC000  }
0xa0: {  	[spmem:s2] =	stream.indirect.scatter.add.f32 [tilespmem:s10], [sflag:$0x7], $0x80, s25, s3, $0xb8;
	[tilespmem:$0x1BB80] =	vst v63  }
0xa1: {  	_ =	swait.ge [sflag:s5], $0x80  }
0xa2: {  	[sflag:s5] =	ssyncset.done $0x0  }
0xa3: {  	[sflag:s5] =	ssyncadd.s32 $0xFFFFFF80  }
0xa4: {  	_ =	swait.ge [sflag:s5], $0x80  }
0xa5: {  	[sflag:s5] =	ssyncset.done $0x0  }
0xa6: {  	[sflag:s5] =	ssyncadd.s32 $0xFFFFFF80  }
0xa7: {  	_ =	swait.ge [sflag:s17], $0x4000  }
0xa8: {  	[sflag:s17] =	ssyncset.done $0x0  }
0xa9: {  	s19 =	sadd.s32 $0x400, s26;
	[sflag:s17] =	ssyncadd.s32 $0xFFFFC000  }
0xaa: {  	[tilespmem:s16], [sflag:$0x2] =	stream.linear.gather [hbm4b:s19+s4], $0x80, $0x38;
	[tilespmem:$0x1BB80] =	vst v63  }
0xab: {  	s22 =	sadd.s32 $0x400, s28  }
0xac: {  	[tilespmem:s25], [sflag:$0x2] =	stream.linear.gather [hbm4b:s22+s4], $0x80, $0x38;
	[tilespmem:$0x1BB80] =	vst v63  }
0xad: {  	_ = 	snop  }
0xae: {  	[tilespmem:s10], [sflag:$0x5] =	stream.indirect.gather [hbm4b:s1+s3], $0x80, s4, s3, $0xb8;
	[tilespmem:$0x1BB80] =	vst v63  }
0xaf: {  	_ =	swait.ge [sflag:s11], $0x4000  }
0xb0: {  	[sflag:s11] =	ssyncset.done $0x0  }
0xb1: {  	[sflag:s11] =	ssyncadd.s32 $0xFFFFC000  }
0xb2: {  	[spmem:s2] =	stream.indirect.scatter.add.f32 [tilespmem:s30], [sflag:$0x6], $0x80, s9, s3, $0xb8;
	[tilespmem:$0x1BB80] =	vst v63  }
0xb3: {  	_ =	swait.ge [sflag:s6], $0x80  }
0xb4: {  	[sflag:s6] =	ssyncset.done $0x0  }
0xb5: {  	[sflag:s6] =	ssyncadd.s32 $0xFFFFFF80  }
0xb6: {  	_ =	swait.ge [sflag:s6], $0x80  }
0xb7: {  	[sflag:s6] =	ssyncset.done $0x0  }
0xb8: {  	[sflag:s6] =	ssyncadd.s32 $0xFFFFFF80  }
0xb9: {  	_ =	swait.ge [sflag:s13], $0x4000  }
0xba: {  	[sflag:s13] =	ssyncset.done $0x0  }
0xbb: {  	s29 =	sadd.s32 $0x500, s26;
	[sflag:s13] =	ssyncadd.s32 $0xFFFFC000  }
0xbc: {  	[tilespmem:s7], [sflag:$0x3] =	stream.linear.gather [hbm4b:s29+s4], $0x80, $0x38;
	[tilespmem:$0x1BB80] =	vst v63  }
0xbd: {  	s31 =	sadd.s32 $0x500, s28  }
0xbe: {  	[tilespmem:s9], [sflag:$0x3] =	stream.linear.gather [hbm4b:s31+s4], $0x80, $0x38;
	[tilespmem:$0x1BB80] =	vst v63  }
0xbf: {  	_ = 	snop  }
0xc0: {  	[tilespmem:s30], [sflag:$0x4] =	stream.indirect.gather [hbm4b:s1+s3], $0x80, s16, s3, $0xb8;
	[tilespmem:$0x1BB80] =	vst v63  }
0xc1: {  	_ =	swait.ge [sflag:s14], $0x4000  }
0xc2: {  	[sflag:s14] =	ssyncset.done $0x0  }
0xc3: {  	[sflag:s14] =	ssyncadd.s32 $0xFFFFC000  }
0xc4: {  	[spmem:s2] =	stream.indirect.scatter.add.f32 [tilespmem:s10], [sflag:$0x7], $0x80, s3, s3, $0xb8;
	[tilespmem:$0x1BB80] =	vst v63  }
0xc5: {  	_ =	swait.ge [sflag:s12], $0x80  }
0xc6: {  	[sflag:s12] =	ssyncset.done $0x0  }
0xc7: {  	[sflag:s12] =	ssyncadd.s32 $0xFFFFFF80  }
0xc8: {  	_ =	swait.ge [sflag:s12], $0x80  }
0xc9: {  	[sflag:s12] =	ssyncset.done $0x0  }
0xca: {  	[sflag:s12] =	ssyncadd.s32 $0xFFFFFF80  }
0xcb: {  	p4 =	por $0x0, $0x0;
	_ =	swait.ge [sflag:s17], $0x4000  }
0xcc: {  	s15 =	simm.s32 @p4 $0x80;
	s26 =	simm.s32 @p4 $0x200;
	[sflag:s17] =	ssyncset.done $0x0  }
0xcd: {  	s28 =	simm.s32 @p4 $0x4300;
	s31 =	simm.s32 @p4 $0x4;
	[sflag:s17] =	ssyncadd.s32 $0xFFFFC000  }
0xce: {  	[tilespmem:s28], [sflag:$0x5] =	stream.indirect.gather @p4 [hbm4b:s1+s15], $0x80, s26, s15, $0xb8;
	[tilespmem:$0x1BB80] =	vst v63  }
0xcf: {  	_ =	swait.ge @p4 [sflag:s31], $0x4000  }
0xd0: {  	s26 =	simm.s32 @p4 $0x180;
	[sflag:s31] =	ssyncset.done @p4 $0x0  }
0xd1: {  	s28 =	simm.s32 @p4 $0x300;
	[sflag:s31] =	ssyncadd.s32 @p4 $0xFFFFC000;
	s31 =	simm.s32 @p4 $0x6  }
0xd2: {  	[spmem:s2] =	stream.indirect.scatter.add.f32 @p4 [tilespmem:s28], [sflag:$0x6], $0x80, s26, s15, $0xb8;
	[tilespmem:$0x1BB80] =	vst v63  }
0xd3: {  	_ =	swait.ge @p4 [sflag:s31], $0x4000  }
0xd4: {  	s29 =	simm.s32 @!p4 $0x0;
	s15 =	sadd.s32 @!p4 $0x0, s21;
	[sflag:s31] =	ssyncset.done @p4 $0x0  }
0xd5: {  	s28 =	sadd.s32 @!p4 $0x0, s20;
	s26 =	sadd.s32 @!p4 $0x600, s15;
	[sflag:s31] =	ssyncadd.s32 @p4 $0xFFFFC000  }
0xd6: {  	[tilespmem:s29], [sflag:$0x1] =	stream.linear.gather @!p4 [hbm4b:s26+s29], $0x80, $0x38;
	[tilespmem:$0x1BB80] =	vst v63  }
0xd7: {  	s31 =	simm.s32 @!p4 $0x80;
	s26 =	sadd.s32 @!p4 $0x600, s28  }
0xd8: {  	[tilespmem:s31], [sflag:$0x1] =	stream.linear.gather @!p4 [hbm4b:s26+s29], $0x80, $0x38;
	[tilespmem:$0x1BB80] =	vst v63  }
0xd9: {  	s8 =	simm.s32 @!p4 $0x4300;
	s18 =	simm.s32 @!p4 $0x4;
	s26 =	simm.s32 @!p4 $0x200  }
0xda: {  	[tilespmem:s8], [sflag:$0x5] =	stream.indirect.gather @!p4 [hbm4b:s1+s31], $0x80, s26, s31, $0xb8;
	[tilespmem:$0x1BB80] =	vst v63  }
0xdb: {  	_ =	swait.ge @!p4 [sflag:s18], $0x4000  }
0xdc: {  	s8 =	simm.s32 @!p4 $0x180;
	[sflag:s18] =	ssyncset.done @!p4 $0x0  }
0xdd: {  	s26 =	simm.s32 @!p4 $0x300;
	[sflag:s18] =	ssyncadd.s32 @!p4 $0xFFFFC000;
	s18 =	simm.s32 @!p4 $0x1  }
0xde: {  	[spmem:s2] =	stream.indirect.scatter.add.f32 @!p4 [tilespmem:s26], [sflag:$0x6], $0x80, s8, s31, $0xb8;
	[tilespmem:$0x1BB80] =	vst v63  }
0xdf: {  	_ =	swait.ge @!p4 [sflag:s18], $0x80  }
0xe0: {  	[sflag:s18] =	ssyncset.done @!p4 $0x0  }
0xe1: {  	[sflag:s18] =	ssyncadd.s32 @!p4 $0xFFFFFF80  }
0xe2: {  	_ =	swait.ge @!p4 [sflag:s18], $0x80  }
0xe3: {  	[sflag:s18] =	ssyncset.done @!p4 $0x0  }
0xe4: {  	[sflag:s18] =	ssyncadd.s32 @!p4 $0xFFFFFF80;
	s18 =	simm.s32 @!p4 $0x6  }
0xe5: {  	_ =	swait.ge @!p4 [sflag:s18], $0x4000  }
0xe6: {  	[sflag:s18] =	ssyncset.done @!p4 $0x0  }
0xe7: {  	s15 =	sadd.s32 @!p4 $0x700, s15;
	[sflag:s18] =	ssyncadd.s32 @!p4 $0xFFFFC000;
	s18 =	simm.s32 @!p4 $0x100  }
0xe8: {  	[tilespmem:s18], [sflag:$0x2] =	stream.linear.gather @!p4 [hbm4b:s15+s29], $0x80, $0x38;
	[tilespmem:$0x1BB80] =	vst v63  }
0xe9: {  	s15 =	sadd.s32 @!p4 $0x700, s28  }
0xea: {  	[tilespmem:s8], [sflag:$0x2] =	stream.linear.gather @!p4 [hbm4b:s15+s29], $0x80, $0x38;
	[tilespmem:$0x1BB80] =	vst v63  }
0xeb: {  	_ = 	snop  }
0xec: {  	[tilespmem:s26], [sflag:$0x4] =	stream.indirect.gather @!p4 [hbm4b:s1+s31], $0x80, s29, s31, $0xb8;
	[tilespmem:$0x1BB80] =	vst v63  }
0xed: {  	_ =	swait.ge [sflag:s14], $0x4000  }
0xee: {  	s28 =	simm.s32 $0x600;
	[sflag:s14] =	ssyncset.done $0x0  }
.LBB2_2:
0xef: {  	[sflag:s14] =	ssyncadd.s32 $0xFFFFC000;
	s31 =	smov.u32 s28;
	s28 =	sadd.s32 $0x600, s28  }
0xf0: {  	[spmem:s2] =	stream.indirect.scatter.add.f32 [tilespmem:s10], [sflag:$0x7], $0x80, s9, s3, $0xb8;
	[tilespmem:$0x1BB80] =	vst v63  }
0xf1: {  	p4 =	sne.s32 s28, $0x4E00;
	_ =	swait.ge [sflag:s6], $0x80  }
0xf2: {  	[sflag:s6] =	ssyncset.done $0x0  }
0xf3: {  	[sflag:s6] =	ssyncadd.s32 $0xFFFFFF80  }
0xf4: {  	_ =	swait.ge [sflag:s6], $0x80  }
0xf5: {  	p5 =	seq.s32 s31, $0x0;
	[sflag:s6] =	ssyncset.done $0x0  }
0xf6: {  	s8 =	simm.s32 @!p5 $0x7;
	[sflag:s6] =	ssyncadd.s32 $0xFFFFFF80  }
0xf7: {  	_ =	swait.ge @!p5 [sflag:s8], $0x4000  }
0xf8: {  	s15 =	sadd.s32 s31, s21;
	[sflag:s8] =	ssyncset.done @!p5 $0x0  }
0xf9: {  	s26 =	sadd.s32 s31, s20;
	[sflag:s8] =	ssyncadd.s32 @!p5 $0xFFFFC000;
	s8 =	sadd.s32 $0x200, s15  }
0xfa: {  	[tilespmem:s7], [sflag:$0x3] =	stream.linear.gather [hbm4b:s8+s4], $0x80, $0x38;
	[tilespmem:$0x1BB80] =	vst v63  }
0xfb: {  	s8 =	sadd.s32 $0x200, s26  }
0xfc: {  	[tilespmem:s9], [sflag:$0x3] =	stream.linear.gather [hbm4b:s8+s4], $0x80, $0x38;
	[tilespmem:$0x1BB80] =	vst v63  }
0xfd: {  	_ = 	snop  }
0xfe: {  	[tilespmem:s10], [sflag:$0x5] =	stream.indirect.gather [hbm4b:s1+s3], $0x80, s16, s3, $0xb8;
	[tilespmem:$0x1BB80] =	vst v63  }
0xff: {  	_ =	swait.ge [sflag:s11], $0x4000  }
0x100: {  	[sflag:s11] =	ssyncset.done $0x0  }
0x101: {  	[sflag:s11] =	ssyncadd.s32 $0xFFFFC000  }
0x102: {  	[spmem:s2] =	stream.indirect.scatter.add.f32 [tilespmem:s30], [sflag:$0x6], $0x80, s3, s3, $0xb8;
	[tilespmem:$0x1BB80] =	vst v63  }
0x103: {  	_ =	swait.ge [sflag:s12], $0x80  }
0x104: {  	[sflag:s12] =	ssyncset.done $0x0  }
0x105: {  	[sflag:s12] =	ssyncadd.s32 $0xFFFFFF80  }
0x106: {  	_ =	swait.ge [sflag:s12], $0x80  }
0x107: {  	[sflag:s12] =	ssyncset.done $0x0  }
0x108: {  	[sflag:s12] =	ssyncadd.s32 $0xFFFFFF80  }
0x109: {  	_ =	swait.ge [sflag:s13], $0x4000  }
0x10a: {  	[sflag:s13] =	ssyncset.done $0x0  }
0x10b: {  	s8 =	sadd.s32 $0x300, s15;
	[sflag:s13] =	ssyncadd.s32 $0xFFFFC000  }
0x10c: {  	[tilespmem:s4], [sflag:$0x1] =	stream.linear.gather [hbm4b:s8+s4], $0x80, $0x38;
	[tilespmem:$0x1BB80] =	vst v63  }
0x10d: {  	s8 =	sadd.s32 $0x300, s26  }
0x10e: {  	[tilespmem:s3], [sflag:$0x1] =	stream.linear.gather [hbm4b:s8+s4], $0x80, $0x38;
	[tilespmem:$0x1BB80] =	vst v63  }
0x10f: {  	_ = 	snop  }
0x110: {  	[tilespmem:s30], [sflag:$0x4] =	stream.indirect.gather [hbm4b:s1+s3], $0x80, s7, s3, $0xb8;
	[tilespmem:$0x1BB80] =	vst v63  }
0x111: {  	_ =	swait.ge [sflag:s14], $0x4000  }
0x112: {  	[sflag:s14] =	ssyncset.done $0x0  }
0x113: {  	[sflag:s14] =	ssyncadd.s32 $0xFFFFC000  }
0x114: {  	[spmem:s2] =	stream.indirect.scatter.add.f32 [tilespmem:s10], [sflag:$0x7], $0x80, s25, s3, $0xb8;
	[tilespmem:$0x1BB80] =	vst v63  }
0x115: {  	_ =	swait.ge [sflag:s5], $0x80  }
0x116: {  	[sflag:s5] =	ssyncset.done $0x0  }
0x117: {  	[sflag:s5] =	ssyncadd.s32 $0xFFFFFF80  }
0x118: {  	_ =	swait.ge [sflag:s5], $0x80  }
0x119: {  	[sflag:s5] =	ssyncset.done $0x0  }
0x11a: {  	[sflag:s5] =	ssyncadd.s32 $0xFFFFFF80  }
0x11b: {  	_ =	swait.ge [sflag:s17], $0x4000  }
0x11c: {  	[sflag:s17] =	ssyncset.done $0x0  }
0x11d: {  	s8 =	sadd.s32 $0x400, s15;
	[sflag:s17] =	ssyncadd.s32 $0xFFFFC000  }
0x11e: {  	[tilespmem:s16], [sflag:$0x2] =	stream.linear.gather [hbm4b:s8+s4], $0x80, $0x38;
	[tilespmem:$0x1BB80] =	vst v63  }
0x11f: {  	s8 =	sadd.s32 $0x400, s26  }
0x120: {  	[tilespmem:s25], [sflag:$0x2] =	stream.linear.gather [hbm4b:s8+s4], $0x80, $0x38;
	[tilespmem:$0x1BB80] =	vst v63  }
0x121: {  	_ = 	snop  }
0x122: {  	[tilespmem:s10], [sflag:$0x5] =	stream.indirect.gather [hbm4b:s1+s3], $0x80, s4, s3, $0xb8;
	[tilespmem:$0x1BB80] =	vst v63  }
0x123: {  	_ =	swait.ge [sflag:s11], $0x4000  }
0x124: {  	[sflag:s11] =	ssyncset.done $0x0  }
0x125: {  	[sflag:s11] =	ssyncadd.s32 $0xFFFFC000  }
0x126: {  	[spmem:s2] =	stream.indirect.scatter.add.f32 [tilespmem:s30], [sflag:$0x6], $0x80, s9, s3, $0xb8;
	[tilespmem:$0x1BB80] =	vst v63  }
0x127: {  	_ =	swait.ge [sflag:s6], $0x80  }
0x128: {  	[sflag:s6] =	ssyncset.done $0x0  }
0x129: {  	[sflag:s6] =	ssyncadd.s32 $0xFFFFFF80  }
0x12a: {  	_ =	swait.ge [sflag:s6], $0x80  }
0x12b: {  	[sflag:s6] =	ssyncset.done $0x0  }
0x12c: {  	[sflag:s6] =	ssyncadd.s32 $0xFFFFFF80  }
0x12d: {  	_ =	swait.ge [sflag:s13], $0x4000  }
0x12e: {  	[sflag:s13] =	ssyncset.done $0x0  }
0x12f: {  	s8 =	sadd.s32 $0x500, s15;
	[sflag:s13] =	ssyncadd.s32 $0xFFFFC000  }
0x130: {  	[tilespmem:s7], [sflag:$0x3] =	stream.linear.gather [hbm4b:s8+s4], $0x80, $0x38;
	[tilespmem:$0x1BB80] =	vst v63  }
0x131: {  	s8 =	sadd.s32 $0x500, s26  }
0x132: {  	[tilespmem:s9], [sflag:$0x3] =	stream.linear.gather [hbm4b:s8+s4], $0x80, $0x38;
	[tilespmem:$0x1BB80] =	vst v63  }
0x133: {  	_ = 	snop  }
0x134: {  	[tilespmem:s30], [sflag:$0x4] =	stream.indirect.gather [hbm4b:s1+s3], $0x80, s16, s3, $0xb8;
	[tilespmem:$0x1BB80] =	vst v63  }
0x135: {  	_ =	swait.ge [sflag:s14], $0x4000  }
0x136: {  	[sflag:s14] =	ssyncset.done $0x0  }
0x137: {  	[sflag:s14] =	ssyncadd.s32 $0xFFFFC000  }
0x138: {  	[spmem:s2] =	stream.indirect.scatter.add.f32 [tilespmem:s10], [sflag:$0x7], $0x80, s3, s3, $0xb8;
	[tilespmem:$0x1BB80] =	vst v63  }
0x139: {  	_ =	swait.ge [sflag:s12], $0x80  }
0x13a: {  	[sflag:s12] =	ssyncset.done $0x0  }
0x13b: {  	[sflag:s12] =	ssyncadd.s32 $0xFFFFFF80  }
0x13c: {  	_ =	swait.ge [sflag:s12], $0x80  }
0x13d: {  	[sflag:s12] =	ssyncset.done $0x0  }
0x13e: {  	[sflag:s12] =	ssyncadd.s32 $0xFFFFFF80  }
0x13f: {  	_ =	swait.ge [sflag:s17], $0x4000  }
0x140: {  	p5 =	seq.s32 s31, $0x4800;
	[sflag:s17] =	ssyncset.done $0x0  }
0x141: {  	s15 =	simm.s32 @p5 $0x200;
	s8 =	simm.s32 @p5 $0x80;
	[sflag:s17] =	ssyncadd.s32 $0xFFFFC000  }
0x142: {  	s18 =	simm.s32 @p5 $0x4300;
	s29 =	sadd.s32 @!p5 s31, s21;
	s26 =	simm.s32 @p5 $0x4  }
0x143: {  	[tilespmem:s18], [sflag:$0x5] =	stream.indirect.gather @p5 [hbm4b:s1+s8], $0x80, s15, s8, $0xb8;
	[tilespmem:$0x1BB80] =	vst v63  }
0x144: {  	s15 =	sadd.s32 @!p5 $0x600, s29;
	s18 =	sadd.s32 @!p5 s31, s20;
	_ =	swait.ge @p5 [sflag:s26], $0x4000  }
0x145: {  	s19 =	simm.s32 @p5 $0x300;
	s31 =	simm.s32 @p5 $0x180;
	[sflag:s26] =	ssyncset.done @p5 $0x0  }
0x146: {  	s22 =	sadd.s32 @!p5 $0x600, s18;
	[sflag:s26] =	ssyncadd.s32 @p5 $0xFFFFC000;
	s26 =	simm.s32 @p5 $0x6  }
0x147: {  	[spmem:s2] =	stream.indirect.scatter.add.f32 @p5 [tilespmem:s19], [sflag:$0x6], $0x80, s31, s8, $0xb8;
	[tilespmem:$0x1BB80] =	vst v63  }
0x148: {  	s18 =	sadd.s32 @!p5 $0x700, s18;
	s8 =	sadd.s32 @!p5 $0x700, s29;
	_ =	swait.ge @p5 [sflag:s26], $0x4000  }
0x149: {  	s19 =	simm.s32 @!p5 $0x0;
	[sflag:s26] =	ssyncset.done @p5 $0x0  }
0x14a: {  	[sflag:s26] =	ssyncadd.s32 @p5 $0xFFFFC000;
	s26 =	simm.s32 @!p5 $0x80  }
0x14b: {  	[tilespmem:s19], [sflag:$0x1] =	stream.linear.gather @!p5 [hbm4b:s15+s19], $0x80, $0x38;
	[tilespmem:$0x1BB80] =	vst v63  }
0x14c: {  	s29 =	simm.s32 @!p5 $0x4300;
	s15 =	simm.s32 @!p5 $0x200  }
0x14d: {  	[tilespmem:s26], [sflag:$0x1] =	stream.linear.gather @!p5 [hbm4b:s22+s19], $0x80, $0x38;
	[tilespmem:$0x1BB80] =	vst v63  }
0x14e: {  	s22 =	simm.s32 @!p5 $0x4  }
0x14f: {  	[tilespmem:s29], [sflag:$0x5] =	stream.indirect.gather @!p5 [hbm4b:s1+s26], $0x80, s15, s26, $0xb8;
	[tilespmem:$0x1BB80] =	vst v63  }
0x150: {  	_ =	swait.ge @!p5 [sflag:s22], $0x4000  }
0x151: {  	s15 =	simm.s32 @!p5 $0x180;
	s29 =	simm.s32 @!p5 $0x300;
	[sflag:s22] =	ssyncset.done @!p5 $0x0  }
0x152: {  	[sflag:s22] =	ssyncadd.s32 @!p5 $0xFFFFC000;
	s22 =	simm.s32 @!p5 $0x1  }
0x153: {  	[spmem:s2] =	stream.indirect.scatter.add.f32 @!p5 [tilespmem:s29], [sflag:$0x6], $0x80, s15, s26, $0xb8;
	[tilespmem:$0x1BB80] =	vst v63  }
0x154: {  	_ =	swait.ge @!p5 [sflag:s22], $0x80  }
0x155: {  	[sflag:s22] =	ssyncset.done @!p5 $0x0  }
0x156: {  	[sflag:s22] =	ssyncadd.s32 @!p5 $0xFFFFFF80  }
0x157: {  	_ =	swait.ge @!p5 [sflag:s22], $0x80  }
0x158: {  	s31 =	simm.s32 @!p5 $0x6;
	[sflag:s22] =	ssyncset.done @!p5 $0x0  }
0x159: {  	[sflag:s22] =	ssyncadd.s32 @!p5 $0xFFFFFF80  }
0x15a: {  	_ =	swait.ge @!p5 [sflag:s31], $0x4000  }
0x15b: {  	s22 =	simm.s32 @!p5 $0x100;
	[sflag:s31] =	ssyncset.done @!p5 $0x0  }
0x15c: {  	[sflag:s31] =	ssyncadd.s32 @!p5 $0xFFFFC000  }
0x15d: {  	[tilespmem:s22], [sflag:$0x2] =	stream.linear.gather @!p5 [hbm4b:s8+s19], $0x80, $0x38;
	[tilespmem:$0x1BB80] =	vst v63  }
0x15e: {  	_ = 	snop  }
0x15f: {  	[tilespmem:s15], [sflag:$0x2] =	stream.linear.gather @!p5 [hbm4b:s18+s19], $0x80, $0x38;
	[tilespmem:$0x1BB80] =	vst v63  }
.Ltmp2:
0x160: {  	_ = 	snop;
	(pc) =	sbr.rel @p4 .LBB2_2-.Ltmp2, $4  }
0x161: {  	_ = 	snop  }
0x162: {  	[tilespmem:s29], [sflag:$0x4] =	stream.indirect.gather @!p5 [hbm4b:s1+s26], $0x80, s19, s26, $0xb8;
	[tilespmem:$0x1BB80] =	vst v63  }
0x163: {  	_ =	swait.ge [sflag:s14], $0x4000  }
0x164: {  	[sflag:s14] =	ssyncset.done $0x0  }
0x165: {  	[sflag:s14] =	ssyncadd.s32 $0xFFFFC000  }
0x166: {  	[spmem:s2] =	stream.indirect.scatter.add.f32 [tilespmem:s10], [sflag:$0x7], $0x80, s9, s3, $0xb8;
	[tilespmem:$0x1BB80] =	vst v63  }
0x167: {  	_ =	swait.ge [sflag:s17], $0x4000  }
0x168: {  	[sflag:s17] =	ssyncset.done $0x0  }
0x169: {  	s8 =	simm.s32 @!p2 $0x0;
	s15 =	rddreg [dreg:$0xb];
	[sflag:s17] =	ssyncadd.s32 $0xFFFFC000  }
0x16a: {  	[tilespmem:s8], [sflag:$0x8] =	stream.linear.gather @!p2 [hbm4b:s15+s8], $0x80, $0x38;
	[tilespmem:$0x1BB80] =	vst v63  }
0x16b: {  	s15 =	simm.s32 @!p2 $0x8  }
0x16c: {  	_ =	swait.ge @!p2 [sflag:s15], $0x80  }
0x16d: {  	[sflag:s15] =	ssyncset.done @!p2 $0x0  }
0x16e: {  	s18 =	simm.s32 @!p2 $0x80;
	s19 =	rddreg [dreg:$0xc];
	[sflag:s15] =	ssyncadd.s32 @!p2 $0xFFFFFF80  }
0x16f: {  	[tilespmem:s18], [sflag:$0x8] =	stream.linear.gather @!p2 [hbm4b:s19+s8], $0x80, $0x38;
	[tilespmem:$0x1BB80] =	vst v63  }
0x170: {  	_ =	swait.ge @!p2 [sflag:s15], $0x80  }
0x171: {  	[sflag:s15] =	ssyncset.done @!p2 $0x0  }
0x172: {  	[sflag:s15] =	ssyncadd.s32 @!p2 $0xFFFFFF80;
	s15 =	simm.s32 @!p2 $0x300  }
0x173: {  	[tilespmem:s15], [sflag:$0x4] =	stream.indirect.gather @!p2 [hbm4b:s1+s18], $0x80, s8, s18, $0xb8;
	[tilespmem:$0x1BB80] =	vst v63  }
0x174: {  	s8 =	simm.s32 @!p2 $0x4  }
0x175: {  	_ =	swait.ge @!p2 [sflag:s8], $0x4000  }
0x176: {  	[sflag:s8] =	ssyncset.done @!p2 $0x0  }
0x177: {  	[sflag:s8] =	ssyncadd.s32 @!p2 $0xFFFFC000;
	s8 =	simm.s32 @!p2 $0x6  }
0x178: {  	[spmem:s2] =	stream.indirect.scatter.add.f32 @!p2 [tilespmem:s15], [sflag:$0x6], $0x80, s18, s18, $0xb8;
	[tilespmem:$0x1BB80] =	vst v63  }
0x179: {  	_ =	swait.ge @!p2 [sflag:s8], $0x4000  }
0x17a: {  	[sflag:s8] =	ssyncset.done @!p2 $0x0  }
0x17b: {  	[sflag:s8] =	ssyncadd.s32 @!p2 $0xFFFFC000  }
.Ltmp3:
0x17c: {  	[bflag:$0x0] =	sbarrier.arrive $0xFFFF;
	(pc) =	sbr.rel @!p0 .LBB2_4-.Ltmp3, $4  }
0x17d: {  	[tilespmem:s30], [sflag:$0x8] =	stream.linear.gather [spmem:s23], $0x4000, $0x38;
	[tilespmem:$0x1BB80] =	vst v63  }
0x17e: {  	_ =	swait.ge [sflag:s0], $0x4000  }
0x17f: {  	[sflag:s0] =	ssyncset.done $0x0  }
0x180: {  	s19 =	smov.u32 s23;
	[sflag:s0] =	ssyncadd.s32 $0xFFFFC000  }
0x181: {  	s8 =	rddreg [dreg:$0x16]  }
0x182: {  	[hbm4b:s8+s4] =	stream.linear.scatter [tilespmem:s30], [sflag:$0x8], $0x4000, $0x38;
	[tilespmem:$0x1BB80] =	vst v63  }
0x183: {  	_ =	swait.ge [sflag:s0], $0x4000  }
0x184: {  	[sflag:s0] =	ssyncset.done $0x0  }
0x185: {  	s22 =	rddreg [dreg:$0x11];
	[sflag:s0] =	ssyncadd.s32 $0xFFFFC000  }
0x186: {  	[tilespmem:s30], [sflag:$0x8] =	stream.linear.gather [spmem:s22], $0x4000, $0x38;
	[tilespmem:$0x1BB80] =	vst v63  }
0x187: {  	_ =	swait.ge [sflag:s0], $0x4000  }
0x188: {  	[sflag:s0] =	ssyncset.done $0x0  }
0x189: {  	s18 =	rddreg [dreg:$0x19];
	[sflag:s0] =	ssyncadd.s32 $0xFFFFC000  }
0x18a: {  	[hbm4b:s18+s4] =	stream.linear.scatter [tilespmem:s30], [sflag:$0x8], $0x4000, $0x38;
	[tilespmem:$0x1BB80] =	vst v63  }
0x18b: {  	_ =	swait.ge [sflag:s0], $0x4000  }
0x18c: {  	[sflag:s0] =	ssyncset.done $0x0  }
0x18d: {  	s26 =	rddreg [dreg:$0x12];
	[sflag:s0] =	ssyncadd.s32 $0xFFFFC000  }
0x18e: {  	[tilespmem:s30], [sflag:$0x8] =	stream.linear.gather [spmem:s26], $0x4000, $0x38;
	[tilespmem:$0x1BB80] =	vst v63  }
0x18f: {  	_ =	swait.ge [sflag:s0], $0x4000  }
0x190: {  	[sflag:s0] =	ssyncset.done $0x0  }
0x191: {  	s23 =	rddreg [dreg:$0x1c];
	[sflag:s0] =	ssyncadd.s32 $0xFFFFC000  }
0x192: {  	[hbm4b:s23+s4] =	stream.linear.scatter [tilespmem:s30], [sflag:$0x8], $0x4000, $0x38;
	[tilespmem:$0x1BB80] =	vst v63  }
0x193: {  	_ =	swait.ge [sflag:s0], $0x4000  }
0x194: {  	[sflag:s0] =	ssyncset.done $0x0  }
0x195: {  	s28 =	rddreg [dreg:$0x13];
	[sflag:s0] =	ssyncadd.s32 $0xFFFFC000  }
0x196: {  	[tilespmem:s30], [sflag:$0x8] =	stream.linear.gather [spmem:s28], $0x4000, $0x38;
	[tilespmem:$0x1BB80] =	vst v63  }
0x197: {  	_ =	swait.ge [sflag:s0], $0x4000  }
0x198: {  	[sflag:s0] =	ssyncset.done $0x0  }
0x199: {  	s29 =	rddreg [dreg:$0x1f];
	[sflag:s0] =	ssyncadd.s32 $0xFFFFC000  }
0x19a: {  	[hbm4b:s29+s4] =	stream.linear.scatter [tilespmem:s30], [sflag:$0x8], $0x4000, $0x38;
	[tilespmem:$0x1BB80] =	vst v63  }
0x19b: {  	_ =	swait.ge [sflag:s0], $0x4000  }
0x19c: {  	[sflag:s0] =	ssyncset.done $0x0  }
0x19d: {  	s18 =	rddreg [dreg:$0x10];
	[sflag:s0] =	ssyncadd.s32 $0xFFFFC000  }
0x19e: {  	[tilespmem:s30], [sflag:$0x8] =	stream.linear.gather [spmem:s18], $0x3800, $0x38;
	[tilespmem:$0x1BB80] =	vst v63  }
0x19f: {  	_ =	swait.ge [sflag:s0], $0x3800  }
0x1a0: {  	[sflag:s0] =	ssyncset.done $0x0  }
0x1a1: {  	s31 =	rddreg [dreg:$0xe];
	[sflag:s0] =	ssyncadd.s32 $0xFFFFC800  }
0x1a2: {  	[hbm4b:s31+s4] =	stream.linear.scatter [tilespmem:s30], [sflag:$0x8], $0x3800, $0x38;
	[tilespmem:$0x1BB80] =	vst v63  }
.Ltmp4:
0x1a3: {  	_ = 	snop;
	(pc) =	sbr.rel @p1 .LBB2_7-.Ltmp4, $4  }
.Ltmp5:
0x1a4: {  	_ = 	snop;
	(pc) =	sbr.rel @!p1 .LBB2_6-.Ltmp5, $4  }
0x1a5: {  	_ =	swait.ge [sflag:s0], $0x3800  }
0x1a6: {  	[sflag:s0] =	ssyncset.done $0x0  }
0x1a7: {  	s15 =	rddreg [dreg:$0x5];
	[sflag:s0] =	ssyncadd.s32 $0xFFFFC800  }
0x1a8: {  	_ = 	snop  }
.LBB2_4:
0x1a9: {  	s8 =	rddreg [dreg:$0x15]  }
0x1aa: {  	[hbm4b:s8+s4] =	stream.linear.scatter [tilespmem:s30], [sflag:$0x8], $0x4000, $0x38;
	[tilespmem:$0x1BB80] =	vst v63  }
0x1ab: {  	_ =	swait.ge [sflag:s0], $0x4000  }
0x1ac: {  	[sflag:s0] =	ssyncset.done $0x0  }
0x1ad: {  	s22 =	rddreg [dreg:$0x11];
	[sflag:s0] =	ssyncadd.s32 $0xFFFFC000  }
0x1ae: {  	[tilespmem:s30], [sflag:$0x8] =	stream.linear.gather [spmem:s22], $0x4000, $0x38;
	[tilespmem:$0x1BB80] =	vst v63  }
0x1af: {  	_ =	swait.ge [sflag:s0], $0x4000  }
0x1b0: {  	[sflag:s0] =	ssyncset.done $0x0  }
0x1b1: {  	s18 =	rddreg [dreg:$0x18];
	[sflag:s0] =	ssyncadd.s32 $0xFFFFC000  }
0x1b2: {  	[hbm4b:s18+s4] =	stream.linear.scatter [tilespmem:s30], [sflag:$0x8], $0x4000, $0x38;
	[tilespmem:$0x1BB80] =	vst v63  }
0x1b3: {  	_ =	swait.ge [sflag:s0], $0x4000  }
0x1b4: {  	[sflag:s0] =	ssyncset.done $0x0  }
0x1b5: {  	s26 =	rddreg [dreg:$0x12];
	[sflag:s0] =	ssyncadd.s32 $0xFFFFC000  }
0x1b6: {  	[tilespmem:s30], [sflag:$0x8] =	stream.linear.gather [spmem:s26], $0x4000, $0x38;
	[tilespmem:$0x1BB80] =	vst v63  }
0x1b7: {  	_ =	swait.ge [sflag:s0], $0x4000  }
0x1b8: {  	[sflag:s0] =	ssyncset.done $0x0  }
0x1b9: {  	s23 =	rddreg [dreg:$0x1b];
	[sflag:s0] =	ssyncadd.s32 $0xFFFFC000  }
0x1ba: {  	[hbm4b:s23+s4] =	stream.linear.scatter [tilespmem:s30], [sflag:$0x8], $0x4000, $0x38;
	[tilespmem:$0x1BB80] =	vst v63  }
0x1bb: {  	_ =	swait.ge [sflag:s0], $0x4000  }
0x1bc: {  	[sflag:s0] =	ssyncset.done $0x0  }
0x1bd: {  	s28 =	rddreg [dreg:$0x13];
	[sflag:s0] =	ssyncadd.s32 $0xFFFFC000  }
0x1be: {  	[tilespmem:s30], [sflag:$0x8] =	stream.linear.gather [spmem:s28], $0x4000, $0x38;
	[tilespmem:$0x1BB80] =	vst v63  }
0x1bf: {  	_ =	swait.ge [sflag:s0], $0x4000  }
0x1c0: {  	[sflag:s0] =	ssyncset.done $0x0  }
0x1c1: {  	s29 =	rddreg [dreg:$0x1e];
	[sflag:s0] =	ssyncadd.s32 $0xFFFFC000  }
0x1c2: {  	[hbm4b:s29+s4] =	stream.linear.scatter [tilespmem:s30], [sflag:$0x8], $0x4000, $0x38;
	[tilespmem:$0x1BB80] =	vst v63  }
0x1c3: {  	_ =	swait.ge [sflag:s0], $0x4000  }
0x1c4: {  	[sflag:s0] =	ssyncset.done $0x0  }
0x1c5: {  	s18 =	rddreg [dreg:$0x10];
	[sflag:s0] =	ssyncadd.s32 $0xFFFFC000  }
0x1c6: {  	[tilespmem:s30], [sflag:$0x8] =	stream.linear.gather [spmem:s18], $0x3800, $0x38;
	[tilespmem:$0x1BB80] =	vst v63  }
0x1c7: {  	_ =	swait.ge [sflag:s0], $0x3800  }
0x1c8: {  	[sflag:s0] =	ssyncset.done $0x0  }
0x1c9: {  	s31 =	rddreg [dreg:$0xd];
	[sflag:s0] =	ssyncadd.s32 $0xFFFFC800  }
0x1ca: {  	[hbm4b:s31+s4] =	stream.linear.scatter [tilespmem:s30], [sflag:$0x8], $0x3800, $0x38;
	[tilespmem:$0x1BB80] =	vst v63  }
.Ltmp6:
0x1cb: {  	_ = 	snop;
	(pc) =	sbr.rel @p3 .LBB2_6-.Ltmp6, $4  }
.Ltmp7:
0x1cc: {  	_ = 	snop;
	(pc) =	sbr.rel @!p3 .LBB2_7-.Ltmp7, $4  }
0x1cd: {  	_ =	swait.ge [sflag:s0], $0x3800  }
0x1ce: {  	[sflag:s0] =	ssyncset.done $0x0  }
0x1cf: {  	s15 =	rddreg [dreg:$0x4];
	[sflag:s0] =	ssyncadd.s32 $0xFFFFC800  }
0x1d0: {  	_ = 	snop  }
.LBB2_8:
0x1d1: {  	_ =	sfence.sel $0x180000  }
0x1d2: {  	[bflag:$0x0] =	sbarrier.arrive $0xFFFF  }
0x1d3: {  	_ =	strace $0x9000004D  }
0x1d4: {  	s0 =	stileid.u32;
	[bflag:$0x2] =	sbarrier.arrive $0xFFFF  }
0x1d5: {  	p0 =	sne.s32 s0, $0x0;
	s0 =	rddreg [dreg:$0x3]  }
0x1d6: {  	s0 =	sadd.s32 @!p0 $0x100000, s0  }
0x1d7: {  	[sflag:s0] =	ssyncadd.tile.s32 @!p0 $0x1;
	_ =	shalt  }
.Lfunc_end2:
_tile_overlayer_lowered:
.L_overlay_start_2:
0x1d8: {  	(tag) =	ssettag $0x2  }
0x1d9: {  	s0 =	rddreg [dreg:$0x0];
	s2 =	stileid.u32  }
0x1da: {  	s1 =	rddreg [dreg:$0x1];
	p0 =	sne.s32 s2, $0x0  }
0x1db: {  	s3 =	rddreg [dreg:$0x2];
	[bflag:$0x3] =	sbarrier.arrive $0xFFFF;
	s2 =	simm.s32 @!p0 $0x1C08  }
0x1dc: {  	[timem:s3], [sflag:s2] =	dma.local @!p0 [hbm:s0], s1  }
0x1dd: {  	s0 =	simm.s32 @!p0 $0x8  }
0x1de: {  	_ =	swait.ge @!p0 [sflag:s0], s1  }
0x1df: {  	s1 =	ssub.s32 @!p0 $0x0, s1;
	[sflag:s0] =	ssyncset.done @!p0 $0x0  }
0x1e0: {  	[sflag:s0] =	ssyncadd.s32 @!p0 s1  }
0x1e1: {  	[bflag:$0x3] =	sbarrier.arrive $0xFFFF  }
0x1e2: {  	_ =	shalt  }

// kernel: kernel.8.cloned.1.call-start
scs
__scs_entry_jumppad:
0x0: {  	(pc) =	sbr.rel $0x88, $3  }
0x1: {  	(tag) =	ssettag $0x0;
	lr =	simm.s32 $0x1  }
0x2: {  	[smem:$0x3F99] =	sst lr;
	_ =	strace $0xD0000000  }
0x3: {  	_ = 	snop  }
0x4: {  	_ = 	snop  }
0x5: {  	_ = 	snop  }
0x6: {  	_ = 	snop  }
0x7: {  	_ = 	snop  }
__scs_overlays_trampoline_lowered:
0x8: {  	[smem:$0x3FA8] =	sst s0  }
0x9: {  	[smem:$0x3FA9] =	sst s1  }
0xa: {  	[smem:$0x3FAA] =	sst s2  }
0xb: {  	[smem:$0x3FAB] =	sst s3  }
0xc: {  	[smem:$0x3FAC] =	sst s4  }
0xd: {  	[smem:$0x3FAD] =	sst s5  }
0xe: {  	[smem:$0x3FAE] =	sst s6  }
0xf: {  	[smem:$0x3FAF] =	sst s7  }
0x10: {  	[smem:$0x3FB0] =	sst s8  }
0x11: {  	[smem:$0x3FB1] =	sst s9;
	s0 =	simm.s32 @!p0 $0x0  }
0x12: {  	s1 =	sld [smem:$0x3F97];
	s0 =	simm.s32 @p0 $0x1  }
0x13: {  	[smem:$0x3FB2] =	sst s0;
	s0 =	simm.s32 @!p1 $0x0  }
0x14: {  	s2 =	sld [smem:$0x3F96];
	s0 =	simm.s32 @p1 $0x1  }
0x15: {  	[smem:$0x3FB3] =	sst s0;
	s0 =	simm.s32 @!p2 $0x0  }
0x16: {  	s3 =	sld [smem:$0x3FDB];
	s0 =	simm.s32 @p2 $0x1  }
0x17: {  	s4 =	simm.s32 $0x1BF5;
	[smem:$0x3FB5] =	sst s0  }
0x18: {  	s0 =	sld [smem:$0x3F98];
	_ =	swait.ge [sflag:s4], $0x0  }
0x19: {  	s7 =	sld [smem:$0x3F99]  }
0x1a: {  	s8 =	sadd.s32 $0xFFFFE003, lr  }
0x1b: {  	s9 =	sadd.s32 $0xFFFFFEF7, lr;
	s5 =	simm.s32 $0xFFFFFFFF;
	p2 =	slt.u32 s8, $0xFFFFF086  }
0x1c: {  	p1 =	slt.u32 s9, $0xF7A;
	s5 =	simm.s32 @!p2 $0x0  }
0x1d: {  	s5 =	simm.s32 @p1 $0x1;
	p0 =	seq.s32 s7, s2  }
0x1e: {  	s7 =	smul.u32 @!p0 $0xF7A, s2;
	p2 =	seq.s32 @!p0 s5, $0x0  }
0x1f: {  	s9 =	smul.u32 $0xF7A, s1;
	s8 =	simm.s32 @!p0 $0x1BF5;
	p2 =	por !p2, p0  }
0x20: {  	[sflag:s8] =	ssyncset.s32 @!p0 $0xFFFFF086;
	s6 =	sadd.s32 @!p0 s3, s7;
	s7 =	simm.s32 @!p0 $0x108  }
0x21: {  	s3 =	sadd.s32 s3, s9;
	s6 =	sadd.s32 @!p0 $0x88, s6;
	s7 =	simm.s32 @p2 $0x1082  }
0x22: {  	[simem:s7], [sflag:s8] =	dma.local @!p0 [hbm:s6], $0xF7A  }
0x23: {  	s9 =	sor.u32 $0xD0000000, s2;
	s6 =	simm.s32 $0x108;
	_ =	swait.ge @!p0 [sflag:s8], $0x0  }
0x24: {  	s3 =	sadd.s32 $0x88, s3;
	s6 =	simm.s32 @!p1 $0x1082;
	[sflag:s4] =	ssyncset.s32 $0xFFFFF086  }
0x25: {  	[simem:s6], [sflag:s4] =	dma.local [hbm:s3], $0xF7A  }
0x26: {  	[smem:$0x3F99] =	sst s1;
	(tag) =	ssettag s2;
	_ =	strace s9  }
0x27: {  	s1 =	sld [smem:$0x3FA9]  }
0x28: {  	s2 =	sld [smem:$0x3FAA]  }
0x29: {  	s4 =	sld [smem:$0x3FAC]  }
0x2a: {  	p0 =	seq.s32 s5, $0x0;
	s5 =	sld [smem:$0x3FAD]  }
0x2b: {  	s6 =	sld [smem:$0x3FAE]  }
0x2c: {  	s7 =	sld [smem:$0x3FAF]  }
0x2d: {  	s3 =	simm.s32 $0x108;
	s8 =	sld [smem:$0x3FB0]  }
0x2e: {  	s3 =	simm.s32 @!p0 $0x1082;
	s9 =	sld [smem:$0x3FB1]  }
0x2f: {  	lr =	sadd.s32 s0, s3;
	s0 =	sld [smem:$0x3FA8]  }
0x30: {  	s3 =	sld [smem:$0x3FAB]  }
0x31: {  	[smem:$0x3FB4] =	sst s10  }
0x32: {  	s10 =	sld [smem:$0x3FB2];
	_ =	sdelay $0x3  }
0x33: {  	p0 =	seq.s32 s10, $0x1;
	s10 =	sld [smem:$0x3FB4];
	_ =	sdelay $0x3  }
0x34: {  	[smem:$0x3FB4] =	sst s10  }
0x35: {  	s10 =	sld [smem:$0x3FB3];
	_ =	sdelay $0x3  }
0x36: {  	p1 =	seq.s32 s10, $0x1;
	s10 =	sld [smem:$0x3FB4];
	_ =	sdelay $0x3  }
0x37: {  	[smem:$0x3FB4] =	sst s10  }
0x38: {  	s10 =	sld [smem:$0x3FB5]  }
0x39: {  	_ = 	snop;
	(pc) =	sbr.ind lr, $3  }
0x3a: {  	_ = 	snop  }
0x3b: {  	_ = 	snop  }
0x3c: {  	p2 =	seq.s32 s10, $0x1;
	s10 =	sld [smem:$0x3FB4]  }
0x3d: {  	_ =	shalt  }
0x3e: {  	_ =	shalt  }
0x3f: {  	_ =	shalt  }
0x40: {  	_ =	shalt  }
0x41: {  	_ =	shalt  }
0x42: {  	_ =	shalt  }
0x43: {  	_ =	shalt  }
0x44: {  	_ =	shalt  }
0x45: {  	_ =	shalt  }
0x46: {  	_ =	shalt  }
0x47: {  	_ =	shalt  }
0x48: {  	_ =	shalt  }
0x49: {  	_ =	shalt  }
0x4a: {  	_ =	shalt  }
0x4b: {  	_ =	shalt  }
0x4c: {  	_ =	shalt  }
0x4d: {  	_ =	shalt  }
0x4e: {  	_ =	shalt  }
0x4f: {  	_ =	shalt  }
0x50: {  	_ =	shalt  }
0x51: {  	_ =	shalt  }
0x52: {  	_ =	shalt  }
0x53: {  	_ =	shalt  }
0x54: {  	_ =	shalt  }
0x55: {  	_ =	shalt  }
0x56: {  	_ =	shalt  }
0x57: {  	_ =	shalt  }
0x58: {  	_ =	shalt  }
0x59: {  	_ =	shalt  }
0x5a: {  	_ =	shalt  }
0x5b: {  	_ =	shalt  }
0x5c: {  	_ =	shalt  }
0x5d: {  	_ =	shalt  }
0x5e: {  	_ =	shalt  }
0x5f: {  	_ =	shalt  }
0x60: {  	_ =	shalt  }
0x61: {  	_ =	shalt  }
0x62: {  	_ =	shalt  }
0x63: {  	_ =	shalt  }
0x64: {  	_ =	shalt  }
0x65: {  	_ =	shalt  }
0x66: {  	_ =	shalt  }
0x67: {  	_ =	shalt  }
0x68: {  	_ =	shalt  }
0x69: {  	_ =	shalt  }
0x6a: {  	_ =	shalt  }
0x6b: {  	_ =	shalt  }
0x6c: {  	_ =	shalt  }
0x6d: {  	_ =	shalt  }
0x6e: {  	_ =	shalt  }
0x6f: {  	_ =	shalt  }
0x70: {  	_ =	shalt  }
0x71: {  	_ =	shalt  }
0x72: {  	_ =	shalt  }
0x73: {  	_ =	shalt  }
0x74: {  	_ =	shalt  }
0x75: {  	_ =	shalt  }
0x76: {  	_ =	shalt  }
0x77: {  	_ =	shalt  }
0x78: {  	_ =	shalt  }
0x79: {  	_ =	shalt  }
0x7a: {  	_ =	shalt  }
0x7b: {  	_ =	shalt  }
0x7c: {  	_ =	shalt  }
0x7d: {  	_ =	shalt  }
0x7e: {  	_ =	shalt  }
0x7f: {  	_ =	shalt  }
0x80: {  	_ =	shalt  }
0x81: {  	_ =	shalt  }
0x82: {  	_ =	shalt  }
0x83: {  	_ =	shalt  }
0x84: {  	_ =	shalt  }
0x85: {  	_ =	shalt  }
0x86: {  	_ =	shalt  }
0x87: {  	_ =	shalt  }
.Lfunc_end0:
.L_simem_size_0:
called_computation_lowered:
.L_overlay_start_0:
0x88: {  	s2 =	sld [smem:$0x3FD9]  }
0x89: {  	s3 =	sld [smem:$0x3FFE];
	_ =	sdelay $0x1  }
0x8a: {  	s1 =	srdreg.scid  }
0x8b: {  	s0 =	sand.u32 $0x1, s1  }
0x8c: {  	s17 =	sshll.u32 s0, $0xA;
	s2 =	sadd.s32 s3, s2  }
0x8d: {  	s2 =	sadd.s32 s2, s17  }
0x8e: {  	[smem:$0x3FC0] =	sst s2  }
0x8f: {  	_ = 	snop  }
0x90: {  	s2 =	sld [smem:$0x3FD0];
	(tm) =	ssettm $0x1  }
0x91: {  	s18 =	sld [smem:$0x3FFB];
	_ =	sdelay $0x3  }
0x92: {  	_ =	strace s18  }
0x93: {  	s3 =	sld [smem:$0x3FFC];
	_ =	sdelay $0x3  }
0x94: {  	_ =	strace s3  }
0x95: {  	s3 =	sld [smem:$0x3FFD];
	_ =	sdelay $0x3  }
0x96: {  	_ =	strace s3  }
0x97: {  	_ =	strace $0x8FFFFFFF  }
0x98: {  	s19 =	sld [smem:$0x3FDB];
	_ =	sdelay $0x1  }
0x99: {  	s4 =	simm.s32 $_scs_section_size  }
0x9a: {  	s5 =	simm.s32 $_size__tile_overlayer_lowered;
	s6 =	simm.s32 $_tile_overlayer_lowered  }
0x9b: {  	s22 =	simm.s32 $0x1BFF;
	s21 =	sshll.u32 s6, $0x1;
	s3 =	sadd.s32 s4, s19  }
0x9c: {  	s7 =	simm.s32 $0x0;
	s20 =	sshll.u32 s5, $0x1;
	s5 =	sadd.s32 s21, s3  }
0x9d: {  	[timem:s7], [sflag:s22] =	dma.local [hbm:s5], s20  }
0x9e: {  	_ =	swait.ge [sflag:s22], s20  }
0x9f: {  	s4 =	ssub.s32 $0x0, s20;
	[sflag:s22] =	ssyncset.done $0x0  }
0xa0: {  	[sflag:s22] =	ssyncadd.s32 s4;
	_ =	sdelay $0x1  }
0xa1: {  	s23 =	simm.s32 $0x1B8B  }
0xa2: {  	_ =	swait.ge [sflag:s23], $0x1  }
0xa3: {  	[sflag:s23] =	ssyncset.done $0x0  }
0xa4: {  	s25 =	simm.s32 $0x1B8E;
	s24 =	sld [smem:$0x3FFE];
	[sflag:s23] =	ssyncadd.s32 $0xFFFFFFFF  }
0xa5: {  	s26 =	simm.s32 $execute0_lowered;
	[smem:$0x3FD2] =	sst s25  }
0xa6: {  	s5 =	sshll.u32 s26, $0x1;
	_ =	strace $0x80000046;
	[dreg:$0x1] =	wrdreg $0xFFFFFFFF  }
0xa7: {  	s28 =	simm.s32 $_size_execute0_lowered;
	s3 =	sadd.s32 s3, s5;
	[dreg:$0x0] =	wrdreg $0x0  }
0xa8: {  	s5 =	sshll.u32 s28, $0x1;
	[dreg:$0x2] =	wrdreg s3  }
0xa9: {  	[dreg:$0x3] =	wrdreg s5  }
0xaa: {  	[dreg:$0x4] =	wrdreg $0xC0  }
0xab: {  	_ =	task [dreg:s7], $0x5FFFF  }
0xac: {  	[dreg:$0x1] =	wrdreg $0xFFFFFFFF  }
0xad: {  	[dreg:$0x0] =	wrdreg $0x60  }
0xae: {  	[dreg:$0x2] =	wrdreg s24  }
0xaf: {  	[dreg:$0x3] =	wrdreg s2  }
0xb0: {  	[dreg:$0x4] =	wrdreg $0x4800  }
0xb1: {  	[dreg:$0x5] =	wrdreg $0x9  }
0xb2: {  	_ =	task.clear_ibuf [dreg:s7], $0x6FFFF;
	_ =	strace $0x90000046  }
0xb3: {  	s29 =	simm.s32 $0x9;
	_ =	strace $0x80000048  }
0xb4: {  	_ =	swait.ge [sflag:s29], $0x1  }
0xb5: {  	[sflag:s29] =	ssyncadd.s32 $0xFFFFFFFF  }
0xb6: {  	_ =	strace $0x90000048  }
0xb7: {  	_ =	sfence  }
0xb8: {  	s30 =	sld [smem:$0x0];
	_ =	sdelay $0x2  }
0xb9: {  	s31 =	sshll.u32 s1, $0xD;
	s1 =	sshrl.u32 s1, $0x2  }
0xba: {  	s3 =	sand.u32 $0x4000, s31;
	s1 =	sadd.s32 s1, s30  }
0xbb: {  	s0 =	sor.u32 s3, s0;
	s1 =	sshll.u32 s1, $0x11  }
0xbc: {  	s0 =	sor.u32 s1, s0  }
0xbd: {  	s0 =	sadd.s32 $0x8F2B, s0  }
0xbe: {  	[sflag:s0] =	ssyncadd.remote.s32 $0x1  }
0xbf: {  	_ =	sfence.sel $0xFFFF  }
0xc0: {  	[dreg:$0x0] =	wrdreg $0xFFFFFFFF;
	(pc) =	sbr.abs _section_cstart, $3  }
0xc1: {  	[dreg:$0x1] =	wrdreg $0xFFFFFFFF  }
0xc2: {  	_ =	task.clear_ibuf [dreg:s7], $0x2FFFF;
	_ =	strace $0x9FFFFFFF  }
0xc3: {  	(tm) =	ssettm $0x7FFFFFFF  }
tec
execute0_lowered:
.L_overlay_start_1:
0x0: {  	(tag) =	ssettag $0x1  }
0x1: {  	s5 =	rddreg [dreg:$0x0]  }
0x2: {  	s1 =	rddreg [dreg:$0x1]  }
0x3: {  	s2 =	rddreg [dreg:$0x2]  }
0x4: {  	s0 =	rddreg [dreg:$0x3];
	s3 =	simm.s32 $0x0  }
0x5: {  	s4 =	srdreg.scid;
	s25 =	simm.f32 $1.000000000e+00;
	s16 =	simm.s32 $0x5  }
0x6: {  	s17 =	simm.s32 $0x80;
	s18 =	simm.s32 $0x1;
	s19 =	simm.s32 $0x2  }
0x7: {  	s20 =	simm.s32 $0x100;
	s21 =	simm.s32 $0x180;
	s22 =	simm.s32 $0x3  }
0x8: {  	[smem:$0x7FF] =	sst s3;
	s24 =	sand.u32 $0x1, s4;
	s9 =	sadd.s32 $0xCE00, s5  }
0x9: {  	s4 =	stileid.u32;
	s5 =	sadd.s32 $0x16C00, s5;
	_ =	strace $0x80000047  }
0xa: {  	s6 =	ssub.s32 $0x2, s24;
	s10 =	smul.u32 $0x270, s4;
	s31 =	sshll.u32 s24, $0x4  }
0xb: {  	p0 =	seq.s32 s24, $0x0;
	s11 =	sshll.u32 s4, $0x4;
	s15 =	sshll.u32 s24, $0x8  }
0xc: {  	p2 =	sne.s32 s24, $0x0;
	p3 =	seq.s32 s4, $0xF;
	s24 =	simm.s32 $0x0  }
0xd: {  	s7 =	sshrl.u32 s6, $0x1;
	s23 =	sor.u32 s4, s31;
	s25 =	simm.s32 @!p0 $0x0  }
0xe: {  	s14 =	sadd.s32 s11, s9;
	p0 =	sne.s32 s4, $0xF;
	s13 =	ssub.s32 s6, s7  }
.Ltmp0:
0xf: {  	s6 =	sadd.s32 s10, s2;
	s7 =	sadd.s32 $0x2700, s2;
	(pc) =	sbr.rel .LBB2_1-.Ltmp0, $4  }
0x10: {  	s8 =	sshll.u32 s23, $0x4;
	s12 =	sshrl.u32 s10, $0x3;
	s10 =	sadd.s32 $0x9C00, s14  }
0x11: {  	s14 =	sadd.s32 s15, s14;
	s15 =	simm.s32 $0x200;
	p1 =	sgt.u32 s23, $0x3  }
0x12: {  	s23 =	simm.s32 $0x4;
	s8 =	sadd.s32 s9, s8;
	s11 =	sadd.s32 s5, s12  }
0x13: {  	v1 =	vimm.f32 $1.000000000e+00;
	v0 =	vmov s25;
	s12 =	sadd.s32 s1, s12;
	s13 =	smax.u32 s13, $0x1;
	s9 =	sadd.s32 $0x200, s8  }
.LBB2_7:
0x14: {  	[tilespmem:s15], [sflag:$0x5] =	stream.linear.gather [spmem:s7], $0x10, $0x38;
	[tilespmem:$0x6F8] =	vst v63  }
0x15: {  	_ =	swait.ge [sflag:s16], $0x10  }
0x16: {  	[sflag:s16] =	ssyncset.done $0x0  }
0x17: {  	s25 =	sadd.s32 $0x4E0, s25;
	[sflag:s16] =	ssyncadd.s32 $0xFFFFFFF0  }
0x18: {  	[hbm4b:s25+s3] =	stream.linear.scatter [tilespmem:s15], [sflag:$0x5], $0x10, $0x38;
	[tilespmem:$0x6F8] =	vst v63  }
0x19: {  	_ =	swait.ge [sflag:s16], $0x10  }
0x1a: {  	[sflag:s16] =	ssyncset.done $0x0  }
0x1b: {  	[sflag:s16] =	ssyncadd.s32 $0xFFFFFFF0  }
.LBB2_8:
0x1c: {  	s24 =	sadd.s32 $0x1, s24  }
0x1d: {  	p4 =	sne.s32 s24, s13  }
.Ltmp1:
0x1e: {  	_ = 	snop;
	(pc) =	sbr.rel @!p4 .LBB2_9-.Ltmp1, $1  }
0x1f: {  	_ =	sdelay $0x3  }
.LBB2_1:
0x20: {  	[tilespmem:$0x180] =	vst v1  }
0x21: {  	[tilespmem:$0x190] =	vst v1  }
0x22: {  	[tilespmem:$0x1A0] =	vst v1  }
0x23: {  	[tilespmem:$0x1B0] =	vst v1  }
0x24: {  	[tilespmem:$0x1C0] =	vst v1  }
0x25: {  	[tilespmem:$0x1D0] =	vst v1  }
0x26: {  	[tilespmem:$0x1E0] =	vst v1  }
0x27: {  	[tilespmem:$0x1F0] =	vst v1  }
0x28: {  	[tilespmem:$0x200] =	vst v0  }
0x29: {  	[tilespmem:$0x210] =	vst v0  }
0x2a: {  	[tilespmem:$0x220] =	vst v0  }
0x2b: {  	[tilespmem:$0x230] =	vst v0  }
0x2c: {  	[tilespmem:$0x240] =	vst v0  }
0x2d: {  	[tilespmem:$0x250] =	vst v0  }
0x2e: {  	[tilespmem:$0x260] =	vst v0  }
0x2f: {  	[tilespmem:$0x270] =	vst v0  }
0x30: {  	[tilespmem:$0x280] =	vst v0  }
0x31: {  	[tilespmem:$0x290] =	vst v0  }
0x32: {  	[tilespmem:$0x2A0] =	vst v0  }
0x33: {  	[tilespmem:$0x2B0] =	vst v0  }
0x34: {  	[tilespmem:$0x2C0] =	vst v0  }
0x35: {  	[tilespmem:$0x2D0] =	vst v0  }
0x36: {  	[tilespmem:$0x2E0] =	vst v0  }
0x37: {  	[tilespmem:$0x2F0] =	vst v0  }
0x38: {  	[tilespmem:$0x300] =	vst v0  }
0x39: {  	[tilespmem:$0x310] =	vst v0  }
0x3a: {  	[tilespmem:$0x320] =	vst v0  }
0x3b: {  	[tilespmem:$0x330] =	vst v0  }
0x3c: {  	[tilespmem:$0x340] =	vst v0  }
0x3d: {  	[tilespmem:$0x350] =	vst v0  }
0x3e: {  	[tilespmem:$0x360] =	vst v0  }
0x3f: {  	[tilespmem:$0x370] =	vst v0  }
0x40: {  	[tilespmem:$0x380] =	vst v0  }
0x41: {  	[tilespmem:$0x390] =	vst v0  }
0x42: {  	[tilespmem:$0x3A0] =	vst v0  }
0x43: {  	[tilespmem:$0x3B0] =	vst v0  }
0x44: {  	[tilespmem:$0x3C0] =	vst v0  }
0x45: {  	[tilespmem:$0x3D0] =	vst v0  }
0x46: {  	[tilespmem:$0x3E0] =	vst v0  }
0x47: {  	[tilespmem:$0x3F0] =	vst v0  }
0x48: {  	[tilespmem:$0x400] =	vst v0  }
0x49: {  	[tilespmem:$0x410] =	vst v0  }
0x4a: {  	[tilespmem:$0x420] =	vst v0  }
0x4b: {  	[tilespmem:$0x430] =	vst v0  }
0x4c: {  	[tilespmem:$0x440] =	vst v0  }
0x4d: {  	[tilespmem:$0x450] =	vst v0  }
0x4e: {  	[tilespmem:$0x460] =	vst v0  }
0x4f: {  	[spmem:s6] =	stream.linear.scatter [tilespmem:s15], [sflag:$0x5], $0x270, $0x38;
	[tilespmem:$0x6F8] =	vst v63  }
0x50: {  	_ =	swait.ge [sflag:s16], $0x270  }
0x51: {  	[sflag:s16] =	ssyncset.done $0x0  }
0x52: {  	s25 =	simm.s32 @!p0 $0x200;
	[sflag:s16] =	ssyncadd.s32 $0xFFFFFD90  }
0x53: {  	[spmem:s7] =	stream.linear.scatter @!p0 [tilespmem:s25], [sflag:$0x5], $0x10, $0x38;
	[tilespmem:$0x6F8] =	vst v63  }
0x54: {  	s25 =	simm.s32 @!p0 $0x5  }
0x55: {  	_ =	swait.ge @!p0 [sflag:s25], $0x10  }
0x56: {  	[sflag:s25] =	ssyncset.done @!p0 $0x0  }
0x57: {  	[sflag:s25] =	ssyncadd.s32 @!p0 $0xFFFFFFF0  }
0x58: {  	[bflag:$0x0] =	sbarrier.arrive $0xFFFF  }
0x59: {  	[tilespmem:s3], [sflag:$0x1] =	stream.linear.gather [hbm4b:s8+s3], $0x80, $0x38;
	[tilespmem:$0x6F8] =	vst v63  }
0x5a: {  	_ = 	snop  }
0x5b: {  	[tilespmem:s17], [sflag:$0x2] =	stream.linear.gather [hbm4b:s9+s3], $0x80, $0x38;
	[tilespmem:$0x6F8] =	vst v63  }
0x5c: {  	_ =	swait.ge [sflag:s18], $0x80  }
0x5d: {  	[sflag:s18] =	ssyncset.done $0x0  }
0x5e: {  	s25 =	simm.s32 $0x0;
	[sflag:s18] =	ssyncadd.s32 $0xFFFFFF80  }
.LBB2_2:
0x5f: {  	_ =	swait.ge [sflag:s19], $0x80  }
0x60: {  	p4 =	seq.s32 s25, $0x0;
	[sflag:s19] =	ssyncset.done $0x0  }
0x61: {  	s28 =	simm.s32 @!p4 $0x4;
	[sflag:s19] =	ssyncadd.s32 $0xFFFFFF80  }
0x62: {  	_ =	swait.ge @!p4 [sflag:s28], $0x80  }
0x63: {  	s26 =	sadd.s32 s25, s14;
	[sflag:s28] =	ssyncset.done @!p4 $0x0  }
0x64: {  	s31 =	sadd.s32 $0x400, s26;
	[sflag:s28] =	ssyncadd.s32 @!p4 $0xFFFFFF80  }
0x65: {  	[tilespmem:s20], [sflag:$0x3] =	stream.linear.gather [hbm4b:s31+s3], $0x80, $0x38;
	[tilespmem:$0x6F8] =	vst v63  }
0x66: {  	_ = 	snop  }
0x67: {  	[spmem:s2] =	stream.indirect.scatter.add.f32 [tilespmem:s21], [sflag:$0x4], $0x1, s3, s17, $0xb8;
	[tilespmem:$0x6F8] =	vst v63  }
0x68: {  	_ =	swait.ge [sflag:s22], $0x80  }
0x69: {  	[sflag:s22] =	ssyncset.done $0x0  }
0x6a: {  	[sflag:s22] =	ssyncadd.s32 $0xFFFFFF80  }
0x6b: {  	_ =	swait.ge [sflag:s23], $0x80  }
0x6c: {  	[sflag:s23] =	ssyncset.done $0x0  }
0x6d: {  	s29 =	sadd.s32 $0x600, s26;
	[sflag:s23] =	ssyncadd.s32 $0xFFFFFF80  }
0x6e: {  	[tilespmem:s3], [sflag:$0x1] =	stream.linear.gather [hbm4b:s29+s3], $0x80, $0x38;
	[tilespmem:$0x6F8] =	vst v63  }
0x6f: {  	_ = 	snop  }
0x70: {  	[spmem:s2] =	stream.indirect.scatter.add.f32 [tilespmem:s21], [sflag:$0x4], $0x1, s17, s17, $0xb8;
	[tilespmem:$0x6F8] =	vst v63  }
0x71: {  	_ =	swait.ge [sflag:s18], $0x80  }
0x72: {  	[sflag:s18] =	ssyncset.done $0x0  }
0x73: {  	[sflag:s18] =	ssyncadd.s32 $0xFFFFFF80  }
0x74: {  	_ =	swait.ge [sflag:s23], $0x80  }
0x75: {  	[sflag:s23] =	ssyncset.done $0x0  }
0x76: {  	s30 =	sadd.s32 $0x800, s26;
	[sflag:s23] =	ssyncadd.s32 $0xFFFFFF80  }
0x77: {  	[tilespmem:s17], [sflag:$0x2] =	stream.linear.gather [hbm4b:s30+s3], $0x80, $0x38;
	[tilespmem:$0x6F8] =	vst v63  }
0x78: {  	_ = 	snop  }
0x79: {  	[spmem:s2] =	stream.indirect.scatter.add.f32 [tilespmem:s21], [sflag:$0x4], $0x1, s20, s17, $0xb8;
	[tilespmem:$0x6F8] =	vst v63  }
0x7a: {  	_ =	swait.ge [sflag:s19], $0x80  }
0x7b: {  	[sflag:s19] =	ssyncset.done $0x0  }
0x7c: {  	[sflag:s19] =	ssyncadd.s32 $0xFFFFFF80  }
0x7d: {  	_ =	swait.ge [sflag:s23], $0x80  }
0x7e: {  	[sflag:s23] =	ssyncset.done $0x0  }
0x7f: {  	s31 =	sadd.s32 $0xA00, s26;
	[sflag:s23] =	ssyncadd.s32 $0xFFFFFF80  }
0x80: {  	[tilespmem:s20], [sflag:$0x3] =	stream.linear.gather [hbm4b:s31+s3], $0x80, $0x38;
	[tilespmem:$0x6F8] =	vst v63  }
0x81: {  	_ = 	snop  }
0x82: {  	[spmem:s2] =	stream.indirect.scatter.add.f32 [tilespmem:s21], [sflag:$0x4], $0x1, s3, s17, $0xb8;
	[tilespmem:$0x6F8] =	vst v63  }
0x83: {  	p4 =	seq.s32 s25, $0x9000;
	_ =	swait.ge [sflag:s22], $0x80  }
.Ltmp2:
0x84: {  	[sflag:s22] =	ssyncset.done $0x0;
	(pc) =	sbr.rel @p4 .LBB2_4-.Ltmp2, $4  }
0x85: {  	[sflag:s22] =	ssyncadd.s32 $0xFFFFFF80  }
0x86: {  	_ =	swait.ge [sflag:s23], $0x80  }
0x87: {  	[sflag:s23] =	ssyncset.done $0x0  }
0x88: {  	[sflag:s23] =	ssyncadd.s32 $0xFFFFFF80  }
0x89: {  	s28 =	sadd.s32 $0xC00, s26  }
0x8a: {  	[tilespmem:s3], [sflag:$0x1] =	stream.linear.gather [hbm4b:s28+s3], $0x80, $0x38;
	[tilespmem:$0x6F8] =	vst v63  }
0x8b: {  	_ = 	snop  }
0x8c: {  	[spmem:s2] =	stream.indirect.scatter.add.f32 [tilespmem:s21], [sflag:$0x4], $0x1, s17, s17, $0xb8;
	[tilespmem:$0x6F8] =	vst v63  }
0x8d: {  	_ =	swait.ge [sflag:s18], $0x80  }
0x8e: {  	[sflag:s18] =	ssyncset.done $0x0  }
0x8f: {  	[sflag:s18] =	ssyncadd.s32 $0xFFFFFF80  }
0x90: {  	_ =	swait.ge [sflag:s23], $0x80  }
.Ltmp3:
0x91: {  	[sflag:s23] =	ssyncset.done $0x0;
	(pc) =	sbr.rel .LBB2_2-.Ltmp3, $4  }
0x92: {  	s31 =	sadd.s32 $0xE00, s26;
	[sflag:s23] =	ssyncadd.s32 $0xFFFFFF80  }
0x93: {  	[tilespmem:s17], [sflag:$0x2] =	stream.linear.gather [hbm4b:s31+s3], $0x80, $0x38;
	[tilespmem:$0x6F8] =	vst v63  }
0x94: {  	s25 =	sadd.s32 $0xC00, s25  }
0x95: {  	[spmem:s2] =	stream.indirect.scatter.add.f32 [tilespmem:s21], [sflag:$0x4], $0x1, s20, s17, $0xb8;
	[tilespmem:$0x6F8] =	vst v63  }
.LBB2_4:
0x96: {  	[spmem:s2] =	stream.indirect.scatter.add.f32 [tilespmem:s21], [sflag:$0x4], $0x1, s17, s17, $0xb8;
	[tilespmem:$0x6F8] =	vst v63  }
0x97: {  	_ =	swait.ge [sflag:s23], $0x80  }
0x98: {  	[sflag:s23] =	ssyncset.done $0x0  }
0x99: {  	[sflag:s23] =	ssyncadd.s32 $0xFFFFFF80  }
0x9a: {  	[spmem:s2] =	stream.indirect.scatter.add.f32 [tilespmem:s21], [sflag:$0x4], $0x1, s20, s17, $0xb8;
	[tilespmem:$0x6F8] =	vst v63  }
0x9b: {  	_ =	swait.ge [sflag:s23], $0x80  }
0x9c: {  	[sflag:s23] =	ssyncset.done $0x0  }
0x9d: {  	s25 =	simm.s32 @!p1 $0x0;
	s26 =	simm.s32 @!p1 $0x5;
	[sflag:s23] =	ssyncadd.s32 $0xFFFFFF80  }
0x9e: {  	[tilespmem:s25], [sflag:$0x5] =	stream.linear.gather @!p1 [hbm4b:s10+s25], $0x80, $0x38;
	[tilespmem:$0x6F8] =	vst v63  }
0x9f: {  	_ =	swait.ge @!p1 [sflag:s26], $0x80  }
0xa0: {  	[sflag:s26] =	ssyncset.done @!p1 $0x0  }
0xa1: {  	s28 =	simm.s32 @!p1 $0x180;
	[sflag:s26] =	ssyncadd.s32 @!p1 $0xFFFFFF80;
	s26 =	simm.s32 @!p1 $0x80  }
0xa2: {  	[spmem:s2] =	stream.indirect.scatter.add.f32 @!p1 [tilespmem:s28], [sflag:$0x4], $0x1, s25, s26, $0xb8;
	[tilespmem:$0x6F8] =	vst v63  }
0xa3: {  	s25 =	simm.s32 @!p1 $0x4  }
0xa4: {  	_ =	swait.ge @!p1 [sflag:s25], $0x80  }
0xa5: {  	[sflag:s25] =	ssyncset.done @!p1 $0x0  }
0xa6: {  	[sflag:s25] =	ssyncadd.s32 @!p1 $0xFFFFFF80  }
.Ltmp4:
0xa7: {  	[bflag:$0x0] =	sbarrier.arrive $0xFFFF;
	(pc) =	sbr.rel @p2 .LBB2_6-.Ltmp4, $4  }
0xa8: {  	[tilespmem:s15], [sflag:$0x5] =	stream.linear.gather [spmem:s6], $0x270, $0x38;
	[tilespmem:$0x6F8] =	vst v63  }
0xa9: {  	_ =	swait.ge [sflag:s16], $0x270  }
0xaa: {  	[sflag:s16] =	ssyncset.done $0x0  }
0xab: {  	[sflag:s16] =	ssyncadd.s32 $0xFFFFFD90  }
0xac: {  	[hbm4b:s12+s3] =	stream.linear.scatter [tilespmem:s15], [sflag:$0x5], $0x270, $0x38;
	[tilespmem:$0x6F8] =	vst v63  }
.Ltmp5:
0xad: {  	_ = 	snop;
	(pc) =	sbr.rel @p3 .LBB2_7-.Ltmp5, $4  }
.Ltmp6:
0xae: {  	_ = 	snop;
	(pc) =	sbr.rel @!p3 .LBB2_8-.Ltmp6, $4  }
0xaf: {  	_ =	swait.ge [sflag:s16], $0x270  }
0xb0: {  	[sflag:s16] =	ssyncset.done $0x0  }
0xb1: {  	s25 =	smov.u32 s1;
	[sflag:s16] =	ssyncadd.s32 $0xFFFFFD90  }
0xb2: {  	_ = 	snop  }
.LBB2_6:
0xb3: {  	[hbm4b:s11+s3] =	stream.linear.scatter [tilespmem:s15], [sflag:$0x5], $0x270, $0x38;
	[tilespmem:$0x6F8] =	vst v63  }
.Ltmp7:
0xb4: {  	_ = 	snop;
	(pc) =	sbr.rel @p0 .LBB2_8-.Ltmp7, $4  }
.Ltmp8:
0xb5: {  	_ = 	snop;
	(pc) =	sbr.rel @!p0 .LBB2_7-.Ltmp8, $4  }
0xb6: {  	_ =	swait.ge [sflag:s16], $0x270  }
0xb7: {  	[sflag:s16] =	ssyncset.done $0x0  }
0xb8: {  	s25 =	smov.u32 s5;
	[sflag:s16] =	ssyncadd.s32 $0xFFFFFD90  }
0xb9: {  	_ = 	snop  }
.LBB2_9:
0xba: {  	_ =	sfence.sel $0x180000  }
0xbb: {  	[bflag:$0x0] =	sbarrier.arrive $0xFFFF  }
0xbc: {  	p0 =	sne.s32 s4, $0x0;
	_ =	strace $0x90000047  }
0xbd: {  	s0 =	sadd.s32 @!p0 $0x100000, s0;
	[bflag:$0x2] =	sbarrier.arrive $0xFFFF  }
0xbe: {  	[sflag:s0] =	ssyncadd.tile.s32 @!p0 $0x1;
	_ =	shalt  }
.Lfunc_end2:
_tile_overlayer_lowered:
.L_overlay_start_2:
0xbf: {  	(tag) =	ssettag $0x2  }
0xc0: {  	s0 =	rddreg [dreg:$0x0];
	s2 =	stileid.u32  }
0xc1: {  	s1 =	rddreg [dreg:$0x1];
	p0 =	sne.s32 s2, $0x0  }
0xc2: {  	s3 =	rddreg [dreg:$0x2];
	[bflag:$0x3] =	sbarrier.arrive $0xFFFF;
	s2 =	simm.s32 @!p0 $0x1C05  }
0xc3: {  	[timem:s3], [sflag:s2] =	dma.local @!p0 [hbm:s0], s1  }
0xc4: {  	s0 =	simm.s32 @!p0 $0x5  }
0xc5: {  	_ =	swait.ge @!p0 [sflag:s0], s1  }
0xc6: {  	s1 =	ssub.s32 @!p0 $0x0, s1;
	[sflag:s0] =	ssyncset.done @!p0 $0x0  }
0xc7: {  	[sflag:s0] =	ssyncadd.s32 @!p0 s1  }
0xc8: {  	[bflag:$0x3] =	sbarrier.arrive $0xFFFF  }
0xc9: {  	_ =	shalt  }

</sc_bundles>
